<compile_context>
chip_gen: v7x
topology: tpu7x:2x2x1
jax: 0.10.2.dev20260603
libtpu: 0.0.44.dev20260713+nightly
codegen_flags: <defaults>
</compile_context>

<pallas_src>
import jax
import jax.numpy as jnp
from jax import lax
from jax.experimental import pallas as pl
from jax.experimental.pallas import tpu as pltpu
from jax.experimental.pallas import tpu_sc as plsc

BATCH = 16384
HIDDEN = 64
NC = 2
NS = 16
NW = NC * NS
B_PER_W = BATCH // NW
LISTW = B_PER_W + 16


def _sc_gather(bids_hbm, cnts_hbm, lanes_hbm, dests_hbm, nb_hbm, tblT_hbm,
               out_hbm, bids_v, cnts_v, lanes_v, dests_v, nb_v,
               buf0, buf1, buf2, buf3, buf4, buf5, rows_v,
               bsem0, bsem1, bsem2, bsem3, bsem4, bsem5, osem):
    wid = lax.axis_index("s") * NC + lax.axis_index("c")
    pltpu.sync_copy(bids_hbm.at[wid], bids_v)
    pltpu.sync_copy(cnts_hbm.at[wid], cnts_v)
    pltpu.sync_copy(lanes_hbm.at[wid], lanes_v)
    pltpu.sync_copy(dests_hbm.at[wid], dests_v)
    pltpu.sync_copy(nb_hbm.at[wid], nb_v)

    n_blocks = nb_v[...][0]
    ngrp = (n_blocks + 15) // 16
    iota16 = lax.iota(jnp.int32, 16)
    bufs = (buf0, buf1, buf2, buf3, buf4, buf5)
    bsems = (bsem0, bsem1, bsem2, bsem3, bsem4, bsem5)

    def block_dma(bid, lane):
        off = pl.multiple_of(bid * 128, 128)
        return pltpu.make_async_copy(
            tblT_hbm.at[:, pl.ds(off, 128)], bufs[lane % 6], bsems[lane % 6])

    def process_block(buf, cnt, cur):
        def lab(q, c):
            spos = cur + q
            lo = lanes_v[pl.ds(spos, 16)][0]
            dest = dests_v[pl.ds(spos, 16)][0]
            cvec = jnp.full((16,), lo, jnp.int32)
            svec = jnp.full((16,), spos, jnp.int32)
            for m in range(4):
                ridx = iota16 + (16 * m)
                col = plsc.load_gather(buf, [ridx, cvec])
                plsc.store_scatter(rows_v, [svec, ridx], col)
            pltpu.make_async_copy(
                rows_v.at[pl.ds(spos, 1), :],
                out_hbm.at[pl.ds(dest, 1), :],
                osem,
            ).start()
            return c

        lax.fori_loop(0, cnt, lab, jnp.int32(0))
        return cur + cnt

    def group(G, cursor):
        b16 = G * 16
        bvec = bids_v[pl.ds(b16, 16)]
        cvec = cnts_v[pl.ds(b16, 16)]
        handles = [None] * 16
        for lane in (0, 1, 2, 3, 4, 5):
            handles[lane] = block_dma(bvec[lane], lane)
            handles[lane].start()
        cur = cursor
        for lane in range(16):
            handles[lane].wait()
            cur = process_block(bufs[lane % 6], cvec[lane], cur)
            nxt = lane + 6
            if nxt < 16:
                handles[nxt] = block_dma(bvec[nxt], nxt)
                handles[nxt].start()
        return cur

    lax.fori_loop(0, ngrp, group, jnp.int32(0))
    pltpu.make_async_copy(
        out_hbm.at[pl.ds(0, B_PER_W), :], rows_v, osem).wait()


@jax.jit
def _gather_rows(class_labels, table):
    labels = class_labels.astype(jnp.int32)
    pos = jnp.arange(BATCH, dtype=jnp.int32)
    sl, order = lax.sort((labels, pos), num_keys=1)
    blk = sl >> 7
    seg = pos // B_PER_W
    new = ((pos % B_PER_W) == 0) | (blk != jnp.roll(blk, 1))
    key = seg * 1024 + (1 - new.astype(jnp.int32)) * 512 + (pos % B_PER_W)
    _, Pf, blkP = lax.sort((key, pos, blk), num_keys=1)
    P = Pf.reshape(NW, B_PER_W)
    nb = jnp.sum(new.reshape(NW, B_PER_W), axis=1).astype(jnp.int32)
    j2 = jnp.arange(B_PER_W, dtype=jnp.int32)[None, :]
    valid = j2 < nb[:, None]
    Pn = jnp.roll(P, -1, axis=1)
    segend = (jnp.arange(NW, dtype=jnp.int32)[:, None] + 1) * B_PER_W
    cnts = jnp.where(j2 + 1 < nb[:, None], Pn - P, segend - P)
    cnts = jnp.where(valid, cnts, 0)
    bids = jnp.where(valid, blkP.reshape(NW, B_PER_W), 0)
    pad2 = lambda a: jnp.pad(a, ((0, 0), (0, 16)))
    bids = pad2(bids)
    cnts = pad2(cnts)
    lanes = pad2((sl & 127).reshape(NW, B_PER_W))
    dests = pad2(order.reshape(NW, B_PER_W))
    nb16 = jnp.tile(nb[:, None], (1, 16))

    mesh = plsc.VectorSubcoreMesh(core_axis_name="c", subcore_axis_name="s")
    return pl.kernel(
        _sc_gather,
        out_type=jax.ShapeDtypeStruct((BATCH, HIDDEN), jnp.float32),
        mesh=mesh,
        scratch_types=[
            pltpu.VMEM((LISTW,), jnp.int32),
            pltpu.VMEM((LISTW,), jnp.int32),
            pltpu.VMEM((LISTW,), jnp.int32),
            pltpu.VMEM((LISTW,), jnp.int32),
            pltpu.VMEM((16,), jnp.int32),
            pltpu.VMEM((HIDDEN, 128), jnp.float32),
            pltpu.VMEM((HIDDEN, 128), jnp.float32),
            pltpu.VMEM((HIDDEN, 128), jnp.float32),
            pltpu.VMEM((HIDDEN, 128), jnp.float32),
            pltpu.VMEM((HIDDEN, 128), jnp.float32),
            pltpu.VMEM((HIDDEN, 128), jnp.float32),
            pltpu.VMEM((B_PER_W, HIDDEN), jnp.float32),
            pltpu.SemaphoreType.DMA,
            pltpu.SemaphoreType.DMA,
            pltpu.SemaphoreType.DMA,
            pltpu.SemaphoreType.DMA,
            pltpu.SemaphoreType.DMA,
            pltpu.SemaphoreType.DMA,
            pltpu.SemaphoreType.DMA,
        ],
        compiler_params=pltpu.CompilerParams(needs_layout_passes=False),
    )(bids, cnts, lanes, dests, nb16, table.T)


def _mlp_body(emb_ref, w1_ref, b1_ref, w2_ref, b2_ref, gamma_ref, beta_ref,
              out_ref):
    x = emb_ref[...]
    h = jnp.dot(x, w1_ref[...], preferred_element_type=jnp.float32)
    h = h + b1_ref[...]
    h = 0.5 * h * (1.0 + lax.erf(h * 0.7071067811865476))
    y = jnp.dot(h, w2_ref[...], preferred_element_type=jnp.float32)
    y = y + b2_ref[...]
    mean = jnp.mean(y, axis=-1, keepdims=True)
    c = y - mean
    var = jnp.mean(c * c, axis=-1, keepdims=True)
    out_ref[...] = c * lax.rsqrt(var + 1e-5) * gamma_ref[...] + beta_ref[...]


@jax.jit
def _mlp(emb, W1, b1, W2, b2, gamma, beta):
    blk = 2048
    grid = (BATCH // blk,)
    rep2 = lambda i: (0, 0)
    return pl.pallas_call(
        _mlp_body,
        grid=grid,
        in_specs=[
            pl.BlockSpec((blk, HIDDEN), lambda i: (i, 0)),
            pl.BlockSpec((HIDDEN, 2 * HIDDEN), rep2),
            pl.BlockSpec((1, 2 * HIDDEN), rep2),
            pl.BlockSpec((2 * HIDDEN, HIDDEN), rep2),
            pl.BlockSpec((1, HIDDEN), rep2),
            pl.BlockSpec((1, HIDDEN), rep2),
            pl.BlockSpec((1, HIDDEN), rep2),
        ],
        out_specs=pl.BlockSpec((blk, HIDDEN), lambda i: (i, 0)),
        out_shape=jax.ShapeDtypeStruct((BATCH, HIDDEN), jnp.float32),
    )(emb, W1, b1.reshape(1, -1), W2, b2.reshape(1, -1),
      gamma.reshape(1, -1), beta.reshape(1, -1))


def kernel(class_labels, table, W1, b1, W2, b2, gamma, beta):
    emb = _gather_rows(class_labels, table)
    return _mlp(emb, W1, b1, W2, b2, gamma, beta)

# --- scband reference (transcript-rebuilt; emitter-appended) ---
"""Pipeline reference for scband-condition-embedding-1915555414753 (READ-ONLY COPY).

The authoritative reference and input builder live on the scoring server;
editing this copy changes nothing except your own understanding.
"""

import jax, jax.numpy as jnp
import numpy as np

NUM_CLASSES = 1000000
HIDDEN = 64
BATCH = 16384


def setup_inputs(seed: int = 0) -> dict:
    key = jax.random.key(seed)
    ks = jax.random.split(key, 8)
    class_labels = jax.random.randint(ks[0], (BATCH,), 0, NUM_CLASSES)
    table = jax.random.normal(ks[1], (NUM_CLASSES + 1, HIDDEN), dtype=jnp.float32)
    W1 = jax.random.normal(ks[2], (HIDDEN, HIDDEN * 2), dtype=jnp.float32) * 0.02
    b1 = jnp.zeros((HIDDEN * 2,), dtype=jnp.float32)
    W2 = jax.random.normal(ks[3], (HIDDEN * 2, HIDDEN), dtype=jnp.float32) * 0.02
    b2 = jnp.zeros((HIDDEN,), dtype=jnp.float32)
    gamma = jnp.ones((HIDDEN,), dtype=jnp.float32)
    beta = jnp.zeros((HIDDEN,), dtype=jnp.float32)
    return {
        "class_labels": class_labels,
        "table": table,
        "W1": W1,
        "b1": b1,
        "W2": W2,
        "b2": b2,
        "gamma": gamma,
        "beta": beta,
    }


def reference(class_labels, table, W1, b1, W2, b2, gamma, beta):
    # Eval-mode forward: no condition dropout (module checks self.training).
    # nn.Embedding lookup -> gather
    emb = jnp.take(table, class_labels, axis=0)
    # projection: Linear -> GELU (exact, erf-based like torch default) -> Linear -> LayerNorm
    h = emb @ W1 + b1
    h = jax.nn.gelu(h, approximate=False)
    h = h @ W2 + b2
    mean = jnp.mean(h, axis=-1, keepdims=True)
    var = jnp.var(h, axis=-1, keepdims=True)
    out = (h - mean) / jnp.sqrt(var + 1e-5) * gamma + beta
    return out

if __name__ == "__main__":
    import jax
    _d = setup_inputs()
    print(jax.jit(kernel)(*tuple(_d.values())))

</pallas_src>

<mosaic_0001>
#map = affine_map<(d0, d1) -> (0, 0)>
module attributes {stable_mosaic.version = 14 : i64} {
  func.func @_sc_gather(%arg0: i32, %arg1: i32, %arg2: memref<32x528xi32, #tpu.memory_space<hbm>>, %arg3: memref<32x528xi32, #tpu.memory_space<hbm>>, %arg4: memref<32x528xi32, #tpu.memory_space<hbm>>, %arg5: memref<32x528xi32, #tpu.memory_space<hbm>>, %arg6: memref<32x16xi32, #tpu.memory_space<hbm>>, %arg7: memref<64x1000001xf32, #tpu.memory_space<hbm>>, %arg8: memref<16384x64xf32, #tpu.memory_space<hbm>>, %arg9: memref<528xi32, #tpu.memory_space<vmem>>, %arg10: memref<528xi32, #tpu.memory_space<vmem>>, %arg11: memref<528xi32, #tpu.memory_space<vmem>>, %arg12: memref<528xi32, #tpu.memory_space<vmem>>, %arg13: memref<16xi32, #tpu.memory_space<vmem>>, %arg14: memref<64x128xf32, #tpu.memory_space<vmem>>, %arg15: memref<64x128xf32, #tpu.memory_space<vmem>>, %arg16: memref<64x128xf32, #tpu.memory_space<vmem>>, %arg17: memref<64x128xf32, #tpu.memory_space<vmem>>, %arg18: memref<64x128xf32, #tpu.memory_space<vmem>>, %arg19: memref<64x128xf32, #tpu.memory_space<vmem>>, %arg20: memref<512x64xf32, #tpu.memory_space<vmem>>, %arg21: memref<!tpu.dma_semaphore, #tpu.memory_space<semaphore_mem>>, %arg22: memref<!tpu.dma_semaphore, #tpu.memory_space<semaphore_mem>>, %arg23: memref<!tpu.dma_semaphore, #tpu.memory_space<semaphore_mem>>, %arg24: memref<!tpu.dma_semaphore, #tpu.memory_space<semaphore_mem>>, %arg25: memref<!tpu.dma_semaphore, #tpu.memory_space<semaphore_mem>>, %arg26: memref<!tpu.dma_semaphore, #tpu.memory_space<semaphore_mem>>, %arg27: memref<!tpu.dma_semaphore, #tpu.memory_space<semaphore_mem>>) attributes {dimension_semantics = [#tpu.dimension_semantics<core_parallel>, #tpu.dimension_semantics<subcore_parallel>], iteration_bounds = array<i64: 2, 16>, scalar_prefetch = 0 : i64, scratch_operands = 19 : i64, tpu.core_type = #tpu.core_type<sc_vector_subcore>, window_params = [{transform_indices = #map}, {transform_indices = #map}, {transform_indices = #map}, {transform_indices = #map}, {transform_indices = #map}, {transform_indices = #map}, {transform_indices = #map}]} {
    %mul3A = arith.constant 2 : i32
    %mul3A_0 = arith.muli %arg1, %mul3A : i32
    %add3A = arith.addi %mul3A_0, %arg0 : i32
    "tpu.region"() ({
      %run_scoped3A = tpu.sem_alloc : memref<!tpu.dma_semaphore, #tpu.memory_space<semaphore_mem>>
      %dma_start3A = arith.constant 0 : i32
      %dma_start3A_36 = tpu.memref_slice %arg2[%add3A, %dma_start3A] : memref<32x528xi32, #tpu.memory_space<hbm>> -> memref<1x528xi32, #tpu.memory_space<hbm>>
      %dma_start3A_37 = tpu.memref_squeeze %dma_start3A_36 : memref<1x528xi32, #tpu.memory_space<hbm>> -> memref<528xi32, #tpu.memory_space<hbm>>
      %dma_start3A_38 = arith.constant 0 : i32
      %dma_start3A_39 = tpu.memref_slice %arg2[%add3A, %dma_start3A_38] : memref<32x528xi32, #tpu.memory_space<hbm>> -> memref<1x528xi32, #tpu.memory_space<hbm>>
      %dma_start3A_40 = tpu.memref_squeeze %dma_start3A_39 : memref<1x528xi32, #tpu.memory_space<hbm>> -> memref<528xi32, #tpu.memory_space<hbm>>
      tpu.enqueue_dma source(%dma_start3A_40 : memref<528xi32, #tpu.memory_space<hbm>>) target(%arg9 : memref<528xi32, #tpu.memory_space<vmem>>) target_semaphore(%run_scoped3A : memref<!tpu.dma_semaphore, #tpu.memory_space<semaphore_mem>>)
      %dma_wait3A_41 = arith.constant 0 : i32
      %dma_wait3A_42 = tpu.memref_slice %arg2[%add3A, %dma_wait3A_41] : memref<32x528xi32, #tpu.memory_space<hbm>> -> memref<1x528xi32, #tpu.memory_space<hbm>>
      %dma_wait3A_43 = tpu.memref_squeeze %dma_wait3A_42 : memref<1x528xi32, #tpu.memory_space<hbm>> -> memref<528xi32, #tpu.memory_space<hbm>>
      %dma_wait3A_44 = arith.constant 0 : i32
      %dma_wait3A_45 = tpu.memref_slice %arg2[%add3A, %dma_wait3A_44] : memref<32x528xi32, #tpu.memory_space<hbm>> -> memref<1x528xi32, #tpu.memory_space<hbm>>
      %dma_wait3A_46 = tpu.memref_squeeze %dma_wait3A_45 : memref<1x528xi32, #tpu.memory_space<hbm>> -> memref<528xi32, #tpu.memory_space<hbm>>
      tpu.wait_dma2 semaphore(%run_scoped3A : memref<!tpu.dma_semaphore, #tpu.memory_space<semaphore_mem>>) src(%dma_wait3A_46 : memref<528xi32, #tpu.memory_space<hbm>>) dst(%arg9 : memref<528xi32, #tpu.memory_space<vmem>>)
      tpu.yield
    }) : () -> ()
    "tpu.region"() ({
      %run_scoped3A = tpu.sem_alloc : memref<!tpu.dma_semaphore, #tpu.memory_space<semaphore_mem>>
      %dma_start3A = arith.constant 0 : i32
      %dma_start3A_36 = tpu.memref_slice %arg3[%add3A, %dma_start3A] : memref<32x528xi32, #tpu.memory_space<hbm>> -> memref<1x528xi32, #tpu.memory_space<hbm>>
      %dma_start3A_37 = tpu.memref_squeeze %dma_start3A_36 : memref<1x528xi32, #tpu.memory_space<hbm>> -> memref<528xi32, #tpu.memory_space<hbm>>
      %dma_start3A_38 = arith.constant 0 : i32
      %dma_start3A_39 = tpu.memref_slice %arg3[%add3A, %dma_start3A_38] : memref<32x528xi32, #tpu.memory_space<hbm>> -> memref<1x528xi32, #tpu.memory_space<hbm>>
      %dma_start3A_40 = tpu.memref_squeeze %dma_start3A_39 : memref<1x528xi32, #tpu.memory_space<hbm>> -> memref<528xi32, #tpu.memory_space<hbm>>
      tpu.enqueue_dma source(%dma_start3A_40 : memref<528xi32, #tpu.memory_space<hbm>>) target(%arg10 : memref<528xi32, #tpu.memory_space<vmem>>) target_semaphore(%run_scoped3A : memref<!tpu.dma_semaphore, #tpu.memory_space<semaphore_mem>>)
      %dma_wait3A_41 = arith.constant 0 : i32
      %dma_wait3A_42 = tpu.memref_slice %arg3[%add3A, %dma_wait3A_41] : memref<32x528xi32, #tpu.memory_space<hbm>> -> memref<1x528xi32, #tpu.memory_space<hbm>>
      %dma_wait3A_43 = tpu.memref_squeeze %dma_wait3A_42 : memref<1x528xi32, #tpu.memory_space<hbm>> -> memref<528xi32, #tpu.memory_space<hbm>>
      %dma_wait3A_44 = arith.constant 0 : i32
      %dma_wait3A_45 = tpu.memref_slice %arg3[%add3A, %dma_wait3A_44] : memref<32x528xi32, #tpu.memory_space<hbm>> -> memref<1x528xi32, #tpu.memory_space<hbm>>
      %dma_wait3A_46 = tpu.memref_squeeze %dma_wait3A_45 : memref<1x528xi32, #tpu.memory_space<hbm>> -> memref<528xi32, #tpu.memory_space<hbm>>
      tpu.wait_dma2 semaphore(%run_scoped3A : memref<!tpu.dma_semaphore, #tpu.memory_space<semaphore_mem>>) src(%dma_wait3A_46 : memref<528xi32, #tpu.memory_space<hbm>>) dst(%arg10 : memref<528xi32, #tpu.memory_space<vmem>>)
      tpu.yield
    }) : () -> ()
    "tpu.region"() ({
      %run_scoped3A = tpu.sem_alloc : memref<!tpu.dma_semaphore, #tpu.memory_space<semaphore_mem>>
      %dma_start3A = arith.constant 0 : i32
      %dma_start3A_36 = tpu.memref_slice %arg4[%add3A, %dma_start3A] : memref<32x528xi32, #tpu.memory_space<hbm>> -> memref<1x528xi32, #tpu.memory_space<hbm>>
      %dma_start3A_37 = tpu.memref_squeeze %dma_start3A_36 : memref<1x528xi32, #tpu.memory_space<hbm>> -> memref<528xi32, #tpu.memory_space<hbm>>
      %dma_start3A_38 = arith.constant 0 : i32
      %dma_start3A_39 = tpu.memref_slice %arg4[%add3A, %dma_start3A_38] : memref<32x528xi32, #tpu.memory_space<hbm>> -> memref<1x528xi32, #tpu.memory_space<hbm>>
      %dma_start3A_40 = tpu.memref_squeeze %dma_start3A_39 : memref<1x528xi32, #tpu.memory_space<hbm>> -> memref<528xi32, #tpu.memory_space<hbm>>
      tpu.enqueue_dma source(%dma_start3A_40 : memref<528xi32, #tpu.memory_space<hbm>>) target(%arg11 : memref<528xi32, #tpu.memory_space<vmem>>) target_semaphore(%run_scoped3A : memref<!tpu.dma_semaphore, #tpu.memory_space<semaphore_mem>>)
      %dma_wait3A_41 = arith.constant 0 : i32
      %dma_wait3A_42 = tpu.memref_slice %arg4[%add3A, %dma_wait3A_41] : memref<32x528xi32, #tpu.memory_space<hbm>> -> memref<1x528xi32, #tpu.memory_space<hbm>>
      %dma_wait3A_43 = tpu.memref_squeeze %dma_wait3A_42 : memref<1x528xi32, #tpu.memory_space<hbm>> -> memref<528xi32, #tpu.memory_space<hbm>>
      %dma_wait3A_44 = arith.constant 0 : i32
      %dma_wait3A_45 = tpu.memref_slice %arg4[%add3A, %dma_wait3A_44] : memref<32x528xi32, #tpu.memory_space<hbm>> -> memref<1x528xi32, #tpu.memory_space<hbm>>
      %dma_wait3A_46 = tpu.memref_squeeze %dma_wait3A_45 : memref<1x528xi32, #tpu.memory_space<hbm>> -> memref<528xi32, #tpu.memory_space<hbm>>
      tpu.wait_dma2 semaphore(%run_scoped3A : memref<!tpu.dma_semaphore, #tpu.memory_space<semaphore_mem>>) src(%dma_wait3A_46 : memref<528xi32, #tpu.memory_space<hbm>>) dst(%arg11 : memref<528xi32, #tpu.memory_space<vmem>>)
      tpu.yield
    }) : () -> ()
    "tpu.region"() ({
      %run_scoped3A = tpu.sem_alloc : memref<!tpu.dma_semaphore, #tpu.memory_space<semaphore_mem>>
      %dma_start3A = arith.constant 0 : i32
      %dma_start3A_36 = tpu.memref_slice %arg5[%add3A, %dma_start3A] : memref<32x528xi32, #tpu.memory_space<hbm>> -> memref<1x528xi32, #tpu.memory_space<hbm>>
      %dma_start3A_37 = tpu.memref_squeeze %dma_start3A_36 : memref<1x528xi32, #tpu.memory_space<hbm>> -> memref<528xi32, #tpu.memory_space<hbm>>
      %dma_start3A_38 = arith.constant 0 : i32
      %dma_start3A_39 = tpu.memref_slice %arg5[%add3A, %dma_start3A_38] : memref<32x528xi32, #tpu.memory_space<hbm>> -> memref<1x528xi32, #tpu.memory_space<hbm>>
      %dma_start3A_40 = tpu.memref_squeeze %dma_start3A_39 : memref<1x528xi32, #tpu.memory_space<hbm>> -> memref<528xi32, #tpu.memory_space<hbm>>
      tpu.enqueue_dma source(%dma_start3A_40 : memref<528xi32, #tpu.memory_space<hbm>>) target(%arg12 : memref<528xi32, #tpu.memory_space<vmem>>) target_semaphore(%run_scoped3A : memref<!tpu.dma_semaphore, #tpu.memory_space<semaphore_mem>>)
      %dma_wait3A_41 = arith.constant 0 : i32
      %dma_wait3A_42 = tpu.memref_slice %arg5[%add3A, %dma_wait3A_41] : memref<32x528xi32, #tpu.memory_space<hbm>> -> memref<1x528xi32, #tpu.memory_space<hbm>>
      %dma_wait3A_43 = tpu.memref_squeeze %dma_wait3A_42 : memref<1x528xi32, #tpu.memory_space<hbm>> -> memref<528xi32, #tpu.memory_space<hbm>>
      %dma_wait3A_44 = arith.constant 0 : i32
      %dma_wait3A_45 = tpu.memref_slice %arg5[%add3A, %dma_wait3A_44] : memref<32x528xi32, #tpu.memory_space<hbm>> -> memref<1x528xi32, #tpu.memory_space<hbm>>
      %dma_wait3A_46 = tpu.memref_squeeze %dma_wait3A_45 : memref<1x528xi32, #tpu.memory_space<hbm>> -> memref<528xi32, #tpu.memory_space<hbm>>
      tpu.wait_dma2 semaphore(%run_scoped3A : memref<!tpu.dma_semaphore, #tpu.memory_space<semaphore_mem>>) src(%dma_wait3A_46 : memref<528xi32, #tpu.memory_space<hbm>>) dst(%arg12 : memref<528xi32, #tpu.memory_space<vmem>>)
      tpu.yield
    }) : () -> ()
    "tpu.region"() ({
      %run_scoped3A = tpu.sem_alloc : memref<!tpu.dma_semaphore, #tpu.memory_space<semaphore_mem>>
      %dma_start3A = arith.constant 0 : i32
      %dma_start3A_36 = tpu.memref_slice %arg6[%add3A, %dma_start3A] : memref<32x16xi32, #tpu.memory_space<hbm>> -> memref<1x16xi32, #tpu.memory_space<hbm>>
      %dma_start3A_37 = tpu.memref_squeeze %dma_start3A_36 : memref<1x16xi32, #tpu.memory_space<hbm>> -> memref<16xi32, #tpu.memory_space<hbm>>
      %dma_start3A_38 = arith.constant 0 : i32
      %dma_start3A_39 = tpu.memref_slice %arg6[%add3A, %dma_start3A_38] : memref<32x16xi32, #tpu.memory_space<hbm>> -> memref<1x16xi32, #tpu.memory_space<hbm>>
      %dma_start3A_40 = tpu.memref_squeeze %dma_start3A_39 : memref<1x16xi32, #tpu.memory_space<hbm>> -> memref<16xi32, #tpu.memory_space<hbm>>
      tpu.enqueue_dma source(%dma_start3A_40 : memref<16xi32, #tpu.memory_space<hbm>>) target(%arg13 : memref<16xi32, #tpu.memory_space<vmem>>) target_semaphore(%run_scoped3A : memref<!tpu.dma_semaphore, #tpu.memory_space<semaphore_mem>>)
      %dma_wait3A_41 = arith.constant 0 : i32
      %dma_wait3A_42 = tpu.memref_slice %arg6[%add3A, %dma_wait3A_41] : memref<32x16xi32, #tpu.memory_space<hbm>> -> memref<1x16xi32, #tpu.memory_space<hbm>>
      %dma_wait3A_43 = tpu.memref_squeeze %dma_wait3A_42 : memref<1x16xi32, #tpu.memory_space<hbm>> -> memref<16xi32, #tpu.memory_space<hbm>>
      %dma_wait3A_44 = arith.constant 0 : i32
      %dma_wait3A_45 = tpu.memref_slice %arg6[%add3A, %dma_wait3A_44] : memref<32x16xi32, #tpu.memory_space<hbm>> -> memref<1x16xi32, #tpu.memory_space<hbm>>
      %dma_wait3A_46 = tpu.memref_squeeze %dma_wait3A_45 : memref<1x16xi32, #tpu.memory_space<hbm>> -> memref<16xi32, #tpu.memory_space<hbm>>
      tpu.wait_dma2 semaphore(%run_scoped3A : memref<!tpu.dma_semaphore, #tpu.memory_space<semaphore_mem>>) src(%dma_wait3A_46 : memref<16xi32, #tpu.memory_space<hbm>>) dst(%arg13 : memref<16xi32, #tpu.memory_space<vmem>>)
      tpu.yield
    }) : () -> ()
    %get3A = arith.constant 0 : index
    %get3A_1 = tpu.vector_load %arg13[%get3A] {strides = array<i32>} : memref<16xi32, #tpu.memory_space<vmem>>, vector<16xi32>,
    %slice3A = vector.extract_strided_slice %get3A_1 {offsets = [0], sizes = [1], strides = [1]} : vector<16xi32> to vector<1xi32>
    %squeeze3A = vector.extract %slice3A[0] : i32 from vector<1xi32>
    %add3A_2 = arith.constant 15 : i32
    %add3A_3 = arith.addi %squeeze3A, %add3A_2 : i32
    %jit3A = arith.constant 16 : i32
    %div3A = arith.divsi %add3A_3, %jit3A : i32
    %sign3A = arith.constant 0 : i32
    %sign3A_4 = arith.cmpi sgt, %add3A_3, %sign3A : i32
    %sign3A_5 = arith.extui %sign3A_4 : i1 to i32
    %sign3A_6 = arith.constant 0 : i32
    %sign3A_7 = arith.cmpi slt, %add3A_3, %sign3A_6 : i32
    %sign3A_8 = arith.extui %sign3A_7 : i1 to i32
    %sign3A_9 = arith.subi %sign3A_5, %sign3A_8 : i32
    %sign3A_10 = arith.constant 0 : i32
    %sign3A_11 = arith.cmpi sgt, %jit3A, %sign3A_10 : i32
    %sign3A_12 = arith.extui %sign3A_11 : i1 to i32
    %sign3A_13 = arith.constant 0 : i32
    %sign3A_14 = arith.cmpi slt, %jit3A, %sign3A_13 : i32
    %sign3A_15 = arith.extui %sign3A_14 : i1 to i32
    %sign3A_16 = arith.subi %sign3A_12, %sign3A_15 : i32
    %ne3A = arith.cmpi ne, %sign3A_9, %sign3A_16 : i32
    %rem3A = arith.remsi %add3A_3, %jit3A : i32
    %ne3A_17 = arith.constant 0 : i32
    %ne3A_18 = arith.cmpi ne, %rem3A, %ne3A_17 : i32
    %and3A = arith.andi %ne3A, %ne3A_18 : i1
    %sub3A = arith.constant 1 : i32
    %sub3A_19 = arith.subi %div3A, %sub3A : i32
    %select_n3A = arith.select %and3A, %sub3A_19, %div3A : i32
    %iota3A = tpu.iota {dimensions = array<i32: 0>} : vector<16xi32>
    %while3A = arith.constant 0 : i32
    %while3A_20 = arith.constant 0 : i32
    %while3A_21 = arith.subi %select_n3A, %while3A : i32
    %while3A_22 = arith.addi %while3A, %while3A_21 : i32
    %while3A_23 = arith.constant 1 : i32
    %while3A_24 = arith.divsi %while3A_21, %while3A_23 : i32
    %while3A_25 = arith.muli %while3A_24, %while3A_23 : i32
    %while3A_26 = arith.addi %while3A, %while3A_25 : i32
    %while3A_27 = arith.constant 1 : i32
    %while3A_28 = scf.for %while3A_36 = %while3A to %while3A_26 step %while3A_27 iter_args(%while3A_37 = %while3A_20) -> (i32)  : i32 {
      %mul3A_38 = arith.constant 16 : i32
      %mul3A_39 = arith.muli %while3A_36, %mul3A_38 : i32
      %get3A_40 = arith.index_cast %mul3A_39 : i32 to index
      %get3A_41 = tpu.vector_load %arg9[%get3A_40] {strides = array<i32>} : memref<528xi32, #tpu.memory_space<vmem>>, vector<16xi32>,
      %get3A_42 = arith.index_cast %mul3A_39 : i32 to index
      %get3A_43 = tpu.vector_load %arg10[%get3A_42] {strides = array<i32>} : memref<528xi32, #tpu.memory_space<vmem>>, vector<16xi32>,
      %slice3A_44 = vector.extract_strided_slice %get3A_41 {offsets = [0], sizes = [1], strides = [1]} : vector<16xi32> to vector<1xi32>
      %squeeze3A_45 = vector.extract %slice3A_44[0] : i32 from vector<1xi32>
      %mul3A_46 = arith.constant 128 : i32
      %mul3A_47 = arith.muli %squeeze3A_45, %mul3A_46 : i32
      %multiple_of3A = tpu.assume_multiple %mul3A_47, 128 : i32
      %dma_start3A = arith.constant 0 : i32
      %dma_start3A_48 = tpu.memref_slice %arg7[%dma_start3A, %multiple_of3A] : memref<64x1000001xf32, #tpu.memory_space<hbm>> -> memref<64x128xf32, #tpu.memory_space<hbm>>
      %dma_start3A_49 = arith.constant 0 : i32
      %dma_start3A_50 = tpu.memref_slice %arg7[%dma_start3A_49, %multiple_of3A] : memref<64x1000001xf32, #tpu.memory_space<hbm>> -> memref<64x128xf32, #tpu.memory_space<hbm>>
      tpu.enqueue_dma source(%dma_start3A_50 : memref<64x128xf32, #tpu.memory_space<hbm>>) target(%arg14 : memref<64x128xf32, #tpu.memory_space<vmem>>) target_semaphore(%arg21 : memref<!tpu.dma_semaphore, #tpu.memory_space<semaphore_mem>>)
      %slice3A_51 = vector.extract_strided_slice %get3A_41 {offsets = [1], sizes = [1], strides = [1]} : vector<16xi32> to vector<1xi32>
      %squeeze3A_52 = vector.extract %slice3A_51[0] : i32 from vector<1xi32>
      %mul3A_53 = arith.constant 128 : i32
      %mul3A_54 = arith.muli %squeeze3A_52, %mul3A_53 : i32
      %multiple_of3A_55 = tpu.assume_multiple %mul3A_54, 128 : i32
      %dma_start3A_56 = arith.constant 0 : i32
      %dma_start3A_57 = tpu.memref_slice %arg7[%dma_start3A_56, %multiple_of3A_55] : memref<64x1000001xf32, #tpu.memory_space<hbm>> -> memref<64x128xf32, #tpu.memory_space<hbm>>
      %dma_start3A_58 = arith.constant 0 : i32
      %dma_start3A_59 = tpu.memref_slice %arg7[%dma_start3A_58, %multiple_of3A_55] : memref<64x1000001xf32, #tpu.memory_space<hbm>> -> memref<64x128xf32, #tpu.memory_space<hbm>>
      tpu.enqueue_dma source(%dma_start3A_59 : memref<64x128xf32, #tpu.memory_space<hbm>>) target(%arg15 : memref<64x128xf32, #tpu.memory_space<vmem>>) target_semaphore(%arg22 : memref<!tpu.dma_semaphore, #tpu.memory_space<semaphore_mem>>)
      %slice3A_60 = vector.extract_strided_slice %get3A_41 {offsets = [2], sizes = [1], strides = [1]} : vector<16xi32> to vector<1xi32>
      %squeeze3A_61 = vector.extract %slice3A_60[0] : i32 from vector<1xi32>
      %mul3A_62 = arith.constant 128 : i32
      %mul3A_63 = arith.muli %squeeze3A_61, %mul3A_62 : i32
      %multiple_of3A_64 = tpu.assume_multiple %mul3A_63, 128 : i32
      %dma_start3A_65 = arith.constant 0 : i32
      %dma_start3A_66 = tpu.memref_slice %arg7[%dma_start3A_65, %multiple_of3A_64] : memref<64x1000001xf32, #tpu.memory_space<hbm>> -> memref<64x128xf32, #tpu.memory_space<hbm>>
      %dma_start3A_67 = arith.constant 0 : i32
      %dma_start3A_68 = tpu.memref_slice %arg7[%dma_start3A_67, %multiple_of3A_64] : memref<64x1000001xf32, #tpu.memory_space<hbm>> -> memref<64x128xf32, #tpu.memory_space<hbm>>
      tpu.enqueue_dma source(%dma_start3A_68 : memref<64x128xf32, #tpu.memory_space<hbm>>) target(%arg16 : memref<64x128xf32, #tpu.memory_space<vmem>>) target_semaphore(%arg23 : memref<!tpu.dma_semaphore, #tpu.memory_space<semaphore_mem>>)
      %slice3A_69 = vector.extract_strided_slice %get3A_41 {offsets = [3], sizes = [1], strides = [1]} : vector<16xi32> to vector<1xi32>
      %squeeze3A_70 = vector.extract %slice3A_69[0] : i32 from vector<1xi32>
      %mul3A_71 = arith.constant 128 : i32
      %mul3A_72 = arith.muli %squeeze3A_70, %mul3A_71 : i32
      %multiple_of3A_73 = tpu.assume_multiple %mul3A_72, 128 : i32
      %dma_start3A_74 = arith.constant 0 : i32
      %dma_start3A_75 = tpu.memref_slice %arg7[%dma_start3A_74, %multiple_of3A_73] : memref<64x1000001xf32, #tpu.memory_space<hbm>> -> memref<64x128xf32, #tpu.memory_space<hbm>>
      %dma_start3A_76 = arith.constant 0 : i32
      %dma_start3A_77 = tpu.memref_slice %arg7[%dma_start3A_76, %multiple_of3A_73] : memref<64x1000001xf32, #tpu.memory_space<hbm>> -> memref<64x128xf32, #tpu.memory_space<hbm>>
      tpu.enqueue_dma source(%dma_start3A_77 : memref<64x128xf32, #tpu.memory_space<hbm>>) target(%arg17 : memref<64x128xf32, #tpu.memory_space<vmem>>) target_semaphore(%arg24 : memref<!tpu.dma_semaphore, #tpu.memory_space<semaphore_mem>>)
      %slice3A_78 = vector.extract_strided_slice %get3A_41 {offsets = [4], sizes = [1], strides = [1]} : vector<16xi32> to vector<1xi32>
      %squeeze3A_79 = vector.extract %slice3A_78[0] : i32 from vector<1xi32>
      %mul3A_80 = arith.constant 128 : i32
      %mul3A_81 = arith.muli %squeeze3A_79, %mul3A_80 : i32
      %multiple_of3A_82 = tpu.assume_multiple %mul3A_81, 128 : i32
      %dma_start3A_83 = arith.constant 0 : i32
      %dma_start3A_84 = tpu.memref_slice %arg7[%dma_start3A_83, %multiple_of3A_82] : memref<64x1000001xf32, #tpu.memory_space<hbm>> -> memref<64x128xf32, #tpu.memory_space<hbm>>
      %dma_start3A_85 = arith.constant 0 : i32
      %dma_start3A_86 = tpu.memref_slice %arg7[%dma_start3A_85, %multiple_of3A_82] : memref<64x1000001xf32, #tpu.memory_space<hbm>> -> memref<64x128xf32, #tpu.memory_space<hbm>>
      tpu.enqueue_dma source(%dma_start3A_86 : memref<64x128xf32, #tpu.memory_space<hbm>>) target(%arg18 : memref<64x128xf32, #tpu.memory_space<vmem>>) target_semaphore(%arg25 : memref<!tpu.dma_semaphore, #tpu.memory_space<semaphore_mem>>)
      %slice3A_87 = vector.extract_strided_slice %get3A_41 {offsets = [5], sizes = [1], strides = [1]} : vector<16xi32> to vector<1xi32>
      %squeeze3A_88 = vector.extract %slice3A_87[0] : i32 from vector<1xi32>
      %mul3A_89 = arith.constant 128 : i32
      %mul3A_90 = arith.muli %squeeze3A_88, %mul3A_89 : i32
      %multiple_of3A_91 = tpu.assume_multiple %mul3A_90, 128 : i32
      %dma_start3A_92 = arith.constant 0 : i32
      %dma_start3A_93 = tpu.memref_slice %arg7[%dma_start3A_92, %multiple_of3A_91] : memref<64x1000001xf32, #tpu.memory_space<hbm>> -> memref<64x128xf32, #tpu.memory_space<hbm>>
      %dma_start3A_94 = arith.constant 0 : i32
      %dma_start3A_95 = tpu.memref_slice %arg7[%dma_start3A_94, %multiple_of3A_91] : memref<64x1000001xf32, #tpu.memory_space<hbm>> -> memref<64x128xf32, #tpu.memory_space<hbm>>
      tpu.enqueue_dma source(%dma_start3A_95 : memref<64x128xf32, #tpu.memory_space<hbm>>) target(%arg19 : memref<64x128xf32, #tpu.memory_space<vmem>>) target_semaphore(%arg26 : memref<!tpu.dma_semaphore, #tpu.memory_space<semaphore_mem>>)
      %dma_wait3A_96 = arith.constant 0 : i32
      %dma_wait3A_97 = tpu.memref_slice %arg7[%dma_wait3A_96, %multiple_of3A] : memref<64x1000001xf32, #tpu.memory_space<hbm>> -> memref<64x128xf32, #tpu.memory_space<hbm>>
      %dma_wait3A_98 = arith.constant 0 : i32
      %dma_wait3A_99 = tpu.memref_slice %arg7[%dma_wait3A_98, %multiple_of3A] : memref<64x1000001xf32, #tpu.memory_space<hbm>> -> memref<64x128xf32, #tpu.memory_space<hbm>>
      tpu.wait_dma2 semaphore(%arg21 : memref<!tpu.dma_semaphore, #tpu.memory_space<semaphore_mem>>) src(%dma_wait3A_99 : memref<64x128xf32, #tpu.memory_space<hbm>>) dst(%arg14 : memref<64x128xf32, #tpu.memory_space<vmem>>)
      %slice3A_100 = vector.extract_strided_slice %get3A_43 {offsets = [0], sizes = [1], strides = [1]} : vector<16xi32> to vector<1xi32>
      %squeeze3A_101 = vector.extract %slice3A_100[0] : i32 from vector<1xi32>
      %while3A_102 = arith.constant 0 : i32
      %while3A_103 = arith.constant 0 : i32
      %while3A_104 = arith.subi %squeeze3A_101, %while3A_103 : i32
      %while3A_105 = arith.addi %while3A_103, %while3A_104 : i32
      %while3A_106 = arith.constant 1 : i32
      %while3A_107 = arith.divsi %while3A_104, %while3A_106 : i32
      %while3A_108 = arith.muli %while3A_107, %while3A_106 : i32
      %while3A_109 = arith.addi %while3A_103, %while3A_108 : i32
      %while3A_110 = arith.constant 1 : i32
      scf.for %while3A_458 = %while3A_103 to %while3A_109 step %while3A_110  : i32 {
        %add3A_459 = arith.addi %while3A_37, %while3A_458 : i32
        %get3A_460 = arith.index_cast %add3A_459 : i32 to index
        %get3A_461 = tpu.vector_load %arg11[%get3A_460] {strides = array<i32>} : memref<528xi32, #tpu.memory_space<vmem>>, vector<16xi32>,
        %slice3A_462 = vector.extract_strided_slice %get3A_461 {offsets = [0], sizes = [1], strides = [1]} : vector<16xi32> to vector<1xi32>
        %squeeze3A_463 = vector.extract %slice3A_462[0] : i32 from vector<1xi32>
        %get3A_464 = arith.index_cast %add3A_459 : i32 to index
        %get3A_465 = tpu.vector_load %arg12[%get3A_464] {strides = array<i32>} : memref<528xi32, #tpu.memory_space<vmem>>, vector<16xi32>,
        %slice3A_466 = vector.extract_strided_slice %get3A_465 {offsets = [0], sizes = [1], strides = [1]} : vector<16xi32> to vector<1xi32>
        %squeeze3A_467 = vector.extract %slice3A_466[0] : i32 from vector<1xi32>
        %broadcast_in_dim3A = vector.broadcast %squeeze3A_463 : i32 to vector<16xi32>
        %broadcast_in_dim3A_468 = vector.broadcast %add3A_459 : i32 to vector<16xi32>
        %add3A_469 = arith.constant 0 : i32
        %add3A_470 = vector.broadcast %add3A_469 : i32 to vector<16xi32>
        %add3A_471 = arith.addi %iota3A, %add3A_470 : vector<16xi32>
        %gather3A = tpu.vector_load_idx %arg14[%add3A_471, %broadcast_in_dim3A] : memref<64x128xf32, #tpu.memory_space<vmem>>[vector<16xi32>, vector<16xi32>], vector<16xf32>,
        tpu.vector_store_idx %arg20[%broadcast_in_dim3A_468, %add3A_471], %gather3A : memref<512x64xf32, #tpu.memory_space<vmem>>[vector<16xi32>, vector<16xi32>], vector<16xf32>,
        %add3A_472 = arith.constant 16 : i32
        %add3A_473 = vector.broadcast %add3A_472 : i32 to vector<16xi32>
        %add3A_474 = arith.addi %iota3A, %add3A_473 : vector<16xi32>
        %gather3A_475 = tpu.vector_load_idx %arg14[%add3A_474, %broadcast_in_dim3A] : memref<64x128xf32, #tpu.memory_space<vmem>>[vector<16xi32>, vector<16xi32>], vector<16xf32>,
        tpu.vector_store_idx %arg20[%broadcast_in_dim3A_468, %add3A_474], %gather3A_475 : memref<512x64xf32, #tpu.memory_space<vmem>>[vector<16xi32>, vector<16xi32>], vector<16xf32>,
        %add3A_476 = arith.constant 32 : i32
        %add3A_477 = vector.broadcast %add3A_476 : i32 to vector<16xi32>
        %add3A_478 = arith.addi %iota3A, %add3A_477 : vector<16xi32>
        %gather3A_479 = tpu.vector_load_idx %arg14[%add3A_478, %broadcast_in_dim3A] : memref<64x128xf32, #tpu.memory_space<vmem>>[vector<16xi32>, vector<16xi32>], vector<16xf32>,
        tpu.vector_store_idx %arg20[%broadcast_in_dim3A_468, %add3A_478], %gather3A_479 : memref<512x64xf32, #tpu.memory_space<vmem>>[vector<16xi32>, vector<16xi32>], vector<16xf32>,
        %add3A_480 = arith.constant 48 : i32
        %add3A_481 = vector.broadcast %add3A_480 : i32 to vector<16xi32>
        %add3A_482 = arith.addi %iota3A, %add3A_481 : vector<16xi32>
        %gather3A_483 = tpu.vector_load_idx %arg14[%add3A_482, %broadcast_in_dim3A] : memref<64x128xf32, #tpu.memory_space<vmem>>[vector<16xi32>, vector<16xi32>], vector<16xf32>,
        tpu.vector_store_idx %arg20[%broadcast_in_dim3A_468, %add3A_482], %gather3A_483 : memref<512x64xf32, #tpu.memory_space<vmem>>[vector<16xi32>, vector<16xi32>], vector<16xf32>,
        %dma_start3A_484 = arith.constant 0 : i32
        %dma_start3A_485 = tpu.memref_slice %arg20[%add3A_459, %dma_start3A_484] : memref<512x64xf32, #tpu.memory_space<vmem>> -> memref<1x64xf32, #tpu.memory_space<vmem>>
        %dma_start3A_486 = arith.constant 0 : i32
        %dma_start3A_487 = tpu.memref_slice %arg8[%squeeze3A_467, %dma_start3A_486] : memref<16384x64xf32, #tpu.memory_space<hbm>> -> memref<1x64xf32, #tpu.memory_space<hbm>>
        %dma_start3A_488 = arith.constant 0 : i32
        %dma_start3A_489 = tpu.memref_slice %arg8[%squeeze3A_467, %dma_start3A_488] : memref<16384x64xf32, #tpu.memory_space<hbm>> -> memref<1x64xf32, #tpu.memory_space<hbm>>
        %dma_start3A_490 = arith.constant 0 : i32
        %dma_start3A_491 = tpu.memref_slice %arg20[%add3A_459, %dma_start3A_490] : memref<512x64xf32, #tpu.memory_space<vmem>> -> memref<1x64xf32, #tpu.memory_space<vmem>>
        tpu.enqueue_dma source(%dma_start3A_491 : memref<1x64xf32, #tpu.memory_space<vmem>>) target(%dma_start3A_489 : memref<1x64xf32, #tpu.memory_space<hbm>>) target_semaphore(%arg27 : memref<!tpu.dma_semaphore, #tpu.memory_space<semaphore_mem>>)
      }
      %while3A_111 = arith.constant 1 : i32
      scf.for %while3A_458 = %while3A_109 to %while3A_105 step %while3A_111  : i32 {
        %add3A_459 = arith.addi %while3A_37, %while3A_458 : i32
        %get3A_460 = arith.index_cast %add3A_459 : i32 to index
        %get3A_461 = tpu.vector_load %arg11[%get3A_460] {strides = array<i32>} : memref<528xi32, #tpu.memory_space<vmem>>, vector<16xi32>,
        %slice3A_462 = vector.extract_strided_slice %get3A_461 {offsets = [0], sizes = [1], strides = [1]} : vector<16xi32> to vector<1xi32>
        %squeeze3A_463 = vector.extract %slice3A_462[0] : i32 from vector<1xi32>
        %get3A_464 = arith.index_cast %add3A_459 : i32 to index
        %get3A_465 = tpu.vector_load %arg12[%get3A_464] {strides = array<i32>} : memref<528xi32, #tpu.memory_space<vmem>>, vector<16xi32>,
        %slice3A_466 = vector.extract_strided_slice %get3A_465 {offsets = [0], sizes = [1], strides = [1]} : vector<16xi32> to vector<1xi32>
        %squeeze3A_467 = vector.extract %slice3A_466[0] : i32 from vector<1xi32>
        %broadcast_in_dim3A = vector.broadcast %squeeze3A_463 : i32 to vector<16xi32>
        %broadcast_in_dim3A_468 = vector.broadcast %add3A_459 : i32 to vector<16xi32>
        %add3A_469 = arith.constant 0 : i32
        %add3A_470 = vector.broadcast %add3A_469 : i32 to vector<16xi32>
        %add3A_471 = arith.addi %iota3A, %add3A_470 : vector<16xi32>
        %gather3A = tpu.vector_load_idx %arg14[%add3A_471, %broadcast_in_dim3A] : memref<64x128xf32, #tpu.memory_space<vmem>>[vector<16xi32>, vector<16xi32>], vector<16xf32>,
        tpu.vector_store_idx %arg20[%broadcast_in_dim3A_468, %add3A_471], %gather3A : memref<512x64xf32, #tpu.memory_space<vmem>>[vector<16xi32>, vector<16xi32>], vector<16xf32>,
        %add3A_472 = arith.constant 16 : i32
        %add3A_473 = vector.broadcast %add3A_472 : i32 to vector<16xi32>
        %add3A_474 = arith.addi %iota3A, %add3A_473 : vector<16xi32>
        %gather3A_475 = tpu.vector_load_idx %arg14[%add3A_474, %broadcast_in_dim3A] : memref<64x128xf32, #tpu.memory_space<vmem>>[vector<16xi32>, vector<16xi32>], vector<16xf32>,
        tpu.vector_store_idx %arg20[%broadcast_in_dim3A_468, %add3A_474], %gather3A_475 : memref<512x64xf32, #tpu.memory_space<vmem>>[vector<16xi32>, vector<16xi32>], vector<16xf32>,
        %add3A_476 = arith.constant 32 : i32
        %add3A_477 = vector.broadcast %add3A_476 : i32 to vector<16xi32>
        %add3A_478 = arith.addi %iota3A, %add3A_477 : vector<16xi32>
        %gather3A_479 = tpu.vector_load_idx %arg14[%add3A_478, %broadcast_in_dim3A] : memref<64x128xf32, #tpu.memory_space<vmem>>[vector<16xi32>, vector<16xi32>], vector<16xf32>,
        tpu.vector_store_idx %arg20[%broadcast_in_dim3A_468, %add3A_478], %gather3A_479 : memref<512x64xf32, #tpu.memory_space<vmem>>[vector<16xi32>, vector<16xi32>], vector<16xf32>,
        %add3A_480 = arith.constant 48 : i32
        %add3A_481 = vector.broadcast %add3A_480 : i32 to vector<16xi32>
        %add3A_482 = arith.addi %iota3A, %add3A_481 : vector<16xi32>
        %gather3A_483 = tpu.vector_load_idx %arg14[%add3A_482, %broadcast_in_dim3A] : memref<64x128xf32, #tpu.memory_space<vmem>>[vector<16xi32>, vector<16xi32>], vector<16xf32>,
        tpu.vector_store_idx %arg20[%broadcast_in_dim3A_468, %add3A_482], %gather3A_483 : memref<512x64xf32, #tpu.memory_space<vmem>>[vector<16xi32>, vector<16xi32>], vector<16xf32>,
        %dma_start3A_484 = arith.constant 0 : i32
        %dma_start3A_485 = tpu.memref_slice %arg20[%add3A_459, %dma_start3A_484] : memref<512x64xf32, #tpu.memory_space<vmem>> -> memref<1x64xf32, #tpu.memory_space<vmem>>
        %dma_start3A_486 = arith.constant 0 : i32
        %dma_start3A_487 = tpu.memref_slice %arg8[%squeeze3A_467, %dma_start3A_486] : memref<16384x64xf32, #tpu.memory_space<hbm>> -> memref<1x64xf32, #tpu.memory_space<hbm>>
        %dma_start3A_488 = arith.constant 0 : i32
        %dma_start3A_489 = tpu.memref_slice %arg8[%squeeze3A_467, %dma_start3A_488] : memref<16384x64xf32, #tpu.memory_space<hbm>> -> memref<1x64xf32, #tpu.memory_space<hbm>>
        %dma_start3A_490 = arith.constant 0 : i32
        %dma_start3A_491 = tpu.memref_slice %arg20[%add3A_459, %dma_start3A_490] : memref<512x64xf32, #tpu.memory_space<vmem>> -> memref<1x64xf32, #tpu.memory_space<vmem>>
        tpu.enqueue_dma source(%dma_start3A_491 : memref<1x64xf32, #tpu.memory_space<vmem>>) target(%dma_start3A_489 : memref<1x64xf32, #tpu.memory_space<hbm>>) target_semaphore(%arg27 : memref<!tpu.dma_semaphore, #tpu.memory_space<semaphore_mem>>)
      }
      %add3A_112 = arith.addi %while3A_37, %squeeze3A_101 : i32
      %slice3A_113 = vector.extract_strided_slice %get3A_41 {offsets = [6], sizes = [1], strides = [1]} : vector<16xi32> to vector<1xi32>
      %squeeze3A_114 = vector.extract %slice3A_113[0] : i32 from vector<1xi32>
      %mul3A_115 = arith.constant 128 : i32
      %mul3A_116 = arith.muli %squeeze3A_114, %mul3A_115 : i32
      %multiple_of3A_117 = tpu.assume_multiple %mul3A_116, 128 : i32
      %dma_start3A_118 = arith.constant 0 : i32
      %dma_start3A_119 = tpu.memref_slice %arg7[%dma_start3A_118, %multiple_of3A_117] : memref<64x1000001xf32, #tpu.memory_space<hbm>> -> memref<64x128xf32, #tpu.memory_space<hbm>>
      %dma_start3A_120 = arith.constant 0 : i32
      %dma_start3A_121 = tpu.memref_slice %arg7[%dma_start3A_120, %multiple_of3A_117] : memref<64x1000001xf32, #tpu.memory_space<hbm>> -> memref<64x128xf32, #tpu.memory_space<hbm>>
      tpu.enqueue_dma source(%dma_start3A_121 : memref<64x128xf32, #tpu.memory_space<hbm>>) target(%arg14 : memref<64x128xf32, #tpu.memory_space<vmem>>) target_semaphore(%arg21 : memref<!tpu.dma_semaphore, #tpu.memory_space<semaphore_mem>>)
      %dma_wait3A_122 = arith.constant 0 : i32
      %dma_wait3A_123 = tpu.memref_slice %arg7[%dma_wait3A_122, %multiple_of3A_55] : memref<64x1000001xf32, #tpu.memory_space<hbm>> -> memref<64x128xf32, #tpu.memory_space<hbm>>
      %dma_wait3A_124 = arith.constant 0 : i32
      %dma_wait3A_125 = tpu.memref_slice %arg7[%dma_wait3A_124, %multiple_of3A_55] : memref<64x1000001xf32, #tpu.memory_space<hbm>> -> memref<64x128xf32, #tpu.memory_space<hbm>>
      tpu.wait_dma2 semaphore(%arg22 : memref<!tpu.dma_semaphore, #tpu.memory_space<semaphore_mem>>) src(%dma_wait3A_125 : memref<64x128xf32, #tpu.memory_space<hbm>>) dst(%arg15 : memref<64x128xf32, #tpu.memory_space<vmem>>)
      %slice3A_126 = vector.extract_strided_slice %get3A_43 {offsets = [1], sizes = [1], strides = [1]} : vector<16xi32> to vector<1xi32>
      %squeeze3A_127 = vector.extract %slice3A_126[0] : i32 from vector<1xi32>
      %while3A_128 = arith.constant 0 : i32
      %while3A_129 = arith.constant 0 : i32
      %while3A_130 = arith.subi %squeeze3A_127, %while3A_129 : i32
      %while3A_131 = arith.addi %while3A_129, %while3A_130 : i32
      %while3A_132 = arith.constant 1 : i32
      %while3A_133 = arith.divsi %while3A_130, %while3A_132 : i32
      %while3A_134 = arith.muli %while3A_133, %while3A_132 : i32
      %while3A_135 = arith.addi %while3A_129, %while3A_134 : i32
      %while3A_136 = arith.constant 1 : i32
      scf.for %while3A_458 = %while3A_129 to %while3A_135 step %while3A_136  : i32 {
        %add3A_459 = arith.addi %add3A_112, %while3A_458 : i32
        %get3A_460 = arith.index_cast %add3A_459 : i32 to index
        %get3A_461 = tpu.vector_load %arg11[%get3A_460] {strides = array<i32>} : memref<528xi32, #tpu.memory_space<vmem>>, vector<16xi32>,
        %slice3A_462 = vector.extract_strided_slice %get3A_461 {offsets = [0], sizes = [1], strides = [1]} : vector<16xi32> to vector<1xi32>
        %squeeze3A_463 = vector.extract %slice3A_462[0] : i32 from vector<1xi32>
        %get3A_464 = arith.index_cast %add3A_459 : i32 to index
        %get3A_465 = tpu.vector_load %arg12[%get3A_464] {strides = array<i32>} : memref<528xi32, #tpu.memory_space<vmem>>, vector<16xi32>,
        %slice3A_466 = vector.extract_strided_slice %get3A_465 {offsets = [0], sizes = [1], strides = [1]} : vector<16xi32> to vector<1xi32>
        %squeeze3A_467 = vector.extract %slice3A_466[0] : i32 from vector<1xi32>
        %broadcast_in_dim3A = vector.broadcast %squeeze3A_463 : i32 to vector<16xi32>
        %broadcast_in_dim3A_468 = vector.broadcast %add3A_459 : i32 to vector<16xi32>
        %add3A_469 = arith.constant 0 : i32
        %add3A_470 = vector.broadcast %add3A_469 : i32 to vector<16xi32>
        %add3A_471 = arith.addi %iota3A, %add3A_470 : vector<16xi32>
        %gather3A = tpu.vector_load_idx %arg15[%add3A_471, %broadcast_in_dim3A] : memref<64x128xf32, #tpu.memory_space<vmem>>[vector<16xi32>, vector<16xi32>], vector<16xf32>,
        tpu.vector_store_idx %arg20[%broadcast_in_dim3A_468, %add3A_471], %gather3A : memref<512x64xf32, #tpu.memory_space<vmem>>[vector<16xi32>, vector<16xi32>], vector<16xf32>,
        %add3A_472 = arith.constant 16 : i32
        %add3A_473 = vector.broadcast %add3A_472 : i32 to vector<16xi32>
        %add3A_474 = arith.addi %iota3A, %add3A_473 : vector<16xi32>
        %gather3A_475 = tpu.vector_load_idx %arg15[%add3A_474, %broadcast_in_dim3A] : memref<64x128xf32, #tpu.memory_space<vmem>>[vector<16xi32>, vector<16xi32>], vector<16xf32>,
        tpu.vector_store_idx %arg20[%broadcast_in_dim3A_468, %add3A_474], %gather3A_475 : memref<512x64xf32, #tpu.memory_space<vmem>>[vector<16xi32>, vector<16xi32>], vector<16xf32>,
        %add3A_476 = arith.constant 32 : i32
        %add3A_477 = vector.broadcast %add3A_476 : i32 to vector<16xi32>
        %add3A_478 = arith.addi %iota3A, %add3A_477 : vector<16xi32>
        %gather3A_479 = tpu.vector_load_idx %arg15[%add3A_478, %broadcast_in_dim3A] : memref<64x128xf32, #tpu.memory_space<vmem>>[vector<16xi32>, vector<16xi32>], vector<16xf32>,
        tpu.vector_store_idx %arg20[%broadcast_in_dim3A_468, %add3A_478], %gather3A_479 : memref<512x64xf32, #tpu.memory_space<vmem>>[vector<16xi32>, vector<16xi32>], vector<16xf32>,
        %add3A_480 = arith.constant 48 : i32
        %add3A_481 = vector.broadcast %add3A_480 : i32 to vector<16xi32>
        %add3A_482 = arith.addi %iota3A, %add3A_481 : vector<16xi32>
        %gather3A_483 = tpu.vector_load_idx %arg15[%add3A_482, %broadcast_in_dim3A] : memref<64x128xf32, #tpu.memory_space<vmem>>[vector<16xi32>, vector<16xi32>], vector<16xf32>,
        tpu.vector_store_idx %arg20[%broadcast_in_dim3A_468, %add3A_482], %gather3A_483 : memref<512x64xf32, #tpu.memory_space<vmem>>[vector<16xi32>, vector<16xi32>], vector<16xf32>,
        %dma_start3A_484 = arith.constant 0 : i32
        %dma_start3A_485 = tpu.memref_slice %arg20[%add3A_459, %dma_start3A_484] : memref<512x64xf32, #tpu.memory_space<vmem>> -> memref<1x64xf32, #tpu.memory_space<vmem>>
        %dma_start3A_486 = arith.constant 0 : i32
        %dma_start3A_487 = tpu.memref_slice %arg8[%squeeze3A_467, %dma_start3A_486] : memref<16384x64xf32, #tpu.memory_space<hbm>> -> memref<1x64xf32, #tpu.memory_space<hbm>>
        %dma_start3A_488 = arith.constant 0 : i32
        %dma_start3A_489 = tpu.memref_slice %arg8[%squeeze3A_467, %dma_start3A_488] : memref<16384x64xf32, #tpu.memory_space<hbm>> -> memref<1x64xf32, #tpu.memory_space<hbm>>
        %dma_start3A_490 = arith.constant 0 : i32
        %dma_start3A_491 = tpu.memref_slice %arg20[%add3A_459, %dma_start3A_490] : memref<512x64xf32, #tpu.memory_space<vmem>> -> memref<1x64xf32, #tpu.memory_space<vmem>>
        tpu.enqueue_dma source(%dma_start3A_491 : memref<1x64xf32, #tpu.memory_space<vmem>>) target(%dma_start3A_489 : memref<1x64xf32, #tpu.memory_space<hbm>>) target_semaphore(%arg27 : memref<!tpu.dma_semaphore, #tpu.memory_space<semaphore_mem>>)
      }
      %while3A_137 = arith.constant 1 : i32
      scf.for %while3A_458 = %while3A_135 to %while3A_131 step %while3A_137  : i32 {
        %add3A_459 = arith.addi %add3A_112, %while3A_458 : i32
        %get3A_460 = arith.index_cast %add3A_459 : i32 to index
        %get3A_461 = tpu.vector_load %arg11[%get3A_460] {strides = array<i32>} : memref<528xi32, #tpu.memory_space<vmem>>, vector<16xi32>,
        %slice3A_462 = vector.extract_strided_slice %get3A_461 {offsets = [0], sizes = [1], strides = [1]} : vector<16xi32> to vector<1xi32>
        %squeeze3A_463 = vector.extract %slice3A_462[0] : i32 from vector<1xi32>
        %get3A_464 = arith.index_cast %add3A_459 : i32 to index
        %get3A_465 = tpu.vector_load %arg12[%get3A_464] {strides = array<i32>} : memref<528xi32, #tpu.memory_space<vmem>>, vector<16xi32>,
        %slice3A_466 = vector.extract_strided_slice %get3A_465 {offsets = [0], sizes = [1], strides = [1]} : vector<16xi32> to vector<1xi32>
        %squeeze3A_467 = vector.extract %slice3A_466[0] : i32 from vector<1xi32>
        %broadcast_in_dim3A = vector.broadcast %squeeze3A_463 : i32 to vector<16xi32>
        %broadcast_in_dim3A_468 = vector.broadcast %add3A_459 : i32 to vector<16xi32>
        %add3A_469 = arith.constant 0 : i32
        %add3A_470 = vector.broadcast %add3A_469 : i32 to vector<16xi32>
        %add3A_471 = arith.addi %iota3A, %add3A_470 : vector<16xi32>
        %gather3A = tpu.vector_load_idx %arg15[%add3A_471, %broadcast_in_dim3A] : memref<64x128xf32, #tpu.memory_space<vmem>>[vector<16xi32>, vector<16xi32>], vector<16xf32>,
        tpu.vector_store_idx %arg20[%broadcast_in_dim3A_468, %add3A_471], %gather3A : memref<512x64xf32, #tpu.memory_space<vmem>>[vector<16xi32>, vector<16xi32>], vector<16xf32>,
        %add3A_472 = arith.constant 16 : i32
        %add3A_473 = vector.broadcast %add3A_472 : i32 to vector<16xi32>
        %add3A_474 = arith.addi %iota3A, %add3A_473 : vector<16xi32>
        %gather3A_475 = tpu.vector_load_idx %arg15[%add3A_474, %broadcast_in_dim3A] : memref<64x128xf32, #tpu.memory_space<vmem>>[vector<16xi32>, vector<16xi32>], vector<16xf32>,
        tpu.vector_store_idx %arg20[%broadcast_in_dim3A_468, %add3A_474], %gather3A_475 : memref<512x64xf32, #tpu.memory_space<vmem>>[vector<16xi32>, vector<16xi32>], vector<16xf32>,
        %add3A_476 = arith.constant 32 : i32
        %add3A_477 = vector.broadcast %add3A_476 : i32 to vector<16xi32>
        %add3A_478 = arith.addi %iota3A, %add3A_477 : vector<16xi32>
        %gather3A_479 = tpu.vector_load_idx %arg15[%add3A_478, %broadcast_in_dim3A] : memref<64x128xf32, #tpu.memory_space<vmem>>[vector<16xi32>, vector<16xi32>], vector<16xf32>,
        tpu.vector_store_idx %arg20[%broadcast_in_dim3A_468, %add3A_478], %gather3A_479 : memref<512x64xf32, #tpu.memory_space<vmem>>[vector<16xi32>, vector<16xi32>], vector<16xf32>,
        %add3A_480 = arith.constant 48 : i32
        %add3A_481 = vector.broadcast %add3A_480 : i32 to vector<16xi32>
        %add3A_482 = arith.addi %iota3A, %add3A_481 : vector<16xi32>
        %gather3A_483 = tpu.vector_load_idx %arg15[%add3A_482, %broadcast_in_dim3A] : memref<64x128xf32, #tpu.memory_space<vmem>>[vector<16xi32>, vector<16xi32>], vector<16xf32>,
        tpu.vector_store_idx %arg20[%broadcast_in_dim3A_468, %add3A_482], %gather3A_483 : memref<512x64xf32, #tpu.memory_space<vmem>>[vector<16xi32>, vector<16xi32>], vector<16xf32>,
        %dma_start3A_484 = arith.constant 0 : i32
        %dma_start3A_485 = tpu.memref_slice %arg20[%add3A_459, %dma_start3A_484] : memref<512x64xf32, #tpu.memory_space<vmem>> -> memref<1x64xf32, #tpu.memory_space<vmem>>
        %dma_start3A_486 = arith.constant 0 : i32
        %dma_start3A_487 = tpu.memref_slice %arg8[%squeeze3A_467, %dma_start3A_486] : memref<16384x64xf32, #tpu.memory_space<hbm>> -> memref<1x64xf32, #tpu.memory_space<hbm>>
        %dma_start3A_488 = arith.constant 0 : i32
        %dma_start3A_489 = tpu.memref_slice %arg8[%squeeze3A_467, %dma_start3A_488] : memref<16384x64xf32, #tpu.memory_space<hbm>> -> memref<1x64xf32, #tpu.memory_space<hbm>>
        %dma_start3A_490 = arith.constant 0 : i32
        %dma_start3A_491 = tpu.memref_slice %arg20[%add3A_459, %dma_start3A_490] : memref<512x64xf32, #tpu.memory_space<vmem>> -> memref<1x64xf32, #tpu.memory_space<vmem>>
        tpu.enqueue_dma source(%dma_start3A_491 : memref<1x64xf32, #tpu.memory_space<vmem>>) target(%dma_start3A_489 : memref<1x64xf32, #tpu.memory_space<hbm>>) target_semaphore(%arg27 : memref<!tpu.dma_semaphore, #tpu.memory_space<semaphore_mem>>)
      }
      %add3A_138 = arith.addi %add3A_112, %squeeze3A_127 : i32
      %slice3A_139 = vector.extract_strided_slice %get3A_41 {offsets = [7], sizes = [1], strides = [1]} : vector<16xi32> to vector<1xi32>
      %squeeze3A_140 = vector.extract %slice3A_139[0] : i32 from vector<1xi32>
      %mul3A_141 = arith.constant 128 : i32
      %mul3A_142 = arith.muli %squeeze3A_140, %mul3A_141 : i32
      %multiple_of3A_143 = tpu.assume_multiple %mul3A_142, 128 : i32
      %dma_start3A_144 = arith.constant 0 : i32
      %dma_start3A_145 = tpu.memref_slice %arg7[%dma_start3A_144, %multiple_of3A_143] : memref<64x1000001xf32, #tpu.memory_space<hbm>> -> memref<64x128xf32, #tpu.memory_space<hbm>>
      %dma_start3A_146 = arith.constant 0 : i32
      %dma_start3A_147 = tpu.memref_slice %arg7[%dma_start3A_146, %multiple_of3A_143] : memref<64x1000001xf32, #tpu.memory_space<hbm>> -> memref<64x128xf32, #tpu.memory_space<hbm>>
      tpu.enqueue_dma source(%dma_start3A_147 : memref<64x128xf32, #tpu.memory_space<hbm>>) target(%arg15 : memref<64x128xf32, #tpu.memory_space<vmem>>) target_semaphore(%arg22 : memref<!tpu.dma_semaphore, #tpu.memory_space<semaphore_mem>>)
      %dma_wait3A_148 = arith.constant 0 : i32
      %dma_wait3A_149 = tpu.memref_slice %arg7[%dma_wait3A_148, %multiple_of3A_64] : memref<64x1000001xf32, #tpu.memory_space<hbm>> -> memref<64x128xf32, #tpu.memory_space<hbm>>
      %dma_wait3A_150 = arith.constant 0 : i32
      %dma_wait3A_151 = tpu.memref_slice %arg7[%dma_wait3A_150, %multiple_of3A_64] : memref<64x1000001xf32, #tpu.memory_space<hbm>> -> memref<64x128xf32, #tpu.memory_space<hbm>>
      tpu.wait_dma2 semaphore(%arg23 : memref<!tpu.dma_semaphore, #tpu.memory_space<semaphore_mem>>) src(%dma_wait3A_151 : memref<64x128xf32, #tpu.memory_space<hbm>>) dst(%arg16 : memref<64x128xf32, #tpu.memory_space<vmem>>)
      %slice3A_152 = vector.extract_strided_slice %get3A_43 {offsets = [2], sizes = [1], strides = [1]} : vector<16xi32> to vector<1xi32>
      %squeeze3A_153 = vector.extract %slice3A_152[0] : i32 from vector<1xi32>
      %while3A_154 = arith.constant 0 : i32
      %while3A_155 = arith.constant 0 : i32
      %while3A_156 = arith.subi %squeeze3A_153, %while3A_155 : i32
      %while3A_157 = arith.addi %while3A_155, %while3A_156 : i32
      %while3A_158 = arith.constant 1 : i32
      %while3A_159 = arith.divsi %while3A_156, %while3A_158 : i32
      %while3A_160 = arith.muli %while3A_159, %while3A_158 : i32
      %while3A_161 = arith.addi %while3A_155, %while3A_160 : i32
      %while3A_162 = arith.constant 1 : i32
      scf.for %while3A_458 = %while3A_155 to %while3A_161 step %while3A_162  : i32 {
        %add3A_459 = arith.addi %add3A_138, %while3A_458 : i32
        %get3A_460 = arith.index_cast %add3A_459 : i32 to index
        %get3A_461 = tpu.vector_load %arg11[%get3A_460] {strides = array<i32>} : memref<528xi32, #tpu.memory_space<vmem>>, vector<16xi32>,
        %slice3A_462 = vector.extract_strided_slice %get3A_461 {offsets = [0], sizes = [1], strides = [1]} : vector<16xi32> to vector<1xi32>
        %squeeze3A_463 = vector.extract %slice3A_462[0] : i32 from vector<1xi32>
        %get3A_464 = arith.index_cast %add3A_459 : i32 to index
        %get3A_465 = tpu.vector_load %arg12[%get3A_464] {strides = array<i32>} : memref<528xi32, #tpu.memory_space<vmem>>, vector<16xi32>,
        %slice3A_466 = vector.extract_strided_slice %get3A_465 {offsets = [0], sizes = [1], strides = [1]} : vector<16xi32> to vector<1xi32>
        %squeeze3A_467 = vector.extract %slice3A_466[0] : i32 from vector<1xi32>
        %broadcast_in_dim3A = vector.broadcast %squeeze3A_463 : i32 to vector<16xi32>
        %broadcast_in_dim3A_468 = vector.broadcast %add3A_459 : i32 to vector<16xi32>
        %add3A_469 = arith.constant 0 : i32
        %add3A_470 = vector.broadcast %add3A_469 : i32 to vector<16xi32>
        %add3A_471 = arith.addi %iota3A, %add3A_470 : vector<16xi32>
        %gather3A = tpu.vector_load_idx %arg16[%add3A_471, %broadcast_in_dim3A] : memref<64x128xf32, #tpu.memory_space<vmem>>[vector<16xi32>, vector<16xi32>], vector<16xf32>,
        tpu.vector_store_idx %arg20[%broadcast_in_dim3A_468, %add3A_471], %gather3A : memref<512x64xf32, #tpu.memory_space<vmem>>[vector<16xi32>, vector<16xi32>], vector<16xf32>,
        %add3A_472 = arith.constant 16 : i32
        %add3A_473 = vector.broadcast %add3A_472 : i32 to vector<16xi32>
        %add3A_474 = arith.addi %iota3A, %add3A_473 : vector<16xi32>
        %gather3A_475 = tpu.vector_load_idx %arg16[%add3A_474, %broadcast_in_dim3A] : memref<64x128xf32, #tpu.memory_space<vmem>>[vector<16xi32>, vector<16xi32>], vector<16xf32>,
        tpu.vector_store_idx %arg20[%broadcast_in_dim3A_468, %add3A_474], %gather3A_475 : memref<512x64xf32, #tpu.memory_space<vmem>>[vector<16xi32>, vector<16xi32>], vector<16xf32>,
        %add3A_476 = arith.constant 32 : i32
        %add3A_477 = vector.broadcast %add3A_476 : i32 to vector<16xi32>
        %add3A_478 = arith.addi %iota3A, %add3A_477 : vector<16xi32>
        %gather3A_479 = tpu.vector_load_idx %arg16[%add3A_478, %broadcast_in_dim3A] : memref<64x128xf32, #tpu.memory_space<vmem>>[vector<16xi32>, vector<16xi32>], vector<16xf32>,
        tpu.vector_store_idx %arg20[%broadcast_in_dim3A_468, %add3A_478], %gather3A_479 : memref<512x64xf32, #tpu.memory_space<vmem>>[vector<16xi32>, vector<16xi32>], vector<16xf32>,
        %add3A_480 = arith.constant 48 : i32
        %add3A_481 = vector.broadcast %add3A_480 : i32 to vector<16xi32>
        %add3A_482 = arith.addi %iota3A, %add3A_481 : vector<16xi32>
        %gather3A_483 = tpu.vector_load_idx %arg16[%add3A_482, %broadcast_in_dim3A] : memref<64x128xf32, #tpu.memory_space<vmem>>[vector<16xi32>, vector<16xi32>], vector<16xf32>,
        tpu.vector_store_idx %arg20[%broadcast_in_dim3A_468, %add3A_482], %gather3A_483 : memref<512x64xf32, #tpu.memory_space<vmem>>[vector<16xi32>, vector<16xi32>], vector<16xf32>,
        %dma_start3A_484 = arith.constant 0 : i32
        %dma_start3A_485 = tpu.memref_slice %arg20[%add3A_459, %dma_start3A_484] : memref<512x64xf32, #tpu.memory_space<vmem>> -> memref<1x64xf32, #tpu.memory_space<vmem>>
        %dma_start3A_486 = arith.constant 0 : i32
        %dma_start3A_487 = tpu.memref_slice %arg8[%squeeze3A_467, %dma_start3A_486] : memref<16384x64xf32, #tpu.memory_space<hbm>> -> memref<1x64xf32, #tpu.memory_space<hbm>>
        %dma_start3A_488 = arith.constant 0 : i32
        %dma_start3A_489 = tpu.memref_slice %arg8[%squeeze3A_467, %dma_start3A_488] : memref<16384x64xf32, #tpu.memory_space<hbm>> -> memref<1x64xf32, #tpu.memory_space<hbm>>
        %dma_start3A_490 = arith.constant 0 : i32
        %dma_start3A_491 = tpu.memref_slice %arg20[%add3A_459, %dma_start3A_490] : memref<512x64xf32, #tpu.memory_space<vmem>> -> memref<1x64xf32, #tpu.memory_space<vmem>>
        tpu.enqueue_dma source(%dma_start3A_491 : memref<1x64xf32, #tpu.memory_space<vmem>>) target(%dma_start3A_489 : memref<1x64xf32, #tpu.memory_space<hbm>>) target_semaphore(%arg27 : memref<!tpu.dma_semaphore, #tpu.memory_space<semaphore_mem>>)
      }
      %while3A_163 = arith.constant 1 : i32
      scf.for %while3A_458 = %while3A_161 to %while3A_157 step %while3A_163  : i32 {
        %add3A_459 = arith.addi %add3A_138, %while3A_458 : i32
        %get3A_460 = arith.index_cast %add3A_459 : i32 to index
        %get3A_461 = tpu.vector_load %arg11[%get3A_460] {strides = array<i32>} : memref<528xi32, #tpu.memory_space<vmem>>, vector<16xi32>,
        %slice3A_462 = vector.extract_strided_slice %get3A_461 {offsets = [0], sizes = [1], strides = [1]} : vector<16xi32> to vector<1xi32>
        %squeeze3A_463 = vector.extract %slice3A_462[0] : i32 from vector<1xi32>
        %get3A_464 = arith.index_cast %add3A_459 : i32 to index
        %get3A_465 = tpu.vector_load %arg12[%get3A_464] {strides = array<i32>} : memref<528xi32, #tpu.memory_space<vmem>>, vector<16xi32>,
        %slice3A_466 = vector.extract_strided_slice %get3A_465 {offsets = [0], sizes = [1], strides = [1]} : vector<16xi32> to vector<1xi32>
        %squeeze3A_467 = vector.extract %slice3A_466[0] : i32 from vector<1xi32>
        %broadcast_in_dim3A = vector.broadcast %squeeze3A_463 : i32 to vector<16xi32>
        %broadcast_in_dim3A_468 = vector.broadcast %add3A_459 : i32 to vector<16xi32>
        %add3A_469 = arith.constant 0 : i32
        %add3A_470 = vector.broadcast %add3A_469 : i32 to vector<16xi32>
        %add3A_471 = arith.addi %iota3A, %add3A_470 : vector<16xi32>
        %gather3A = tpu.vector_load_idx %arg16[%add3A_471, %broadcast_in_dim3A] : memref<64x128xf32, #tpu.memory_space<vmem>>[vector<16xi32>, vector<16xi32>], vector<16xf32>,
        tpu.vector_store_idx %arg20[%broadcast_in_dim3A_468, %add3A_471], %gather3A : memref<512x64xf32, #tpu.memory_space<vmem>>[vector<16xi32>, vector<16xi32>], vector<16xf32>,
        %add3A_472 = arith.constant 16 : i32
        %add3A_473 = vector.broadcast %add3A_472 : i32 to vector<16xi32>
        %add3A_474 = arith.addi %iota3A, %add3A_473 : vector<16xi32>
        %gather3A_475 = tpu.vector_load_idx %arg16[%add3A_474, %broadcast_in_dim3A] : memref<64x128xf32, #tpu.memory_space<vmem>>[vector<16xi32>, vector<16xi32>], vector<16xf32>,
        tpu.vector_store_idx %arg20[%broadcast_in_dim3A_468, %add3A_474], %gather3A_475 : memref<512x64xf32, #tpu.memory_space<vmem>>[vector<16xi32>, vector<16xi32>], vector<16xf32>,
        %add3A_476 = arith.constant 32 : i32
        %add3A_477 = vector.broadcast %add3A_476 : i32 to vector<16xi32>
        %add3A_478 = arith.addi %iota3A, %add3A_477 : vector<16xi32>
        %gather3A_479 = tpu.vector_load_idx %arg16[%add3A_478, %broadcast_in_dim3A] : memref<64x128xf32, #tpu.memory_space<vmem>>[vector<16xi32>, vector<16xi32>], vector<16xf32>,
        tpu.vector_store_idx %arg20[%broadcast_in_dim3A_468, %add3A_478], %gather3A_479 : memref<512x64xf32, #tpu.memory_space<vmem>>[vector<16xi32>, vector<16xi32>], vector<16xf32>,
        %add3A_480 = arith.constant 48 : i32
        %add3A_481 = vector.broadcast %add3A_480 : i32 to vector<16xi32>
        %add3A_482 = arith.addi %iota3A, %add3A_481 : vector<16xi32>
        %gather3A_483 = tpu.vector_load_idx %arg16[%add3A_482, %broadcast_in_dim3A] : memref<64x128xf32, #tpu.memory_space<vmem>>[vector<16xi32>, vector<16xi32>], vector<16xf32>,
        tpu.vector_store_idx %arg20[%broadcast_in_dim3A_468, %add3A_482], %gather3A_483 : memref<512x64xf32, #tpu.memory_space<vmem>>[vector<16xi32>, vector<16xi32>], vector<16xf32>,
        %dma_start3A_484 = arith.constant 0 : i32
        %dma_start3A_485 = tpu.memref_slice %arg20[%add3A_459, %dma_start3A_484] : memref<512x64xf32, #tpu.memory_space<vmem>> -> memref<1x64xf32, #tpu.memory_space<vmem>>
        %dma_start3A_486 = arith.constant 0 : i32
        %dma_start3A_487 = tpu.memref_slice %arg8[%squeeze3A_467, %dma_start3A_486] : memref<16384x64xf32, #tpu.memory_space<hbm>> -> memref<1x64xf32, #tpu.memory_space<hbm>>
        %dma_start3A_488 = arith.constant 0 : i32
        %dma_start3A_489 = tpu.memref_slice %arg8[%squeeze3A_467, %dma_start3A_488] : memref<16384x64xf32, #tpu.memory_space<hbm>> -> memref<1x64xf32, #tpu.memory_space<hbm>>
        %dma_start3A_490 = arith.constant 0 : i32
        %dma_start3A_491 = tpu.memref_slice %arg20[%add3A_459, %dma_start3A_490] : memref<512x64xf32, #tpu.memory_space<vmem>> -> memref<1x64xf32, #tpu.memory_space<vmem>>
        tpu.enqueue_dma source(%dma_start3A_491 : memref<1x64xf32, #tpu.memory_space<vmem>>) target(%dma_start3A_489 : memref<1x64xf32, #tpu.memory_space<hbm>>) target_semaphore(%arg27 : memref<!tpu.dma_semaphore, #tpu.memory_space<semaphore_mem>>)
      }
      %add3A_164 = arith.addi %add3A_138, %squeeze3A_153 : i32
      %slice3A_165 = vector.extract_strided_slice %get3A_41 {offsets = [8], sizes = [1], strides = [1]} : vector<16xi32> to vector<1xi32>
      %squeeze3A_166 = vector.extract %slice3A_165[0] : i32 from vector<1xi32>
      %mul3A_167 = arith.constant 128 : i32
      %mul3A_168 = arith.muli %squeeze3A_166, %mul3A_167 : i32
      %multiple_of3A_169 = tpu.assume_multiple %mul3A_168, 128 : i32
      %dma_start3A_170 = arith.constant 0 : i32
      %dma_start3A_171 = tpu.memref_slice %arg7[%dma_start3A_170, %multiple_of3A_169] : memref<64x1000001xf32, #tpu.memory_space<hbm>> -> memref<64x128xf32, #tpu.memory_space<hbm>>
      %dma_start3A_172 = arith.constant 0 : i32
      %dma_start3A_173 = tpu.memref_slice %arg7[%dma_start3A_172, %multiple_of3A_169] : memref<64x1000001xf32, #tpu.memory_space<hbm>> -> memref<64x128xf32, #tpu.memory_space<hbm>>
      tpu.enqueue_dma source(%dma_start3A_173 : memref<64x128xf32, #tpu.memory_space<hbm>>) target(%arg16 : memref<64x128xf32, #tpu.memory_space<vmem>>) target_semaphore(%arg23 : memref<!tpu.dma_semaphore, #tpu.memory_space<semaphore_mem>>)
      %dma_wait3A_174 = arith.constant 0 : i32
      %dma_wait3A_175 = tpu.memref_slice %arg7[%dma_wait3A_174, %multiple_of3A_73] : memref<64x1000001xf32, #tpu.memory_space<hbm>> -> memref<64x128xf32, #tpu.memory_space<hbm>>
      %dma_wait3A_176 = arith.constant 0 : i32
      %dma_wait3A_177 = tpu.memref_slice %arg7[%dma_wait3A_176, %multiple_of3A_73] : memref<64x1000001xf32, #tpu.memory_space<hbm>> -> memref<64x128xf32, #tpu.memory_space<hbm>>
      tpu.wait_dma2 semaphore(%arg24 : memref<!tpu.dma_semaphore, #tpu.memory_space<semaphore_mem>>) src(%dma_wait3A_177 : memref<64x128xf32, #tpu.memory_space<hbm>>) dst(%arg17 : memref<64x128xf32, #tpu.memory_space<vmem>>)
      %slice3A_178 = vector.extract_strided_slice %get3A_43 {offsets = [3], sizes = [1], strides = [1]} : vector<16xi32> to vector<1xi32>
      %squeeze3A_179 = vector.extract %slice3A_178[0] : i32 from vector<1xi32>
      %while3A_180 = arith.constant 0 : i32
      %while3A_181 = arith.constant 0 : i32
      %while3A_182 = arith.subi %squeeze3A_179, %while3A_181 : i32
      %while3A_183 = arith.addi %while3A_181, %while3A_182 : i32
      %while3A_184 = arith.constant 1 : i32
      %while3A_185 = arith.divsi %while3A_182, %while3A_184 : i32
      %while3A_186 = arith.muli %while3A_185, %while3A_184 : i32
      %while3A_187 = arith.addi %while3A_181, %while3A_186 : i32
      %while3A_188 = arith.constant 1 : i32
      scf.for %while3A_458 = %while3A_181 to %while3A_187 step %while3A_188  : i32 {
        %add3A_459 = arith.addi %add3A_164, %while3A_458 : i32
        %get3A_460 = arith.index_cast %add3A_459 : i32 to index
        %get3A_461 = tpu.vector_load %arg11[%get3A_460] {strides = array<i32>} : memref<528xi32, #tpu.memory_space<vmem>>, vector<16xi32>,
        %slice3A_462 = vector.extract_strided_slice %get3A_461 {offsets = [0], sizes = [1], strides = [1]} : vector<16xi32> to vector<1xi32>
        %squeeze3A_463 = vector.extract %slice3A_462[0] : i32 from vector<1xi32>
        %get3A_464 = arith.index_cast %add3A_459 : i32 to index
        %get3A_465 = tpu.vector_load %arg12[%get3A_464] {strides = array<i32>} : memref<528xi32, #tpu.memory_space<vmem>>, vector<16xi32>,
        %slice3A_466 = vector.extract_strided_slice %get3A_465 {offsets = [0], sizes = [1], strides = [1]} : vector<16xi32> to vector<1xi32>
        %squeeze3A_467 = vector.extract %slice3A_466[0] : i32 from vector<1xi32>
        %broadcast_in_dim3A = vector.broadcast %squeeze3A_463 : i32 to vector<16xi32>
        %broadcast_in_dim3A_468 = vector.broadcast %add3A_459 : i32 to vector<16xi32>
        %add3A_469 = arith.constant 0 : i32
        %add3A_470 = vector.broadcast %add3A_469 : i32 to vector<16xi32>
        %add3A_471 = arith.addi %iota3A, %add3A_470 : vector<16xi32>
        %gather3A = tpu.vector_load_idx %arg17[%add3A_471, %broadcast_in_dim3A] : memref<64x128xf32, #tpu.memory_space<vmem>>[vector<16xi32>, vector<16xi32>], vector<16xf32>,
        tpu.vector_store_idx %arg20[%broadcast_in_dim3A_468, %add3A_471], %gather3A : memref<512x64xf32, #tpu.memory_space<vmem>>[vector<16xi32>, vector<16xi32>], vector<16xf32>,
        %add3A_472 = arith.constant 16 : i32
        %add3A_473 = vector.broadcast %add3A_472 : i32 to vector<16xi32>
        %add3A_474 = arith.addi %iota3A, %add3A_473 : vector<16xi32>
        %gather3A_475 = tpu.vector_load_idx %arg17[%add3A_474, %broadcast_in_dim3A] : memref<64x128xf32, #tpu.memory_space<vmem>>[vector<16xi32>, vector<16xi32>], vector<16xf32>,
        tpu.vector_store_idx %arg20[%broadcast_in_dim3A_468, %add3A_474], %gather3A_475 : memref<512x64xf32, #tpu.memory_space<vmem>>[vector<16xi32>, vector<16xi32>], vector<16xf32>,
        %add3A_476 = arith.constant 32 : i32
        %add3A_477 = vector.broadcast %add3A_476 : i32 to vector<16xi32>
        %add3A_478 = arith.addi %iota3A, %add3A_477 : vector<16xi32>
        %gather3A_479 = tpu.vector_load_idx %arg17[%add3A_478, %broadcast_in_dim3A] : memref<64x128xf32, #tpu.memory_space<vmem>>[vector<16xi32>, vector<16xi32>], vector<16xf32>,
        tpu.vector_store_idx %arg20[%broadcast_in_dim3A_468, %add3A_478], %gather3A_479 : memref<512x64xf32, #tpu.memory_space<vmem>>[vector<16xi32>, vector<16xi32>], vector<16xf32>,
        %add3A_480 = arith.constant 48 : i32
        %add3A_481 = vector.broadcast %add3A_480 : i32 to vector<16xi32>
        %add3A_482 = arith.addi %iota3A, %add3A_481 : vector<16xi32>
        %gather3A_483 = tpu.vector_load_idx %arg17[%add3A_482, %broadcast_in_dim3A] : memref<64x128xf32, #tpu.memory_space<vmem>>[vector<16xi32>, vector<16xi32>], vector<16xf32>,
        tpu.vector_store_idx %arg20[%broadcast_in_dim3A_468, %add3A_482], %gather3A_483 : memref<512x64xf32, #tpu.memory_space<vmem>>[vector<16xi32>, vector<16xi32>], vector<16xf32>,
        %dma_start3A_484 = arith.constant 0 : i32
        %dma_start3A_485 = tpu.memref_slice %arg20[%add3A_459, %dma_start3A_484] : memref<512x64xf32, #tpu.memory_space<vmem>> -> memref<1x64xf32, #tpu.memory_space<vmem>>
        %dma_start3A_486 = arith.constant 0 : i32
        %dma_start3A_487 = tpu.memref_slice %arg8[%squeeze3A_467, %dma_start3A_486] : memref<16384x64xf32, #tpu.memory_space<hbm>> -> memref<1x64xf32, #tpu.memory_space<hbm>>
        %dma_start3A_488 = arith.constant 0 : i32
        %dma_start3A_489 = tpu.memref_slice %arg8[%squeeze3A_467, %dma_start3A_488] : memref<16384x64xf32, #tpu.memory_space<hbm>> -> memref<1x64xf32, #tpu.memory_space<hbm>>
        %dma_start3A_490 = arith.constant 0 : i32
        %dma_start3A_491 = tpu.memref_slice %arg20[%add3A_459, %dma_start3A_490] : memref<512x64xf32, #tpu.memory_space<vmem>> -> memref<1x64xf32, #tpu.memory_space<vmem>>
        tpu.enqueue_dma source(%dma_start3A_491 : memref<1x64xf32, #tpu.memory_space<vmem>>) target(%dma_start3A_489 : memref<1x64xf32, #tpu.memory_space<hbm>>) target_semaphore(%arg27 : memref<!tpu.dma_semaphore, #tpu.memory_space<semaphore_mem>>)
      }
      %while3A_189 = arith.constant 1 : i32
      scf.for %while3A_458 = %while3A_187 to %while3A_183 step %while3A_189  : i32 {
        %add3A_459 = arith.addi %add3A_164, %while3A_458 : i32
        %get3A_460 = arith.index_cast %add3A_459 : i32 to index
        %get3A_461 = tpu.vector_load %arg11[%get3A_460] {strides = array<i32>} : memref<528xi32, #tpu.memory_space<vmem>>, vector<16xi32>,
        %slice3A_462 = vector.extract_strided_slice %get3A_461 {offsets = [0], sizes = [1], strides = [1]} : vector<16xi32> to vector<1xi32>
        %squeeze3A_463 = vector.extract %slice3A_462[0] : i32 from vector<1xi32>
        %get3A_464 = arith.index_cast %add3A_459 : i32 to index
        %get3A_465 = tpu.vector_load %arg12[%get3A_464] {strides = array<i32>} : memref<528xi32, #tpu.memory_space<vmem>>, vector<16xi32>,
        %slice3A_466 = vector.extract_strided_slice %get3A_465 {offsets = [0], sizes = [1], strides = [1]} : vector<16xi32> to vector<1xi32>
        %squeeze3A_467 = vector.extract %slice3A_466[0] : i32 from vector<1xi32>
        %broadcast_in_dim3A = vector.broadcast %squeeze3A_463 : i32 to vector<16xi32>
        %broadcast_in_dim3A_468 = vector.broadcast %add3A_459 : i32 to vector<16xi32>
        %add3A_469 = arith.constant 0 : i32
        %add3A_470 = vector.broadcast %add3A_469 : i32 to vector<16xi32>
        %add3A_471 = arith.addi %iota3A, %add3A_470 : vector<16xi32>
        %gather3A = tpu.vector_load_idx %arg17[%add3A_471, %broadcast_in_dim3A] : memref<64x128xf32, #tpu.memory_space<vmem>>[vector<16xi32>, vector<16xi32>], vector<16xf32>,
        tpu.vector_store_idx %arg20[%broadcast_in_dim3A_468, %add3A_471], %gather3A : memref<512x64xf32, #tpu.memory_space<vmem>>[vector<16xi32>, vector<16xi32>], vector<16xf32>,
        %add3A_472 = arith.constant 16 : i32
        %add3A_473 = vector.broadcast %add3A_472 : i32 to vector<16xi32>
        %add3A_474 = arith.addi %iota3A, %add3A_473 : vector<16xi32>
        %gather3A_475 = tpu.vector_load_idx %arg17[%add3A_474, %broadcast_in_dim3A] : memref<64x128xf32, #tpu.memory_space<vmem>>[vector<16xi32>, vector<16xi32>], vector<16xf32>,
        tpu.vector_store_idx %arg20[%broadcast_in_dim3A_468, %add3A_474], %gather3A_475 : memref<512x64xf32, #tpu.memory_space<vmem>>[vector<16xi32>, vector<16xi32>], vector<16xf32>,
        %add3A_476 = arith.constant 32 : i32
        %add3A_477 = vector.broadcast %add3A_476 : i32 to vector<16xi32>
        %add3A_478 = arith.addi %iota3A, %add3A_477 : vector<16xi32>
        %gather3A_479 = tpu.vector_load_idx %arg17[%add3A_478, %broadcast_in_dim3A] : memref<64x128xf32, #tpu.memory_space<vmem>>[vector<16xi32>, vector<16xi32>], vector<16xf32>,
        tpu.vector_store_idx %arg20[%broadcast_in_dim3A_468, %add3A_478], %gather3A_479 : memref<512x64xf32, #tpu.memory_space<vmem>>[vector<16xi32>, vector<16xi32>], vector<16xf32>,
        %add3A_480 = arith.constant 48 : i32
        %add3A_481 = vector.broadcast %add3A_480 : i32 to vector<16xi32>
        %add3A_482 = arith.addi %iota3A, %add3A_481 : vector<16xi32>
        %gather3A_483 = tpu.vector_load_idx %arg17[%add3A_482, %broadcast_in_dim3A] : memref<64x128xf32, #tpu.memory_space<vmem>>[vector<16xi32>, vector<16xi32>], vector<16xf32>,
        tpu.vector_store_idx %arg20[%broadcast_in_dim3A_468, %add3A_482], %gather3A_483 : memref<512x64xf32, #tpu.memory_space<vmem>>[vector<16xi32>, vector<16xi32>], vector<16xf32>,
        %dma_start3A_484 = arith.constant 0 : i32
        %dma_start3A_485 = tpu.memref_slice %arg20[%add3A_459, %dma_start3A_484] : memref<512x64xf32, #tpu.memory_space<vmem>> -> memref<1x64xf32, #tpu.memory_space<vmem>>
        %dma_start3A_486 = arith.constant 0 : i32
        %dma_start3A_487 = tpu.memref_slice %arg8[%squeeze3A_467, %dma_start3A_486] : memref<16384x64xf32, #tpu.memory_space<hbm>> -> memref<1x64xf32, #tpu.memory_space<hbm>>
        %dma_start3A_488 = arith.constant 0 : i32
        %dma_start3A_489 = tpu.memref_slice %arg8[%squeeze3A_467, %dma_start3A_488] : memref<16384x64xf32, #tpu.memory_space<hbm>> -> memref<1x64xf32, #tpu.memory_space<hbm>>
        %dma_start3A_490 = arith.constant 0 : i32
        %dma_start3A_491 = tpu.memref_slice %arg20[%add3A_459, %dma_start3A_490] : memref<512x64xf32, #tpu.memory_space<vmem>> -> memref<1x64xf32, #tpu.memory_space<vmem>>
        tpu.enqueue_dma source(%dma_start3A_491 : memref<1x64xf32, #tpu.memory_space<vmem>>) target(%dma_start3A_489 : memref<1x64xf32, #tpu.memory_space<hbm>>) target_semaphore(%arg27 : memref<!tpu.dma_semaphore, #tpu.memory_space<semaphore_mem>>)
      }
      %add3A_190 = arith.addi %add3A_164, %squeeze3A_179 : i32
      %slice3A_191 = vector.extract_strided_slice %get3A_41 {offsets = [9], sizes = [1], strides = [1]} : vector<16xi32> to vector<1xi32>
      %squeeze3A_192 = vector.extract %slice3A_191[0] : i32 from vector<1xi32>
      %mul3A_193 = arith.constant 128 : i32
      %mul3A_194 = arith.muli %squeeze3A_192, %mul3A_193 : i32
      %multiple_of3A_195 = tpu.assume_multiple %mul3A_194, 128 : i32
      %dma_start3A_196 = arith.constant 0 : i32
      %dma_start3A_197 = tpu.memref_slice %arg7[%dma_start3A_196, %multiple_of3A_195] : memref<64x1000001xf32, #tpu.memory_space<hbm>> -> memref<64x128xf32, #tpu.memory_space<hbm>>
      %dma_start3A_198 = arith.constant 0 : i32
      %dma_start3A_199 = tpu.memref_slice %arg7[%dma_start3A_198, %multiple_of3A_195] : memref<64x1000001xf32, #tpu.memory_space<hbm>> -> memref<64x128xf32, #tpu.memory_space<hbm>>
      tpu.enqueue_dma source(%dma_start3A_199 : memref<64x128xf32, #tpu.memory_space<hbm>>) target(%arg17 : memref<64x128xf32, #tpu.memory_space<vmem>>) target_semaphore(%arg24 : memref<!tpu.dma_semaphore, #tpu.memory_space<semaphore_mem>>)
      %dma_wait3A_200 = arith.constant 0 : i32
      %dma_wait3A_201 = tpu.memref_slice %arg7[%dma_wait3A_200, %multiple_of3A_82] : memref<64x1000001xf32, #tpu.memory_space<hbm>> -> memref<64x128xf32, #tpu.memory_space<hbm>>
      %dma_wait3A_202 = arith.constant 0 : i32
      %dma_wait3A_203 = tpu.memref_slice %arg7[%dma_wait3A_202, %multiple_of3A_82] : memref<64x1000001xf32, #tpu.memory_space<hbm>> -> memref<64x128xf32, #tpu.memory_space<hbm>>
      tpu.wait_dma2 semaphore(%arg25 : memref<!tpu.dma_semaphore, #tpu.memory_space<semaphore_mem>>) src(%dma_wait3A_203 : memref<64x128xf32, #tpu.memory_space<hbm>>) dst(%arg18 : memref<64x128xf32, #tpu.memory_space<vmem>>)
      %slice3A_204 = vector.extract_strided_slice %get3A_43 {offsets = [4], sizes = [1], strides = [1]} : vector<16xi32> to vector<1xi32>
      %squeeze3A_205 = vector.extract %slice3A_204[0] : i32 from vector<1xi32>
      %while3A_206 = arith.constant 0 : i32
      %while3A_207 = arith.constant 0 : i32
      %while3A_208 = arith.subi %squeeze3A_205, %while3A_207 : i32
      %while3A_209 = arith.addi %while3A_207, %while3A_208 : i32
      %while3A_210 = arith.constant 1 : i32
      %while3A_211 = arith.divsi %while3A_208, %while3A_210 : i32
      %while3A_212 = arith.muli %while3A_211, %while3A_210 : i32
      %while3A_213 = arith.addi %while3A_207, %while3A_212 : i32
      %while3A_214 = arith.constant 1 : i32
      scf.for %while3A_458 = %while3A_207 to %while3A_213 step %while3A_214  : i32 {
        %add3A_459 = arith.addi %add3A_190, %while3A_458 : i32
        %get3A_460 = arith.index_cast %add3A_459 : i32 to index
        %get3A_461 = tpu.vector_load %arg11[%get3A_460] {strides = array<i32>} : memref<528xi32, #tpu.memory_space<vmem>>, vector<16xi32>,
        %slice3A_462 = vector.extract_strided_slice %get3A_461 {offsets = [0], sizes = [1], strides = [1]} : vector<16xi32> to vector<1xi32>
        %squeeze3A_463 = vector.extract %slice3A_462[0] : i32 from vector<1xi32>
        %get3A_464 = arith.index_cast %add3A_459 : i32 to index
        %get3A_465 = tpu.vector_load %arg12[%get3A_464] {strides = array<i32>} : memref<528xi32, #tpu.memory_space<vmem>>, vector<16xi32>,
        %slice3A_466 = vector.extract_strided_slice %get3A_465 {offsets = [0], sizes = [1], strides = [1]} : vector<16xi32> to vector<1xi32>
        %squeeze3A_467 = vector.extract %slice3A_466[0] : i32 from vector<1xi32>
        %broadcast_in_dim3A = vector.broadcast %squeeze3A_463 : i32 to vector<16xi32>
        %broadcast_in_dim3A_468 = vector.broadcast %add3A_459 : i32 to vector<16xi32>
        %add3A_469 = arith.constant 0 : i32
        %add3A_470 = vector.broadcast %add3A_469 : i32 to vector<16xi32>
        %add3A_471 = arith.addi %iota3A, %add3A_470 : vector<16xi32>
        %gather3A = tpu.vector_load_idx %arg18[%add3A_471, %broadcast_in_dim3A] : memref<64x128xf32, #tpu.memory_space<vmem>>[vector<16xi32>, vector<16xi32>], vector<16xf32>,
        tpu.vector_store_idx %arg20[%broadcast_in_dim3A_468, %add3A_471], %gather3A : memref<512x64xf32, #tpu.memory_space<vmem>>[vector<16xi32>, vector<16xi32>], vector<16xf32>,
        %add3A_472 = arith.constant 16 : i32
        %add3A_473 = vector.broadcast %add3A_472 : i32 to vector<16xi32>
        %add3A_474 = arith.addi %iota3A, %add3A_473 : vector<16xi32>
        %gather3A_475 = tpu.vector_load_idx %arg18[%add3A_474, %broadcast_in_dim3A] : memref<64x128xf32, #tpu.memory_space<vmem>>[vector<16xi32>, vector<16xi32>], vector<16xf32>,
        tpu.vector_store_idx %arg20[%broadcast_in_dim3A_468, %add3A_474], %gather3A_475 : memref<512x64xf32, #tpu.memory_space<vmem>>[vector<16xi32>, vector<16xi32>], vector<16xf32>,
        %add3A_476 = arith.constant 32 : i32
        %add3A_477 = vector.broadcast %add3A_476 : i32 to vector<16xi32>
        %add3A_478 = arith.addi %iota3A, %add3A_477 : vector<16xi32>
        %gather3A_479 = tpu.vector_load_idx %arg18[%add3A_478, %broadcast_in_dim3A] : memref<64x128xf32, #tpu.memory_space<vmem>>[vector<16xi32>, vector<16xi32>], vector<16xf32>,
        tpu.vector_store_idx %arg20[%broadcast_in_dim3A_468, %add3A_478], %gather3A_479 : memref<512x64xf32, #tpu.memory_space<vmem>>[vector<16xi32>, vector<16xi32>], vector<16xf32>,
        %add3A_480 = arith.constant 48 : i32
        %add3A_481 = vector.broadcast %add3A_480 : i32 to vector<16xi32>
        %add3A_482 = arith.addi %iota3A, %add3A_481 : vector<16xi32>
        %gather3A_483 = tpu.vector_load_idx %arg18[%add3A_482, %broadcast_in_dim3A] : memref<64x128xf32, #tpu.memory_space<vmem>>[vector<16xi32>, vector<16xi32>], vector<16xf32>,
        tpu.vector_store_idx %arg20[%broadcast_in_dim3A_468, %add3A_482], %gather3A_483 : memref<512x64xf32, #tpu.memory_space<vmem>>[vector<16xi32>, vector<16xi32>], vector<16xf32>,
        %dma_start3A_484 = arith.constant 0 : i32
        %dma_start3A_485 = tpu.memref_slice %arg20[%add3A_459, %dma_start3A_484] : memref<512x64xf32, #tpu.memory_space<vmem>> -> memref<1x64xf32, #tpu.memory_space<vmem>>
        %dma_start3A_486 = arith.constant 0 : i32
        %dma_start3A_487 = tpu.memref_slice %arg8[%squeeze3A_467, %dma_start3A_486] : memref<16384x64xf32, #tpu.memory_space<hbm>> -> memref<1x64xf32, #tpu.memory_space<hbm>>
        %dma_start3A_488 = arith.constant 0 : i32
        %dma_start3A_489 = tpu.memref_slice %arg8[%squeeze3A_467, %dma_start3A_488] : memref<16384x64xf32, #tpu.memory_space<hbm>> -> memref<1x64xf32, #tpu.memory_space<hbm>>
        %dma_start3A_490 = arith.constant 0 : i32
        %dma_start3A_491 = tpu.memref_slice %arg20[%add3A_459, %dma_start3A_490] : memref<512x64xf32, #tpu.memory_space<vmem>> -> memref<1x64xf32, #tpu.memory_space<vmem>>
        tpu.enqueue_dma source(%dma_start3A_491 : memref<1x64xf32, #tpu.memory_space<vmem>>) target(%dma_start3A_489 : memref<1x64xf32, #tpu.memory_space<hbm>>) target_semaphore(%arg27 : memref<!tpu.dma_semaphore, #tpu.memory_space<semaphore_mem>>)
      }
      %while3A_215 = arith.constant 1 : i32
      scf.for %while3A_458 = %while3A_213 to %while3A_209 step %while3A_215  : i32 {
        %add3A_459 = arith.addi %add3A_190, %while3A_458 : i32
        %get3A_460 = arith.index_cast %add3A_459 : i32 to index
        %get3A_461 = tpu.vector_load %arg11[%get3A_460] {strides = array<i32>} : memref<528xi32, #tpu.memory_space<vmem>>, vector<16xi32>,
        %slice3A_462 = vector.extract_strided_slice %get3A_461 {offsets = [0], sizes = [1], strides = [1]} : vector<16xi32> to vector<1xi32>
        %squeeze3A_463 = vector.extract %slice3A_462[0] : i32 from vector<1xi32>
        %get3A_464 = arith.index_cast %add3A_459 : i32 to index
        %get3A_465 = tpu.vector_load %arg12[%get3A_464] {strides = array<i32>} : memref<528xi32, #tpu.memory_space<vmem>>, vector<16xi32>,
        %slice3A_466 = vector.extract_strided_slice %get3A_465 {offsets = [0], sizes = [1], strides = [1]} : vector<16xi32> to vector<1xi32>
        %squeeze3A_467 = vector.extract %slice3A_466[0] : i32 from vector<1xi32>
        %broadcast_in_dim3A = vector.broadcast %squeeze3A_463 : i32 to vector<16xi32>
        %broadcast_in_dim3A_468 = vector.broadcast %add3A_459 : i32 to vector<16xi32>
        %add3A_469 = arith.constant 0 : i32
        %add3A_470 = vector.broadcast %add3A_469 : i32 to vector<16xi32>
        %add3A_471 = arith.addi %iota3A, %add3A_470 : vector<16xi32>
        %gather3A = tpu.vector_load_idx %arg18[%add3A_471, %broadcast_in_dim3A] : memref<64x128xf32, #tpu.memory_space<vmem>>[vector<16xi32>, vector<16xi32>], vector<16xf32>,
        tpu.vector_store_idx %arg20[%broadcast_in_dim3A_468, %add3A_471], %gather3A : memref<512x64xf32, #tpu.memory_space<vmem>>[vector<16xi32>, vector<16xi32>], vector<16xf32>,
        %add3A_472 = arith.constant 16 : i32
        %add3A_473 = vector.broadcast %add3A_472 : i32 to vector<16xi32>
        %add3A_474 = arith.addi %iota3A, %add3A_473 : vector<16xi32>
        %gather3A_475 = tpu.vector_load_idx %arg18[%add3A_474, %broadcast_in_dim3A] : memref<64x128xf32, #tpu.memory_space<vmem>>[vector<16xi32>, vector<16xi32>], vector<16xf32>,
        tpu.vector_store_idx %arg20[%broadcast_in_dim3A_468, %add3A_474], %gather3A_475 : memref<512x64xf32, #tpu.memory_space<vmem>>[vector<16xi32>, vector<16xi32>], vector<16xf32>,
        %add3A_476 = arith.constant 32 : i32
        %add3A_477 = vector.broadcast %add3A_476 : i32 to vector<16xi32>
        %add3A_478 = arith.addi %iota3A, %add3A_477 : vector<16xi32>
        %gather3A_479 = tpu.vector_load_idx %arg18[%add3A_478, %broadcast_in_dim3A] : memref<64x128xf32, #tpu.memory_space<vmem>>[vector<16xi32>, vector<16xi32>], vector<16xf32>,
        tpu.vector_store_idx %arg20[%broadcast_in_dim3A_468, %add3A_478], %gather3A_479 : memref<512x64xf32, #tpu.memory_space<vmem>>[vector<16xi32>, vector<16xi32>], vector<16xf32>,
        %add3A_480 = arith.constant 48 : i32
        %add3A_481 = vector.broadcast %add3A_480 : i32 to vector<16xi32>
        %add3A_482 = arith.addi %iota3A, %add3A_481 : vector<16xi32>
        %gather3A_483 = tpu.vector_load_idx %arg18[%add3A_482, %broadcast_in_dim3A] : memref<64x128xf32, #tpu.memory_space<vmem>>[vector<16xi32>, vector<16xi32>], vector<16xf32>,
        tpu.vector_store_idx %arg20[%broadcast_in_dim3A_468, %add3A_482], %gather3A_483 : memref<512x64xf32, #tpu.memory_space<vmem>>[vector<16xi32>, vector<16xi32>], vector<16xf32>,
        %dma_start3A_484 = arith.constant 0 : i32
        %dma_start3A_485 = tpu.memref_slice %arg20[%add3A_459, %dma_start3A_484] : memref<512x64xf32, #tpu.memory_space<vmem>> -> memref<1x64xf32, #tpu.memory_space<vmem>>
        %dma_start3A_486 = arith.constant 0 : i32
        %dma_start3A_487 = tpu.memref_slice %arg8[%squeeze3A_467, %dma_start3A_486] : memref<16384x64xf32, #tpu.memory_space<hbm>> -> memref<1x64xf32, #tpu.memory_space<hbm>>
        %dma_start3A_488 = arith.constant 0 : i32
        %dma_start3A_489 = tpu.memref_slice %arg8[%squeeze3A_467, %dma_start3A_488] : memref<16384x64xf32, #tpu.memory_space<hbm>> -> memref<1x64xf32, #tpu.memory_space<hbm>>
        %dma_start3A_490 = arith.constant 0 : i32
        %dma_start3A_491 = tpu.memref_slice %arg20[%add3A_459, %dma_start3A_490] : memref<512x64xf32, #tpu.memory_space<vmem>> -> memref<1x64xf32, #tpu.memory_space<vmem>>
        tpu.enqueue_dma source(%dma_start3A_491 : memref<1x64xf32, #tpu.memory_space<vmem>>) target(%dma_start3A_489 : memref<1x64xf32, #tpu.memory_space<hbm>>) target_semaphore(%arg27 : memref<!tpu.dma_semaphore, #tpu.memory_space<semaphore_mem>>)
      }
      %add3A_216 = arith.addi %add3A_190, %squeeze3A_205 : i32
      %slice3A_217 = vector.extract_strided_slice %get3A_41 {offsets = [10], sizes = [1], strides = [1]} : vector<16xi32> to vector<1xi32>
      %squeeze3A_218 = vector.extract %slice3A_217[0] : i32 from vector<1xi32>
      %mul3A_219 = arith.constant 128 : i32
      %mul3A_220 = arith.muli %squeeze3A_218, %mul3A_219 : i32
      %multiple_of3A_221 = tpu.assume_multiple %mul3A_220, 128 : i32
      %dma_start3A_222 = arith.constant 0 : i32
      %dma_start3A_223 = tpu.memref_slice %arg7[%dma_start3A_222, %multiple_of3A_221] : memref<64x1000001xf32, #tpu.memory_space<hbm>> -> memref<64x128xf32, #tpu.memory_space<hbm>>
      %dma_start3A_224 = arith.constant 0 : i32
      %dma_start3A_225 = tpu.memref_slice %arg7[%dma_start3A_224, %multiple_of3A_221] : memref<64x1000001xf32, #tpu.memory_space<hbm>> -> memref<64x128xf32, #tpu.memory_space<hbm>>
      tpu.enqueue_dma source(%dma_start3A_225 : memref<64x128xf32, #tpu.memory_space<hbm>>) target(%arg18 : memref<64x128xf32, #tpu.memory_space<vmem>>) target_semaphore(%arg25 : memref<!tpu.dma_semaphore, #tpu.memory_space<semaphore_mem>>)
      %dma_wait3A_226 = arith.constant 0 : i32
      %dma_wait3A_227 = tpu.memref_slice %arg7[%dma_wait3A_226, %multiple_of3A_91] : memref<64x1000001xf32, #tpu.memory_space<hbm>> -> memref<64x128xf32, #tpu.memory_space<hbm>>
      %dma_wait3A_228 = arith.constant 0 : i32
      %dma_wait3A_229 = tpu.memref_slice %arg7[%dma_wait3A_228, %multiple_of3A_91] : memref<64x1000001xf32, #tpu.memory_space<hbm>> -> memref<64x128xf32, #tpu.memory_space<hbm>>
      tpu.wait_dma2 semaphore(%arg26 : memref<!tpu.dma_semaphore, #tpu.memory_space<semaphore_mem>>) src(%dma_wait3A_229 : memref<64x128xf32, #tpu.memory_space<hbm>>) dst(%arg19 : memref<64x128xf32, #tpu.memory_space<vmem>>)
      %slice3A_230 = vector.extract_strided_slice %get3A_43 {offsets = [5], sizes = [1], strides = [1]} : vector<16xi32> to vector<1xi32>
      %squeeze3A_231 = vector.extract %slice3A_230[0] : i32 from vector<1xi32>
      %while3A_232 = arith.constant 0 : i32
      %while3A_233 = arith.constant 0 : i32
      %while3A_234 = arith.subi %squeeze3A_231, %while3A_233 : i32
      %while3A_235 = arith.addi %while3A_233, %while3A_234 : i32
      %while3A_236 = arith.constant 1 : i32
      %while3A_237 = arith.divsi %while3A_234, %while3A_236 : i32
      %while3A_238 = arith.muli %while3A_237, %while3A_236 : i32
      %while3A_239 = arith.addi %while3A_233, %while3A_238 : i32
      %while3A_240 = arith.constant 1 : i32
      scf.for %while3A_458 = %while3A_233 to %while3A_239 step %while3A_240  : i32 {
        %add3A_459 = arith.addi %add3A_216, %while3A_458 : i32
        %get3A_460 = arith.index_cast %add3A_459 : i32 to index
        %get3A_461 = tpu.vector_load %arg11[%get3A_460] {strides = array<i32>} : memref<528xi32, #tpu.memory_space<vmem>>, vector<16xi32>,
        %slice3A_462 = vector.extract_strided_slice %get3A_461 {offsets = [0], sizes = [1], strides = [1]} : vector<16xi32> to vector<1xi32>
        %squeeze3A_463 = vector.extract %slice3A_462[0] : i32 from vector<1xi32>
        %get3A_464 = arith.index_cast %add3A_459 : i32 to index
        %get3A_465 = tpu.vector_load %arg12[%get3A_464] {strides = array<i32>} : memref<528xi32, #tpu.memory_space<vmem>>, vector<16xi32>,
        %slice3A_466 = vector.extract_strided_slice %get3A_465 {offsets = [0], sizes = [1], strides = [1]} : vector<16xi32> to vector<1xi32>
        %squeeze3A_467 = vector.extract %slice3A_466[0] : i32 from vector<1xi32>
        %broadcast_in_dim3A = vector.broadcast %squeeze3A_463 : i32 to vector<16xi32>
        %broadcast_in_dim3A_468 = vector.broadcast %add3A_459 : i32 to vector<16xi32>
        %add3A_469 = arith.constant 0 : i32
        %add3A_470 = vector.broadcast %add3A_469 : i32 to vector<16xi32>
        %add3A_471 = arith.addi %iota3A, %add3A_470 : vector<16xi32>
        %gather3A = tpu.vector_load_idx %arg19[%add3A_471, %broadcast_in_dim3A] : memref<64x128xf32, #tpu.memory_space<vmem>>[vector<16xi32>, vector<16xi32>], vector<16xf32>,
        tpu.vector_store_idx %arg20[%broadcast_in_dim3A_468, %add3A_471], %gather3A : memref<512x64xf32, #tpu.memory_space<vmem>>[vector<16xi32>, vector<16xi32>], vector<16xf32>,
        %add3A_472 = arith.constant 16 : i32
        %add3A_473 = vector.broadcast %add3A_472 : i32 to vector<16xi32>
        %add3A_474 = arith.addi %iota3A, %add3A_473 : vector<16xi32>
        %gather3A_475 = tpu.vector_load_idx %arg19[%add3A_474, %broadcast_in_dim3A] : memref<64x128xf32, #tpu.memory_space<vmem>>[vector<16xi32>, vector<16xi32>], vector<16xf32>,
        tpu.vector_store_idx %arg20[%broadcast_in_dim3A_468, %add3A_474], %gather3A_475 : memref<512x64xf32, #tpu.memory_space<vmem>>[vector<16xi32>, vector<16xi32>], vector<16xf32>,
        %add3A_476 = arith.constant 32 : i32
        %add3A_477 = vector.broadcast %add3A_476 : i32 to vector<16xi32>
        %add3A_478 = arith.addi %iota3A, %add3A_477 : vector<16xi32>
        %gather3A_479 = tpu.vector_load_idx %arg19[%add3A_478, %broadcast_in_dim3A] : memref<64x128xf32, #tpu.memory_space<vmem>>[vector<16xi32>, vector<16xi32>], vector<16xf32>,
        tpu.vector_store_idx %arg20[%broadcast_in_dim3A_468, %add3A_478], %gather3A_479 : memref<512x64xf32, #tpu.memory_space<vmem>>[vector<16xi32>, vector<16xi32>], vector<16xf32>,
        %add3A_480 = arith.constant 48 : i32
        %add3A_481 = vector.broadcast %add3A_480 : i32 to vector<16xi32>
        %add3A_482 = arith.addi %iota3A, %add3A_481 : vector<16xi32>
        %gather3A_483 = tpu.vector_load_idx %arg19[%add3A_482, %broadcast_in_dim3A] : memref<64x128xf32, #tpu.memory_space<vmem>>[vector<16xi32>, vector<16xi32>], vector<16xf32>,
        tpu.vector_store_idx %arg20[%broadcast_in_dim3A_468, %add3A_482], %gather3A_483 : memref<512x64xf32, #tpu.memory_space<vmem>>[vector<16xi32>, vector<16xi32>], vector<16xf32>,
        %dma_start3A_484 = arith.constant 0 : i32
        %dma_start3A_485 = tpu.memref_slice %arg20[%add3A_459, %dma_start3A_484] : memref<512x64xf32, #tpu.memory_space<vmem>> -> memref<1x64xf32, #tpu.memory_space<vmem>>
        %dma_start3A_486 = arith.constant 0 : i32
        %dma_start3A_487 = tpu.memref_slice %arg8[%squeeze3A_467, %dma_start3A_486] : memref<16384x64xf32, #tpu.memory_space<hbm>> -> memref<1x64xf32, #tpu.memory_space<hbm>>
        %dma_start3A_488 = arith.constant 0 : i32
        %dma_start3A_489 = tpu.memref_slice %arg8[%squeeze3A_467, %dma_start3A_488] : memref<16384x64xf32, #tpu.memory_space<hbm>> -> memref<1x64xf32, #tpu.memory_space<hbm>>
        %dma_start3A_490 = arith.constant 0 : i32
        %dma_start3A_491 = tpu.memref_slice %arg20[%add3A_459, %dma_start3A_490] : memref<512x64xf32, #tpu.memory_space<vmem>> -> memref<1x64xf32, #tpu.memory_space<vmem>>
        tpu.enqueue_dma source(%dma_start3A_491 : memref<1x64xf32, #tpu.memory_space<vmem>>) target(%dma_start3A_489 : memref<1x64xf32, #tpu.memory_space<hbm>>) target_semaphore(%arg27 : memref<!tpu.dma_semaphore, #tpu.memory_space<semaphore_mem>>)
      }
      %while3A_241 = arith.constant 1 : i32
      scf.for %while3A_458 = %while3A_239 to %while3A_235 step %while3A_241  : i32 {
        %add3A_459 = arith.addi %add3A_216, %while3A_458 : i32
        %get3A_460 = arith.index_cast %add3A_459 : i32 to index
        %get3A_461 = tpu.vector_load %arg11[%get3A_460] {strides = array<i32>} : memref<528xi32, #tpu.memory_space<vmem>>, vector<16xi32>,
        %slice3A_462 = vector.extract_strided_slice %get3A_461 {offsets = [0], sizes = [1], strides = [1]} : vector<16xi32> to vector<1xi32>
        %squeeze3A_463 = vector.extract %slice3A_462[0] : i32 from vector<1xi32>
        %get3A_464 = arith.index_cast %add3A_459 : i32 to index
        %get3A_465 = tpu.vector_load %arg12[%get3A_464] {strides = array<i32>} : memref<528xi32, #tpu.memory_space<vmem>>, vector<16xi32>,
        %slice3A_466 = vector.extract_strided_slice %get3A_465 {offsets = [0], sizes = [1], strides = [1]} : vector<16xi32> to vector<1xi32>
        %squeeze3A_467 = vector.extract %slice3A_466[0] : i32 from vector<1xi32>
        %broadcast_in_dim3A = vector.broadcast %squeeze3A_463 : i32 to vector<16xi32>
        %broadcast_in_dim3A_468 = vector.broadcast %add3A_459 : i32 to vector<16xi32>
        %add3A_469 = arith.constant 0 : i32
        %add3A_470 = vector.broadcast %add3A_469 : i32 to vector<16xi32>
        %add3A_471 = arith.addi %iota3A, %add3A_470 : vector<16xi32>
        %gather3A = tpu.vector_load_idx %arg19[%add3A_471, %broadcast_in_dim3A] : memref<64x128xf32, #tpu.memory_space<vmem>>[vector<16xi32>, vector<16xi32>], vector<16xf32>,
        tpu.vector_store_idx %arg20[%broadcast_in_dim3A_468, %add3A_471], %gather3A : memref<512x64xf32, #tpu.memory_space<vmem>>[vector<16xi32>, vector<16xi32>], vector<16xf32>,
        %add3A_472 = arith.constant 16 : i32
        %add3A_473 = vector.broadcast %add3A_472 : i32 to vector<16xi32>
        %add3A_474 = arith.addi %iota3A, %add3A_473 : vector<16xi32>
        %gather3A_475 = tpu.vector_load_idx %arg19[%add3A_474, %broadcast_in_dim3A] : memref<64x128xf32, #tpu.memory_space<vmem>>[vector<16xi32>, vector<16xi32>], vector<16xf32>,
        tpu.vector_store_idx %arg20[%broadcast_in_dim3A_468, %add3A_474], %gather3A_475 : memref<512x64xf32, #tpu.memory_space<vmem>>[vector<16xi32>, vector<16xi32>], vector<16xf32>,
        %add3A_476 = arith.constant 32 : i32
        %add3A_477 = vector.broadcast %add3A_476 : i32 to vector<16xi32>
        %add3A_478 = arith.addi %iota3A, %add3A_477 : vector<16xi32>
        %gather3A_479 = tpu.vector_load_idx %arg19[%add3A_478, %broadcast_in_dim3A] : memref<64x128xf32, #tpu.memory_space<vmem>>[vector<16xi32>, vector<16xi32>], vector<16xf32>,
        tpu.vector_store_idx %arg20[%broadcast_in_dim3A_468, %add3A_478], %gather3A_479 : memref<512x64xf32, #tpu.memory_space<vmem>>[vector<16xi32>, vector<16xi32>], vector<16xf32>,
        %add3A_480 = arith.constant 48 : i32
        %add3A_481 = vector.broadcast %add3A_480 : i32 to vector<16xi32>
        %add3A_482 = arith.addi %iota3A, %add3A_481 : vector<16xi32>
        %gather3A_483 = tpu.vector_load_idx %arg19[%add3A_482, %broadcast_in_dim3A] : memref<64x128xf32, #tpu.memory_space<vmem>>[vector<16xi32>, vector<16xi32>], vector<16xf32>,
        tpu.vector_store_idx %arg20[%broadcast_in_dim3A_468, %add3A_482], %gather3A_483 : memref<512x64xf32, #tpu.memory_space<vmem>>[vector<16xi32>, vector<16xi32>], vector<16xf32>,
        %dma_start3A_484 = arith.constant 0 : i32
        %dma_start3A_485 = tpu.memref_slice %arg20[%add3A_459, %dma_start3A_484] : memref<512x64xf32, #tpu.memory_space<vmem>> -> memref<1x64xf32, #tpu.memory_space<vmem>>
        %dma_start3A_486 = arith.constant 0 : i32
        %dma_start3A_487 = tpu.memref_slice %arg8[%squeeze3A_467, %dma_start3A_486] : memref<16384x64xf32, #tpu.memory_space<hbm>> -> memref<1x64xf32, #tpu.memory_space<hbm>>
        %dma_start3A_488 = arith.constant 0 : i32
        %dma_start3A_489 = tpu.memref_slice %arg8[%squeeze3A_467, %dma_start3A_488] : memref<16384x64xf32, #tpu.memory_space<hbm>> -> memref<1x64xf32, #tpu.memory_space<hbm>>
        %dma_start3A_490 = arith.constant 0 : i32
        %dma_start3A_491 = tpu.memref_slice %arg20[%add3A_459, %dma_start3A_490] : memref<512x64xf32, #tpu.memory_space<vmem>> -> memref<1x64xf32, #tpu.memory_space<vmem>>
        tpu.enqueue_dma source(%dma_start3A_491 : memref<1x64xf32, #tpu.memory_space<vmem>>) target(%dma_start3A_489 : memref<1x64xf32, #tpu.memory_space<hbm>>) target_semaphore(%arg27 : memref<!tpu.dma_semaphore, #tpu.memory_space<semaphore_mem>>)
      }
      %add3A_242 = arith.addi %add3A_216, %squeeze3A_231 : i32
      %slice3A_243 = vector.extract_strided_slice %get3A_41 {offsets = [11], sizes = [1], strides = [1]} : vector<16xi32> to vector<1xi32>
      %squeeze3A_244 = vector.extract %slice3A_243[0] : i32 from vector<1xi32>
      %mul3A_245 = arith.constant 128 : i32
      %mul3A_246 = arith.muli %squeeze3A_244, %mul3A_245 : i32
      %multiple_of3A_247 = tpu.assume_multiple %mul3A_246, 128 : i32
      %dma_start3A_248 = arith.constant 0 : i32
      %dma_start3A_249 = tpu.memref_slice %arg7[%dma_start3A_248, %multiple_of3A_247] : memref<64x1000001xf32, #tpu.memory_space<hbm>> -> memref<64x128xf32, #tpu.memory_space<hbm>>
      %dma_start3A_250 = arith.constant 0 : i32
      %dma_start3A_251 = tpu.memref_slice %arg7[%dma_start3A_250, %multiple_of3A_247] : memref<64x1000001xf32, #tpu.memory_space<hbm>> -> memref<64x128xf32, #tpu.memory_space<hbm>>
      tpu.enqueue_dma source(%dma_start3A_251 : memref<64x128xf32, #tpu.memory_space<hbm>>) target(%arg19 : memref<64x128xf32, #tpu.memory_space<vmem>>) target_semaphore(%arg26 : memref<!tpu.dma_semaphore, #tpu.memory_space<semaphore_mem>>)
      %dma_wait3A_252 = arith.constant 0 : i32
      %dma_wait3A_253 = tpu.memref_slice %arg7[%dma_wait3A_252, %multiple_of3A_117] : memref<64x1000001xf32, #tpu.memory_space<hbm>> -> memref<64x128xf32, #tpu.memory_space<hbm>>
      %dma_wait3A_254 = arith.constant 0 : i32
      %dma_wait3A_255 = tpu.memref_slice %arg7[%dma_wait3A_254, %multiple_of3A_117] : memref<64x1000001xf32, #tpu.memory_space<hbm>> -> memref<64x128xf32, #tpu.memory_space<hbm>>
      tpu.wait_dma2 semaphore(%arg21 : memref<!tpu.dma_semaphore, #tpu.memory_space<semaphore_mem>>) src(%dma_wait3A_255 : memref<64x128xf32, #tpu.memory_space<hbm>>) dst(%arg14 : memref<64x128xf32, #tpu.memory_space<vmem>>)
      %slice3A_256 = vector.extract_strided_slice %get3A_43 {offsets = [6], sizes = [1], strides = [1]} : vector<16xi32> to vector<1xi32>
      %squeeze3A_257 = vector.extract %slice3A_256[0] : i32 from vector<1xi32>
      %while3A_258 = arith.constant 0 : i32
      %while3A_259 = arith.constant 0 : i32
      %while3A_260 = arith.subi %squeeze3A_257, %while3A_259 : i32
      %while3A_261 = arith.addi %while3A_259, %while3A_260 : i32
      %while3A_262 = arith.constant 1 : i32
      %while3A_263 = arith.divsi %while3A_260, %while3A_262 : i32
      %while3A_264 = arith.muli %while3A_263, %while3A_262 : i32
      %while3A_265 = arith.addi %while3A_259, %while3A_264 : i32
      %while3A_266 = arith.constant 1 : i32
      scf.for %while3A_458 = %while3A_259 to %while3A_265 step %while3A_266  : i32 {
        %add3A_459 = arith.addi %add3A_242, %while3A_458 : i32
        %get3A_460 = arith.index_cast %add3A_459 : i32 to index
        %get3A_461 = tpu.vector_load %arg11[%get3A_460] {strides = array<i32>} : memref<528xi32, #tpu.memory_space<vmem>>, vector<16xi32>,
        %slice3A_462 = vector.extract_strided_slice %get3A_461 {offsets = [0], sizes = [1], strides = [1]} : vector<16xi32> to vector<1xi32>
        %squeeze3A_463 = vector.extract %slice3A_462[0] : i32 from vector<1xi32>
        %get3A_464 = arith.index_cast %add3A_459 : i32 to index
        %get3A_465 = tpu.vector_load %arg12[%get3A_464] {strides = array<i32>} : memref<528xi32, #tpu.memory_space<vmem>>, vector<16xi32>,
        %slice3A_466 = vector.extract_strided_slice %get3A_465 {offsets = [0], sizes = [1], strides = [1]} : vector<16xi32> to vector<1xi32>
        %squeeze3A_467 = vector.extract %slice3A_466[0] : i32 from vector<1xi32>
        %broadcast_in_dim3A = vector.broadcast %squeeze3A_463 : i32 to vector<16xi32>
        %broadcast_in_dim3A_468 = vector.broadcast %add3A_459 : i32 to vector<16xi32>
        %add3A_469 = arith.constant 0 : i32
        %add3A_470 = vector.broadcast %add3A_469 : i32 to vector<16xi32>
        %add3A_471 = arith.addi %iota3A, %add3A_470 : vector<16xi32>
        %gather3A = tpu.vector_load_idx %arg14[%add3A_471, %broadcast_in_dim3A] : memref<64x128xf32, #tpu.memory_space<vmem>>[vector<16xi32>, vector<16xi32>], vector<16xf32>,
        tpu.vector_store_idx %arg20[%broadcast_in_dim3A_468, %add3A_471], %gather3A : memref<512x64xf32, #tpu.memory_space<vmem>>[vector<16xi32>, vector<16xi32>], vector<16xf32>,
        %add3A_472 = arith.constant 16 : i32
        %add3A_473 = vector.broadcast %add3A_472 : i32 to vector<16xi32>
        %add3A_474 = arith.addi %iota3A, %add3A_473 : vector<16xi32>
        %gather3A_475 = tpu.vector_load_idx %arg14[%add3A_474, %broadcast_in_dim3A] : memref<64x128xf32, #tpu.memory_space<vmem>>[vector<16xi32>, vector<16xi32>], vector<16xf32>,
        tpu.vector_store_idx %arg20[%broadcast_in_dim3A_468, %add3A_474], %gather3A_475 : memref<512x64xf32, #tpu.memory_space<vmem>>[vector<16xi32>, vector<16xi32>], vector<16xf32>,
        %add3A_476 = arith.constant 32 : i32
        %add3A_477 = vector.broadcast %add3A_476 : i32 to vector<16xi32>
        %add3A_478 = arith.addi %iota3A, %add3A_477 : vector<16xi32>
        %gather3A_479 = tpu.vector_load_idx %arg14[%add3A_478, %broadcast_in_dim3A] : memref<64x128xf32, #tpu.memory_space<vmem>>[vector<16xi32>, vector<16xi32>], vector<16xf32>,
        tpu.vector_store_idx %arg20[%broadcast_in_dim3A_468, %add3A_478], %gather3A_479 : memref<512x64xf32, #tpu.memory_space<vmem>>[vector<16xi32>, vector<16xi32>], vector<16xf32>,
        %add3A_480 = arith.constant 48 : i32
        %add3A_481 = vector.broadcast %add3A_480 : i32 to vector<16xi32>
        %add3A_482 = arith.addi %iota3A, %add3A_481 : vector<16xi32>
        %gather3A_483 = tpu.vector_load_idx %arg14[%add3A_482, %broadcast_in_dim3A] : memref<64x128xf32, #tpu.memory_space<vmem>>[vector<16xi32>, vector<16xi32>], vector<16xf32>,
        tpu.vector_store_idx %arg20[%broadcast_in_dim3A_468, %add3A_482], %gather3A_483 : memref<512x64xf32, #tpu.memory_space<vmem>>[vector<16xi32>, vector<16xi32>], vector<16xf32>,
        %dma_start3A_484 = arith.constant 0 : i32
        %dma_start3A_485 = tpu.memref_slice %arg20[%add3A_459, %dma_start3A_484] : memref<512x64xf32, #tpu.memory_space<vmem>> -> memref<1x64xf32, #tpu.memory_space<vmem>>
        %dma_start3A_486 = arith.constant 0 : i32
        %dma_start3A_487 = tpu.memref_slice %arg8[%squeeze3A_467, %dma_start3A_486] : memref<16384x64xf32, #tpu.memory_space<hbm>> -> memref<1x64xf32, #tpu.memory_space<hbm>>
        %dma_start3A_488 = arith.constant 0 : i32
        %dma_start3A_489 = tpu.memref_slice %arg8[%squeeze3A_467, %dma_start3A_488] : memref<16384x64xf32, #tpu.memory_space<hbm>> -> memref<1x64xf32, #tpu.memory_space<hbm>>
        %dma_start3A_490 = arith.constant 0 : i32
        %dma_start3A_491 = tpu.memref_slice %arg20[%add3A_459, %dma_start3A_490] : memref<512x64xf32, #tpu.memory_space<vmem>> -> memref<1x64xf32, #tpu.memory_space<vmem>>
        tpu.enqueue_dma source(%dma_start3A_491 : memref<1x64xf32, #tpu.memory_space<vmem>>) target(%dma_start3A_489 : memref<1x64xf32, #tpu.memory_space<hbm>>) target_semaphore(%arg27 : memref<!tpu.dma_semaphore, #tpu.memory_space<semaphore_mem>>)
      }
      %while3A_267 = arith.constant 1 : i32
      scf.for %while3A_458 = %while3A_265 to %while3A_261 step %while3A_267  : i32 {
        %add3A_459 = arith.addi %add3A_242, %while3A_458 : i32
        %get3A_460 = arith.index_cast %add3A_459 : i32 to index
        %get3A_461 = tpu.vector_load %arg11[%get3A_460] {strides = array<i32>} : memref<528xi32, #tpu.memory_space<vmem>>, vector<16xi32>,
        %slice3A_462 = vector.extract_strided_slice %get3A_461 {offsets = [0], sizes = [1], strides = [1]} : vector<16xi32> to vector<1xi32>
        %squeeze3A_463 = vector.extract %slice3A_462[0] : i32 from vector<1xi32>
        %get3A_464 = arith.index_cast %add3A_459 : i32 to index
        %get3A_465 = tpu.vector_load %arg12[%get3A_464] {strides = array<i32>} : memref<528xi32, #tpu.memory_space<vmem>>, vector<16xi32>,
        %slice3A_466 = vector.extract_strided_slice %get3A_465 {offsets = [0], sizes = [1], strides = [1]} : vector<16xi32> to vector<1xi32>
        %squeeze3A_467 = vector.extract %slice3A_466[0] : i32 from vector<1xi32>
        %broadcast_in_dim3A = vector.broadcast %squeeze3A_463 : i32 to vector<16xi32>
        %broadcast_in_dim3A_468 = vector.broadcast %add3A_459 : i32 to vector<16xi32>
        %add3A_469 = arith.constant 0 : i32
        %add3A_470 = vector.broadcast %add3A_469 : i32 to vector<16xi32>
        %add3A_471 = arith.addi %iota3A, %add3A_470 : vector<16xi32>
        %gather3A = tpu.vector_load_idx %arg14[%add3A_471, %broadcast_in_dim3A] : memref<64x128xf32, #tpu.memory_space<vmem>>[vector<16xi32>, vector<16xi32>], vector<16xf32>,
        tpu.vector_store_idx %arg20[%broadcast_in_dim3A_468, %add3A_471], %gather3A : memref<512x64xf32, #tpu.memory_space<vmem>>[vector<16xi32>, vector<16xi32>], vector<16xf32>,
        %add3A_472 = arith.constant 16 : i32
        %add3A_473 = vector.broadcast %add3A_472 : i32 to vector<16xi32>
        %add3A_474 = arith.addi %iota3A, %add3A_473 : vector<16xi32>
        %gather3A_475 = tpu.vector_load_idx %arg14[%add3A_474, %broadcast_in_dim3A] : memref<64x128xf32, #tpu.memory_space<vmem>>[vector<16xi32>, vector<16xi32>], vector<16xf32>,
        tpu.vector_store_idx %arg20[%broadcast_in_dim3A_468, %add3A_474], %gather3A_475 : memref<512x64xf32, #tpu.memory_space<vmem>>[vector<16xi32>, vector<16xi32>], vector<16xf32>,
        %add3A_476 = arith.constant 32 : i32
        %add3A_477 = vector.broadcast %add3A_476 : i32 to vector<16xi32>
        %add3A_478 = arith.addi %iota3A, %add3A_477 : vector<16xi32>
        %gather3A_479 = tpu.vector_load_idx %arg14[%add3A_478, %broadcast_in_dim3A] : memref<64x128xf32, #tpu.memory_space<vmem>>[vector<16xi32>, vector<16xi32>], vector<16xf32>,
        tpu.vector_store_idx %arg20[%broadcast_in_dim3A_468, %add3A_478], %gather3A_479 : memref<512x64xf32, #tpu.memory_space<vmem>>[vector<16xi32>, vector<16xi32>], vector<16xf32>,
        %add3A_480 = arith.constant 48 : i32
        %add3A_481 = vector.broadcast %add3A_480 : i32 to vector<16xi32>
        %add3A_482 = arith.addi %iota3A, %add3A_481 : vector<16xi32>
        %gather3A_483 = tpu.vector_load_idx %arg14[%add3A_482, %broadcast_in_dim3A] : memref<64x128xf32, #tpu.memory_space<vmem>>[vector<16xi32>, vector<16xi32>], vector<16xf32>,
        tpu.vector_store_idx %arg20[%broadcast_in_dim3A_468, %add3A_482], %gather3A_483 : memref<512x64xf32, #tpu.memory_space<vmem>>[vector<16xi32>, vector<16xi32>], vector<16xf32>,
        %dma_start3A_484 = arith.constant 0 : i32
        %dma_start3A_485 = tpu.memref_slice %arg20[%add3A_459, %dma_start3A_484] : memref<512x64xf32, #tpu.memory_space<vmem>> -> memref<1x64xf32, #tpu.memory_space<vmem>>
        %dma_start3A_486 = arith.constant 0 : i32
        %dma_start3A_487 = tpu.memref_slice %arg8[%squeeze3A_467, %dma_start3A_486] : memref<16384x64xf32, #tpu.memory_space<hbm>> -> memref<1x64xf32, #tpu.memory_space<hbm>>
        %dma_start3A_488 = arith.constant 0 : i32
        %dma_start3A_489 = tpu.memref_slice %arg8[%squeeze3A_467, %dma_start3A_488] : memref<16384x64xf32, #tpu.memory_space<hbm>> -> memref<1x64xf32, #tpu.memory_space<hbm>>
        %dma_start3A_490 = arith.constant 0 : i32
        %dma_start3A_491 = tpu.memref_slice %arg20[%add3A_459, %dma_start3A_490] : memref<512x64xf32, #tpu.memory_space<vmem>> -> memref<1x64xf32, #tpu.memory_space<vmem>>
        tpu.enqueue_dma source(%dma_start3A_491 : memref<1x64xf32, #tpu.memory_space<vmem>>) target(%dma_start3A_489 : memref<1x64xf32, #tpu.memory_space<hbm>>) target_semaphore(%arg27 : memref<!tpu.dma_semaphore, #tpu.memory_space<semaphore_mem>>)
      }
      %add3A_268 = arith.addi %add3A_242, %squeeze3A_257 : i32
      %slice3A_269 = vector.extract_strided_slice %get3A_41 {offsets = [12], sizes = [1], strides = [1]} : vector<16xi32> to vector<1xi32>
      %squeeze3A_270 = vector.extract %slice3A_269[0] : i32 from vector<1xi32>
      %mul3A_271 = arith.constant 128 : i32
      %mul3A_272 = arith.muli %squeeze3A_270, %mul3A_271 : i32
      %multiple_of3A_273 = tpu.assume_multiple %mul3A_272, 128 : i32
      %dma_start3A_274 = arith.constant 0 : i32
      %dma_start3A_275 = tpu.memref_slice %arg7[%dma_start3A_274, %multiple_of3A_273] : memref<64x1000001xf32, #tpu.memory_space<hbm>> -> memref<64x128xf32, #tpu.memory_space<hbm>>
      %dma_start3A_276 = arith.constant 0 : i32
      %dma_start3A_277 = tpu.memref_slice %arg7[%dma_start3A_276, %multiple_of3A_273] : memref<64x1000001xf32, #tpu.memory_space<hbm>> -> memref<64x128xf32, #tpu.memory_space<hbm>>
      tpu.enqueue_dma source(%dma_start3A_277 : memref<64x128xf32, #tpu.memory_space<hbm>>) target(%arg14 : memref<64x128xf32, #tpu.memory_space<vmem>>) target_semaphore(%arg21 : memref<!tpu.dma_semaphore, #tpu.memory_space<semaphore_mem>>)
      %dma_wait3A_278 = arith.constant 0 : i32
      %dma_wait3A_279 = tpu.memref_slice %arg7[%dma_wait3A_278, %multiple_of3A_143] : memref<64x1000001xf32, #tpu.memory_space<hbm>> -> memref<64x128xf32, #tpu.memory_space<hbm>>
      %dma_wait3A_280 = arith.constant 0 : i32
      %dma_wait3A_281 = tpu.memref_slice %arg7[%dma_wait3A_280, %multiple_of3A_143] : memref<64x1000001xf32, #tpu.memory_space<hbm>> -> memref<64x128xf32, #tpu.memory_space<hbm>>
      tpu.wait_dma2 semaphore(%arg22 : memref<!tpu.dma_semaphore, #tpu.memory_space<semaphore_mem>>) src(%dma_wait3A_281 : memref<64x128xf32, #tpu.memory_space<hbm>>) dst(%arg15 : memref<64x128xf32, #tpu.memory_space<vmem>>)
      %slice3A_282 = vector.extract_strided_slice %get3A_43 {offsets = [7], sizes = [1], strides = [1]} : vector<16xi32> to vector<1xi32>
      %squeeze3A_283 = vector.extract %slice3A_282[0] : i32 from vector<1xi32>
      %while3A_284 = arith.constant 0 : i32
      %while3A_285 = arith.constant 0 : i32
      %while3A_286 = arith.subi %squeeze3A_283, %while3A_285 : i32
      %while3A_287 = arith.addi %while3A_285, %while3A_286 : i32
      %while3A_288 = arith.constant 1 : i32
      %while3A_289 = arith.divsi %while3A_286, %while3A_288 : i32
      %while3A_290 = arith.muli %while3A_289, %while3A_288 : i32
      %while3A_291 = arith.addi %while3A_285, %while3A_290 : i32
      %while3A_292 = arith.constant 1 : i32
      scf.for %while3A_458 = %while3A_285 to %while3A_291 step %while3A_292  : i32 {
        %add3A_459 = arith.addi %add3A_268, %while3A_458 : i32
        %get3A_460 = arith.index_cast %add3A_459 : i32 to index
        %get3A_461 = tpu.vector_load %arg11[%get3A_460] {strides = array<i32>} : memref<528xi32, #tpu.memory_space<vmem>>, vector<16xi32>,
        %slice3A_462 = vector.extract_strided_slice %get3A_461 {offsets = [0], sizes = [1], strides = [1]} : vector<16xi32> to vector<1xi32>
        %squeeze3A_463 = vector.extract %slice3A_462[0] : i32 from vector<1xi32>
        %get3A_464 = arith.index_cast %add3A_459 : i32 to index
        %get3A_465 = tpu.vector_load %arg12[%get3A_464] {strides = array<i32>} : memref<528xi32, #tpu.memory_space<vmem>>, vector<16xi32>,
        %slice3A_466 = vector.extract_strided_slice %get3A_465 {offsets = [0], sizes = [1], strides = [1]} : vector<16xi32> to vector<1xi32>
        %squeeze3A_467 = vector.extract %slice3A_466[0] : i32 from vector<1xi32>
        %broadcast_in_dim3A = vector.broadcast %squeeze3A_463 : i32 to vector<16xi32>
        %broadcast_in_dim3A_468 = vector.broadcast %add3A_459 : i32 to vector<16xi32>
        %add3A_469 = arith.constant 0 : i32
        %add3A_470 = vector.broadcast %add3A_469 : i32 to vector<16xi32>
        %add3A_471 = arith.addi %iota3A, %add3A_470 : vector<16xi32>
        %gather3A = tpu.vector_load_idx %arg15[%add3A_471, %broadcast_in_dim3A] : memref<64x128xf32, #tpu.memory_space<vmem>>[vector<16xi32>, vector<16xi32>], vector<16xf32>,
        tpu.vector_store_idx %arg20[%broadcast_in_dim3A_468, %add3A_471], %gather3A : memref<512x64xf32, #tpu.memory_space<vmem>>[vector<16xi32>, vector<16xi32>], vector<16xf32>,
        %add3A_472 = arith.constant 16 : i32
        %add3A_473 = vector.broadcast %add3A_472 : i32 to vector<16xi32>
        %add3A_474 = arith.addi %iota3A, %add3A_473 : vector<16xi32>
        %gather3A_475 = tpu.vector_load_idx %arg15[%add3A_474, %broadcast_in_dim3A] : memref<64x128xf32, #tpu.memory_space<vmem>>[vector<16xi32>, vector<16xi32>], vector<16xf32>,
        tpu.vector_store_idx %arg20[%broadcast_in_dim3A_468, %add3A_474], %gather3A_475 : memref<512x64xf32, #tpu.memory_space<vmem>>[vector<16xi32>, vector<16xi32>], vector<16xf32>,
        %add3A_476 = arith.constant 32 : i32
        %add3A_477 = vector.broadcast %add3A_476 : i32 to vector<16xi32>
        %add3A_478 = arith.addi %iota3A, %add3A_477 : vector<16xi32>
        %gather3A_479 = tpu.vector_load_idx %arg15[%add3A_478, %broadcast_in_dim3A] : memref<64x128xf32, #tpu.memory_space<vmem>>[vector<16xi32>, vector<16xi32>], vector<16xf32>,
        tpu.vector_store_idx %arg20[%broadcast_in_dim3A_468, %add3A_478], %gather3A_479 : memref<512x64xf32, #tpu.memory_space<vmem>>[vector<16xi32>, vector<16xi32>], vector<16xf32>,
        %add3A_480 = arith.constant 48 : i32
        %add3A_481 = vector.broadcast %add3A_480 : i32 to vector<16xi32>
        %add3A_482 = arith.addi %iota3A, %add3A_481 : vector<16xi32>
        %gather3A_483 = tpu.vector_load_idx %arg15[%add3A_482, %broadcast_in_dim3A] : memref<64x128xf32, #tpu.memory_space<vmem>>[vector<16xi32>, vector<16xi32>], vector<16xf32>,
        tpu.vector_store_idx %arg20[%broadcast_in_dim3A_468, %add3A_482], %gather3A_483 : memref<512x64xf32, #tpu.memory_space<vmem>>[vector<16xi32>, vector<16xi32>], vector<16xf32>,
        %dma_start3A_484 = arith.constant 0 : i32
        %dma_start3A_485 = tpu.memref_slice %arg20[%add3A_459, %dma_start3A_484] : memref<512x64xf32, #tpu.memory_space<vmem>> -> memref<1x64xf32, #tpu.memory_space<vmem>>
        %dma_start3A_486 = arith.constant 0 : i32
        %dma_start3A_487 = tpu.memref_slice %arg8[%squeeze3A_467, %dma_start3A_486] : memref<16384x64xf32, #tpu.memory_space<hbm>> -> memref<1x64xf32, #tpu.memory_space<hbm>>
        %dma_start3A_488 = arith.constant 0 : i32
        %dma_start3A_489 = tpu.memref_slice %arg8[%squeeze3A_467, %dma_start3A_488] : memref<16384x64xf32, #tpu.memory_space<hbm>> -> memref<1x64xf32, #tpu.memory_space<hbm>>
        %dma_start3A_490 = arith.constant 0 : i32
        %dma_start3A_491 = tpu.memref_slice %arg20[%add3A_459, %dma_start3A_490] : memref<512x64xf32, #tpu.memory_space<vmem>> -> memref<1x64xf32, #tpu.memory_space<vmem>>
        tpu.enqueue_dma source(%dma_start3A_491 : memref<1x64xf32, #tpu.memory_space<vmem>>) target(%dma_start3A_489 : memref<1x64xf32, #tpu.memory_space<hbm>>) target_semaphore(%arg27 : memref<!tpu.dma_semaphore, #tpu.memory_space<semaphore_mem>>)
      }
      %while3A_293 = arith.constant 1 : i32
      scf.for %while3A_458 = %while3A_291 to %while3A_287 step %while3A_293  : i32 {
        %add3A_459 = arith.addi %add3A_268, %while3A_458 : i32
        %get3A_460 = arith.index_cast %add3A_459 : i32 to index
        %get3A_461 = tpu.vector_load %arg11[%get3A_460] {strides = array<i32>} : memref<528xi32, #tpu.memory_space<vmem>>, vector<16xi32>,
        %slice3A_462 = vector.extract_strided_slice %get3A_461 {offsets = [0], sizes = [1], strides = [1]} : vector<16xi32> to vector<1xi32>
        %squeeze3A_463 = vector.extract %slice3A_462[0] : i32 from vector<1xi32>
        %get3A_464 = arith.index_cast %add3A_459 : i32 to index
        %get3A_465 = tpu.vector_load %arg12[%get3A_464] {strides = array<i32>} : memref<528xi32, #tpu.memory_space<vmem>>, vector<16xi32>,
        %slice3A_466 = vector.extract_strided_slice %get3A_465 {offsets = [0], sizes = [1], strides = [1]} : vector<16xi32> to vector<1xi32>
        %squeeze3A_467 = vector.extract %slice3A_466[0] : i32 from vector<1xi32>
        %broadcast_in_dim3A = vector.broadcast %squeeze3A_463 : i32 to vector<16xi32>
        %broadcast_in_dim3A_468 = vector.broadcast %add3A_459 : i32 to vector<16xi32>
        %add3A_469 = arith.constant 0 : i32
        %add3A_470 = vector.broadcast %add3A_469 : i32 to vector<16xi32>
        %add3A_471 = arith.addi %iota3A, %add3A_470 : vector<16xi32>
        %gather3A = tpu.vector_load_idx %arg15[%add3A_471, %broadcast_in_dim3A] : memref<64x128xf32, #tpu.memory_space<vmem>>[vector<16xi32>, vector<16xi32>], vector<16xf32>,
        tpu.vector_store_idx %arg20[%broadcast_in_dim3A_468, %add3A_471], %gather3A : memref<512x64xf32, #tpu.memory_space<vmem>>[vector<16xi32>, vector<16xi32>], vector<16xf32>,
        %add3A_472 = arith.constant 16 : i32
        %add3A_473 = vector.broadcast %add3A_472 : i32 to vector<16xi32>
        %add3A_474 = arith.addi %iota3A, %add3A_473 : vector<16xi32>
        %gather3A_475 = tpu.vector_load_idx %arg15[%add3A_474, %broadcast_in_dim3A] : memref<64x128xf32, #tpu.memory_space<vmem>>[vector<16xi32>, vector<16xi32>], vector<16xf32>,
        tpu.vector_store_idx %arg20[%broadcast_in_dim3A_468, %add3A_474], %gather3A_475 : memref<512x64xf32, #tpu.memory_space<vmem>>[vector<16xi32>, vector<16xi32>], vector<16xf32>,
        %add3A_476 = arith.constant 32 : i32
        %add3A_477 = vector.broadcast %add3A_476 : i32 to vector<16xi32>
        %add3A_478 = arith.addi %iota3A, %add3A_477 : vector<16xi32>
        %gather3A_479 = tpu.vector_load_idx %arg15[%add3A_478, %broadcast_in_dim3A] : memref<64x128xf32, #tpu.memory_space<vmem>>[vector<16xi32>, vector<16xi32>], vector<16xf32>,
        tpu.vector_store_idx %arg20[%broadcast_in_dim3A_468, %add3A_478], %gather3A_479 : memref<512x64xf32, #tpu.memory_space<vmem>>[vector<16xi32>, vector<16xi32>], vector<16xf32>,
        %add3A_480 = arith.constant 48 : i32
        %add3A_481 = vector.broadcast %add3A_480 : i32 to vector<16xi32>
        %add3A_482 = arith.addi %iota3A, %add3A_481 : vector<16xi32>
        %gather3A_483 = tpu.vector_load_idx %arg15[%add3A_482, %broadcast_in_dim3A] : memref<64x128xf32, #tpu.memory_space<vmem>>[vector<16xi32>, vector<16xi32>], vector<16xf32>,
        tpu.vector_store_idx %arg20[%broadcast_in_dim3A_468, %add3A_482], %gather3A_483 : memref<512x64xf32, #tpu.memory_space<vmem>>[vector<16xi32>, vector<16xi32>], vector<16xf32>,
        %dma_start3A_484 = arith.constant 0 : i32
        %dma_start3A_485 = tpu.memref_slice %arg20[%add3A_459, %dma_start3A_484] : memref<512x64xf32, #tpu.memory_space<vmem>> -> memref<1x64xf32, #tpu.memory_space<vmem>>
        %dma_start3A_486 = arith.constant 0 : i32
        %dma_start3A_487 = tpu.memref_slice %arg8[%squeeze3A_467, %dma_start3A_486] : memref<16384x64xf32, #tpu.memory_space<hbm>> -> memref<1x64xf32, #tpu.memory_space<hbm>>
        %dma_start3A_488 = arith.constant 0 : i32
        %dma_start3A_489 = tpu.memref_slice %arg8[%squeeze3A_467, %dma_start3A_488] : memref<16384x64xf32, #tpu.memory_space<hbm>> -> memref<1x64xf32, #tpu.memory_space<hbm>>
        %dma_start3A_490 = arith.constant 0 : i32
        %dma_start3A_491 = tpu.memref_slice %arg20[%add3A_459, %dma_start3A_490] : memref<512x64xf32, #tpu.memory_space<vmem>> -> memref<1x64xf32, #tpu.memory_space<vmem>>
        tpu.enqueue_dma source(%dma_start3A_491 : memref<1x64xf32, #tpu.memory_space<vmem>>) target(%dma_start3A_489 : memref<1x64xf32, #tpu.memory_space<hbm>>) target_semaphore(%arg27 : memref<!tpu.dma_semaphore, #tpu.memory_space<semaphore_mem>>)
      }
      %add3A_294 = arith.addi %add3A_268, %squeeze3A_283 : i32
      %slice3A_295 = vector.extract_strided_slice %get3A_41 {offsets = [13], sizes = [1], strides = [1]} : vector<16xi32> to vector<1xi32>
      %squeeze3A_296 = vector.extract %slice3A_295[0] : i32 from vector<1xi32>
      %mul3A_297 = arith.constant 128 : i32
      %mul3A_298 = arith.muli %squeeze3A_296, %mul3A_297 : i32
      %multiple_of3A_299 = tpu.assume_multiple %mul3A_298, 128 : i32
      %dma_start3A_300 = arith.constant 0 : i32
      %dma_start3A_301 = tpu.memref_slice %arg7[%dma_start3A_300, %multiple_of3A_299] : memref<64x1000001xf32, #tpu.memory_space<hbm>> -> memref<64x128xf32, #tpu.memory_space<hbm>>
      %dma_start3A_302 = arith.constant 0 : i32
      %dma_start3A_303 = tpu.memref_slice %arg7[%dma_start3A_302, %multiple_of3A_299] : memref<64x1000001xf32, #tpu.memory_space<hbm>> -> memref<64x128xf32, #tpu.memory_space<hbm>>
      tpu.enqueue_dma source(%dma_start3A_303 : memref<64x128xf32, #tpu.memory_space<hbm>>) target(%arg15 : memref<64x128xf32, #tpu.memory_space<vmem>>) target_semaphore(%arg22 : memref<!tpu.dma_semaphore, #tpu.memory_space<semaphore_mem>>)
      %dma_wait3A_304 = arith.constant 0 : i32
      %dma_wait3A_305 = tpu.memref_slice %arg7[%dma_wait3A_304, %multiple_of3A_169] : memref<64x1000001xf32, #tpu.memory_space<hbm>> -> memref<64x128xf32, #tpu.memory_space<hbm>>
      %dma_wait3A_306 = arith.constant 0 : i32
      %dma_wait3A_307 = tpu.memref_slice %arg7[%dma_wait3A_306, %multiple_of3A_169] : memref<64x1000001xf32, #tpu.memory_space<hbm>> -> memref<64x128xf32, #tpu.memory_space<hbm>>
      tpu.wait_dma2 semaphore(%arg23 : memref<!tpu.dma_semaphore, #tpu.memory_space<semaphore_mem>>) src(%dma_wait3A_307 : memref<64x128xf32, #tpu.memory_space<hbm>>) dst(%arg16 : memref<64x128xf32, #tpu.memory_space<vmem>>)
      %slice3A_308 = vector.extract_strided_slice %get3A_43 {offsets = [8], sizes = [1], strides = [1]} : vector<16xi32> to vector<1xi32>
      %squeeze3A_309 = vector.extract %slice3A_308[0] : i32 from vector<1xi32>
      %while3A_310 = arith.constant 0 : i32
      %while3A_311 = arith.constant 0 : i32
      %while3A_312 = arith.subi %squeeze3A_309, %while3A_311 : i32
      %while3A_313 = arith.addi %while3A_311, %while3A_312 : i32
      %while3A_314 = arith.constant 1 : i32
      %while3A_315 = arith.divsi %while3A_312, %while3A_314 : i32
      %while3A_316 = arith.muli %while3A_315, %while3A_314 : i32
      %while3A_317 = arith.addi %while3A_311, %while3A_316 : i32
      %while3A_318 = arith.constant 1 : i32
      scf.for %while3A_458 = %while3A_311 to %while3A_317 step %while3A_318  : i32 {
        %add3A_459 = arith.addi %add3A_294, %while3A_458 : i32
        %get3A_460 = arith.index_cast %add3A_459 : i32 to index
        %get3A_461 = tpu.vector_load %arg11[%get3A_460] {strides = array<i32>} : memref<528xi32, #tpu.memory_space<vmem>>, vector<16xi32>,
        %slice3A_462 = vector.extract_strided_slice %get3A_461 {offsets = [0], sizes = [1], strides = [1]} : vector<16xi32> to vector<1xi32>
        %squeeze3A_463 = vector.extract %slice3A_462[0] : i32 from vector<1xi32>
        %get3A_464 = arith.index_cast %add3A_459 : i32 to index
        %get3A_465 = tpu.vector_load %arg12[%get3A_464] {strides = array<i32>} : memref<528xi32, #tpu.memory_space<vmem>>, vector<16xi32>,
        %slice3A_466 = vector.extract_strided_slice %get3A_465 {offsets = [0], sizes = [1], strides = [1]} : vector<16xi32> to vector<1xi32>
        %squeeze3A_467 = vector.extract %slice3A_466[0] : i32 from vector<1xi32>
        %broadcast_in_dim3A = vector.broadcast %squeeze3A_463 : i32 to vector<16xi32>
        %broadcast_in_dim3A_468 = vector.broadcast %add3A_459 : i32 to vector<16xi32>
        %add3A_469 = arith.constant 0 : i32
        %add3A_470 = vector.broadcast %add3A_469 : i32 to vector<16xi32>
        %add3A_471 = arith.addi %iota3A, %add3A_470 : vector<16xi32>
        %gather3A = tpu.vector_load_idx %arg16[%add3A_471, %broadcast_in_dim3A] : memref<64x128xf32, #tpu.memory_space<vmem>>[vector<16xi32>, vector<16xi32>], vector<16xf32>,
        tpu.vector_store_idx %arg20[%broadcast_in_dim3A_468, %add3A_471], %gather3A : memref<512x64xf32, #tpu.memory_space<vmem>>[vector<16xi32>, vector<16xi32>], vector<16xf32>,
        %add3A_472 = arith.constant 16 : i32
        %add3A_473 = vector.broadcast %add3A_472 : i32 to vector<16xi32>
        %add3A_474 = arith.addi %iota3A, %add3A_473 : vector<16xi32>
        %gather3A_475 = tpu.vector_load_idx %arg16[%add3A_474, %broadcast_in_dim3A] : memref<64x128xf32, #tpu.memory_space<vmem>>[vector<16xi32>, vector<16xi32>], vector<16xf32>,
        tpu.vector_store_idx %arg20[%broadcast_in_dim3A_468, %add3A_474], %gather3A_475 : memref<512x64xf32, #tpu.memory_space<vmem>>[vector<16xi32>, vector<16xi32>], vector<16xf32>,
        %add3A_476 = arith.constant 32 : i32
        %add3A_477 = vector.broadcast %add3A_476 : i32 to vector<16xi32>
        %add3A_478 = arith.addi %iota3A, %add3A_477 : vector<16xi32>
        %gather3A_479 = tpu.vector_load_idx %arg16[%add3A_478, %broadcast_in_dim3A] : memref<64x128xf32, #tpu.memory_space<vmem>>[vector<16xi32>, vector<16xi32>], vector<16xf32>,
        tpu.vector_store_idx %arg20[%broadcast_in_dim3A_468, %add3A_478], %gather3A_479 : memref<512x64xf32, #tpu.memory_space<vmem>>[vector<16xi32>, vector<16xi32>], vector<16xf32>,
        %add3A_480 = arith.constant 48 : i32
        %add3A_481 = vector.broadcast %add3A_480 : i32 to vector<16xi32>
        %add3A_482 = arith.addi %iota3A, %add3A_481 : vector<16xi32>
        %gather3A_483 = tpu.vector_load_idx %arg16[%add3A_482, %broadcast_in_dim3A] : memref<64x128xf32, #tpu.memory_space<vmem>>[vector<16xi32>, vector<16xi32>], vector<16xf32>,
        tpu.vector_store_idx %arg20[%broadcast_in_dim3A_468, %add3A_482], %gather3A_483 : memref<512x64xf32, #tpu.memory_space<vmem>>[vector<16xi32>, vector<16xi32>], vector<16xf32>,
        %dma_start3A_484 = arith.constant 0 : i32
        %dma_start3A_485 = tpu.memref_slice %arg20[%add3A_459, %dma_start3A_484] : memref<512x64xf32, #tpu.memory_space<vmem>> -> memref<1x64xf32, #tpu.memory_space<vmem>>
        %dma_start3A_486 = arith.constant 0 : i32
        %dma_start3A_487 = tpu.memref_slice %arg8[%squeeze3A_467, %dma_start3A_486] : memref<16384x64xf32, #tpu.memory_space<hbm>> -> memref<1x64xf32, #tpu.memory_space<hbm>>
        %dma_start3A_488 = arith.constant 0 : i32
        %dma_start3A_489 = tpu.memref_slice %arg8[%squeeze3A_467, %dma_start3A_488] : memref<16384x64xf32, #tpu.memory_space<hbm>> -> memref<1x64xf32, #tpu.memory_space<hbm>>
        %dma_start3A_490 = arith.constant 0 : i32
        %dma_start3A_491 = tpu.memref_slice %arg20[%add3A_459, %dma_start3A_490] : memref<512x64xf32, #tpu.memory_space<vmem>> -> memref<1x64xf32, #tpu.memory_space<vmem>>
        tpu.enqueue_dma source(%dma_start3A_491 : memref<1x64xf32, #tpu.memory_space<vmem>>) target(%dma_start3A_489 : memref<1x64xf32, #tpu.memory_space<hbm>>) target_semaphore(%arg27 : memref<!tpu.dma_semaphore, #tpu.memory_space<semaphore_mem>>)
      }
      %while3A_319 = arith.constant 1 : i32
      scf.for %while3A_458 = %while3A_317 to %while3A_313 step %while3A_319  : i32 {
        %add3A_459 = arith.addi %add3A_294, %while3A_458 : i32
        %get3A_460 = arith.index_cast %add3A_459 : i32 to index
        %get3A_461 = tpu.vector_load %arg11[%get3A_460] {strides = array<i32>} : memref<528xi32, #tpu.memory_space<vmem>>, vector<16xi32>,
        %slice3A_462 = vector.extract_strided_slice %get3A_461 {offsets = [0], sizes = [1], strides = [1]} : vector<16xi32> to vector<1xi32>
        %squeeze3A_463 = vector.extract %slice3A_462[0] : i32 from vector<1xi32>
        %get3A_464 = arith.index_cast %add3A_459 : i32 to index
        %get3A_465 = tpu.vector_load %arg12[%get3A_464] {strides = array<i32>} : memref<528xi32, #tpu.memory_space<vmem>>, vector<16xi32>,
        %slice3A_466 = vector.extract_strided_slice %get3A_465 {offsets = [0], sizes = [1], strides = [1]} : vector<16xi32> to vector<1xi32>
        %squeeze3A_467 = vector.extract %slice3A_466[0] : i32 from vector<1xi32>
        %broadcast_in_dim3A = vector.broadcast %squeeze3A_463 : i32 to vector<16xi32>
        %broadcast_in_dim3A_468 = vector.broadcast %add3A_459 : i32 to vector<16xi32>
        %add3A_469 = arith.constant 0 : i32
        %add3A_470 = vector.broadcast %add3A_469 : i32 to vector<16xi32>
        %add3A_471 = arith.addi %iota3A, %add3A_470 : vector<16xi32>
        %gather3A = tpu.vector_load_idx %arg16[%add3A_471, %broadcast_in_dim3A] : memref<64x128xf32, #tpu.memory_space<vmem>>[vector<16xi32>, vector<16xi32>], vector<16xf32>,
        tpu.vector_store_idx %arg20[%broadcast_in_dim3A_468, %add3A_471], %gather3A : memref<512x64xf32, #tpu.memory_space<vmem>>[vector<16xi32>, vector<16xi32>], vector<16xf32>,
        %add3A_472 = arith.constant 16 : i32
        %add3A_473 = vector.broadcast %add3A_472 : i32 to vector<16xi32>
        %add3A_474 = arith.addi %iota3A, %add3A_473 : vector<16xi32>
        %gather3A_475 = tpu.vector_load_idx %arg16[%add3A_474, %broadcast_in_dim3A] : memref<64x128xf32, #tpu.memory_space<vmem>>[vector<16xi32>, vector<16xi32>], vector<16xf32>,
        tpu.vector_store_idx %arg20[%broadcast_in_dim3A_468, %add3A_474], %gather3A_475 : memref<512x64xf32, #tpu.memory_space<vmem>>[vector<16xi32>, vector<16xi32>], vector<16xf32>,
        %add3A_476 = arith.constant 32 : i32
        %add3A_477 = vector.broadcast %add3A_476 : i32 to vector<16xi32>
        %add3A_478 = arith.addi %iota3A, %add3A_477 : vector<16xi32>
        %gather3A_479 = tpu.vector_load_idx %arg16[%add3A_478, %broadcast_in_dim3A] : memref<64x128xf32, #tpu.memory_space<vmem>>[vector<16xi32>, vector<16xi32>], vector<16xf32>,
        tpu.vector_store_idx %arg20[%broadcast_in_dim3A_468, %add3A_478], %gather3A_479 : memref<512x64xf32, #tpu.memory_space<vmem>>[vector<16xi32>, vector<16xi32>], vector<16xf32>,
        %add3A_480 = arith.constant 48 : i32
        %add3A_481 = vector.broadcast %add3A_480 : i32 to vector<16xi32>
        %add3A_482 = arith.addi %iota3A, %add3A_481 : vector<16xi32>
        %gather3A_483 = tpu.vector_load_idx %arg16[%add3A_482, %broadcast_in_dim3A] : memref<64x128xf32, #tpu.memory_space<vmem>>[vector<16xi32>, vector<16xi32>], vector<16xf32>,
        tpu.vector_store_idx %arg20[%broadcast_in_dim3A_468, %add3A_482], %gather3A_483 : memref<512x64xf32, #tpu.memory_space<vmem>>[vector<16xi32>, vector<16xi32>], vector<16xf32>,
        %dma_start3A_484 = arith.constant 0 : i32
        %dma_start3A_485 = tpu.memref_slice %arg20[%add3A_459, %dma_start3A_484] : memref<512x64xf32, #tpu.memory_space<vmem>> -> memref<1x64xf32, #tpu.memory_space<vmem>>
        %dma_start3A_486 = arith.constant 0 : i32
        %dma_start3A_487 = tpu.memref_slice %arg8[%squeeze3A_467, %dma_start3A_486] : memref<16384x64xf32, #tpu.memory_space<hbm>> -> memref<1x64xf32, #tpu.memory_space<hbm>>
        %dma_start3A_488 = arith.constant 0 : i32
        %dma_start3A_489 = tpu.memref_slice %arg8[%squeeze3A_467, %dma_start3A_488] : memref<16384x64xf32, #tpu.memory_space<hbm>> -> memref<1x64xf32, #tpu.memory_space<hbm>>
        %dma_start3A_490 = arith.constant 0 : i32
        %dma_start3A_491 = tpu.memref_slice %arg20[%add3A_459, %dma_start3A_490] : memref<512x64xf32, #tpu.memory_space<vmem>> -> memref<1x64xf32, #tpu.memory_space<vmem>>
        tpu.enqueue_dma source(%dma_start3A_491 : memref<1x64xf32, #tpu.memory_space<vmem>>) target(%dma_start3A_489 : memref<1x64xf32, #tpu.memory_space<hbm>>) target_semaphore(%arg27 : memref<!tpu.dma_semaphore, #tpu.memory_space<semaphore_mem>>)
      }
      %add3A_320 = arith.addi %add3A_294, %squeeze3A_309 : i32
      %slice3A_321 = vector.extract_strided_slice %get3A_41 {offsets = [14], sizes = [1], strides = [1]} : vector<16xi32> to vector<1xi32>
      %squeeze3A_322 = vector.extract %slice3A_321[0] : i32 from vector<1xi32>
      %mul3A_323 = arith.constant 128 : i32
      %mul3A_324 = arith.muli %squeeze3A_322, %mul3A_323 : i32
      %multiple_of3A_325 = tpu.assume_multiple %mul3A_324, 128 : i32
      %dma_start3A_326 = arith.constant 0 : i32
      %dma_start3A_327 = tpu.memref_slice %arg7[%dma_start3A_326, %multiple_of3A_325] : memref<64x1000001xf32, #tpu.memory_space<hbm>> -> memref<64x128xf32, #tpu.memory_space<hbm>>
      %dma_start3A_328 = arith.constant 0 : i32
      %dma_start3A_329 = tpu.memref_slice %arg7[%dma_start3A_328, %multiple_of3A_325] : memref<64x1000001xf32, #tpu.memory_space<hbm>> -> memref<64x128xf32, #tpu.memory_space<hbm>>
      tpu.enqueue_dma source(%dma_start3A_329 : memref<64x128xf32, #tpu.memory_space<hbm>>) target(%arg16 : memref<64x128xf32, #tpu.memory_space<vmem>>) target_semaphore(%arg23 : memref<!tpu.dma_semaphore, #tpu.memory_space<semaphore_mem>>)
      %dma_wait3A_330 = arith.constant 0 : i32
      %dma_wait3A_331 = tpu.memref_slice %arg7[%dma_wait3A_330, %multiple_of3A_195] : memref<64x1000001xf32, #tpu.memory_space<hbm>> -> memref<64x128xf32, #tpu.memory_space<hbm>>
      %dma_wait3A_332 = arith.constant 0 : i32
      %dma_wait3A_333 = tpu.memref_slice %arg7[%dma_wait3A_332, %multiple_of3A_195] : memref<64x1000001xf32, #tpu.memory_space<hbm>> -> memref<64x128xf32, #tpu.memory_space<hbm>>
      tpu.wait_dma2 semaphore(%arg24 : memref<!tpu.dma_semaphore, #tpu.memory_space<semaphore_mem>>) src(%dma_wait3A_333 : memref<64x128xf32, #tpu.memory_space<hbm>>) dst(%arg17 : memref<64x128xf32, #tpu.memory_space<vmem>>)
      %slice3A_334 = vector.extract_strided_slice %get3A_43 {offsets = [9], sizes = [1], strides = [1]} : vector<16xi32> to vector<1xi32>
      %squeeze3A_335 = vector.extract %slice3A_334[0] : i32 from vector<1xi32>
      %while3A_336 = arith.constant 0 : i32
      %while3A_337 = arith.constant 0 : i32
      %while3A_338 = arith.subi %squeeze3A_335, %while3A_337 : i32
      %while3A_339 = arith.addi %while3A_337, %while3A_338 : i32
      %while3A_340 = arith.constant 1 : i32
      %while3A_341 = arith.divsi %while3A_338, %while3A_340 : i32
      %while3A_342 = arith.muli %while3A_341, %while3A_340 : i32
      %while3A_343 = arith.addi %while3A_337, %while3A_342 : i32
      %while3A_344 = arith.constant 1 : i32
      scf.for %while3A_458 = %while3A_337 to %while3A_343 step %while3A_344  : i32 {
        %add3A_459 = arith.addi %add3A_320, %while3A_458 : i32
        %get3A_460 = arith.index_cast %add3A_459 : i32 to index
        %get3A_461 = tpu.vector_load %arg11[%get3A_460] {strides = array<i32>} : memref<528xi32, #tpu.memory_space<vmem>>, vector<16xi32>,
        %slice3A_462 = vector.extract_strided_slice %get3A_461 {offsets = [0], sizes = [1], strides = [1]} : vector<16xi32> to vector<1xi32>
        %squeeze3A_463 = vector.extract %slice3A_462[0] : i32 from vector<1xi32>
        %get3A_464 = arith.index_cast %add3A_459 : i32 to index
        %get3A_465 = tpu.vector_load %arg12[%get3A_464] {strides = array<i32>} : memref<528xi32, #tpu.memory_space<vmem>>, vector<16xi32>,
        %slice3A_466 = vector.extract_strided_slice %get3A_465 {offsets = [0], sizes = [1], strides = [1]} : vector<16xi32> to vector<1xi32>
        %squeeze3A_467 = vector.extract %slice3A_466[0] : i32 from vector<1xi32>
        %broadcast_in_dim3A = vector.broadcast %squeeze3A_463 : i32 to vector<16xi32>
        %broadcast_in_dim3A_468 = vector.broadcast %add3A_459 : i32 to vector<16xi32>
        %add3A_469 = arith.constant 0 : i32
        %add3A_470 = vector.broadcast %add3A_469 : i32 to vector<16xi32>
        %add3A_471 = arith.addi %iota3A, %add3A_470 : vector<16xi32>
        %gather3A = tpu.vector_load_idx %arg17[%add3A_471, %broadcast_in_dim3A] : memref<64x128xf32, #tpu.memory_space<vmem>>[vector<16xi32>, vector<16xi32>], vector<16xf32>,
        tpu.vector_store_idx %arg20[%broadcast_in_dim3A_468, %add3A_471], %gather3A : memref<512x64xf32, #tpu.memory_space<vmem>>[vector<16xi32>, vector<16xi32>], vector<16xf32>,
        %add3A_472 = arith.constant 16 : i32
        %add3A_473 = vector.broadcast %add3A_472 : i32 to vector<16xi32>
        %add3A_474 = arith.addi %iota3A, %add3A_473 : vector<16xi32>
        %gather3A_475 = tpu.vector_load_idx %arg17[%add3A_474, %broadcast_in_dim3A] : memref<64x128xf32, #tpu.memory_space<vmem>>[vector<16xi32>, vector<16xi32>], vector<16xf32>,
        tpu.vector_store_idx %arg20[%broadcast_in_dim3A_468, %add3A_474], %gather3A_475 : memref<512x64xf32, #tpu.memory_space<vmem>>[vector<16xi32>, vector<16xi32>], vector<16xf32>,
        %add3A_476 = arith.constant 32 : i32
        %add3A_477 = vector.broadcast %add3A_476 : i32 to vector<16xi32>
        %add3A_478 = arith.addi %iota3A, %add3A_477 : vector<16xi32>
        %gather3A_479 = tpu.vector_load_idx %arg17[%add3A_478, %broadcast_in_dim3A] : memref<64x128xf32, #tpu.memory_space<vmem>>[vector<16xi32>, vector<16xi32>], vector<16xf32>,
        tpu.vector_store_idx %arg20[%broadcast_in_dim3A_468, %add3A_478], %gather3A_479 : memref<512x64xf32, #tpu.memory_space<vmem>>[vector<16xi32>, vector<16xi32>], vector<16xf32>,
        %add3A_480 = arith.constant 48 : i32
        %add3A_481 = vector.broadcast %add3A_480 : i32 to vector<16xi32>
        %add3A_482 = arith.addi %iota3A, %add3A_481 : vector<16xi32>
        %gather3A_483 = tpu.vector_load_idx %arg17[%add3A_482, %broadcast_in_dim3A] : memref<64x128xf32, #tpu.memory_space<vmem>>[vector<16xi32>, vector<16xi32>], vector<16xf32>,
        tpu.vector_store_idx %arg20[%broadcast_in_dim3A_468, %add3A_482], %gather3A_483 : memref<512x64xf32, #tpu.memory_space<vmem>>[vector<16xi32>, vector<16xi32>], vector<16xf32>,
        %dma_start3A_484 = arith.constant 0 : i32
        %dma_start3A_485 = tpu.memref_slice %arg20[%add3A_459, %dma_start3A_484] : memref<512x64xf32, #tpu.memory_space<vmem>> -> memref<1x64xf32, #tpu.memory_space<vmem>>
        %dma_start3A_486 = arith.constant 0 : i32
        %dma_start3A_487 = tpu.memref_slice %arg8[%squeeze3A_467, %dma_start3A_486] : memref<16384x64xf32, #tpu.memory_space<hbm>> -> memref<1x64xf32, #tpu.memory_space<hbm>>
        %dma_start3A_488 = arith.constant 0 : i32
        %dma_start3A_489 = tpu.memref_slice %arg8[%squeeze3A_467, %dma_start3A_488] : memref<16384x64xf32, #tpu.memory_space<hbm>> -> memref<1x64xf32, #tpu.memory_space<hbm>>
        %dma_start3A_490 = arith.constant 0 : i32
        %dma_start3A_491 = tpu.memref_slice %arg20[%add3A_459, %dma_start3A_490] : memref<512x64xf32, #tpu.memory_space<vmem>> -> memref<1x64xf32, #tpu.memory_space<vmem>>
        tpu.enqueue_dma source(%dma_start3A_491 : memref<1x64xf32, #tpu.memory_space<vmem>>) target(%dma_start3A_489 : memref<1x64xf32, #tpu.memory_space<hbm>>) target_semaphore(%arg27 : memref<!tpu.dma_semaphore, #tpu.memory_space<semaphore_mem>>)
      }
      %while3A_345 = arith.constant 1 : i32
      scf.for %while3A_458 = %while3A_343 to %while3A_339 step %while3A_345  : i32 {
        %add3A_459 = arith.addi %add3A_320, %while3A_458 : i32
        %get3A_460 = arith.index_cast %add3A_459 : i32 to index
        %get3A_461 = tpu.vector_load %arg11[%get3A_460] {strides = array<i32>} : memref<528xi32, #tpu.memory_space<vmem>>, vector<16xi32>,
        %slice3A_462 = vector.extract_strided_slice %get3A_461 {offsets = [0], sizes = [1], strides = [1]} : vector<16xi32> to vector<1xi32>
        %squeeze3A_463 = vector.extract %slice3A_462[0] : i32 from vector<1xi32>
        %get3A_464 = arith.index_cast %add3A_459 : i32 to index
        %get3A_465 = tpu.vector_load %arg12[%get3A_464] {strides = array<i32>} : memref<528xi32, #tpu.memory_space<vmem>>, vector<16xi32>,
        %slice3A_466 = vector.extract_strided_slice %get3A_465 {offsets = [0], sizes = [1], strides = [1]} : vector<16xi32> to vector<1xi32>
        %squeeze3A_467 = vector.extract %slice3A_466[0] : i32 from vector<1xi32>
        %broadcast_in_dim3A = vector.broadcast %squeeze3A_463 : i32 to vector<16xi32>
        %broadcast_in_dim3A_468 = vector.broadcast %add3A_459 : i32 to vector<16xi32>
        %add3A_469 = arith.constant 0 : i32
        %add3A_470 = vector.broadcast %add3A_469 : i32 to vector<16xi32>
        %add3A_471 = arith.addi %iota3A, %add3A_470 : vector<16xi32>
        %gather3A = tpu.vector_load_idx %arg17[%add3A_471, %broadcast_in_dim3A] : memref<64x128xf32, #tpu.memory_space<vmem>>[vector<16xi32>, vector<16xi32>], vector<16xf32>,
        tpu.vector_store_idx %arg20[%broadcast_in_dim3A_468, %add3A_471], %gather3A : memref<512x64xf32, #tpu.memory_space<vmem>>[vector<16xi32>, vector<16xi32>], vector<16xf32>,
        %add3A_472 = arith.constant 16 : i32
        %add3A_473 = vector.broadcast %add3A_472 : i32 to vector<16xi32>
        %add3A_474 = arith.addi %iota3A, %add3A_473 : vector<16xi32>
        %gather3A_475 = tpu.vector_load_idx %arg17[%add3A_474, %broadcast_in_dim3A] : memref<64x128xf32, #tpu.memory_space<vmem>>[vector<16xi32>, vector<16xi32>], vector<16xf32>,
        tpu.vector_store_idx %arg20[%broadcast_in_dim3A_468, %add3A_474], %gather3A_475 : memref<512x64xf32, #tpu.memory_space<vmem>>[vector<16xi32>, vector<16xi32>], vector<16xf32>,
        %add3A_476 = arith.constant 32 : i32
        %add3A_477 = vector.broadcast %add3A_476 : i32 to vector<16xi32>
        %add3A_478 = arith.addi %iota3A, %add3A_477 : vector<16xi32>
        %gather3A_479 = tpu.vector_load_idx %arg17[%add3A_478, %broadcast_in_dim3A] : memref<64x128xf32, #tpu.memory_space<vmem>>[vector<16xi32>, vector<16xi32>], vector<16xf32>,
        tpu.vector_store_idx %arg20[%broadcast_in_dim3A_468, %add3A_478], %gather3A_479 : memref<512x64xf32, #tpu.memory_space<vmem>>[vector<16xi32>, vector<16xi32>], vector<16xf32>,
        %add3A_480 = arith.constant 48 : i32
        %add3A_481 = vector.broadcast %add3A_480 : i32 to vector<16xi32>
        %add3A_482 = arith.addi %iota3A, %add3A_481 : vector<16xi32>
        %gather3A_483 = tpu.vector_load_idx %arg17[%add3A_482, %broadcast_in_dim3A] : memref<64x128xf32, #tpu.memory_space<vmem>>[vector<16xi32>, vector<16xi32>], vector<16xf32>,
        tpu.vector_store_idx %arg20[%broadcast_in_dim3A_468, %add3A_482], %gather3A_483 : memref<512x64xf32, #tpu.memory_space<vmem>>[vector<16xi32>, vector<16xi32>], vector<16xf32>,
        %dma_start3A_484 = arith.constant 0 : i32
        %dma_start3A_485 = tpu.memref_slice %arg20[%add3A_459, %dma_start3A_484] : memref<512x64xf32, #tpu.memory_space<vmem>> -> memref<1x64xf32, #tpu.memory_space<vmem>>
        %dma_start3A_486 = arith.constant 0 : i32
        %dma_start3A_487 = tpu.memref_slice %arg8[%squeeze3A_467, %dma_start3A_486] : memref<16384x64xf32, #tpu.memory_space<hbm>> -> memref<1x64xf32, #tpu.memory_space<hbm>>
        %dma_start3A_488 = arith.constant 0 : i32
        %dma_start3A_489 = tpu.memref_slice %arg8[%squeeze3A_467, %dma_start3A_488] : memref<16384x64xf32, #tpu.memory_space<hbm>> -> memref<1x64xf32, #tpu.memory_space<hbm>>
        %dma_start3A_490 = arith.constant 0 : i32
        %dma_start3A_491 = tpu.memref_slice %arg20[%add3A_459, %dma_start3A_490] : memref<512x64xf32, #tpu.memory_space<vmem>> -> memref<1x64xf32, #tpu.memory_space<vmem>>
        tpu.enqueue_dma source(%dma_start3A_491 : memref<1x64xf32, #tpu.memory_space<vmem>>) target(%dma_start3A_489 : memref<1x64xf32, #tpu.memory_space<hbm>>) target_semaphore(%arg27 : memref<!tpu.dma_semaphore, #tpu.memory_space<semaphore_mem>>)
      }
      %add3A_346 = arith.addi %add3A_320, %squeeze3A_335 : i32
      %slice3A_347 = vector.extract_strided_slice %get3A_41 {offsets = [15], sizes = [1], strides = [1]} : vector<16xi32> to vector<1xi32>
      %squeeze3A_348 = vector.extract %slice3A_347[0] : i32 from vector<1xi32>
      %mul3A_349 = arith.constant 128 : i32
      %mul3A_350 = arith.muli %squeeze3A_348, %mul3A_349 : i32
      %multiple_of3A_351 = tpu.assume_multiple %mul3A_350, 128 : i32
      %dma_start3A_352 = arith.constant 0 : i32
      %dma_start3A_353 = tpu.memref_slice %arg7[%dma_start3A_352, %multiple_of3A_351] : memref<64x1000001xf32, #tpu.memory_space<hbm>> -> memref<64x128xf32, #tpu.memory_space<hbm>>
      %dma_start3A_354 = arith.constant 0 : i32
      %dma_start3A_355 = tpu.memref_slice %arg7[%dma_start3A_354, %multiple_of3A_351] : memref<64x1000001xf32, #tpu.memory_space<hbm>> -> memref<64x128xf32, #tpu.memory_space<hbm>>
      tpu.enqueue_dma source(%dma_start3A_355 : memref<64x128xf32, #tpu.memory_space<hbm>>) target(%arg17 : memref<64x128xf32, #tpu.memory_space<vmem>>) target_semaphore(%arg24 : memref<!tpu.dma_semaphore, #tpu.memory_space<semaphore_mem>>)
      %dma_wait3A_356 = arith.constant 0 : i32
      %dma_wait3A_357 = tpu.memref_slice %arg7[%dma_wait3A_356, %multiple_of3A_221] : memref<64x1000001xf32, #tpu.memory_space<hbm>> -> memref<64x128xf32, #tpu.memory_space<hbm>>
      %dma_wait3A_358 = arith.constant 0 : i32
      %dma_wait3A_359 = tpu.memref_slice %arg7[%dma_wait3A_358, %multiple_of3A_221] : memref<64x1000001xf32, #tpu.memory_space<hbm>> -> memref<64x128xf32, #tpu.memory_space<hbm>>
      tpu.wait_dma2 semaphore(%arg25 : memref<!tpu.dma_semaphore, #tpu.memory_space<semaphore_mem>>) src(%dma_wait3A_359 : memref<64x128xf32, #tpu.memory_space<hbm>>) dst(%arg18 : memref<64x128xf32, #tpu.memory_space<vmem>>)
      %slice3A_360 = vector.extract_strided_slice %get3A_43 {offsets = [10], sizes = [1], strides = [1]} : vector<16xi32> to vector<1xi32>
      %squeeze3A_361 = vector.extract %slice3A_360[0] : i32 from vector<1xi32>
      %while3A_362 = arith.constant 0 : i32
      %while3A_363 = arith.constant 0 : i32
      %while3A_364 = arith.subi %squeeze3A_361, %while3A_363 : i32
      %while3A_365 = arith.addi %while3A_363, %while3A_364 : i32
      %while3A_366 = arith.constant 1 : i32
      %while3A_367 = arith.divsi %while3A_364, %while3A_366 : i32
      %while3A_368 = arith.muli %while3A_367, %while3A_366 : i32
      %while3A_369 = arith.addi %while3A_363, %while3A_368 : i32
      %while3A_370 = arith.constant 1 : i32
      scf.for %while3A_458 = %while3A_363 to %while3A_369 step %while3A_370  : i32 {
        %add3A_459 = arith.addi %add3A_346, %while3A_458 : i32
        %get3A_460 = arith.index_cast %add3A_459 : i32 to index
        %get3A_461 = tpu.vector_load %arg11[%get3A_460] {strides = array<i32>} : memref<528xi32, #tpu.memory_space<vmem>>, vector<16xi32>,
        %slice3A_462 = vector.extract_strided_slice %get3A_461 {offsets = [0], sizes = [1], strides = [1]} : vector<16xi32> to vector<1xi32>
        %squeeze3A_463 = vector.extract %slice3A_462[0] : i32 from vector<1xi32>
        %get3A_464 = arith.index_cast %add3A_459 : i32 to index
        %get3A_465 = tpu.vector_load %arg12[%get3A_464] {strides = array<i32>} : memref<528xi32, #tpu.memory_space<vmem>>, vector<16xi32>,
        %slice3A_466 = vector.extract_strided_slice %get3A_465 {offsets = [0], sizes = [1], strides = [1]} : vector<16xi32> to vector<1xi32>
        %squeeze3A_467 = vector.extract %slice3A_466[0] : i32 from vector<1xi32>
        %broadcast_in_dim3A = vector.broadcast %squeeze3A_463 : i32 to vector<16xi32>
        %broadcast_in_dim3A_468 = vector.broadcast %add3A_459 : i32 to vector<16xi32>
        %add3A_469 = arith.constant 0 : i32
        %add3A_470 = vector.broadcast %add3A_469 : i32 to vector<16xi32>
        %add3A_471 = arith.addi %iota3A, %add3A_470 : vector<16xi32>
        %gather3A = tpu.vector_load_idx %arg18[%add3A_471, %broadcast_in_dim3A] : memref<64x128xf32, #tpu.memory_space<vmem>>[vector<16xi32>, vector<16xi32>], vector<16xf32>,
        tpu.vector_store_idx %arg20[%broadcast_in_dim3A_468, %add3A_471], %gather3A : memref<512x64xf32, #tpu.memory_space<vmem>>[vector<16xi32>, vector<16xi32>], vector<16xf32>,
        %add3A_472 = arith.constant 16 : i32
        %add3A_473 = vector.broadcast %add3A_472 : i32 to vector<16xi32>
        %add3A_474 = arith.addi %iota3A, %add3A_473 : vector<16xi32>
        %gather3A_475 = tpu.vector_load_idx %arg18[%add3A_474, %broadcast_in_dim3A] : memref<64x128xf32, #tpu.memory_space<vmem>>[vector<16xi32>, vector<16xi32>], vector<16xf32>,
        tpu.vector_store_idx %arg20[%broadcast_in_dim3A_468, %add3A_474], %gather3A_475 : memref<512x64xf32, #tpu.memory_space<vmem>>[vector<16xi32>, vector<16xi32>], vector<16xf32>,
        %add3A_476 = arith.constant 32 : i32
        %add3A_477 = vector.broadcast %add3A_476 : i32 to vector<16xi32>
        %add3A_478 = arith.addi %iota3A, %add3A_477 : vector<16xi32>
        %gather3A_479 = tpu.vector_load_idx %arg18[%add3A_478, %broadcast_in_dim3A] : memref<64x128xf32, #tpu.memory_space<vmem>>[vector<16xi32>, vector<16xi32>], vector<16xf32>,
        tpu.vector_store_idx %arg20[%broadcast_in_dim3A_468, %add3A_478], %gather3A_479 : memref<512x64xf32, #tpu.memory_space<vmem>>[vector<16xi32>, vector<16xi32>], vector<16xf32>,
        %add3A_480 = arith.constant 48 : i32
        %add3A_481 = vector.broadcast %add3A_480 : i32 to vector<16xi32>
        %add3A_482 = arith.addi %iota3A, %add3A_481 : vector<16xi32>
        %gather3A_483 = tpu.vector_load_idx %arg18[%add3A_482, %broadcast_in_dim3A] : memref<64x128xf32, #tpu.memory_space<vmem>>[vector<16xi32>, vector<16xi32>], vector<16xf32>,
        tpu.vector_store_idx %arg20[%broadcast_in_dim3A_468, %add3A_482], %gather3A_483 : memref<512x64xf32, #tpu.memory_space<vmem>>[vector<16xi32>, vector<16xi32>], vector<16xf32>,
        %dma_start3A_484 = arith.constant 0 : i32
        %dma_start3A_485 = tpu.memref_slice %arg20[%add3A_459, %dma_start3A_484] : memref<512x64xf32, #tpu.memory_space<vmem>> -> memref<1x64xf32, #tpu.memory_space<vmem>>
        %dma_start3A_486 = arith.constant 0 : i32
        %dma_start3A_487 = tpu.memref_slice %arg8[%squeeze3A_467, %dma_start3A_486] : memref<16384x64xf32, #tpu.memory_space<hbm>> -> memref<1x64xf32, #tpu.memory_space<hbm>>
        %dma_start3A_488 = arith.constant 0 : i32
        %dma_start3A_489 = tpu.memref_slice %arg8[%squeeze3A_467, %dma_start3A_488] : memref<16384x64xf32, #tpu.memory_space<hbm>> -> memref<1x64xf32, #tpu.memory_space<hbm>>
        %dma_start3A_490 = arith.constant 0 : i32
        %dma_start3A_491 = tpu.memref_slice %arg20[%add3A_459, %dma_start3A_490] : memref<512x64xf32, #tpu.memory_space<vmem>> -> memref<1x64xf32, #tpu.memory_space<vmem>>
        tpu.enqueue_dma source(%dma_start3A_491 : memref<1x64xf32, #tpu.memory_space<vmem>>) target(%dma_start3A_489 : memref<1x64xf32, #tpu.memory_space<hbm>>) target_semaphore(%arg27 : memref<!tpu.dma_semaphore, #tpu.memory_space<semaphore_mem>>)
      }
      %while3A_371 = arith.constant 1 : i32
      scf.for %while3A_458 = %while3A_369 to %while3A_365 step %while3A_371  : i32 {
        %add3A_459 = arith.addi %add3A_346, %while3A_458 : i32
        %get3A_460 = arith.index_cast %add3A_459 : i32 to index
        %get3A_461 = tpu.vector_load %arg11[%get3A_460] {strides = array<i32>} : memref<528xi32, #tpu.memory_space<vmem>>, vector<16xi32>,
        %slice3A_462 = vector.extract_strided_slice %get3A_461 {offsets = [0], sizes = [1], strides = [1]} : vector<16xi32> to vector<1xi32>
        %squeeze3A_463 = vector.extract %slice3A_462[0] : i32 from vector<1xi32>
        %get3A_464 = arith.index_cast %add3A_459 : i32 to index
        %get3A_465 = tpu.vector_load %arg12[%get3A_464] {strides = array<i32>} : memref<528xi32, #tpu.memory_space<vmem>>, vector<16xi32>,
        %slice3A_466 = vector.extract_strided_slice %get3A_465 {offsets = [0], sizes = [1], strides = [1]} : vector<16xi32> to vector<1xi32>
        %squeeze3A_467 = vector.extract %slice3A_466[0] : i32 from vector<1xi32>
        %broadcast_in_dim3A = vector.broadcast %squeeze3A_463 : i32 to vector<16xi32>
        %broadcast_in_dim3A_468 = vector.broadcast %add3A_459 : i32 to vector<16xi32>
        %add3A_469 = arith.constant 0 : i32
        %add3A_470 = vector.broadcast %add3A_469 : i32 to vector<16xi32>
        %add3A_471 = arith.addi %iota3A, %add3A_470 : vector<16xi32>
        %gather3A = tpu.vector_load_idx %arg18[%add3A_471, %broadcast_in_dim3A] : memref<64x128xf32, #tpu.memory_space<vmem>>[vector<16xi32>, vector<16xi32>], vector<16xf32>,
        tpu.vector_store_idx %arg20[%broadcast_in_dim3A_468, %add3A_471], %gather3A : memref<512x64xf32, #tpu.memory_space<vmem>>[vector<16xi32>, vector<16xi32>], vector<16xf32>,
        %add3A_472 = arith.constant 16 : i32
        %add3A_473 = vector.broadcast %add3A_472 : i32 to vector<16xi32>
        %add3A_474 = arith.addi %iota3A, %add3A_473 : vector<16xi32>
        %gather3A_475 = tpu.vector_load_idx %arg18[%add3A_474, %broadcast_in_dim3A] : memref<64x128xf32, #tpu.memory_space<vmem>>[vector<16xi32>, vector<16xi32>], vector<16xf32>,
        tpu.vector_store_idx %arg20[%broadcast_in_dim3A_468, %add3A_474], %gather3A_475 : memref<512x64xf32, #tpu.memory_space<vmem>>[vector<16xi32>, vector<16xi32>], vector<16xf32>,
        %add3A_476 = arith.constant 32 : i32
        %add3A_477 = vector.broadcast %add3A_476 : i32 to vector<16xi32>
        %add3A_478 = arith.addi %iota3A, %add3A_477 : vector<16xi32>
        %gather3A_479 = tpu.vector_load_idx %arg18[%add3A_478, %broadcast_in_dim3A] : memref<64x128xf32, #tpu.memory_space<vmem>>[vector<16xi32>, vector<16xi32>], vector<16xf32>,
        tpu.vector_store_idx %arg20[%broadcast_in_dim3A_468, %add3A_478], %gather3A_479 : memref<512x64xf32, #tpu.memory_space<vmem>>[vector<16xi32>, vector<16xi32>], vector<16xf32>,
        %add3A_480 = arith.constant 48 : i32
        %add3A_481 = vector.broadcast %add3A_480 : i32 to vector<16xi32>
        %add3A_482 = arith.addi %iota3A, %add3A_481 : vector<16xi32>
        %gather3A_483 = tpu.vector_load_idx %arg18[%add3A_482, %broadcast_in_dim3A] : memref<64x128xf32, #tpu.memory_space<vmem>>[vector<16xi32>, vector<16xi32>], vector<16xf32>,
        tpu.vector_store_idx %arg20[%broadcast_in_dim3A_468, %add3A_482], %gather3A_483 : memref<512x64xf32, #tpu.memory_space<vmem>>[vector<16xi32>, vector<16xi32>], vector<16xf32>,
        %dma_start3A_484 = arith.constant 0 : i32
        %dma_start3A_485 = tpu.memref_slice %arg20[%add3A_459, %dma_start3A_484] : memref<512x64xf32, #tpu.memory_space<vmem>> -> memref<1x64xf32, #tpu.memory_space<vmem>>
        %dma_start3A_486 = arith.constant 0 : i32
        %dma_start3A_487 = tpu.memref_slice %arg8[%squeeze3A_467, %dma_start3A_486] : memref<16384x64xf32, #tpu.memory_space<hbm>> -> memref<1x64xf32, #tpu.memory_space<hbm>>
        %dma_start3A_488 = arith.constant 0 : i32
        %dma_start3A_489 = tpu.memref_slice %arg8[%squeeze3A_467, %dma_start3A_488] : memref<16384x64xf32, #tpu.memory_space<hbm>> -> memref<1x64xf32, #tpu.memory_space<hbm>>
        %dma_start3A_490 = arith.constant 0 : i32
        %dma_start3A_491 = tpu.memref_slice %arg20[%add3A_459, %dma_start3A_490] : memref<512x64xf32, #tpu.memory_space<vmem>> -> memref<1x64xf32, #tpu.memory_space<vmem>>
        tpu.enqueue_dma source(%dma_start3A_491 : memref<1x64xf32, #tpu.memory_space<vmem>>) target(%dma_start3A_489 : memref<1x64xf32, #tpu.memory_space<hbm>>) target_semaphore(%arg27 : memref<!tpu.dma_semaphore, #tpu.memory_space<semaphore_mem>>)
      }
      %add3A_372 = arith.addi %add3A_346, %squeeze3A_361 : i32
      %dma_wait3A_373 = arith.constant 0 : i32
      %dma_wait3A_374 = tpu.memref_slice %arg7[%dma_wait3A_373, %multiple_of3A_247] : memref<64x1000001xf32, #tpu.memory_space<hbm>> -> memref<64x128xf32, #tpu.memory_space<hbm>>
      %dma_wait3A_375 = arith.constant 0 : i32
      %dma_wait3A_376 = tpu.memref_slice %arg7[%dma_wait3A_375, %multiple_of3A_247] : memref<64x1000001xf32, #tpu.memory_space<hbm>> -> memref<64x128xf32, #tpu.memory_space<hbm>>
      tpu.wait_dma2 semaphore(%arg26 : memref<!tpu.dma_semaphore, #tpu.memory_space<semaphore_mem>>) src(%dma_wait3A_376 : memref<64x128xf32, #tpu.memory_space<hbm>>) dst(%arg19 : memref<64x128xf32, #tpu.memory_space<vmem>>)
      %slice3A_377 = vector.extract_strided_slice %get3A_43 {offsets = [11], sizes = [1], strides = [1]} : vector<16xi32> to vector<1xi32>
      %squeeze3A_378 = vector.extract %slice3A_377[0] : i32 from vector<1xi32>
      %while3A_379 = arith.constant 0 : i32
      %while3A_380 = arith.constant 0 : i32
      %while3A_381 = arith.subi %squeeze3A_378, %while3A_380 : i32
      %while3A_382 = arith.addi %while3A_380, %while3A_381 : i32
      %while3A_383 = arith.constant 1 : i32
      %while3A_384 = arith.divsi %while3A_381, %while3A_383 : i32
      %while3A_385 = arith.muli %while3A_384, %while3A_383 : i32
      %while3A_386 = arith.addi %while3A_380, %while3A_385 : i32
      %while3A_387 = arith.constant 1 : i32
      scf.for %while3A_458 = %while3A_380 to %while3A_386 step %while3A_387  : i32 {
        %add3A_459 = arith.addi %add3A_372, %while3A_458 : i32
        %get3A_460 = arith.index_cast %add3A_459 : i32 to index
        %get3A_461 = tpu.vector_load %arg11[%get3A_460] {strides = array<i32>} : memref<528xi32, #tpu.memory_space<vmem>>, vector<16xi32>,
        %slice3A_462 = vector.extract_strided_slice %get3A_461 {offsets = [0], sizes = [1], strides = [1]} : vector<16xi32> to vector<1xi32>
        %squeeze3A_463 = vector.extract %slice3A_462[0] : i32 from vector<1xi32>
        %get3A_464 = arith.index_cast %add3A_459 : i32 to index
        %get3A_465 = tpu.vector_load %arg12[%get3A_464] {strides = array<i32>} : memref<528xi32, #tpu.memory_space<vmem>>, vector<16xi32>,
        %slice3A_466 = vector.extract_strided_slice %get3A_465 {offsets = [0], sizes = [1], strides = [1]} : vector<16xi32> to vector<1xi32>
        %squeeze3A_467 = vector.extract %slice3A_466[0] : i32 from vector<1xi32>
        %broadcast_in_dim3A = vector.broadcast %squeeze3A_463 : i32 to vector<16xi32>
        %broadcast_in_dim3A_468 = vector.broadcast %add3A_459 : i32 to vector<16xi32>
        %add3A_469 = arith.constant 0 : i32
        %add3A_470 = vector.broadcast %add3A_469 : i32 to vector<16xi32>
        %add3A_471 = arith.addi %iota3A, %add3A_470 : vector<16xi32>
        %gather3A = tpu.vector_load_idx %arg19[%add3A_471, %broadcast_in_dim3A] : memref<64x128xf32, #tpu.memory_space<vmem>>[vector<16xi32>, vector<16xi32>], vector<16xf32>,
        tpu.vector_store_idx %arg20[%broadcast_in_dim3A_468, %add3A_471], %gather3A : memref<512x64xf32, #tpu.memory_space<vmem>>[vector<16xi32>, vector<16xi32>], vector<16xf32>,
        %add3A_472 = arith.constant 16 : i32
        %add3A_473 = vector.broadcast %add3A_472 : i32 to vector<16xi32>
        %add3A_474 = arith.addi %iota3A, %add3A_473 : vector<16xi32>
        %gather3A_475 = tpu.vector_load_idx %arg19[%add3A_474, %broadcast_in_dim3A] : memref<64x128xf32, #tpu.memory_space<vmem>>[vector<16xi32>, vector<16xi32>], vector<16xf32>,
        tpu.vector_store_idx %arg20[%broadcast_in_dim3A_468, %add3A_474], %gather3A_475 : memref<512x64xf32, #tpu.memory_space<vmem>>[vector<16xi32>, vector<16xi32>], vector<16xf32>,
        %add3A_476 = arith.constant 32 : i32
        %add3A_477 = vector.broadcast %add3A_476 : i32 to vector<16xi32>
        %add3A_478 = arith.addi %iota3A, %add3A_477 : vector<16xi32>
        %gather3A_479 = tpu.vector_load_idx %arg19[%add3A_478, %broadcast_in_dim3A] : memref<64x128xf32, #tpu.memory_space<vmem>>[vector<16xi32>, vector<16xi32>], vector<16xf32>,
        tpu.vector_store_idx %arg20[%broadcast_in_dim3A_468, %add3A_478], %gather3A_479 : memref<512x64xf32, #tpu.memory_space<vmem>>[vector<16xi32>, vector<16xi32>], vector<16xf32>,
        %add3A_480 = arith.constant 48 : i32
        %add3A_481 = vector.broadcast %add3A_480 : i32 to vector<16xi32>
        %add3A_482 = arith.addi %iota3A, %add3A_481 : vector<16xi32>
        %gather3A_483 = tpu.vector_load_idx %arg19[%add3A_482, %broadcast_in_dim3A] : memref<64x128xf32, #tpu.memory_space<vmem>>[vector<16xi32>, vector<16xi32>], vector<16xf32>,
        tpu.vector_store_idx %arg20[%broadcast_in_dim3A_468, %add3A_482], %gather3A_483 : memref<512x64xf32, #tpu.memory_space<vmem>>[vector<16xi32>, vector<16xi32>], vector<16xf32>,
        %dma_start3A_484 = arith.constant 0 : i32
        %dma_start3A_485 = tpu.memref_slice %arg20[%add3A_459, %dma_start3A_484] : memref<512x64xf32, #tpu.memory_space<vmem>> -> memref<1x64xf32, #tpu.memory_space<vmem>>
        %dma_start3A_486 = arith.constant 0 : i32
        %dma_start3A_487 = tpu.memref_slice %arg8[%squeeze3A_467, %dma_start3A_486] : memref<16384x64xf32, #tpu.memory_space<hbm>> -> memref<1x64xf32, #tpu.memory_space<hbm>>
        %dma_start3A_488 = arith.constant 0 : i32
        %dma_start3A_489 = tpu.memref_slice %arg8[%squeeze3A_467, %dma_start3A_488] : memref<16384x64xf32, #tpu.memory_space<hbm>> -> memref<1x64xf32, #tpu.memory_space<hbm>>
        %dma_start3A_490 = arith.constant 0 : i32
        %dma_start3A_491 = tpu.memref_slice %arg20[%add3A_459, %dma_start3A_490] : memref<512x64xf32, #tpu.memory_space<vmem>> -> memref<1x64xf32, #tpu.memory_space<vmem>>
        tpu.enqueue_dma source(%dma_start3A_491 : memref<1x64xf32, #tpu.memory_space<vmem>>) target(%dma_start3A_489 : memref<1x64xf32, #tpu.memory_space<hbm>>) target_semaphore(%arg27 : memref<!tpu.dma_semaphore, #tpu.memory_space<semaphore_mem>>)
      }
      %while3A_388 = arith.constant 1 : i32
      scf.for %while3A_458 = %while3A_386 to %while3A_382 step %while3A_388  : i32 {
        %add3A_459 = arith.addi %add3A_372, %while3A_458 : i32
        %get3A_460 = arith.index_cast %add3A_459 : i32 to index
        %get3A_461 = tpu.vector_load %arg11[%get3A_460] {strides = array<i32>} : memref<528xi32, #tpu.memory_space<vmem>>, vector<16xi32>,
        %slice3A_462 = vector.extract_strided_slice %get3A_461 {offsets = [0], sizes = [1], strides = [1]} : vector<16xi32> to vector<1xi32>
        %squeeze3A_463 = vector.extract %slice3A_462[0] : i32 from vector<1xi32>
        %get3A_464 = arith.index_cast %add3A_459 : i32 to index
        %get3A_465 = tpu.vector_load %arg12[%get3A_464] {strides = array<i32>} : memref<528xi32, #tpu.memory_space<vmem>>, vector<16xi32>,
        %slice3A_466 = vector.extract_strided_slice %get3A_465 {offsets = [0], sizes = [1], strides = [1]} : vector<16xi32> to vector<1xi32>
        %squeeze3A_467 = vector.extract %slice3A_466[0] : i32 from vector<1xi32>
        %broadcast_in_dim3A = vector.broadcast %squeeze3A_463 : i32 to vector<16xi32>
        %broadcast_in_dim3A_468 = vector.broadcast %add3A_459 : i32 to vector<16xi32>
        %add3A_469 = arith.constant 0 : i32
        %add3A_470 = vector.broadcast %add3A_469 : i32 to vector<16xi32>
        %add3A_471 = arith.addi %iota3A, %add3A_470 : vector<16xi32>
        %gather3A = tpu.vector_load_idx %arg19[%add3A_471, %broadcast_in_dim3A] : memref<64x128xf32, #tpu.memory_space<vmem>>[vector<16xi32>, vector<16xi32>], vector<16xf32>,
        tpu.vector_store_idx %arg20[%broadcast_in_dim3A_468, %add3A_471], %gather3A : memref<512x64xf32, #tpu.memory_space<vmem>>[vector<16xi32>, vector<16xi32>], vector<16xf32>,
        %add3A_472 = arith.constant 16 : i32
        %add3A_473 = vector.broadcast %add3A_472 : i32 to vector<16xi32>
        %add3A_474 = arith.addi %iota3A, %add3A_473 : vector<16xi32>
        %gather3A_475 = tpu.vector_load_idx %arg19[%add3A_474, %broadcast_in_dim3A] : memref<64x128xf32, #tpu.memory_space<vmem>>[vector<16xi32>, vector<16xi32>], vector<16xf32>,
        tpu.vector_store_idx %arg20[%broadcast_in_dim3A_468, %add3A_474], %gather3A_475 : memref<512x64xf32, #tpu.memory_space<vmem>>[vector<16xi32>, vector<16xi32>], vector<16xf32>,
        %add3A_476 = arith.constant 32 : i32
        %add3A_477 = vector.broadcast %add3A_476 : i32 to vector<16xi32>
        %add3A_478 = arith.addi %iota3A, %add3A_477 : vector<16xi32>
        %gather3A_479 = tpu.vector_load_idx %arg19[%add3A_478, %broadcast_in_dim3A] : memref<64x128xf32, #tpu.memory_space<vmem>>[vector<16xi32>, vector<16xi32>], vector<16xf32>,
        tpu.vector_store_idx %arg20[%broadcast_in_dim3A_468, %add3A_478], %gather3A_479 : memref<512x64xf32, #tpu.memory_space<vmem>>[vector<16xi32>, vector<16xi32>], vector<16xf32>,
        %add3A_480 = arith.constant 48 : i32
        %add3A_481 = vector.broadcast %add3A_480 : i32 to vector<16xi32>
        %add3A_482 = arith.addi %iota3A, %add3A_481 : vector<16xi32>
        %gather3A_483 = tpu.vector_load_idx %arg19[%add3A_482, %broadcast_in_dim3A] : memref<64x128xf32, #tpu.memory_space<vmem>>[vector<16xi32>, vector<16xi32>], vector<16xf32>,
        tpu.vector_store_idx %arg20[%broadcast_in_dim3A_468, %add3A_482], %gather3A_483 : memref<512x64xf32, #tpu.memory_space<vmem>>[vector<16xi32>, vector<16xi32>], vector<16xf32>,
        %dma_start3A_484 = arith.constant 0 : i32
        %dma_start3A_485 = tpu.memref_slice %arg20[%add3A_459, %dma_start3A_484] : memref<512x64xf32, #tpu.memory_space<vmem>> -> memref<1x64xf32, #tpu.memory_space<vmem>>
        %dma_start3A_486 = arith.constant 0 : i32
        %dma_start3A_487 = tpu.memref_slice %arg8[%squeeze3A_467, %dma_start3A_486] : memref<16384x64xf32, #tpu.memory_space<hbm>> -> memref<1x64xf32, #tpu.memory_space<hbm>>
        %dma_start3A_488 = arith.constant 0 : i32
        %dma_start3A_489 = tpu.memref_slice %arg8[%squeeze3A_467, %dma_start3A_488] : memref<16384x64xf32, #tpu.memory_space<hbm>> -> memref<1x64xf32, #tpu.memory_space<hbm>>
        %dma_start3A_490 = arith.constant 0 : i32
        %dma_start3A_491 = tpu.memref_slice %arg20[%add3A_459, %dma_start3A_490] : memref<512x64xf32, #tpu.memory_space<vmem>> -> memref<1x64xf32, #tpu.memory_space<vmem>>
        tpu.enqueue_dma source(%dma_start3A_491 : memref<1x64xf32, #tpu.memory_space<vmem>>) target(%dma_start3A_489 : memref<1x64xf32, #tpu.memory_space<hbm>>) target_semaphore(%arg27 : memref<!tpu.dma_semaphore, #tpu.memory_space<semaphore_mem>>)
      }
      %add3A_389 = arith.addi %add3A_372, %squeeze3A_378 : i32
      %dma_wait3A_390 = arith.constant 0 : i32
      %dma_wait3A_391 = tpu.memref_slice %arg7[%dma_wait3A_390, %multiple_of3A_273] : memref<64x1000001xf32, #tpu.memory_space<hbm>> -> memref<64x128xf32, #tpu.memory_space<hbm>>
      %dma_wait3A_392 = arith.constant 0 : i32
      %dma_wait3A_393 = tpu.memref_slice %arg7[%dma_wait3A_392, %multiple_of3A_273] : memref<64x1000001xf32, #tpu.memory_space<hbm>> -> memref<64x128xf32, #tpu.memory_space<hbm>>
      tpu.wait_dma2 semaphore(%arg21 : memref<!tpu.dma_semaphore, #tpu.memory_space<semaphore_mem>>) src(%dma_wait3A_393 : memref<64x128xf32, #tpu.memory_space<hbm>>) dst(%arg14 : memref<64x128xf32, #tpu.memory_space<vmem>>)
      %slice3A_394 = vector.extract_strided_slice %get3A_43 {offsets = [12], sizes = [1], strides = [1]} : vector<16xi32> to vector<1xi32>
      %squeeze3A_395 = vector.extract %slice3A_394[0] : i32 from vector<1xi32>
      %while3A_396 = arith.constant 0 : i32
      %while3A_397 = arith.constant 0 : i32
      %while3A_398 = arith.subi %squeeze3A_395, %while3A_397 : i32
      %while3A_399 = arith.addi %while3A_397, %while3A_398 : i32
      %while3A_400 = arith.constant 1 : i32
      %while3A_401 = arith.divsi %while3A_398, %while3A_400 : i32
      %while3A_402 = arith.muli %while3A_401, %while3A_400 : i32
      %while3A_403 = arith.addi %while3A_397, %while3A_402 : i32
      %while3A_404 = arith.constant 1 : i32
      scf.for %while3A_458 = %while3A_397 to %while3A_403 step %while3A_404  : i32 {
        %add3A_459 = arith.addi %add3A_389, %while3A_458 : i32
        %get3A_460 = arith.index_cast %add3A_459 : i32 to index
        %get3A_461 = tpu.vector_load %arg11[%get3A_460] {strides = array<i32>} : memref<528xi32, #tpu.memory_space<vmem>>, vector<16xi32>,
        %slice3A_462 = vector.extract_strided_slice %get3A_461 {offsets = [0], sizes = [1], strides = [1]} : vector<16xi32> to vector<1xi32>
        %squeeze3A_463 = vector.extract %slice3A_462[0] : i32 from vector<1xi32>
        %get3A_464 = arith.index_cast %add3A_459 : i32 to index
        %get3A_465 = tpu.vector_load %arg12[%get3A_464] {strides = array<i32>} : memref<528xi32, #tpu.memory_space<vmem>>, vector<16xi32>,
        %slice3A_466 = vector.extract_strided_slice %get3A_465 {offsets = [0], sizes = [1], strides = [1]} : vector<16xi32> to vector<1xi32>
        %squeeze3A_467 = vector.extract %slice3A_466[0] : i32 from vector<1xi32>
        %broadcast_in_dim3A = vector.broadcast %squeeze3A_463 : i32 to vector<16xi32>
        %broadcast_in_dim3A_468 = vector.broadcast %add3A_459 : i32 to vector<16xi32>
        %add3A_469 = arith.constant 0 : i32
        %add3A_470 = vector.broadcast %add3A_469 : i32 to vector<16xi32>
        %add3A_471 = arith.addi %iota3A, %add3A_470 : vector<16xi32>
        %gather3A = tpu.vector_load_idx %arg14[%add3A_471, %broadcast_in_dim3A] : memref<64x128xf32, #tpu.memory_space<vmem>>[vector<16xi32>, vector<16xi32>], vector<16xf32>,
        tpu.vector_store_idx %arg20[%broadcast_in_dim3A_468, %add3A_471], %gather3A : memref<512x64xf32, #tpu.memory_space<vmem>>[vector<16xi32>, vector<16xi32>], vector<16xf32>,
        %add3A_472 = arith.constant 16 : i32
        %add3A_473 = vector.broadcast %add3A_472 : i32 to vector<16xi32>
        %add3A_474 = arith.addi %iota3A, %add3A_473 : vector<16xi32>
        %gather3A_475 = tpu.vector_load_idx %arg14[%add3A_474, %broadcast_in_dim3A] : memref<64x128xf32, #tpu.memory_space<vmem>>[vector<16xi32>, vector<16xi32>], vector<16xf32>,
        tpu.vector_store_idx %arg20[%broadcast_in_dim3A_468, %add3A_474], %gather3A_475 : memref<512x64xf32, #tpu.memory_space<vmem>>[vector<16xi32>, vector<16xi32>], vector<16xf32>,
        %add3A_476 = arith.constant 32 : i32
        %add3A_477 = vector.broadcast %add3A_476 : i32 to vector<16xi32>
        %add3A_478 = arith.addi %iota3A, %add3A_477 : vector<16xi32>
        %gather3A_479 = tpu.vector_load_idx %arg14[%add3A_478, %broadcast_in_dim3A] : memref<64x128xf32, #tpu.memory_space<vmem>>[vector<16xi32>, vector<16xi32>], vector<16xf32>,
        tpu.vector_store_idx %arg20[%broadcast_in_dim3A_468, %add3A_478], %gather3A_479 : memref<512x64xf32, #tpu.memory_space<vmem>>[vector<16xi32>, vector<16xi32>], vector<16xf32>,
        %add3A_480 = arith.constant 48 : i32
        %add3A_481 = vector.broadcast %add3A_480 : i32 to vector<16xi32>
        %add3A_482 = arith.addi %iota3A, %add3A_481 : vector<16xi32>
        %gather3A_483 = tpu.vector_load_idx %arg14[%add3A_482, %broadcast_in_dim3A] : memref<64x128xf32, #tpu.memory_space<vmem>>[vector<16xi32>, vector<16xi32>], vector<16xf32>,
        tpu.vector_store_idx %arg20[%broadcast_in_dim3A_468, %add3A_482], %gather3A_483 : memref<512x64xf32, #tpu.memory_space<vmem>>[vector<16xi32>, vector<16xi32>], vector<16xf32>,
        %dma_start3A_484 = arith.constant 0 : i32
        %dma_start3A_485 = tpu.memref_slice %arg20[%add3A_459, %dma_start3A_484] : memref<512x64xf32, #tpu.memory_space<vmem>> -> memref<1x64xf32, #tpu.memory_space<vmem>>
        %dma_start3A_486 = arith.constant 0 : i32
        %dma_start3A_487 = tpu.memref_slice %arg8[%squeeze3A_467, %dma_start3A_486] : memref<16384x64xf32, #tpu.memory_space<hbm>> -> memref<1x64xf32, #tpu.memory_space<hbm>>
        %dma_start3A_488 = arith.constant 0 : i32
        %dma_start3A_489 = tpu.memref_slice %arg8[%squeeze3A_467, %dma_start3A_488] : memref<16384x64xf32, #tpu.memory_space<hbm>> -> memref<1x64xf32, #tpu.memory_space<hbm>>
        %dma_start3A_490 = arith.constant 0 : i32
        %dma_start3A_491 = tpu.memref_slice %arg20[%add3A_459, %dma_start3A_490] : memref<512x64xf32, #tpu.memory_space<vmem>> -> memref<1x64xf32, #tpu.memory_space<vmem>>
        tpu.enqueue_dma source(%dma_start3A_491 : memref<1x64xf32, #tpu.memory_space<vmem>>) target(%dma_start3A_489 : memref<1x64xf32, #tpu.memory_space<hbm>>) target_semaphore(%arg27 : memref<!tpu.dma_semaphore, #tpu.memory_space<semaphore_mem>>)
      }
      %while3A_405 = arith.constant 1 : i32
      scf.for %while3A_458 = %while3A_403 to %while3A_399 step %while3A_405  : i32 {
        %add3A_459 = arith.addi %add3A_389, %while3A_458 : i32
        %get3A_460 = arith.index_cast %add3A_459 : i32 to index
        %get3A_461 = tpu.vector_load %arg11[%get3A_460] {strides = array<i32>} : memref<528xi32, #tpu.memory_space<vmem>>, vector<16xi32>,
        %slice3A_462 = vector.extract_strided_slice %get3A_461 {offsets = [0], sizes = [1], strides = [1]} : vector<16xi32> to vector<1xi32>
        %squeeze3A_463 = vector.extract %slice3A_462[0] : i32 from vector<1xi32>
        %get3A_464 = arith.index_cast %add3A_459 : i32 to index
        %get3A_465 = tpu.vector_load %arg12[%get3A_464] {strides = array<i32>} : memref<528xi32, #tpu.memory_space<vmem>>, vector<16xi32>,
        %slice3A_466 = vector.extract_strided_slice %get3A_465 {offsets = [0], sizes = [1], strides = [1]} : vector<16xi32> to vector<1xi32>
        %squeeze3A_467 = vector.extract %slice3A_466[0] : i32 from vector<1xi32>
        %broadcast_in_dim3A = vector.broadcast %squeeze3A_463 : i32 to vector<16xi32>
        %broadcast_in_dim3A_468 = vector.broadcast %add3A_459 : i32 to vector<16xi32>
        %add3A_469 = arith.constant 0 : i32
        %add3A_470 = vector.broadcast %add3A_469 : i32 to vector<16xi32>
        %add3A_471 = arith.addi %iota3A, %add3A_470 : vector<16xi32>
        %gather3A = tpu.vector_load_idx %arg14[%add3A_471, %broadcast_in_dim3A] : memref<64x128xf32, #tpu.memory_space<vmem>>[vector<16xi32>, vector<16xi32>], vector<16xf32>,
        tpu.vector_store_idx %arg20[%broadcast_in_dim3A_468, %add3A_471], %gather3A : memref<512x64xf32, #tpu.memory_space<vmem>>[vector<16xi32>, vector<16xi32>], vector<16xf32>,
        %add3A_472 = arith.constant 16 : i32
        %add3A_473 = vector.broadcast %add3A_472 : i32 to vector<16xi32>
        %add3A_474 = arith.addi %iota3A, %add3A_473 : vector<16xi32>
        %gather3A_475 = tpu.vector_load_idx %arg14[%add3A_474, %broadcast_in_dim3A] : memref<64x128xf32, #tpu.memory_space<vmem>>[vector<16xi32>, vector<16xi32>], vector<16xf32>,
        tpu.vector_store_idx %arg20[%broadcast_in_dim3A_468, %add3A_474], %gather3A_475 : memref<512x64xf32, #tpu.memory_space<vmem>>[vector<16xi32>, vector<16xi32>], vector<16xf32>,
        %add3A_476 = arith.constant 32 : i32
        %add3A_477 = vector.broadcast %add3A_476 : i32 to vector<16xi32>
        %add3A_478 = arith.addi %iota3A, %add3A_477 : vector<16xi32>
        %gather3A_479 = tpu.vector_load_idx %arg14[%add3A_478, %broadcast_in_dim3A] : memref<64x128xf32, #tpu.memory_space<vmem>>[vector<16xi32>, vector<16xi32>], vector<16xf32>,
        tpu.vector_store_idx %arg20[%broadcast_in_dim3A_468, %add3A_478], %gather3A_479 : memref<512x64xf32, #tpu.memory_space<vmem>>[vector<16xi32>, vector<16xi32>], vector<16xf32>,
        %add3A_480 = arith.constant 48 : i32
        %add3A_481 = vector.broadcast %add3A_480 : i32 to vector<16xi32>
        %add3A_482 = arith.addi %iota3A, %add3A_481 : vector<16xi32>
        %gather3A_483 = tpu.vector_load_idx %arg14[%add3A_482, %broadcast_in_dim3A] : memref<64x128xf32, #tpu.memory_space<vmem>>[vector<16xi32>, vector<16xi32>], vector<16xf32>,
        tpu.vector_store_idx %arg20[%broadcast_in_dim3A_468, %add3A_482], %gather3A_483 : memref<512x64xf32, #tpu.memory_space<vmem>>[vector<16xi32>, vector<16xi32>], vector<16xf32>,
        %dma_start3A_484 = arith.constant 0 : i32
        %dma_start3A_485 = tpu.memref_slice %arg20[%add3A_459, %dma_start3A_484] : memref<512x64xf32, #tpu.memory_space<vmem>> -> memref<1x64xf32, #tpu.memory_space<vmem>>
        %dma_start3A_486 = arith.constant 0 : i32
        %dma_start3A_487 = tpu.memref_slice %arg8[%squeeze3A_467, %dma_start3A_486] : memref<16384x64xf32, #tpu.memory_space<hbm>> -> memref<1x64xf32, #tpu.memory_space<hbm>>
        %dma_start3A_488 = arith.constant 0 : i32
        %dma_start3A_489 = tpu.memref_slice %arg8[%squeeze3A_467, %dma_start3A_488] : memref<16384x64xf32, #tpu.memory_space<hbm>> -> memref<1x64xf32, #tpu.memory_space<hbm>>
        %dma_start3A_490 = arith.constant 0 : i32
        %dma_start3A_491 = tpu.memref_slice %arg20[%add3A_459, %dma_start3A_490] : memref<512x64xf32, #tpu.memory_space<vmem>> -> memref<1x64xf32, #tpu.memory_space<vmem>>
        tpu.enqueue_dma source(%dma_start3A_491 : memref<1x64xf32, #tpu.memory_space<vmem>>) target(%dma_start3A_489 : memref<1x64xf32, #tpu.memory_space<hbm>>) target_semaphore(%arg27 : memref<!tpu.dma_semaphore, #tpu.memory_space<semaphore_mem>>)
      }
      %add3A_406 = arith.addi %add3A_389, %squeeze3A_395 : i32
      %dma_wait3A_407 = arith.constant 0 : i32
      %dma_wait3A_408 = tpu.memref_slice %arg7[%dma_wait3A_407, %multiple_of3A_299] : memref<64x1000001xf32, #tpu.memory_space<hbm>> -> memref<64x128xf32, #tpu.memory_space<hbm>>
      %dma_wait3A_409 = arith.constant 0 : i32
      %dma_wait3A_410 = tpu.memref_slice %arg7[%dma_wait3A_409, %multiple_of3A_299] : memref<64x1000001xf32, #tpu.memory_space<hbm>> -> memref<64x128xf32, #tpu.memory_space<hbm>>
      tpu.wait_dma2 semaphore(%arg22 : memref<!tpu.dma_semaphore, #tpu.memory_space<semaphore_mem>>) src(%dma_wait3A_410 : memref<64x128xf32, #tpu.memory_space<hbm>>) dst(%arg15 : memref<64x128xf32, #tpu.memory_space<vmem>>)
      %slice3A_411 = vector.extract_strided_slice %get3A_43 {offsets = [13], sizes = [1], strides = [1]} : vector<16xi32> to vector<1xi32>
      %squeeze3A_412 = vector.extract %slice3A_411[0] : i32 from vector<1xi32>
      %while3A_413 = arith.constant 0 : i32
      %while3A_414 = arith.constant 0 : i32
      %while3A_415 = arith.subi %squeeze3A_412, %while3A_414 : i32
      %while3A_416 = arith.addi %while3A_414, %while3A_415 : i32
      %while3A_417 = arith.constant 1 : i32
      %while3A_418 = arith.divsi %while3A_415, %while3A_417 : i32
      %while3A_419 = arith.muli %while3A_418, %while3A_417 : i32
      %while3A_420 = arith.addi %while3A_414, %while3A_419 : i32
      %while3A_421 = arith.constant 1 : i32
      scf.for %while3A_458 = %while3A_414 to %while3A_420 step %while3A_421  : i32 {
        %add3A_459 = arith.addi %add3A_406, %while3A_458 : i32
        %get3A_460 = arith.index_cast %add3A_459 : i32 to index
        %get3A_461 = tpu.vector_load %arg11[%get3A_460] {strides = array<i32>} : memref<528xi32, #tpu.memory_space<vmem>>, vector<16xi32>,
        %slice3A_462 = vector.extract_strided_slice %get3A_461 {offsets = [0], sizes = [1], strides = [1]} : vector<16xi32> to vector<1xi32>
        %squeeze3A_463 = vector.extract %slice3A_462[0] : i32 from vector<1xi32>
        %get3A_464 = arith.index_cast %add3A_459 : i32 to index
        %get3A_465 = tpu.vector_load %arg12[%get3A_464] {strides = array<i32>} : memref<528xi32, #tpu.memory_space<vmem>>, vector<16xi32>,
        %slice3A_466 = vector.extract_strided_slice %get3A_465 {offsets = [0], sizes = [1], strides = [1]} : vector<16xi32> to vector<1xi32>
        %squeeze3A_467 = vector.extract %slice3A_466[0] : i32 from vector<1xi32>
        %broadcast_in_dim3A = vector.broadcast %squeeze3A_463 : i32 to vector<16xi32>
        %broadcast_in_dim3A_468 = vector.broadcast %add3A_459 : i32 to vector<16xi32>
        %add3A_469 = arith.constant 0 : i32
        %add3A_470 = vector.broadcast %add3A_469 : i32 to vector<16xi32>
        %add3A_471 = arith.addi %iota3A, %add3A_470 : vector<16xi32>
        %gather3A = tpu.vector_load_idx %arg15[%add3A_471, %broadcast_in_dim3A] : memref<64x128xf32, #tpu.memory_space<vmem>>[vector<16xi32>, vector<16xi32>], vector<16xf32>,
        tpu.vector_store_idx %arg20[%broadcast_in_dim3A_468, %add3A_471], %gather3A : memref<512x64xf32, #tpu.memory_space<vmem>>[vector<16xi32>, vector<16xi32>], vector<16xf32>,
        %add3A_472 = arith.constant 16 : i32
        %add3A_473 = vector.broadcast %add3A_472 : i32 to vector<16xi32>
        %add3A_474 = arith.addi %iota3A, %add3A_473 : vector<16xi32>
        %gather3A_475 = tpu.vector_load_idx %arg15[%add3A_474, %broadcast_in_dim3A] : memref<64x128xf32, #tpu.memory_space<vmem>>[vector<16xi32>, vector<16xi32>], vector<16xf32>,
        tpu.vector_store_idx %arg20[%broadcast_in_dim3A_468, %add3A_474], %gather3A_475 : memref<512x64xf32, #tpu.memory_space<vmem>>[vector<16xi32>, vector<16xi32>], vector<16xf32>,
        %add3A_476 = arith.constant 32 : i32
        %add3A_477 = vector.broadcast %add3A_476 : i32 to vector<16xi32>
        %add3A_478 = arith.addi %iota3A, %add3A_477 : vector<16xi32>
        %gather3A_479 = tpu.vector_load_idx %arg15[%add3A_478, %broadcast_in_dim3A] : memref<64x128xf32, #tpu.memory_space<vmem>>[vector<16xi32>, vector<16xi32>], vector<16xf32>,
        tpu.vector_store_idx %arg20[%broadcast_in_dim3A_468, %add3A_478], %gather3A_479 : memref<512x64xf32, #tpu.memory_space<vmem>>[vector<16xi32>, vector<16xi32>], vector<16xf32>,
        %add3A_480 = arith.constant 48 : i32
        %add3A_481 = vector.broadcast %add3A_480 : i32 to vector<16xi32>
        %add3A_482 = arith.addi %iota3A, %add3A_481 : vector<16xi32>
        %gather3A_483 = tpu.vector_load_idx %arg15[%add3A_482, %broadcast_in_dim3A] : memref<64x128xf32, #tpu.memory_space<vmem>>[vector<16xi32>, vector<16xi32>], vector<16xf32>,
        tpu.vector_store_idx %arg20[%broadcast_in_dim3A_468, %add3A_482], %gather3A_483 : memref<512x64xf32, #tpu.memory_space<vmem>>[vector<16xi32>, vector<16xi32>], vector<16xf32>,
        %dma_start3A_484 = arith.constant 0 : i32
        %dma_start3A_485 = tpu.memref_slice %arg20[%add3A_459, %dma_start3A_484] : memref<512x64xf32, #tpu.memory_space<vmem>> -> memref<1x64xf32, #tpu.memory_space<vmem>>
        %dma_start3A_486 = arith.constant 0 : i32
        %dma_start3A_487 = tpu.memref_slice %arg8[%squeeze3A_467, %dma_start3A_486] : memref<16384x64xf32, #tpu.memory_space<hbm>> -> memref<1x64xf32, #tpu.memory_space<hbm>>
        %dma_start3A_488 = arith.constant 0 : i32
        %dma_start3A_489 = tpu.memref_slice %arg8[%squeeze3A_467, %dma_start3A_488] : memref<16384x64xf32, #tpu.memory_space<hbm>> -> memref<1x64xf32, #tpu.memory_space<hbm>>
        %dma_start3A_490 = arith.constant 0 : i32
        %dma_start3A_491 = tpu.memref_slice %arg20[%add3A_459, %dma_start3A_490] : memref<512x64xf32, #tpu.memory_space<vmem>> -> memref<1x64xf32, #tpu.memory_space<vmem>>
        tpu.enqueue_dma source(%dma_start3A_491 : memref<1x64xf32, #tpu.memory_space<vmem>>) target(%dma_start3A_489 : memref<1x64xf32, #tpu.memory_space<hbm>>) target_semaphore(%arg27 : memref<!tpu.dma_semaphore, #tpu.memory_space<semaphore_mem>>)
      }
      %while3A_422 = arith.constant 1 : i32
      scf.for %while3A_458 = %while3A_420 to %while3A_416 step %while3A_422  : i32 {
        %add3A_459 = arith.addi %add3A_406, %while3A_458 : i32
        %get3A_460 = arith.index_cast %add3A_459 : i32 to index
        %get3A_461 = tpu.vector_load %arg11[%get3A_460] {strides = array<i32>} : memref<528xi32, #tpu.memory_space<vmem>>, vector<16xi32>,
        %slice3A_462 = vector.extract_strided_slice %get3A_461 {offsets = [0], sizes = [1], strides = [1]} : vector<16xi32> to vector<1xi32>
        %squeeze3A_463 = vector.extract %slice3A_462[0] : i32 from vector<1xi32>
        %get3A_464 = arith.index_cast %add3A_459 : i32 to index
        %get3A_465 = tpu.vector_load %arg12[%get3A_464] {strides = array<i32>} : memref<528xi32, #tpu.memory_space<vmem>>, vector<16xi32>,
        %slice3A_466 = vector.extract_strided_slice %get3A_465 {offsets = [0], sizes = [1], strides = [1]} : vector<16xi32> to vector<1xi32>
        %squeeze3A_467 = vector.extract %slice3A_466[0] : i32 from vector<1xi32>
        %broadcast_in_dim3A = vector.broadcast %squeeze3A_463 : i32 to vector<16xi32>
        %broadcast_in_dim3A_468 = vector.broadcast %add3A_459 : i32 to vector<16xi32>
        %add3A_469 = arith.constant 0 : i32
        %add3A_470 = vector.broadcast %add3A_469 : i32 to vector<16xi32>
        %add3A_471 = arith.addi %iota3A, %add3A_470 : vector<16xi32>
        %gather3A = tpu.vector_load_idx %arg15[%add3A_471, %broadcast_in_dim3A] : memref<64x128xf32, #tpu.memory_space<vmem>>[vector<16xi32>, vector<16xi32>], vector<16xf32>,
        tpu.vector_store_idx %arg20[%broadcast_in_dim3A_468, %add3A_471], %gather3A : memref<512x64xf32, #tpu.memory_space<vmem>>[vector<16xi32>, vector<16xi32>], vector<16xf32>,
        %add3A_472 = arith.constant 16 : i32
        %add3A_473 = vector.broadcast %add3A_472 : i32 to vector<16xi32>
        %add3A_474 = arith.addi %iota3A, %add3A_473 : vector<16xi32>
        %gather3A_475 = tpu.vector_load_idx %arg15[%add3A_474, %broadcast_in_dim3A] : memref<64x128xf32, #tpu.memory_space<vmem>>[vector<16xi32>, vector<16xi32>], vector<16xf32>,
        tpu.vector_store_idx %arg20[%broadcast_in_dim3A_468, %add3A_474], %gather3A_475 : memref<512x64xf32, #tpu.memory_space<vmem>>[vector<16xi32>, vector<16xi32>], vector<16xf32>,
        %add3A_476 = arith.constant 32 : i32
        %add3A_477 = vector.broadcast %add3A_476 : i32 to vector<16xi32>
        %add3A_478 = arith.addi %iota3A, %add3A_477 : vector<16xi32>
        %gather3A_479 = tpu.vector_load_idx %arg15[%add3A_478, %broadcast_in_dim3A] : memref<64x128xf32, #tpu.memory_space<vmem>>[vector<16xi32>, vector<16xi32>], vector<16xf32>,
        tpu.vector_store_idx %arg20[%broadcast_in_dim3A_468, %add3A_478], %gather3A_479 : memref<512x64xf32, #tpu.memory_space<vmem>>[vector<16xi32>, vector<16xi32>], vector<16xf32>,
        %add3A_480 = arith.constant 48 : i32
        %add3A_481 = vector.broadcast %add3A_480 : i32 to vector<16xi32>
        %add3A_482 = arith.addi %iota3A, %add3A_481 : vector<16xi32>
        %gather3A_483 = tpu.vector_load_idx %arg15[%add3A_482, %broadcast_in_dim3A] : memref<64x128xf32, #tpu.memory_space<vmem>>[vector<16xi32>, vector<16xi32>], vector<16xf32>,
        tpu.vector_store_idx %arg20[%broadcast_in_dim3A_468, %add3A_482], %gather3A_483 : memref<512x64xf32, #tpu.memory_space<vmem>>[vector<16xi32>, vector<16xi32>], vector<16xf32>,
        %dma_start3A_484 = arith.constant 0 : i32
        %dma_start3A_485 = tpu.memref_slice %arg20[%add3A_459, %dma_start3A_484] : memref<512x64xf32, #tpu.memory_space<vmem>> -> memref<1x64xf32, #tpu.memory_space<vmem>>
        %dma_start3A_486 = arith.constant 0 : i32
        %dma_start3A_487 = tpu.memref_slice %arg8[%squeeze3A_467, %dma_start3A_486] : memref<16384x64xf32, #tpu.memory_space<hbm>> -> memref<1x64xf32, #tpu.memory_space<hbm>>
        %dma_start3A_488 = arith.constant 0 : i32
        %dma_start3A_489 = tpu.memref_slice %arg8[%squeeze3A_467, %dma_start3A_488] : memref<16384x64xf32, #tpu.memory_space<hbm>> -> memref<1x64xf32, #tpu.memory_space<hbm>>
        %dma_start3A_490 = arith.constant 0 : i32
        %dma_start3A_491 = tpu.memref_slice %arg20[%add3A_459, %dma_start3A_490] : memref<512x64xf32, #tpu.memory_space<vmem>> -> memref<1x64xf32, #tpu.memory_space<vmem>>
        tpu.enqueue_dma source(%dma_start3A_491 : memref<1x64xf32, #tpu.memory_space<vmem>>) target(%dma_start3A_489 : memref<1x64xf32, #tpu.memory_space<hbm>>) target_semaphore(%arg27 : memref<!tpu.dma_semaphore, #tpu.memory_space<semaphore_mem>>)
      }
      %add3A_423 = arith.addi %add3A_406, %squeeze3A_412 : i32
      %dma_wait3A_424 = arith.constant 0 : i32
      %dma_wait3A_425 = tpu.memref_slice %arg7[%dma_wait3A_424, %multiple_of3A_325] : memref<64x1000001xf32, #tpu.memory_space<hbm>> -> memref<64x128xf32, #tpu.memory_space<hbm>>
      %dma_wait3A_426 = arith.constant 0 : i32
      %dma_wait3A_427 = tpu.memref_slice %arg7[%dma_wait3A_426, %multiple_of3A_325] : memref<64x1000001xf32, #tpu.memory_space<hbm>> -> memref<64x128xf32, #tpu.memory_space<hbm>>
      tpu.wait_dma2 semaphore(%arg23 : memref<!tpu.dma_semaphore, #tpu.memory_space<semaphore_mem>>) src(%dma_wait3A_427 : memref<64x128xf32, #tpu.memory_space<hbm>>) dst(%arg16 : memref<64x128xf32, #tpu.memory_space<vmem>>)
      %slice3A_428 = vector.extract_strided_slice %get3A_43 {offsets = [14], sizes = [1], strides = [1]} : vector<16xi32> to vector<1xi32>
      %squeeze3A_429 = vector.extract %slice3A_428[0] : i32 from vector<1xi32>
      %while3A_430 = arith.constant 0 : i32
      %while3A_431 = arith.constant 0 : i32
      %while3A_432 = arith.subi %squeeze3A_429, %while3A_431 : i32
      %while3A_433 = arith.addi %while3A_431, %while3A_432 : i32
      %while3A_434 = arith.constant 1 : i32
      %while3A_435 = arith.divsi %while3A_432, %while3A_434 : i32
      %while3A_436 = arith.muli %while3A_435, %while3A_434 : i32
      %while3A_437 = arith.addi %while3A_431, %while3A_436 : i32
      %while3A_438 = arith.constant 1 : i32
      scf.for %while3A_458 = %while3A_431 to %while3A_437 step %while3A_438  : i32 {
        %add3A_459 = arith.addi %add3A_423, %while3A_458 : i32
        %get3A_460 = arith.index_cast %add3A_459 : i32 to index
        %get3A_461 = tpu.vector_load %arg11[%get3A_460] {strides = array<i32>} : memref<528xi32, #tpu.memory_space<vmem>>, vector<16xi32>,
        %slice3A_462 = vector.extract_strided_slice %get3A_461 {offsets = [0], sizes = [1], strides = [1]} : vector<16xi32> to vector<1xi32>
        %squeeze3A_463 = vector.extract %slice3A_462[0] : i32 from vector<1xi32>
        %get3A_464 = arith.index_cast %add3A_459 : i32 to index
        %get3A_465 = tpu.vector_load %arg12[%get3A_464] {strides = array<i32>} : memref<528xi32, #tpu.memory_space<vmem>>, vector<16xi32>,
        %slice3A_466 = vector.extract_strided_slice %get3A_465 {offsets = [0], sizes = [1], strides = [1]} : vector<16xi32> to vector<1xi32>
        %squeeze3A_467 = vector.extract %slice3A_466[0] : i32 from vector<1xi32>
        %broadcast_in_dim3A = vector.broadcast %squeeze3A_463 : i32 to vector<16xi32>
        %broadcast_in_dim3A_468 = vector.broadcast %add3A_459 : i32 to vector<16xi32>
        %add3A_469 = arith.constant 0 : i32
        %add3A_470 = vector.broadcast %add3A_469 : i32 to vector<16xi32>
        %add3A_471 = arith.addi %iota3A, %add3A_470 : vector<16xi32>
        %gather3A = tpu.vector_load_idx %arg16[%add3A_471, %broadcast_in_dim3A] : memref<64x128xf32, #tpu.memory_space<vmem>>[vector<16xi32>, vector<16xi32>], vector<16xf32>,
        tpu.vector_store_idx %arg20[%broadcast_in_dim3A_468, %add3A_471], %gather3A : memref<512x64xf32, #tpu.memory_space<vmem>>[vector<16xi32>, vector<16xi32>], vector<16xf32>,
        %add3A_472 = arith.constant 16 : i32
        %add3A_473 = vector.broadcast %add3A_472 : i32 to vector<16xi32>
        %add3A_474 = arith.addi %iota3A, %add3A_473 : vector<16xi32>
        %gather3A_475 = tpu.vector_load_idx %arg16[%add3A_474, %broadcast_in_dim3A] : memref<64x128xf32, #tpu.memory_space<vmem>>[vector<16xi32>, vector<16xi32>], vector<16xf32>,
        tpu.vector_store_idx %arg20[%broadcast_in_dim3A_468, %add3A_474], %gather3A_475 : memref<512x64xf32, #tpu.memory_space<vmem>>[vector<16xi32>, vector<16xi32>], vector<16xf32>,
        %add3A_476 = arith.constant 32 : i32
        %add3A_477 = vector.broadcast %add3A_476 : i32 to vector<16xi32>
        %add3A_478 = arith.addi %iota3A, %add3A_477 : vector<16xi32>
        %gather3A_479 = tpu.vector_load_idx %arg16[%add3A_478, %broadcast_in_dim3A] : memref<64x128xf32, #tpu.memory_space<vmem>>[vector<16xi32>, vector<16xi32>], vector<16xf32>,
        tpu.vector_store_idx %arg20[%broadcast_in_dim3A_468, %add3A_478], %gather3A_479 : memref<512x64xf32, #tpu.memory_space<vmem>>[vector<16xi32>, vector<16xi32>], vector<16xf32>,
        %add3A_480 = arith.constant 48 : i32
        %add3A_481 = vector.broadcast %add3A_480 : i32 to vector<16xi32>
        %add3A_482 = arith.addi %iota3A, %add3A_481 : vector<16xi32>
        %gather3A_483 = tpu.vector_load_idx %arg16[%add3A_482, %broadcast_in_dim3A] : memref<64x128xf32, #tpu.memory_space<vmem>>[vector<16xi32>, vector<16xi32>], vector<16xf32>,
        tpu.vector_store_idx %arg20[%broadcast_in_dim3A_468, %add3A_482], %gather3A_483 : memref<512x64xf32, #tpu.memory_space<vmem>>[vector<16xi32>, vector<16xi32>], vector<16xf32>,
        %dma_start3A_484 = arith.constant 0 : i32
        %dma_start3A_485 = tpu.memref_slice %arg20[%add3A_459, %dma_start3A_484] : memref<512x64xf32, #tpu.memory_space<vmem>> -> memref<1x64xf32, #tpu.memory_space<vmem>>
        %dma_start3A_486 = arith.constant 0 : i32
        %dma_start3A_487 = tpu.memref_slice %arg8[%squeeze3A_467, %dma_start3A_486] : memref<16384x64xf32, #tpu.memory_space<hbm>> -> memref<1x64xf32, #tpu.memory_space<hbm>>
        %dma_start3A_488 = arith.constant 0 : i32
        %dma_start3A_489 = tpu.memref_slice %arg8[%squeeze3A_467, %dma_start3A_488] : memref<16384x64xf32, #tpu.memory_space<hbm>> -> memref<1x64xf32, #tpu.memory_space<hbm>>
        %dma_start3A_490 = arith.constant 0 : i32
        %dma_start3A_491 = tpu.memref_slice %arg20[%add3A_459, %dma_start3A_490] : memref<512x64xf32, #tpu.memory_space<vmem>> -> memref<1x64xf32, #tpu.memory_space<vmem>>
        tpu.enqueue_dma source(%dma_start3A_491 : memref<1x64xf32, #tpu.memory_space<vmem>>) target(%dma_start3A_489 : memref<1x64xf32, #tpu.memory_space<hbm>>) target_semaphore(%arg27 : memref<!tpu.dma_semaphore, #tpu.memory_space<semaphore_mem>>)
      }
      %while3A_439 = arith.constant 1 : i32
      scf.for %while3A_458 = %while3A_437 to %while3A_433 step %while3A_439  : i32 {
        %add3A_459 = arith.addi %add3A_423, %while3A_458 : i32
        %get3A_460 = arith.index_cast %add3A_459 : i32 to index
        %get3A_461 = tpu.vector_load %arg11[%get3A_460] {strides = array<i32>} : memref<528xi32, #tpu.memory_space<vmem>>, vector<16xi32>,
        %slice3A_462 = vector.extract_strided_slice %get3A_461 {offsets = [0], sizes = [1], strides = [1]} : vector<16xi32> to vector<1xi32>
        %squeeze3A_463 = vector.extract %slice3A_462[0] : i32 from vector<1xi32>
        %get3A_464 = arith.index_cast %add3A_459 : i32 to index
        %get3A_465 = tpu.vector_load %arg12[%get3A_464] {strides = array<i32>} : memref<528xi32, #tpu.memory_space<vmem>>, vector<16xi32>,
        %slice3A_466 = vector.extract_strided_slice %get3A_465 {offsets = [0], sizes = [1], strides = [1]} : vector<16xi32> to vector<1xi32>
        %squeeze3A_467 = vector.extract %slice3A_466[0] : i32 from vector<1xi32>
        %broadcast_in_dim3A = vector.broadcast %squeeze3A_463 : i32 to vector<16xi32>
        %broadcast_in_dim3A_468 = vector.broadcast %add3A_459 : i32 to vector<16xi32>
        %add3A_469 = arith.constant 0 : i32
        %add3A_470 = vector.broadcast %add3A_469 : i32 to vector<16xi32>
        %add3A_471 = arith.addi %iota3A, %add3A_470 : vector<16xi32>
        %gather3A = tpu.vector_load_idx %arg16[%add3A_471, %broadcast_in_dim3A] : memref<64x128xf32, #tpu.memory_space<vmem>>[vector<16xi32>, vector<16xi32>], vector<16xf32>,
        tpu.vector_store_idx %arg20[%broadcast_in_dim3A_468, %add3A_471], %gather3A : memref<512x64xf32, #tpu.memory_space<vmem>>[vector<16xi32>, vector<16xi32>], vector<16xf32>,
        %add3A_472 = arith.constant 16 : i32
        %add3A_473 = vector.broadcast %add3A_472 : i32 to vector<16xi32>
        %add3A_474 = arith.addi %iota3A, %add3A_473 : vector<16xi32>
        %gather3A_475 = tpu.vector_load_idx %arg16[%add3A_474, %broadcast_in_dim3A] : memref<64x128xf32, #tpu.memory_space<vmem>>[vector<16xi32>, vector<16xi32>], vector<16xf32>,
        tpu.vector_store_idx %arg20[%broadcast_in_dim3A_468, %add3A_474], %gather3A_475 : memref<512x64xf32, #tpu.memory_space<vmem>>[vector<16xi32>, vector<16xi32>], vector<16xf32>,
        %add3A_476 = arith.constant 32 : i32
        %add3A_477 = vector.broadcast %add3A_476 : i32 to vector<16xi32>
        %add3A_478 = arith.addi %iota3A, %add3A_477 : vector<16xi32>
        %gather3A_479 = tpu.vector_load_idx %arg16[%add3A_478, %broadcast_in_dim3A] : memref<64x128xf32, #tpu.memory_space<vmem>>[vector<16xi32>, vector<16xi32>], vector<16xf32>,
        tpu.vector_store_idx %arg20[%broadcast_in_dim3A_468, %add3A_478], %gather3A_479 : memref<512x64xf32, #tpu.memory_space<vmem>>[vector<16xi32>, vector<16xi32>], vector<16xf32>,
        %add3A_480 = arith.constant 48 : i32
        %add3A_481 = vector.broadcast %add3A_480 : i32 to vector<16xi32>
        %add3A_482 = arith.addi %iota3A, %add3A_481 : vector<16xi32>
        %gather3A_483 = tpu.vector_load_idx %arg16[%add3A_482, %broadcast_in_dim3A] : memref<64x128xf32, #tpu.memory_space<vmem>>[vector<16xi32>, vector<16xi32>], vector<16xf32>,
        tpu.vector_store_idx %arg20[%broadcast_in_dim3A_468, %add3A_482], %gather3A_483 : memref<512x64xf32, #tpu.memory_space<vmem>>[vector<16xi32>, vector<16xi32>], vector<16xf32>,
        %dma_start3A_484 = arith.constant 0 : i32
        %dma_start3A_485 = tpu.memref_slice %arg20[%add3A_459, %dma_start3A_484] : memref<512x64xf32, #tpu.memory_space<vmem>> -> memref<1x64xf32, #tpu.memory_space<vmem>>
        %dma_start3A_486 = arith.constant 0 : i32
        %dma_start3A_487 = tpu.memref_slice %arg8[%squeeze3A_467, %dma_start3A_486] : memref<16384x64xf32, #tpu.memory_space<hbm>> -> memref<1x64xf32, #tpu.memory_space<hbm>>
        %dma_start3A_488 = arith.constant 0 : i32
        %dma_start3A_489 = tpu.memref_slice %arg8[%squeeze3A_467, %dma_start3A_488] : memref<16384x64xf32, #tpu.memory_space<hbm>> -> memref<1x64xf32, #tpu.memory_space<hbm>>
        %dma_start3A_490 = arith.constant 0 : i32
        %dma_start3A_491 = tpu.memref_slice %arg20[%add3A_459, %dma_start3A_490] : memref<512x64xf32, #tpu.memory_space<vmem>> -> memref<1x64xf32, #tpu.memory_space<vmem>>
        tpu.enqueue_dma source(%dma_start3A_491 : memref<1x64xf32, #tpu.memory_space<vmem>>) target(%dma_start3A_489 : memref<1x64xf32, #tpu.memory_space<hbm>>) target_semaphore(%arg27 : memref<!tpu.dma_semaphore, #tpu.memory_space<semaphore_mem>>)
      }
      %add3A_440 = arith.addi %add3A_423, %squeeze3A_429 : i32
      %dma_wait3A_441 = arith.constant 0 : i32
      %dma_wait3A_442 = tpu.memref_slice %arg7[%dma_wait3A_441, %multiple_of3A_351] : memref<64x1000001xf32, #tpu.memory_space<hbm>> -> memref<64x128xf32, #tpu.memory_space<hbm>>
      %dma_wait3A_443 = arith.constant 0 : i32
      %dma_wait3A_444 = tpu.memref_slice %arg7[%dma_wait3A_443, %multiple_of3A_351] : memref<64x1000001xf32, #tpu.memory_space<hbm>> -> memref<64x128xf32, #tpu.memory_space<hbm>>
      tpu.wait_dma2 semaphore(%arg24 : memref<!tpu.dma_semaphore, #tpu.memory_space<semaphore_mem>>) src(%dma_wait3A_444 : memref<64x128xf32, #tpu.memory_space<hbm>>) dst(%arg17 : memref<64x128xf32, #tpu.memory_space<vmem>>)
      %slice3A_445 = vector.extract_strided_slice %get3A_43 {offsets = [15], sizes = [1], strides = [1]} : vector<16xi32> to vector<1xi32>
      %squeeze3A_446 = vector.extract %slice3A_445[0] : i32 from vector<1xi32>
      %while3A_447 = arith.constant 0 : i32
      %while3A_448 = arith.constant 0 : i32
      %while3A_449 = arith.subi %squeeze3A_446, %while3A_448 : i32
      %while3A_450 = arith.addi %while3A_448, %while3A_449 : i32
      %while3A_451 = arith.constant 1 : i32
      %while3A_452 = arith.divsi %while3A_449, %while3A_451 : i32
      %while3A_453 = arith.muli %while3A_452, %while3A_451 : i32
      %while3A_454 = arith.addi %while3A_448, %while3A_453 : i32
      %while3A_455 = arith.constant 1 : i32
      scf.for %while3A_458 = %while3A_448 to %while3A_454 step %while3A_455  : i32 {
        %add3A_459 = arith.addi %add3A_440, %while3A_458 : i32
        %get3A_460 = arith.index_cast %add3A_459 : i32 to index
        %get3A_461 = tpu.vector_load %arg11[%get3A_460] {strides = array<i32>} : memref<528xi32, #tpu.memory_space<vmem>>, vector<16xi32>,
        %slice3A_462 = vector.extract_strided_slice %get3A_461 {offsets = [0], sizes = [1], strides = [1]} : vector<16xi32> to vector<1xi32>
        %squeeze3A_463 = vector.extract %slice3A_462[0] : i32 from vector<1xi32>
        %get3A_464 = arith.index_cast %add3A_459 : i32 to index
        %get3A_465 = tpu.vector_load %arg12[%get3A_464] {strides = array<i32>} : memref<528xi32, #tpu.memory_space<vmem>>, vector<16xi32>,
        %slice3A_466 = vector.extract_strided_slice %get3A_465 {offsets = [0], sizes = [1], strides = [1]} : vector<16xi32> to vector<1xi32>
        %squeeze3A_467 = vector.extract %slice3A_466[0] : i32 from vector<1xi32>
        %broadcast_in_dim3A = vector.broadcast %squeeze3A_463 : i32 to vector<16xi32>
        %broadcast_in_dim3A_468 = vector.broadcast %add3A_459 : i32 to vector<16xi32>
        %add3A_469 = arith.constant 0 : i32
        %add3A_470 = vector.broadcast %add3A_469 : i32 to vector<16xi32>
        %add3A_471 = arith.addi %iota3A, %add3A_470 : vector<16xi32>
        %gather3A = tpu.vector_load_idx %arg17[%add3A_471, %broadcast_in_dim3A] : memref<64x128xf32, #tpu.memory_space<vmem>>[vector<16xi32>, vector<16xi32>], vector<16xf32>,
        tpu.vector_store_idx %arg20[%broadcast_in_dim3A_468, %add3A_471], %gather3A : memref<512x64xf32, #tpu.memory_space<vmem>>[vector<16xi32>, vector<16xi32>], vector<16xf32>,
        %add3A_472 = arith.constant 16 : i32
        %add3A_473 = vector.broadcast %add3A_472 : i32 to vector<16xi32>
        %add3A_474 = arith.addi %iota3A, %add3A_473 : vector<16xi32>
        %gather3A_475 = tpu.vector_load_idx %arg17[%add3A_474, %broadcast_in_dim3A] : memref<64x128xf32, #tpu.memory_space<vmem>>[vector<16xi32>, vector<16xi32>], vector<16xf32>,
        tpu.vector_store_idx %arg20[%broadcast_in_dim3A_468, %add3A_474], %gather3A_475 : memref<512x64xf32, #tpu.memory_space<vmem>>[vector<16xi32>, vector<16xi32>], vector<16xf32>,
        %add3A_476 = arith.constant 32 : i32
        %add3A_477 = vector.broadcast %add3A_476 : i32 to vector<16xi32>
        %add3A_478 = arith.addi %iota3A, %add3A_477 : vector<16xi32>
        %gather3A_479 = tpu.vector_load_idx %arg17[%add3A_478, %broadcast_in_dim3A] : memref<64x128xf32, #tpu.memory_space<vmem>>[vector<16xi32>, vector<16xi32>], vector<16xf32>,
        tpu.vector_store_idx %arg20[%broadcast_in_dim3A_468, %add3A_478], %gather3A_479 : memref<512x64xf32, #tpu.memory_space<vmem>>[vector<16xi32>, vector<16xi32>], vector<16xf32>,
        %add3A_480 = arith.constant 48 : i32
        %add3A_481 = vector.broadcast %add3A_480 : i32 to vector<16xi32>
        %add3A_482 = arith.addi %iota3A, %add3A_481 : vector<16xi32>
        %gather3A_483 = tpu.vector_load_idx %arg17[%add3A_482, %broadcast_in_dim3A] : memref<64x128xf32, #tpu.memory_space<vmem>>[vector<16xi32>, vector<16xi32>], vector<16xf32>,
        tpu.vector_store_idx %arg20[%broadcast_in_dim3A_468, %add3A_482], %gather3A_483 : memref<512x64xf32, #tpu.memory_space<vmem>>[vector<16xi32>, vector<16xi32>], vector<16xf32>,
        %dma_start3A_484 = arith.constant 0 : i32
        %dma_start3A_485 = tpu.memref_slice %arg20[%add3A_459, %dma_start3A_484] : memref<512x64xf32, #tpu.memory_space<vmem>> -> memref<1x64xf32, #tpu.memory_space<vmem>>
        %dma_start3A_486 = arith.constant 0 : i32
        %dma_start3A_487 = tpu.memref_slice %arg8[%squeeze3A_467, %dma_start3A_486] : memref<16384x64xf32, #tpu.memory_space<hbm>> -> memref<1x64xf32, #tpu.memory_space<hbm>>
        %dma_start3A_488 = arith.constant 0 : i32
        %dma_start3A_489 = tpu.memref_slice %arg8[%squeeze3A_467, %dma_start3A_488] : memref<16384x64xf32, #tpu.memory_space<hbm>> -> memref<1x64xf32, #tpu.memory_space<hbm>>
        %dma_start3A_490 = arith.constant 0 : i32
        %dma_start3A_491 = tpu.memref_slice %arg20[%add3A_459, %dma_start3A_490] : memref<512x64xf32, #tpu.memory_space<vmem>> -> memref<1x64xf32, #tpu.memory_space<vmem>>
        tpu.enqueue_dma source(%dma_start3A_491 : memref<1x64xf32, #tpu.memory_space<vmem>>) target(%dma_start3A_489 : memref<1x64xf32, #tpu.memory_space<hbm>>) target_semaphore(%arg27 : memref<!tpu.dma_semaphore, #tpu.memory_space<semaphore_mem>>)
      }
      %while3A_456 = arith.constant 1 : i32
      scf.for %while3A_458 = %while3A_454 to %while3A_450 step %while3A_456  : i32 {
        %add3A_459 = arith.addi %add3A_440, %while3A_458 : i32
        %get3A_460 = arith.index_cast %add3A_459 : i32 to index
        %get3A_461 = tpu.vector_load %arg11[%get3A_460] {strides = array<i32>} : memref<528xi32, #tpu.memory_space<vmem>>, vector<16xi32>,
        %slice3A_462 = vector.extract_strided_slice %get3A_461 {offsets = [0], sizes = [1], strides = [1]} : vector<16xi32> to vector<1xi32>
        %squeeze3A_463 = vector.extract %slice3A_462[0] : i32 from vector<1xi32>
        %get3A_464 = arith.index_cast %add3A_459 : i32 to index
        %get3A_465 = tpu.vector_load %arg12[%get3A_464] {strides = array<i32>} : memref<528xi32, #tpu.memory_space<vmem>>, vector<16xi32>,
        %slice3A_466 = vector.extract_strided_slice %get3A_465 {offsets = [0], sizes = [1], strides = [1]} : vector<16xi32> to vector<1xi32>
        %squeeze3A_467 = vector.extract %slice3A_466[0] : i32 from vector<1xi32>
        %broadcast_in_dim3A = vector.broadcast %squeeze3A_463 : i32 to vector<16xi32>
        %broadcast_in_dim3A_468 = vector.broadcast %add3A_459 : i32 to vector<16xi32>
        %add3A_469 = arith.constant 0 : i32
        %add3A_470 = vector.broadcast %add3A_469 : i32 to vector<16xi32>
        %add3A_471 = arith.addi %iota3A, %add3A_470 : vector<16xi32>
        %gather3A = tpu.vector_load_idx %arg17[%add3A_471, %broadcast_in_dim3A] : memref<64x128xf32, #tpu.memory_space<vmem>>[vector<16xi32>, vector<16xi32>], vector<16xf32>,
        tpu.vector_store_idx %arg20[%broadcast_in_dim3A_468, %add3A_471], %gather3A : memref<512x64xf32, #tpu.memory_space<vmem>>[vector<16xi32>, vector<16xi32>], vector<16xf32>,
        %add3A_472 = arith.constant 16 : i32
        %add3A_473 = vector.broadcast %add3A_472 : i32 to vector<16xi32>
        %add3A_474 = arith.addi %iota3A, %add3A_473 : vector<16xi32>
        %gather3A_475 = tpu.vector_load_idx %arg17[%add3A_474, %broadcast_in_dim3A] : memref<64x128xf32, #tpu.memory_space<vmem>>[vector<16xi32>, vector<16xi32>], vector<16xf32>,
        tpu.vector_store_idx %arg20[%broadcast_in_dim3A_468, %add3A_474], %gather3A_475 : memref<512x64xf32, #tpu.memory_space<vmem>>[vector<16xi32>, vector<16xi32>], vector<16xf32>,
        %add3A_476 = arith.constant 32 : i32
        %add3A_477 = vector.broadcast %add3A_476 : i32 to vector<16xi32>
        %add3A_478 = arith.addi %iota3A, %add3A_477 : vector<16xi32>
        %gather3A_479 = tpu.vector_load_idx %arg17[%add3A_478, %broadcast_in_dim3A] : memref<64x128xf32, #tpu.memory_space<vmem>>[vector<16xi32>, vector<16xi32>], vector<16xf32>,
        tpu.vector_store_idx %arg20[%broadcast_in_dim3A_468, %add3A_478], %gather3A_479 : memref<512x64xf32, #tpu.memory_space<vmem>>[vector<16xi32>, vector<16xi32>], vector<16xf32>,
        %add3A_480 = arith.constant 48 : i32
        %add3A_481 = vector.broadcast %add3A_480 : i32 to vector<16xi32>
        %add3A_482 = arith.addi %iota3A, %add3A_481 : vector<16xi32>
        %gather3A_483 = tpu.vector_load_idx %arg17[%add3A_482, %broadcast_in_dim3A] : memref<64x128xf32, #tpu.memory_space<vmem>>[vector<16xi32>, vector<16xi32>], vector<16xf32>,
        tpu.vector_store_idx %arg20[%broadcast_in_dim3A_468, %add3A_482], %gather3A_483 : memref<512x64xf32, #tpu.memory_space<vmem>>[vector<16xi32>, vector<16xi32>], vector<16xf32>,
        %dma_start3A_484 = arith.constant 0 : i32
        %dma_start3A_485 = tpu.memref_slice %arg20[%add3A_459, %dma_start3A_484] : memref<512x64xf32, #tpu.memory_space<vmem>> -> memref<1x64xf32, #tpu.memory_space<vmem>>
        %dma_start3A_486 = arith.constant 0 : i32
        %dma_start3A_487 = tpu.memref_slice %arg8[%squeeze3A_467, %dma_start3A_486] : memref<16384x64xf32, #tpu.memory_space<hbm>> -> memref<1x64xf32, #tpu.memory_space<hbm>>
        %dma_start3A_488 = arith.constant 0 : i32
        %dma_start3A_489 = tpu.memref_slice %arg8[%squeeze3A_467, %dma_start3A_488] : memref<16384x64xf32, #tpu.memory_space<hbm>> -> memref<1x64xf32, #tpu.memory_space<hbm>>
        %dma_start3A_490 = arith.constant 0 : i32
        %dma_start3A_491 = tpu.memref_slice %arg20[%add3A_459, %dma_start3A_490] : memref<512x64xf32, #tpu.memory_space<vmem>> -> memref<1x64xf32, #tpu.memory_space<vmem>>
        tpu.enqueue_dma source(%dma_start3A_491 : memref<1x64xf32, #tpu.memory_space<vmem>>) target(%dma_start3A_489 : memref<1x64xf32, #tpu.memory_space<hbm>>) target_semaphore(%arg27 : memref<!tpu.dma_semaphore, #tpu.memory_space<semaphore_mem>>)
      }
      %add3A_457 = arith.addi %add3A_440, %squeeze3A_446 : i32
      scf.yield %add3A_457 : i32
    }
    %while3A_29 = arith.constant 1 : i32
    %while3A_30 = scf.for %while3A_36 = %while3A_26 to %while3A_22 step %while3A_29 iter_args(%while3A_37 = %while3A_28) -> (i32)  : i32 {
      %mul3A_38 = arith.constant 16 : i32
      %mul3A_39 = arith.muli %while3A_36, %mul3A_38 : i32
      %get3A_40 = arith.index_cast %mul3A_39 : i32 to index
      %get3A_41 = tpu.vector_load %arg9[%get3A_40] {strides = array<i32>} : memref<528xi32, #tpu.memory_space<vmem>>, vector<16xi32>,
      %get3A_42 = arith.index_cast %mul3A_39 : i32 to index
      %get3A_43 = tpu.vector_load %arg10[%get3A_42] {strides = array<i32>} : memref<528xi32, #tpu.memory_space<vmem>>, vector<16xi32>,
      %slice3A_44 = vector.extract_strided_slice %get3A_41 {offsets = [0], sizes = [1], strides = [1]} : vector<16xi32> to vector<1xi32>
      %squeeze3A_45 = vector.extract %slice3A_44[0] : i32 from vector<1xi32>
      %mul3A_46 = arith.constant 128 : i32
      %mul3A_47 = arith.muli %squeeze3A_45, %mul3A_46 : i32
      %multiple_of3A = tpu.assume_multiple %mul3A_47, 128 : i32
      %dma_start3A = arith.constant 0 : i32
      %dma_start3A_48 = tpu.memref_slice %arg7[%dma_start3A, %multiple_of3A] : memref<64x1000001xf32, #tpu.memory_space<hbm>> -> memref<64x128xf32, #tpu.memory_space<hbm>>
      %dma_start3A_49 = arith.constant 0 : i32
      %dma_start3A_50 = tpu.memref_slice %arg7[%dma_start3A_49, %multiple_of3A] : memref<64x1000001xf32, #tpu.memory_space<hbm>> -> memref<64x128xf32, #tpu.memory_space<hbm>>
      tpu.enqueue_dma source(%dma_start3A_50 : memref<64x128xf32, #tpu.memory_space<hbm>>) target(%arg14 : memref<64x128xf32, #tpu.memory_space<vmem>>) target_semaphore(%arg21 : memref<!tpu.dma_semaphore, #tpu.memory_space<semaphore_mem>>)
      %slice3A_51 = vector.extract_strided_slice %get3A_41 {offsets = [1], sizes = [1], strides = [1]} : vector<16xi32> to vector<1xi32>
      %squeeze3A_52 = vector.extract %slice3A_51[0] : i32 from vector<1xi32>
      %mul3A_53 = arith.constant 128 : i32
      %mul3A_54 = arith.muli %squeeze3A_52, %mul3A_53 : i32
      %multiple_of3A_55 = tpu.assume_multiple %mul3A_54, 128 : i32
      %dma_start3A_56 = arith.constant 0 : i32
      %dma_start3A_57 = tpu.memref_slice %arg7[%dma_start3A_56, %multiple_of3A_55] : memref<64x1000001xf32, #tpu.memory_space<hbm>> -> memref<64x128xf32, #tpu.memory_space<hbm>>
      %dma_start3A_58 = arith.constant 0 : i32
      %dma_start3A_59 = tpu.memref_slice %arg7[%dma_start3A_58, %multiple_of3A_55] : memref<64x1000001xf32, #tpu.memory_space<hbm>> -> memref<64x128xf32, #tpu.memory_space<hbm>>
      tpu.enqueue_dma source(%dma_start3A_59 : memref<64x128xf32, #tpu.memory_space<hbm>>) target(%arg15 : memref<64x128xf32, #tpu.memory_space<vmem>>) target_semaphore(%arg22 : memref<!tpu.dma_semaphore, #tpu.memory_space<semaphore_mem>>)
      %slice3A_60 = vector.extract_strided_slice %get3A_41 {offsets = [2], sizes = [1], strides = [1]} : vector<16xi32> to vector<1xi32>
      %squeeze3A_61 = vector.extract %slice3A_60[0] : i32 from vector<1xi32>
      %mul3A_62 = arith.constant 128 : i32
      %mul3A_63 = arith.muli %squeeze3A_61, %mul3A_62 : i32
      %multiple_of3A_64 = tpu.assume_multiple %mul3A_63, 128 : i32
      %dma_start3A_65 = arith.constant 0 : i32
      %dma_start3A_66 = tpu.memref_slice %arg7[%dma_start3A_65, %multiple_of3A_64] : memref<64x1000001xf32, #tpu.memory_space<hbm>> -> memref<64x128xf32, #tpu.memory_space<hbm>>
      %dma_start3A_67 = arith.constant 0 : i32
      %dma_start3A_68 = tpu.memref_slice %arg7[%dma_start3A_67, %multiple_of3A_64] : memref<64x1000001xf32, #tpu.memory_space<hbm>> -> memref<64x128xf32, #tpu.memory_space<hbm>>
      tpu.enqueue_dma source(%dma_start3A_68 : memref<64x128xf32, #tpu.memory_space<hbm>>) target(%arg16 : memref<64x128xf32, #tpu.memory_space<vmem>>) target_semaphore(%arg23 : memref<!tpu.dma_semaphore, #tpu.memory_space<semaphore_mem>>)
      %slice3A_69 = vector.extract_strided_slice %get3A_41 {offsets = [3], sizes = [1], strides = [1]} : vector<16xi32> to vector<1xi32>
      %squeeze3A_70 = vector.extract %slice3A_69[0] : i32 from vector<1xi32>
      %mul3A_71 = arith.constant 128 : i32
      %mul3A_72 = arith.muli %squeeze3A_70, %mul3A_71 : i32
      %multiple_of3A_73 = tpu.assume_multiple %mul3A_72, 128 : i32
      %dma_start3A_74 = arith.constant 0 : i32
      %dma_start3A_75 = tpu.memref_slice %arg7[%dma_start3A_74, %multiple_of3A_73] : memref<64x1000001xf32, #tpu.memory_space<hbm>> -> memref<64x128xf32, #tpu.memory_space<hbm>>
      %dma_start3A_76 = arith.constant 0 : i32
      %dma_start3A_77 = tpu.memref_slice %arg7[%dma_start3A_76, %multiple_of3A_73] : memref<64x1000001xf32, #tpu.memory_space<hbm>> -> memref<64x128xf32, #tpu.memory_space<hbm>>
      tpu.enqueue_dma source(%dma_start3A_77 : memref<64x128xf32, #tpu.memory_space<hbm>>) target(%arg17 : memref<64x128xf32, #tpu.memory_space<vmem>>) target_semaphore(%arg24 : memref<!tpu.dma_semaphore, #tpu.memory_space<semaphore_mem>>)
      %slice3A_78 = vector.extract_strided_slice %get3A_41 {offsets = [4], sizes = [1], strides = [1]} : vector<16xi32> to vector<1xi32>
      %squeeze3A_79 = vector.extract %slice3A_78[0] : i32 from vector<1xi32>
      %mul3A_80 = arith.constant 128 : i32
      %mul3A_81 = arith.muli %squeeze3A_79, %mul3A_80 : i32
      %multiple_of3A_82 = tpu.assume_multiple %mul3A_81, 128 : i32
      %dma_start3A_83 = arith.constant 0 : i32
      %dma_start3A_84 = tpu.memref_slice %arg7[%dma_start3A_83, %multiple_of3A_82] : memref<64x1000001xf32, #tpu.memory_space<hbm>> -> memref<64x128xf32, #tpu.memory_space<hbm>>
      %dma_start3A_85 = arith.constant 0 : i32
      %dma_start3A_86 = tpu.memref_slice %arg7[%dma_start3A_85, %multiple_of3A_82] : memref<64x1000001xf32, #tpu.memory_space<hbm>> -> memref<64x128xf32, #tpu.memory_space<hbm>>
      tpu.enqueue_dma source(%dma_start3A_86 : memref<64x128xf32, #tpu.memory_space<hbm>>) target(%arg18 : memref<64x128xf32, #tpu.memory_space<vmem>>) target_semaphore(%arg25 : memref<!tpu.dma_semaphore, #tpu.memory_space<semaphore_mem>>)
      %slice3A_87 = vector.extract_strided_slice %get3A_41 {offsets = [5], sizes = [1], strides = [1]} : vector<16xi32> to vector<1xi32>
      %squeeze3A_88 = vector.extract %slice3A_87[0] : i32 from vector<1xi32>
      %mul3A_89 = arith.constant 128 : i32
      %mul3A_90 = arith.muli %squeeze3A_88, %mul3A_89 : i32
      %multiple_of3A_91 = tpu.assume_multiple %mul3A_90, 128 : i32
      %dma_start3A_92 = arith.constant 0 : i32
      %dma_start3A_93 = tpu.memref_slice %arg7[%dma_start3A_92, %multiple_of3A_91] : memref<64x1000001xf32, #tpu.memory_space<hbm>> -> memref<64x128xf32, #tpu.memory_space<hbm>>
      %dma_start3A_94 = arith.constant 0 : i32
      %dma_start3A_95 = tpu.memref_slice %arg7[%dma_start3A_94, %multiple_of3A_91] : memref<64x1000001xf32, #tpu.memory_space<hbm>> -> memref<64x128xf32, #tpu.memory_space<hbm>>
      tpu.enqueue_dma source(%dma_start3A_95 : memref<64x128xf32, #tpu.memory_space<hbm>>) target(%arg19 : memref<64x128xf32, #tpu.memory_space<vmem>>) target_semaphore(%arg26 : memref<!tpu.dma_semaphore, #tpu.memory_space<semaphore_mem>>)
      %dma_wait3A_96 = arith.constant 0 : i32
      %dma_wait3A_97 = tpu.memref_slice %arg7[%dma_wait3A_96, %multiple_of3A] : memref<64x1000001xf32, #tpu.memory_space<hbm>> -> memref<64x128xf32, #tpu.memory_space<hbm>>
      %dma_wait3A_98 = arith.constant 0 : i32
      %dma_wait3A_99 = tpu.memref_slice %arg7[%dma_wait3A_98, %multiple_of3A] : memref<64x1000001xf32, #tpu.memory_space<hbm>> -> memref<64x128xf32, #tpu.memory_space<hbm>>
      tpu.wait_dma2 semaphore(%arg21 : memref<!tpu.dma_semaphore, #tpu.memory_space<semaphore_mem>>) src(%dma_wait3A_99 : memref<64x128xf32, #tpu.memory_space<hbm>>) dst(%arg14 : memref<64x128xf32, #tpu.memory_space<vmem>>)
      %slice3A_100 = vector.extract_strided_slice %get3A_43 {offsets = [0], sizes = [1], strides = [1]} : vector<16xi32> to vector<1xi32>
      %squeeze3A_101 = vector.extract %slice3A_100[0] : i32 from vector<1xi32>
      %while3A_102 = arith.constant 0 : i32
      %while3A_103 = arith.constant 0 : i32
      %while3A_104 = arith.subi %squeeze3A_101, %while3A_103 : i32
      %while3A_105 = arith.addi %while3A_103, %while3A_104 : i32
      %while3A_106 = arith.constant 1 : i32
      %while3A_107 = arith.divsi %while3A_104, %while3A_106 : i32
      %while3A_108 = arith.muli %while3A_107, %while3A_106 : i32
      %while3A_109 = arith.addi %while3A_103, %while3A_108 : i32
      %while3A_110 = arith.constant 1 : i32
      scf.for %while3A_458 = %while3A_103 to %while3A_109 step %while3A_110  : i32 {
        %add3A_459 = arith.addi %while3A_37, %while3A_458 : i32
        %get3A_460 = arith.index_cast %add3A_459 : i32 to index
        %get3A_461 = tpu.vector_load %arg11[%get3A_460] {strides = array<i32>} : memref<528xi32, #tpu.memory_space<vmem>>, vector<16xi32>,
        %slice3A_462 = vector.extract_strided_slice %get3A_461 {offsets = [0], sizes = [1], strides = [1]} : vector<16xi32> to vector<1xi32>
        %squeeze3A_463 = vector.extract %slice3A_462[0] : i32 from vector<1xi32>
        %get3A_464 = arith.index_cast %add3A_459 : i32 to index
        %get3A_465 = tpu.vector_load %arg12[%get3A_464] {strides = array<i32>} : memref<528xi32, #tpu.memory_space<vmem>>, vector<16xi32>,
        %slice3A_466 = vector.extract_strided_slice %get3A_465 {offsets = [0], sizes = [1], strides = [1]} : vector<16xi32> to vector<1xi32>
        %squeeze3A_467 = vector.extract %slice3A_466[0] : i32 from vector<1xi32>
        %broadcast_in_dim3A = vector.broadcast %squeeze3A_463 : i32 to vector<16xi32>
        %broadcast_in_dim3A_468 = vector.broadcast %add3A_459 : i32 to vector<16xi32>
        %add3A_469 = arith.constant 0 : i32
        %add3A_470 = vector.broadcast %add3A_469 : i32 to vector<16xi32>
        %add3A_471 = arith.addi %iota3A, %add3A_470 : vector<16xi32>
        %gather3A = tpu.vector_load_idx %arg14[%add3A_471, %broadcast_in_dim3A] : memref<64x128xf32, #tpu.memory_space<vmem>>[vector<16xi32>, vector<16xi32>], vector<16xf32>,
        tpu.vector_store_idx %arg20[%broadcast_in_dim3A_468, %add3A_471], %gather3A : memref<512x64xf32, #tpu.memory_space<vmem>>[vector<16xi32>, vector<16xi32>], vector<16xf32>,
        %add3A_472 = arith.constant 16 : i32
        %add3A_473 = vector.broadcast %add3A_472 : i32 to vector<16xi32>
        %add3A_474 = arith.addi %iota3A, %add3A_473 : vector<16xi32>
        %gather3A_475 = tpu.vector_load_idx %arg14[%add3A_474, %broadcast_in_dim3A] : memref<64x128xf32, #tpu.memory_space<vmem>>[vector<16xi32>, vector<16xi32>], vector<16xf32>,
        tpu.vector_store_idx %arg20[%broadcast_in_dim3A_468, %add3A_474], %gather3A_475 : memref<512x64xf32, #tpu.memory_space<vmem>>[vector<16xi32>, vector<16xi32>], vector<16xf32>,
        %add3A_476 = arith.constant 32 : i32
        %add3A_477 = vector.broadcast %add3A_476 : i32 to vector<16xi32>
        %add3A_478 = arith.addi %iota3A, %add3A_477 : vector<16xi32>
        %gather3A_479 = tpu.vector_load_idx %arg14[%add3A_478, %broadcast_in_dim3A] : memref<64x128xf32, #tpu.memory_space<vmem>>[vector<16xi32>, vector<16xi32>], vector<16xf32>,
        tpu.vector_store_idx %arg20[%broadcast_in_dim3A_468, %add3A_478], %gather3A_479 : memref<512x64xf32, #tpu.memory_space<vmem>>[vector<16xi32>, vector<16xi32>], vector<16xf32>,
        %add3A_480 = arith.constant 48 : i32
        %add3A_481 = vector.broadcast %add3A_480 : i32 to vector<16xi32>
        %add3A_482 = arith.addi %iota3A, %add3A_481 : vector<16xi32>
        %gather3A_483 = tpu.vector_load_idx %arg14[%add3A_482, %broadcast_in_dim3A] : memref<64x128xf32, #tpu.memory_space<vmem>>[vector<16xi32>, vector<16xi32>], vector<16xf32>,
        tpu.vector_store_idx %arg20[%broadcast_in_dim3A_468, %add3A_482], %gather3A_483 : memref<512x64xf32, #tpu.memory_space<vmem>>[vector<16xi32>, vector<16xi32>], vector<16xf32>,
        %dma_start3A_484 = arith.constant 0 : i32
        %dma_start3A_485 = tpu.memref_slice %arg20[%add3A_459, %dma_start3A_484] : memref<512x64xf32, #tpu.memory_space<vmem>> -> memref<1x64xf32, #tpu.memory_space<vmem>>
        %dma_start3A_486 = arith.constant 0 : i32
        %dma_start3A_487 = tpu.memref_slice %arg8[%squeeze3A_467, %dma_start3A_486] : memref<16384x64xf32, #tpu.memory_space<hbm>> -> memref<1x64xf32, #tpu.memory_space<hbm>>
        %dma_start3A_488 = arith.constant 0 : i32
        %dma_start3A_489 = tpu.memref_slice %arg8[%squeeze3A_467, %dma_start3A_488] : memref<16384x64xf32, #tpu.memory_space<hbm>> -> memref<1x64xf32, #tpu.memory_space<hbm>>
        %dma_start3A_490 = arith.constant 0 : i32
        %dma_start3A_491 = tpu.memref_slice %arg20[%add3A_459, %dma_start3A_490] : memref<512x64xf32, #tpu.memory_space<vmem>> -> memref<1x64xf32, #tpu.memory_space<vmem>>
        tpu.enqueue_dma source(%dma_start3A_491 : memref<1x64xf32, #tpu.memory_space<vmem>>) target(%dma_start3A_489 : memref<1x64xf32, #tpu.memory_space<hbm>>) target_semaphore(%arg27 : memref<!tpu.dma_semaphore, #tpu.memory_space<semaphore_mem>>)
      }
      %while3A_111 = arith.constant 1 : i32
      scf.for %while3A_458 = %while3A_109 to %while3A_105 step %while3A_111  : i32 {
        %add3A_459 = arith.addi %while3A_37, %while3A_458 : i32
        %get3A_460 = arith.index_cast %add3A_459 : i32 to index
        %get3A_461 = tpu.vector_load %arg11[%get3A_460] {strides = array<i32>} : memref<528xi32, #tpu.memory_space<vmem>>, vector<16xi32>,
        %slice3A_462 = vector.extract_strided_slice %get3A_461 {offsets = [0], sizes = [1], strides = [1]} : vector<16xi32> to vector<1xi32>
        %squeeze3A_463 = vector.extract %slice3A_462[0] : i32 from vector<1xi32>
        %get3A_464 = arith.index_cast %add3A_459 : i32 to index
        %get3A_465 = tpu.vector_load %arg12[%get3A_464] {strides = array<i32>} : memref<528xi32, #tpu.memory_space<vmem>>, vector<16xi32>,
        %slice3A_466 = vector.extract_strided_slice %get3A_465 {offsets = [0], sizes = [1], strides = [1]} : vector<16xi32> to vector<1xi32>
        %squeeze3A_467 = vector.extract %slice3A_466[0] : i32 from vector<1xi32>
        %broadcast_in_dim3A = vector.broadcast %squeeze3A_463 : i32 to vector<16xi32>
        %broadcast_in_dim3A_468 = vector.broadcast %add3A_459 : i32 to vector<16xi32>
        %add3A_469 = arith.constant 0 : i32
        %add3A_470 = vector.broadcast %add3A_469 : i32 to vector<16xi32>
        %add3A_471 = arith.addi %iota3A, %add3A_470 : vector<16xi32>
        %gather3A = tpu.vector_load_idx %arg14[%add3A_471, %broadcast_in_dim3A] : memref<64x128xf32, #tpu.memory_space<vmem>>[vector<16xi32>, vector<16xi32>], vector<16xf32>,
        tpu.vector_store_idx %arg20[%broadcast_in_dim3A_468, %add3A_471], %gather3A : memref<512x64xf32, #tpu.memory_space<vmem>>[vector<16xi32>, vector<16xi32>], vector<16xf32>,
        %add3A_472 = arith.constant 16 : i32
        %add3A_473 = vector.broadcast %add3A_472 : i32 to vector<16xi32>
        %add3A_474 = arith.addi %iota3A, %add3A_473 : vector<16xi32>
        %gather3A_475 = tpu.vector_load_idx %arg14[%add3A_474, %broadcast_in_dim3A] : memref<64x128xf32, #tpu.memory_space<vmem>>[vector<16xi32>, vector<16xi32>], vector<16xf32>,
        tpu.vector_store_idx %arg20[%broadcast_in_dim3A_468, %add3A_474], %gather3A_475 : memref<512x64xf32, #tpu.memory_space<vmem>>[vector<16xi32>, vector<16xi32>], vector<16xf32>,
        %add3A_476 = arith.constant 32 : i32
        %add3A_477 = vector.broadcast %add3A_476 : i32 to vector<16xi32>
        %add3A_478 = arith.addi %iota3A, %add3A_477 : vector<16xi32>
        %gather3A_479 = tpu.vector_load_idx %arg14[%add3A_478, %broadcast_in_dim3A] : memref<64x128xf32, #tpu.memory_space<vmem>>[vector<16xi32>, vector<16xi32>], vector<16xf32>,
        tpu.vector_store_idx %arg20[%broadcast_in_dim3A_468, %add3A_478], %gather3A_479 : memref<512x64xf32, #tpu.memory_space<vmem>>[vector<16xi32>, vector<16xi32>], vector<16xf32>,
        %add3A_480 = arith.constant 48 : i32
        %add3A_481 = vector.broadcast %add3A_480 : i32 to vector<16xi32>
        %add3A_482 = arith.addi %iota3A, %add3A_481 : vector<16xi32>
        %gather3A_483 = tpu.vector_load_idx %arg14[%add3A_482, %broadcast_in_dim3A] : memref<64x128xf32, #tpu.memory_space<vmem>>[vector<16xi32>, vector<16xi32>], vector<16xf32>,
        tpu.vector_store_idx %arg20[%broadcast_in_dim3A_468, %add3A_482], %gather3A_483 : memref<512x64xf32, #tpu.memory_space<vmem>>[vector<16xi32>, vector<16xi32>], vector<16xf32>,
        %dma_start3A_484 = arith.constant 0 : i32
        %dma_start3A_485 = tpu.memref_slice %arg20[%add3A_459, %dma_start3A_484] : memref<512x64xf32, #tpu.memory_space<vmem>> -> memref<1x64xf32, #tpu.memory_space<vmem>>
        %dma_start3A_486 = arith.constant 0 : i32
        %dma_start3A_487 = tpu.memref_slice %arg8[%squeeze3A_467, %dma_start3A_486] : memref<16384x64xf32, #tpu.memory_space<hbm>> -> memref<1x64xf32, #tpu.memory_space<hbm>>
        %dma_start3A_488 = arith.constant 0 : i32
        %dma_start3A_489 = tpu.memref_slice %arg8[%squeeze3A_467, %dma_start3A_488] : memref<16384x64xf32, #tpu.memory_space<hbm>> -> memref<1x64xf32, #tpu.memory_space<hbm>>
        %dma_start3A_490 = arith.constant 0 : i32
        %dma_start3A_491 = tpu.memref_slice %arg20[%add3A_459, %dma_start3A_490] : memref<512x64xf32, #tpu.memory_space<vmem>> -> memref<1x64xf32, #tpu.memory_space<vmem>>
        tpu.enqueue_dma source(%dma_start3A_491 : memref<1x64xf32, #tpu.memory_space<vmem>>) target(%dma_start3A_489 : memref<1x64xf32, #tpu.memory_space<hbm>>) target_semaphore(%arg27 : memref<!tpu.dma_semaphore, #tpu.memory_space<semaphore_mem>>)
      }
      %add3A_112 = arith.addi %while3A_37, %squeeze3A_101 : i32
      %slice3A_113 = vector.extract_strided_slice %get3A_41 {offsets = [6], sizes = [1], strides = [1]} : vector<16xi32> to vector<1xi32>
      %squeeze3A_114 = vector.extract %slice3A_113[0] : i32 from vector<1xi32>
      %mul3A_115 = arith.constant 128 : i32
      %mul3A_116 = arith.muli %squeeze3A_114, %mul3A_115 : i32
      %multiple_of3A_117 = tpu.assume_multiple %mul3A_116, 128 : i32
      %dma_start3A_118 = arith.constant 0 : i32
      %dma_start3A_119 = tpu.memref_slice %arg7[%dma_start3A_118, %multiple_of3A_117] : memref<64x1000001xf32, #tpu.memory_space<hbm>> -> memref<64x128xf32, #tpu.memory_space<hbm>>
      %dma_start3A_120 = arith.constant 0 : i32
      %dma_start3A_121 = tpu.memref_slice %arg7[%dma_start3A_120, %multiple_of3A_117] : memref<64x1000001xf32, #tpu.memory_space<hbm>> -> memref<64x128xf32, #tpu.memory_space<hbm>>
      tpu.enqueue_dma source(%dma_start3A_121 : memref<64x128xf32, #tpu.memory_space<hbm>>) target(%arg14 : memref<64x128xf32, #tpu.memory_space<vmem>>) target_semaphore(%arg21 : memref<!tpu.dma_semaphore, #tpu.memory_space<semaphore_mem>>)
      %dma_wait3A_122 = arith.constant 0 : i32
      %dma_wait3A_123 = tpu.memref_slice %arg7[%dma_wait3A_122, %multiple_of3A_55] : memref<64x1000001xf32, #tpu.memory_space<hbm>> -> memref<64x128xf32, #tpu.memory_space<hbm>>
      %dma_wait3A_124 = arith.constant 0 : i32
      %dma_wait3A_125 = tpu.memref_slice %arg7[%dma_wait3A_124, %multiple_of3A_55] : memref<64x1000001xf32, #tpu.memory_space<hbm>> -> memref<64x128xf32, #tpu.memory_space<hbm>>
      tpu.wait_dma2 semaphore(%arg22 : memref<!tpu.dma_semaphore, #tpu.memory_space<semaphore_mem>>) src(%dma_wait3A_125 : memref<64x128xf32, #tpu.memory_space<hbm>>) dst(%arg15 : memref<64x128xf32, #tpu.memory_space<vmem>>)
      %slice3A_126 = vector.extract_strided_slice %get3A_43 {offsets = [1], sizes = [1], strides = [1]} : vector<16xi32> to vector<1xi32>
      %squeeze3A_127 = vector.extract %slice3A_126[0] : i32 from vector<1xi32>
      %while3A_128 = arith.constant 0 : i32
      %while3A_129 = arith.constant 0 : i32
      %while3A_130 = arith.subi %squeeze3A_127, %while3A_129 : i32
      %while3A_131 = arith.addi %while3A_129, %while3A_130 : i32
      %while3A_132 = arith.constant 1 : i32
      %while3A_133 = arith.divsi %while3A_130, %while3A_132 : i32
      %while3A_134 = arith.muli %while3A_133, %while3A_132 : i32
      %while3A_135 = arith.addi %while3A_129, %while3A_134 : i32
      %while3A_136 = arith.constant 1 : i32
      scf.for %while3A_458 = %while3A_129 to %while3A_135 step %while3A_136  : i32 {
        %add3A_459 = arith.addi %add3A_112, %while3A_458 : i32
        %get3A_460 = arith.index_cast %add3A_459 : i32 to index
        %get3A_461 = tpu.vector_load %arg11[%get3A_460] {strides = array<i32>} : memref<528xi32, #tpu.memory_space<vmem>>, vector<16xi32>,
        %slice3A_462 = vector.extract_strided_slice %get3A_461 {offsets = [0], sizes = [1], strides = [1]} : vector<16xi32> to vector<1xi32>
        %squeeze3A_463 = vector.extract %slice3A_462[0] : i32 from vector<1xi32>
        %get3A_464 = arith.index_cast %add3A_459 : i32 to index
        %get3A_465 = tpu.vector_load %arg12[%get3A_464] {strides = array<i32>} : memref<528xi32, #tpu.memory_space<vmem>>, vector<16xi32>,
        %slice3A_466 = vector.extract_strided_slice %get3A_465 {offsets = [0], sizes = [1], strides = [1]} : vector<16xi32> to vector<1xi32>
        %squeeze3A_467 = vector.extract %slice3A_466[0] : i32 from vector<1xi32>
        %broadcast_in_dim3A = vector.broadcast %squeeze3A_463 : i32 to vector<16xi32>
        %broadcast_in_dim3A_468 = vector.broadcast %add3A_459 : i32 to vector<16xi32>
        %add3A_469 = arith.constant 0 : i32
        %add3A_470 = vector.broadcast %add3A_469 : i32 to vector<16xi32>
        %add3A_471 = arith.addi %iota3A, %add3A_470 : vector<16xi32>
        %gather3A = tpu.vector_load_idx %arg15[%add3A_471, %broadcast_in_dim3A] : memref<64x128xf32, #tpu.memory_space<vmem>>[vector<16xi32>, vector<16xi32>], vector<16xf32>,
        tpu.vector_store_idx %arg20[%broadcast_in_dim3A_468, %add3A_471], %gather3A : memref<512x64xf32, #tpu.memory_space<vmem>>[vector<16xi32>, vector<16xi32>], vector<16xf32>,
        %add3A_472 = arith.constant 16 : i32
        %add3A_473 = vector.broadcast %add3A_472 : i32 to vector<16xi32>
        %add3A_474 = arith.addi %iota3A, %add3A_473 : vector<16xi32>
        %gather3A_475 = tpu.vector_load_idx %arg15[%add3A_474, %broadcast_in_dim3A] : memref<64x128xf32, #tpu.memory_space<vmem>>[vector<16xi32>, vector<16xi32>], vector<16xf32>,
        tpu.vector_store_idx %arg20[%broadcast_in_dim3A_468, %add3A_474], %gather3A_475 : memref<512x64xf32, #tpu.memory_space<vmem>>[vector<16xi32>, vector<16xi32>], vector<16xf32>,
        %add3A_476 = arith.constant 32 : i32
        %add3A_477 = vector.broadcast %add3A_476 : i32 to vector<16xi32>
        %add3A_478 = arith.addi %iota3A, %add3A_477 : vector<16xi32>
        %gather3A_479 = tpu.vector_load_idx %arg15[%add3A_478, %broadcast_in_dim3A] : memref<64x128xf32, #tpu.memory_space<vmem>>[vector<16xi32>, vector<16xi32>], vector<16xf32>,
        tpu.vector_store_idx %arg20[%broadcast_in_dim3A_468, %add3A_478], %gather3A_479 : memref<512x64xf32, #tpu.memory_space<vmem>>[vector<16xi32>, vector<16xi32>], vector<16xf32>,
        %add3A_480 = arith.constant 48 : i32
        %add3A_481 = vector.broadcast %add3A_480 : i32 to vector<16xi32>
        %add3A_482 = arith.addi %iota3A, %add3A_481 : vector<16xi32>
        %gather3A_483 = tpu.vector_load_idx %arg15[%add3A_482, %broadcast_in_dim3A] : memref<64x128xf32, #tpu.memory_space<vmem>>[vector<16xi32>, vector<16xi32>], vector<16xf32>,
        tpu.vector_store_idx %arg20[%broadcast_in_dim3A_468, %add3A_482], %gather3A_483 : memref<512x64xf32, #tpu.memory_space<vmem>>[vector<16xi32>, vector<16xi32>], vector<16xf32>,
        %dma_start3A_484 = arith.constant 0 : i32
        %dma_start3A_485 = tpu.memref_slice %arg20[%add3A_459, %dma_start3A_484] : memref<512x64xf32, #tpu.memory_space<vmem>> -> memref<1x64xf32, #tpu.memory_space<vmem>>
        %dma_start3A_486 = arith.constant 0 : i32
        %dma_start3A_487 = tpu.memref_slice %arg8[%squeeze3A_467, %dma_start3A_486] : memref<16384x64xf32, #tpu.memory_space<hbm>> -> memref<1x64xf32, #tpu.memory_space<hbm>>
        %dma_start3A_488 = arith.constant 0 : i32
        %dma_start3A_489 = tpu.memref_slice %arg8[%squeeze3A_467, %dma_start3A_488] : memref<16384x64xf32, #tpu.memory_space<hbm>> -> memref<1x64xf32, #tpu.memory_space<hbm>>
        %dma_start3A_490 = arith.constant 0 : i32
        %dma_start3A_491 = tpu.memref_slice %arg20[%add3A_459, %dma_start3A_490] : memref<512x64xf32, #tpu.memory_space<vmem>> -> memref<1x64xf32, #tpu.memory_space<vmem>>
        tpu.enqueue_dma source(%dma_start3A_491 : memref<1x64xf32, #tpu.memory_space<vmem>>) target(%dma_start3A_489 : memref<1x64xf32, #tpu.memory_space<hbm>>) target_semaphore(%arg27 : memref<!tpu.dma_semaphore, #tpu.memory_space<semaphore_mem>>)
      }
      %while3A_137 = arith.constant 1 : i32
      scf.for %while3A_458 = %while3A_135 to %while3A_131 step %while3A_137  : i32 {
        %add3A_459 = arith.addi %add3A_112, %while3A_458 : i32
        %get3A_460 = arith.index_cast %add3A_459 : i32 to index
        %get3A_461 = tpu.vector_load %arg11[%get3A_460] {strides = array<i32>} : memref<528xi32, #tpu.memory_space<vmem>>, vector<16xi32>,
        %slice3A_462 = vector.extract_strided_slice %get3A_461 {offsets = [0], sizes = [1], strides = [1]} : vector<16xi32> to vector<1xi32>
        %squeeze3A_463 = vector.extract %slice3A_462[0] : i32 from vector<1xi32>
        %get3A_464 = arith.index_cast %add3A_459 : i32 to index
        %get3A_465 = tpu.vector_load %arg12[%get3A_464] {strides = array<i32>} : memref<528xi32, #tpu.memory_space<vmem>>, vector<16xi32>,
        %slice3A_466 = vector.extract_strided_slice %get3A_465 {offsets = [0], sizes = [1], strides = [1]} : vector<16xi32> to vector<1xi32>
        %squeeze3A_467 = vector.extract %slice3A_466[0] : i32 from vector<1xi32>
        %broadcast_in_dim3A = vector.broadcast %squeeze3A_463 : i32 to vector<16xi32>
        %broadcast_in_dim3A_468 = vector.broadcast %add3A_459 : i32 to vector<16xi32>
        %add3A_469 = arith.constant 0 : i32
        %add3A_470 = vector.broadcast %add3A_469 : i32 to vector<16xi32>
        %add3A_471 = arith.addi %iota3A, %add3A_470 : vector<16xi32>
        %gather3A = tpu.vector_load_idx %arg15[%add3A_471, %broadcast_in_dim3A] : memref<64x128xf32, #tpu.memory_space<vmem>>[vector<16xi32>, vector<16xi32>], vector<16xf32>,
        tpu.vector_store_idx %arg20[%broadcast_in_dim3A_468, %add3A_471], %gather3A : memref<512x64xf32, #tpu.memory_space<vmem>>[vector<16xi32>, vector<16xi32>], vector<16xf32>,
        %add3A_472 = arith.constant 16 : i32
        %add3A_473 = vector.broadcast %add3A_472 : i32 to vector<16xi32>
        %add3A_474 = arith.addi %iota3A, %add3A_473 : vector<16xi32>
        %gather3A_475 = tpu.vector_load_idx %arg15[%add3A_474, %broadcast_in_dim3A] : memref<64x128xf32, #tpu.memory_space<vmem>>[vector<16xi32>, vector<16xi32>], vector<16xf32>,
        tpu.vector_store_idx %arg20[%broadcast_in_dim3A_468, %add3A_474], %gather3A_475 : memref<512x64xf32, #tpu.memory_space<vmem>>[vector<16xi32>, vector<16xi32>], vector<16xf32>,
        %add3A_476 = arith.constant 32 : i32
        %add3A_477 = vector.broadcast %add3A_476 : i32 to vector<16xi32>
        %add3A_478 = arith.addi %iota3A, %add3A_477 : vector<16xi32>
        %gather3A_479 = tpu.vector_load_idx %arg15[%add3A_478, %broadcast_in_dim3A] : memref<64x128xf32, #tpu.memory_space<vmem>>[vector<16xi32>, vector<16xi32>], vector<16xf32>,
        tpu.vector_store_idx %arg20[%broadcast_in_dim3A_468, %add3A_478], %gather3A_479 : memref<512x64xf32, #tpu.memory_space<vmem>>[vector<16xi32>, vector<16xi32>], vector<16xf32>,
        %add3A_480 = arith.constant 48 : i32
        %add3A_481 = vector.broadcast %add3A_480 : i32 to vector<16xi32>
        %add3A_482 = arith.addi %iota3A, %add3A_481 : vector<16xi32>
        %gather3A_483 = tpu.vector_load_idx %arg15[%add3A_482, %broadcast_in_dim3A] : memref<64x128xf32, #tpu.memory_space<vmem>>[vector<16xi32>, vector<16xi32>], vector<16xf32>,
        tpu.vector_store_idx %arg20[%broadcast_in_dim3A_468, %add3A_482], %gather3A_483 : memref<512x64xf32, #tpu.memory_space<vmem>>[vector<16xi32>, vector<16xi32>], vector<16xf32>,
        %dma_start3A_484 = arith.constant 0 : i32
        %dma_start3A_485 = tpu.memref_slice %arg20[%add3A_459, %dma_start3A_484] : memref<512x64xf32, #tpu.memory_space<vmem>> -> memref<1x64xf32, #tpu.memory_space<vmem>>
        %dma_start3A_486 = arith.constant 0 : i32
        %dma_start3A_487 = tpu.memref_slice %arg8[%squeeze3A_467, %dma_start3A_486] : memref<16384x64xf32, #tpu.memory_space<hbm>> -> memref<1x64xf32, #tpu.memory_space<hbm>>
        %dma_start3A_488 = arith.constant 0 : i32
        %dma_start3A_489 = tpu.memref_slice %arg8[%squeeze3A_467, %dma_start3A_488] : memref<16384x64xf32, #tpu.memory_space<hbm>> -> memref<1x64xf32, #tpu.memory_space<hbm>>
        %dma_start3A_490 = arith.constant 0 : i32
        %dma_start3A_491 = tpu.memref_slice %arg20[%add3A_459, %dma_start3A_490] : memref<512x64xf32, #tpu.memory_space<vmem>> -> memref<1x64xf32, #tpu.memory_space<vmem>>
        tpu.enqueue_dma source(%dma_start3A_491 : memref<1x64xf32, #tpu.memory_space<vmem>>) target(%dma_start3A_489 : memref<1x64xf32, #tpu.memory_space<hbm>>) target_semaphore(%arg27 : memref<!tpu.dma_semaphore, #tpu.memory_space<semaphore_mem>>)
      }
      %add3A_138 = arith.addi %add3A_112, %squeeze3A_127 : i32
      %slice3A_139 = vector.extract_strided_slice %get3A_41 {offsets = [7], sizes = [1], strides = [1]} : vector<16xi32> to vector<1xi32>
      %squeeze3A_140 = vector.extract %slice3A_139[0] : i32 from vector<1xi32>
      %mul3A_141 = arith.constant 128 : i32
      %mul3A_142 = arith.muli %squeeze3A_140, %mul3A_141 : i32
      %multiple_of3A_143 = tpu.assume_multiple %mul3A_142, 128 : i32
      %dma_start3A_144 = arith.constant 0 : i32
      %dma_start3A_145 = tpu.memref_slice %arg7[%dma_start3A_144, %multiple_of3A_143] : memref<64x1000001xf32, #tpu.memory_space<hbm>> -> memref<64x128xf32, #tpu.memory_space<hbm>>
      %dma_start3A_146 = arith.constant 0 : i32
      %dma_start3A_147 = tpu.memref_slice %arg7[%dma_start3A_146, %multiple_of3A_143] : memref<64x1000001xf32, #tpu.memory_space<hbm>> -> memref<64x128xf32, #tpu.memory_space<hbm>>
      tpu.enqueue_dma source(%dma_start3A_147 : memref<64x128xf32, #tpu.memory_space<hbm>>) target(%arg15 : memref<64x128xf32, #tpu.memory_space<vmem>>) target_semaphore(%arg22 : memref<!tpu.dma_semaphore, #tpu.memory_space<semaphore_mem>>)
      %dma_wait3A_148 = arith.constant 0 : i32
      %dma_wait3A_149 = tpu.memref_slice %arg7[%dma_wait3A_148, %multiple_of3A_64] : memref<64x1000001xf32, #tpu.memory_space<hbm>> -> memref<64x128xf32, #tpu.memory_space<hbm>>
      %dma_wait3A_150 = arith.constant 0 : i32
      %dma_wait3A_151 = tpu.memref_slice %arg7[%dma_wait3A_150, %multiple_of3A_64] : memref<64x1000001xf32, #tpu.memory_space<hbm>> -> memref<64x128xf32, #tpu.memory_space<hbm>>
      tpu.wait_dma2 semaphore(%arg23 : memref<!tpu.dma_semaphore, #tpu.memory_space<semaphore_mem>>) src(%dma_wait3A_151 : memref<64x128xf32, #tpu.memory_space<hbm>>) dst(%arg16 : memref<64x128xf32, #tpu.memory_space<vmem>>)
      %slice3A_152 = vector.extract_strided_slice %get3A_43 {offsets = [2], sizes = [1], strides = [1]} : vector<16xi32> to vector<1xi32>
      %squeeze3A_153 = vector.extract %slice3A_152[0] : i32 from vector<1xi32>
      %while3A_154 = arith.constant 0 : i32
      %while3A_155 = arith.constant 0 : i32
      %while3A_156 = arith.subi %squeeze3A_153, %while3A_155 : i32
      %while3A_157 = arith.addi %while3A_155, %while3A_156 : i32
      %while3A_158 = arith.constant 1 : i32
      %while3A_159 = arith.divsi %while3A_156, %while3A_158 : i32
      %while3A_160 = arith.muli %while3A_159, %while3A_158 : i32
      %while3A_161 = arith.addi %while3A_155, %while3A_160 : i32
      %while3A_162 = arith.constant 1 : i32
      scf.for %while3A_458 = %while3A_155 to %while3A_161 step %while3A_162  : i32 {
        %add3A_459 = arith.addi %add3A_138, %while3A_458 : i32
        %get3A_460 = arith.index_cast %add3A_459 : i32 to index
        %get3A_461 = tpu.vector_load %arg11[%get3A_460] {strides = array<i32>} : memref<528xi32, #tpu.memory_space<vmem>>, vector<16xi32>,
        %slice3A_462 = vector.extract_strided_slice %get3A_461 {offsets = [0], sizes = [1], strides = [1]} : vector<16xi32> to vector<1xi32>
        %squeeze3A_463 = vector.extract %slice3A_462[0] : i32 from vector<1xi32>
        %get3A_464 = arith.index_cast %add3A_459 : i32 to index
        %get3A_465 = tpu.vector_load %arg12[%get3A_464] {strides = array<i32>} : memref<528xi32, #tpu.memory_space<vmem>>, vector<16xi32>,
        %slice3A_466 = vector.extract_strided_slice %get3A_465 {offsets = [0], sizes = [1], strides = [1]} : vector<16xi32> to vector<1xi32>
        %squeeze3A_467 = vector.extract %slice3A_466[0] : i32 from vector<1xi32>
        %broadcast_in_dim3A = vector.broadcast %squeeze3A_463 : i32 to vector<16xi32>
        %broadcast_in_dim3A_468 = vector.broadcast %add3A_459 : i32 to vector<16xi32>
        %add3A_469 = arith.constant 0 : i32
        %add3A_470 = vector.broadcast %add3A_469 : i32 to vector<16xi32>
        %add3A_471 = arith.addi %iota3A, %add3A_470 : vector<16xi32>
        %gather3A = tpu.vector_load_idx %arg16[%add3A_471, %broadcast_in_dim3A] : memref<64x128xf32, #tpu.memory_space<vmem>>[vector<16xi32>, vector<16xi32>], vector<16xf32>,
        tpu.vector_store_idx %arg20[%broadcast_in_dim3A_468, %add3A_471], %gather3A : memref<512x64xf32, #tpu.memory_space<vmem>>[vector<16xi32>, vector<16xi32>], vector<16xf32>,
        %add3A_472 = arith.constant 16 : i32
        %add3A_473 = vector.broadcast %add3A_472 : i32 to vector<16xi32>
        %add3A_474 = arith.addi %iota3A, %add3A_473 : vector<16xi32>
        %gather3A_475 = tpu.vector_load_idx %arg16[%add3A_474, %broadcast_in_dim3A] : memref<64x128xf32, #tpu.memory_space<vmem>>[vector<16xi32>, vector<16xi32>], vector<16xf32>,
        tpu.vector_store_idx %arg20[%broadcast_in_dim3A_468, %add3A_474], %gather3A_475 : memref<512x64xf32, #tpu.memory_space<vmem>>[vector<16xi32>, vector<16xi32>], vector<16xf32>,
        %add3A_476 = arith.constant 32 : i32
        %add3A_477 = vector.broadcast %add3A_476 : i32 to vector<16xi32>
        %add3A_478 = arith.addi %iota3A, %add3A_477 : vector<16xi32>
        %gather3A_479 = tpu.vector_load_idx %arg16[%add3A_478, %broadcast_in_dim3A] : memref<64x128xf32, #tpu.memory_space<vmem>>[vector<16xi32>, vector<16xi32>], vector<16xf32>,
        tpu.vector_store_idx %arg20[%broadcast_in_dim3A_468, %add3A_478], %gather3A_479 : memref<512x64xf32, #tpu.memory_space<vmem>>[vector<16xi32>, vector<16xi32>], vector<16xf32>,
        %add3A_480 = arith.constant 48 : i32
        %add3A_481 = vector.broadcast %add3A_480 : i32 to vector<16xi32>
        %add3A_482 = arith.addi %iota3A, %add3A_481 : vector<16xi32>
        %gather3A_483 = tpu.vector_load_idx %arg16[%add3A_482, %broadcast_in_dim3A] : memref<64x128xf32, #tpu.memory_space<vmem>>[vector<16xi32>, vector<16xi32>], vector<16xf32>,
        tpu.vector_store_idx %arg20[%broadcast_in_dim3A_468, %add3A_482], %gather3A_483 : memref<512x64xf32, #tpu.memory_space<vmem>>[vector<16xi32>, vector<16xi32>], vector<16xf32>,
        %dma_start3A_484 = arith.constant 0 : i32
        %dma_start3A_485 = tpu.memref_slice %arg20[%add3A_459, %dma_start3A_484] : memref<512x64xf32, #tpu.memory_space<vmem>> -> memref<1x64xf32, #tpu.memory_space<vmem>>
        %dma_start3A_486 = arith.constant 0 : i32
        %dma_start3A_487 = tpu.memref_slice %arg8[%squeeze3A_467, %dma_start3A_486] : memref<16384x64xf32, #tpu.memory_space<hbm>> -> memref<1x64xf32, #tpu.memory_space<hbm>>
        %dma_start3A_488 = arith.constant 0 : i32
        %dma_start3A_489 = tpu.memref_slice %arg8[%squeeze3A_467, %dma_start3A_488] : memref<16384x64xf32, #tpu.memory_space<hbm>> -> memref<1x64xf32, #tpu.memory_space<hbm>>
        %dma_start3A_490 = arith.constant 0 : i32
        %dma_start3A_491 = tpu.memref_slice %arg20[%add3A_459, %dma_start3A_490] : memref<512x64xf32, #tpu.memory_space<vmem>> -> memref<1x64xf32, #tpu.memory_space<vmem>>
        tpu.enqueue_dma source(%dma_start3A_491 : memref<1x64xf32, #tpu.memory_space<vmem>>) target(%dma_start3A_489 : memref<1x64xf32, #tpu.memory_space<hbm>>) target_semaphore(%arg27 : memref<!tpu.dma_semaphore, #tpu.memory_space<semaphore_mem>>)
      }
      %while3A_163 = arith.constant 1 : i32
      scf.for %while3A_458 = %while3A_161 to %while3A_157 step %while3A_163  : i32 {
        %add3A_459 = arith.addi %add3A_138, %while3A_458 : i32
        %get3A_460 = arith.index_cast %add3A_459 : i32 to index
        %get3A_461 = tpu.vector_load %arg11[%get3A_460] {strides = array<i32>} : memref<528xi32, #tpu.memory_space<vmem>>, vector<16xi32>,
        %slice3A_462 = vector.extract_strided_slice %get3A_461 {offsets = [0], sizes = [1], strides = [1]} : vector<16xi32> to vector<1xi32>
        %squeeze3A_463 = vector.extract %slice3A_462[0] : i32 from vector<1xi32>
        %get3A_464 = arith.index_cast %add3A_459 : i32 to index
        %get3A_465 = tpu.vector_load %arg12[%get3A_464] {strides = array<i32>} : memref<528xi32, #tpu.memory_space<vmem>>, vector<16xi32>,
        %slice3A_466 = vector.extract_strided_slice %get3A_465 {offsets = [0], sizes = [1], strides = [1]} : vector<16xi32> to vector<1xi32>
        %squeeze3A_467 = vector.extract %slice3A_466[0] : i32 from vector<1xi32>
        %broadcast_in_dim3A = vector.broadcast %squeeze3A_463 : i32 to vector<16xi32>
        %broadcast_in_dim3A_468 = vector.broadcast %add3A_459 : i32 to vector<16xi32>
        %add3A_469 = arith.constant 0 : i32
        %add3A_470 = vector.broadcast %add3A_469 : i32 to vector<16xi32>
        %add3A_471 = arith.addi %iota3A, %add3A_470 : vector<16xi32>
        %gather3A = tpu.vector_load_idx %arg16[%add3A_471, %broadcast_in_dim3A] : memref<64x128xf32, #tpu.memory_space<vmem>>[vector<16xi32>, vector<16xi32>], vector<16xf32>,
        tpu.vector_store_idx %arg20[%broadcast_in_dim3A_468, %add3A_471], %gather3A : memref<512x64xf32, #tpu.memory_space<vmem>>[vector<16xi32>, vector<16xi32>], vector<16xf32>,
        %add3A_472 = arith.constant 16 : i32
        %add3A_473 = vector.broadcast %add3A_472 : i32 to vector<16xi32>
        %add3A_474 = arith.addi %iota3A, %add3A_473 : vector<16xi32>
        %gather3A_475 = tpu.vector_load_idx %arg16[%add3A_474, %broadcast_in_dim3A] : memref<64x128xf32, #tpu.memory_space<vmem>>[vector<16xi32>, vector<16xi32>], vector<16xf32>,
        tpu.vector_store_idx %arg20[%broadcast_in_dim3A_468, %add3A_474], %gather3A_475 : memref<512x64xf32, #tpu.memory_space<vmem>>[vector<16xi32>, vector<16xi32>], vector<16xf32>,
        %add3A_476 = arith.constant 32 : i32
        %add3A_477 = vector.broadcast %add3A_476 : i32 to vector<16xi32>
        %add3A_478 = arith.addi %iota3A, %add3A_477 : vector<16xi32>
        %gather3A_479 = tpu.vector_load_idx %arg16[%add3A_478, %broadcast_in_dim3A] : memref<64x128xf32, #tpu.memory_space<vmem>>[vector<16xi32>, vector<16xi32>], vector<16xf32>,
        tpu.vector_store_idx %arg20[%broadcast_in_dim3A_468, %add3A_478], %gather3A_479 : memref<512x64xf32, #tpu.memory_space<vmem>>[vector<16xi32>, vector<16xi32>], vector<16xf32>,
        %add3A_480 = arith.constant 48 : i32
        %add3A_481 = vector.broadcast %add3A_480 : i32 to vector<16xi32>
        %add3A_482 = arith.addi %iota3A, %add3A_481 : vector<16xi32>
        %gather3A_483 = tpu.vector_load_idx %arg16[%add3A_482, %broadcast_in_dim3A] : memref<64x128xf32, #tpu.memory_space<vmem>>[vector<16xi32>, vector<16xi32>], vector<16xf32>,
        tpu.vector_store_idx %arg20[%broadcast_in_dim3A_468, %add3A_482], %gather3A_483 : memref<512x64xf32, #tpu.memory_space<vmem>>[vector<16xi32>, vector<16xi32>], vector<16xf32>,
        %dma_start3A_484 = arith.constant 0 : i32
        %dma_start3A_485 = tpu.memref_slice %arg20[%add3A_459, %dma_start3A_484] : memref<512x64xf32, #tpu.memory_space<vmem>> -> memref<1x64xf32, #tpu.memory_space<vmem>>
        %dma_start3A_486 = arith.constant 0 : i32
        %dma_start3A_487 = tpu.memref_slice %arg8[%squeeze3A_467, %dma_start3A_486] : memref<16384x64xf32, #tpu.memory_space<hbm>> -> memref<1x64xf32, #tpu.memory_space<hbm>>
        %dma_start3A_488 = arith.constant 0 : i32
        %dma_start3A_489 = tpu.memref_slice %arg8[%squeeze3A_467, %dma_start3A_488] : memref<16384x64xf32, #tpu.memory_space<hbm>> -> memref<1x64xf32, #tpu.memory_space<hbm>>
        %dma_start3A_490 = arith.constant 0 : i32
        %dma_start3A_491 = tpu.memref_slice %arg20[%add3A_459, %dma_start3A_490] : memref<512x64xf32, #tpu.memory_space<vmem>> -> memref<1x64xf32, #tpu.memory_space<vmem>>
        tpu.enqueue_dma source(%dma_start3A_491 : memref<1x64xf32, #tpu.memory_space<vmem>>) target(%dma_start3A_489 : memref<1x64xf32, #tpu.memory_space<hbm>>) target_semaphore(%arg27 : memref<!tpu.dma_semaphore, #tpu.memory_space<semaphore_mem>>)
      }
      %add3A_164 = arith.addi %add3A_138, %squeeze3A_153 : i32
      %slice3A_165 = vector.extract_strided_slice %get3A_41 {offsets = [8], sizes = [1], strides = [1]} : vector<16xi32> to vector<1xi32>
      %squeeze3A_166 = vector.extract %slice3A_165[0] : i32 from vector<1xi32>
      %mul3A_167 = arith.constant 128 : i32
      %mul3A_168 = arith.muli %squeeze3A_166, %mul3A_167 : i32
      %multiple_of3A_169 = tpu.assume_multiple %mul3A_168, 128 : i32
      %dma_start3A_170 = arith.constant 0 : i32
      %dma_start3A_171 = tpu.memref_slice %arg7[%dma_start3A_170, %multiple_of3A_169] : memref<64x1000001xf32, #tpu.memory_space<hbm>> -> memref<64x128xf32, #tpu.memory_space<hbm>>
      %dma_start3A_172 = arith.constant 0 : i32
      %dma_start3A_173 = tpu.memref_slice %arg7[%dma_start3A_172, %multiple_of3A_169] : memref<64x1000001xf32, #tpu.memory_space<hbm>> -> memref<64x128xf32, #tpu.memory_space<hbm>>
      tpu.enqueue_dma source(%dma_start3A_173 : memref<64x128xf32, #tpu.memory_space<hbm>>) target(%arg16 : memref<64x128xf32, #tpu.memory_space<vmem>>) target_semaphore(%arg23 : memref<!tpu.dma_semaphore, #tpu.memory_space<semaphore_mem>>)
      %dma_wait3A_174 = arith.constant 0 : i32
      %dma_wait3A_175 = tpu.memref_slice %arg7[%dma_wait3A_174, %multiple_of3A_73] : memref<64x1000001xf32, #tpu.memory_space<hbm>> -> memref<64x128xf32, #tpu.memory_space<hbm>>
      %dma_wait3A_176 = arith.constant 0 : i32
      %dma_wait3A_177 = tpu.memref_slice %arg7[%dma_wait3A_176, %multiple_of3A_73] : memref<64x1000001xf32, #tpu.memory_space<hbm>> -> memref<64x128xf32, #tpu.memory_space<hbm>>
      tpu.wait_dma2 semaphore(%arg24 : memref<!tpu.dma_semaphore, #tpu.memory_space<semaphore_mem>>) src(%dma_wait3A_177 : memref<64x128xf32, #tpu.memory_space<hbm>>) dst(%arg17 : memref<64x128xf32, #tpu.memory_space<vmem>>)
      %slice3A_178 = vector.extract_strided_slice %get3A_43 {offsets = [3], sizes = [1], strides = [1]} : vector<16xi32> to vector<1xi32>
      %squeeze3A_179 = vector.extract %slice3A_178[0] : i32 from vector<1xi32>
      %while3A_180 = arith.constant 0 : i32
      %while3A_181 = arith.constant 0 : i32
      %while3A_182 = arith.subi %squeeze3A_179, %while3A_181 : i32
      %while3A_183 = arith.addi %while3A_181, %while3A_182 : i32
      %while3A_184 = arith.constant 1 : i32
      %while3A_185 = arith.divsi %while3A_182, %while3A_184 : i32
      %while3A_186 = arith.muli %while3A_185, %while3A_184 : i32
      %while3A_187 = arith.addi %while3A_181, %while3A_186 : i32
      %while3A_188 = arith.constant 1 : i32
      scf.for %while3A_458 = %while3A_181 to %while3A_187 step %while3A_188  : i32 {
        %add3A_459 = arith.addi %add3A_164, %while3A_458 : i32
        %get3A_460 = arith.index_cast %add3A_459 : i32 to index
        %get3A_461 = tpu.vector_load %arg11[%get3A_460] {strides = array<i32>} : memref<528xi32, #tpu.memory_space<vmem>>, vector<16xi32>,
        %slice3A_462 = vector.extract_strided_slice %get3A_461 {offsets = [0], sizes = [1], strides = [1]} : vector<16xi32> to vector<1xi32>
        %squeeze3A_463 = vector.extract %slice3A_462[0] : i32 from vector<1xi32>
        %get3A_464 = arith.index_cast %add3A_459 : i32 to index
        %get3A_465 = tpu.vector_load %arg12[%get3A_464] {strides = array<i32>} : memref<528xi32, #tpu.memory_space<vmem>>, vector<16xi32>,
        %slice3A_466 = vector.extract_strided_slice %get3A_465 {offsets = [0], sizes = [1], strides = [1]} : vector<16xi32> to vector<1xi32>
        %squeeze3A_467 = vector.extract %slice3A_466[0] : i32 from vector<1xi32>
        %broadcast_in_dim3A = vector.broadcast %squeeze3A_463 : i32 to vector<16xi32>
        %broadcast_in_dim3A_468 = vector.broadcast %add3A_459 : i32 to vector<16xi32>
        %add3A_469 = arith.constant 0 : i32
        %add3A_470 = vector.broadcast %add3A_469 : i32 to vector<16xi32>
        %add3A_471 = arith.addi %iota3A, %add3A_470 : vector<16xi32>
        %gather3A = tpu.vector_load_idx %arg17[%add3A_471, %broadcast_in_dim3A] : memref<64x128xf32, #tpu.memory_space<vmem>>[vector<16xi32>, vector<16xi32>], vector<16xf32>,
        tpu.vector_store_idx %arg20[%broadcast_in_dim3A_468, %add3A_471], %gather3A : memref<512x64xf32, #tpu.memory_space<vmem>>[vector<16xi32>, vector<16xi32>], vector<16xf32>,
        %add3A_472 = arith.constant 16 : i32
        %add3A_473 = vector.broadcast %add3A_472 : i32 to vector<16xi32>
        %add3A_474 = arith.addi %iota3A, %add3A_473 : vector<16xi32>
        %gather3A_475 = tpu.vector_load_idx %arg17[%add3A_474, %broadcast_in_dim3A] : memref<64x128xf32, #tpu.memory_space<vmem>>[vector<16xi32>, vector<16xi32>], vector<16xf32>,
        tpu.vector_store_idx %arg20[%broadcast_in_dim3A_468, %add3A_474], %gather3A_475 : memref<512x64xf32, #tpu.memory_space<vmem>>[vector<16xi32>, vector<16xi32>], vector<16xf32>,
        %add3A_476 = arith.constant 32 : i32
        %add3A_477 = vector.broadcast %add3A_476 : i32 to vector<16xi32>
        %add3A_478 = arith.addi %iota3A, %add3A_477 : vector<16xi32>
        %gather3A_479 = tpu.vector_load_idx %arg17[%add3A_478, %broadcast_in_dim3A] : memref<64x128xf32, #tpu.memory_space<vmem>>[vector<16xi32>, vector<16xi32>], vector<16xf32>,
        tpu.vector_store_idx %arg20[%broadcast_in_dim3A_468, %add3A_478], %gather3A_479 : memref<512x64xf32, #tpu.memory_space<vmem>>[vector<16xi32>, vector<16xi32>], vector<16xf32>,
        %add3A_480 = arith.constant 48 : i32
        %add3A_481 = vector.broadcast %add3A_480 : i32 to vector<16xi32>
        %add3A_482 = arith.addi %iota3A, %add3A_481 : vector<16xi32>
        %gather3A_483 = tpu.vector_load_idx %arg17[%add3A_482, %broadcast_in_dim3A] : memref<64x128xf32, #tpu.memory_space<vmem>>[vector<16xi32>, vector<16xi32>], vector<16xf32>,
        tpu.vector_store_idx %arg20[%broadcast_in_dim3A_468, %add3A_482], %gather3A_483 : memref<512x64xf32, #tpu.memory_space<vmem>>[vector<16xi32>, vector<16xi32>], vector<16xf32>,
        %dma_start3A_484 = arith.constant 0 : i32
        %dma_start3A_485 = tpu.memref_slice %arg20[%add3A_459, %dma_start3A_484] : memref<512x64xf32, #tpu.memory_space<vmem>> -> memref<1x64xf32, #tpu.memory_space<vmem>>
        %dma_start3A_486 = arith.constant 0 : i32
        %dma_start3A_487 = tpu.memref_slice %arg8[%squeeze3A_467, %dma_start3A_486] : memref<16384x64xf32, #tpu.memory_space<hbm>> -> memref<1x64xf32, #tpu.memory_space<hbm>>
        %dma_start3A_488 = arith.constant 0 : i32
        %dma_start3A_489 = tpu.memref_slice %arg8[%squeeze3A_467, %dma_start3A_488] : memref<16384x64xf32, #tpu.memory_space<hbm>> -> memref<1x64xf32, #tpu.memory_space<hbm>>
        %dma_start3A_490 = arith.constant 0 : i32
        %dma_start3A_491 = tpu.memref_slice %arg20[%add3A_459, %dma_start3A_490] : memref<512x64xf32, #tpu.memory_space<vmem>> -> memref<1x64xf32, #tpu.memory_space<vmem>>
        tpu.enqueue_dma source(%dma_start3A_491 : memref<1x64xf32, #tpu.memory_space<vmem>>) target(%dma_start3A_489 : memref<1x64xf32, #tpu.memory_space<hbm>>) target_semaphore(%arg27 : memref<!tpu.dma_semaphore, #tpu.memory_space<semaphore_mem>>)
      }
      %while3A_189 = arith.constant 1 : i32
      scf.for %while3A_458 = %while3A_187 to %while3A_183 step %while3A_189  : i32 {
        %add3A_459 = arith.addi %add3A_164, %while3A_458 : i32
        %get3A_460 = arith.index_cast %add3A_459 : i32 to index
        %get3A_461 = tpu.vector_load %arg11[%get3A_460] {strides = array<i32>} : memref<528xi32, #tpu.memory_space<vmem>>, vector<16xi32>,
        %slice3A_462 = vector.extract_strided_slice %get3A_461 {offsets = [0], sizes = [1], strides = [1]} : vector<16xi32> to vector<1xi32>
        %squeeze3A_463 = vector.extract %slice3A_462[0] : i32 from vector<1xi32>
        %get3A_464 = arith.index_cast %add3A_459 : i32 to index
        %get3A_465 = tpu.vector_load %arg12[%get3A_464] {strides = array<i32>} : memref<528xi32, #tpu.memory_space<vmem>>, vector<16xi32>,
        %slice3A_466 = vector.extract_strided_slice %get3A_465 {offsets = [0], sizes = [1], strides = [1]} : vector<16xi32> to vector<1xi32>
        %squeeze3A_467 = vector.extract %slice3A_466[0] : i32 from vector<1xi32>
        %broadcast_in_dim3A = vector.broadcast %squeeze3A_463 : i32 to vector<16xi32>
        %broadcast_in_dim3A_468 = vector.broadcast %add3A_459 : i32 to vector<16xi32>
        %add3A_469 = arith.constant 0 : i32
        %add3A_470 = vector.broadcast %add3A_469 : i32 to vector<16xi32>
        %add3A_471 = arith.addi %iota3A, %add3A_470 : vector<16xi32>
        %gather3A = tpu.vector_load_idx %arg17[%add3A_471, %broadcast_in_dim3A] : memref<64x128xf32, #tpu.memory_space<vmem>>[vector<16xi32>, vector<16xi32>], vector<16xf32>,
        tpu.vector_store_idx %arg20[%broadcast_in_dim3A_468, %add3A_471], %gather3A : memref<512x64xf32, #tpu.memory_space<vmem>>[vector<16xi32>, vector<16xi32>], vector<16xf32>,
        %add3A_472 = arith.constant 16 : i32
        %add3A_473 = vector.broadcast %add3A_472 : i32 to vector<16xi32>
        %add3A_474 = arith.addi %iota3A, %add3A_473 : vector<16xi32>
        %gather3A_475 = tpu.vector_load_idx %arg17[%add3A_474, %broadcast_in_dim3A] : memref<64x128xf32, #tpu.memory_space<vmem>>[vector<16xi32>, vector<16xi32>], vector<16xf32>,
        tpu.vector_store_idx %arg20[%broadcast_in_dim3A_468, %add3A_474], %gather3A_475 : memref<512x64xf32, #tpu.memory_space<vmem>>[vector<16xi32>, vector<16xi32>], vector<16xf32>,
        %add3A_476 = arith.constant 32 : i32
        %add3A_477 = vector.broadcast %add3A_476 : i32 to vector<16xi32>
        %add3A_478 = arith.addi %iota3A, %add3A_477 : vector<16xi32>
        %gather3A_479 = tpu.vector_load_idx %arg17[%add3A_478, %broadcast_in_dim3A] : memref<64x128xf32, #tpu.memory_space<vmem>>[vector<16xi32>, vector<16xi32>], vector<16xf32>,
        tpu.vector_store_idx %arg20[%broadcast_in_dim3A_468, %add3A_478], %gather3A_479 : memref<512x64xf32, #tpu.memory_space<vmem>>[vector<16xi32>, vector<16xi32>], vector<16xf32>,
        %add3A_480 = arith.constant 48 : i32
        %add3A_481 = vector.broadcast %add3A_480 : i32 to vector<16xi32>
        %add3A_482 = arith.addi %iota3A, %add3A_481 : vector<16xi32>
        %gather3A_483 = tpu.vector_load_idx %arg17[%add3A_482, %broadcast_in_dim3A] : memref<64x128xf32, #tpu.memory_space<vmem>>[vector<16xi32>, vector<16xi32>], vector<16xf32>,
        tpu.vector_store_idx %arg20[%broadcast_in_dim3A_468, %add3A_482], %gather3A_483 : memref<512x64xf32, #tpu.memory_space<vmem>>[vector<16xi32>, vector<16xi32>], vector<16xf32>,
        %dma_start3A_484 = arith.constant 0 : i32
        %dma_start3A_485 = tpu.memref_slice %arg20[%add3A_459, %dma_start3A_484] : memref<512x64xf32, #tpu.memory_space<vmem>> -> memref<1x64xf32, #tpu.memory_space<vmem>>
        %dma_start3A_486 = arith.constant 0 : i32
        %dma_start3A_487 = tpu.memref_slice %arg8[%squeeze3A_467, %dma_start3A_486] : memref<16384x64xf32, #tpu.memory_space<hbm>> -> memref<1x64xf32, #tpu.memory_space<hbm>>
        %dma_start3A_488 = arith.constant 0 : i32
        %dma_start3A_489 = tpu.memref_slice %arg8[%squeeze3A_467, %dma_start3A_488] : memref<16384x64xf32, #tpu.memory_space<hbm>> -> memref<1x64xf32, #tpu.memory_space<hbm>>
        %dma_start3A_490 = arith.constant 0 : i32
        %dma_start3A_491 = tpu.memref_slice %arg20[%add3A_459, %dma_start3A_490] : memref<512x64xf32, #tpu.memory_space<vmem>> -> memref<1x64xf32, #tpu.memory_space<vmem>>
        tpu.enqueue_dma source(%dma_start3A_491 : memref<1x64xf32, #tpu.memory_space<vmem>>) target(%dma_start3A_489 : memref<1x64xf32, #tpu.memory_space<hbm>>) target_semaphore(%arg27 : memref<!tpu.dma_semaphore, #tpu.memory_space<semaphore_mem>>)
      }
      %add3A_190 = arith.addi %add3A_164, %squeeze3A_179 : i32
      %slice3A_191 = vector.extract_strided_slice %get3A_41 {offsets = [9], sizes = [1], strides = [1]} : vector<16xi32> to vector<1xi32>
      %squeeze3A_192 = vector.extract %slice3A_191[0] : i32 from vector<1xi32>
      %mul3A_193 = arith.constant 128 : i32
      %mul3A_194 = arith.muli %squeeze3A_192, %mul3A_193 : i32
      %multiple_of3A_195 = tpu.assume_multiple %mul3A_194, 128 : i32
      %dma_start3A_196 = arith.constant 0 : i32
      %dma_start3A_197 = tpu.memref_slice %arg7[%dma_start3A_196, %multiple_of3A_195] : memref<64x1000001xf32, #tpu.memory_space<hbm>> -> memref<64x128xf32, #tpu.memory_space<hbm>>
      %dma_start3A_198 = arith.constant 0 : i32
      %dma_start3A_199 = tpu.memref_slice %arg7[%dma_start3A_198, %multiple_of3A_195] : memref<64x1000001xf32, #tpu.memory_space<hbm>> -> memref<64x128xf32, #tpu.memory_space<hbm>>
      tpu.enqueue_dma source(%dma_start3A_199 : memref<64x128xf32, #tpu.memory_space<hbm>>) target(%arg17 : memref<64x128xf32, #tpu.memory_space<vmem>>) target_semaphore(%arg24 : memref<!tpu.dma_semaphore, #tpu.memory_space<semaphore_mem>>)
      %dma_wait3A_200 = arith.constant 0 : i32
      %dma_wait3A_201 = tpu.memref_slice %arg7[%dma_wait3A_200, %multiple_of3A_82] : memref<64x1000001xf32, #tpu.memory_space<hbm>> -> memref<64x128xf32, #tpu.memory_space<hbm>>
      %dma_wait3A_202 = arith.constant 0 : i32
      %dma_wait3A_203 = tpu.memref_slice %arg7[%dma_wait3A_202, %multiple_of3A_82] : memref<64x1000001xf32, #tpu.memory_space<hbm>> -> memref<64x128xf32, #tpu.memory_space<hbm>>
      tpu.wait_dma2 semaphore(%arg25 : memref<!tpu.dma_semaphore, #tpu.memory_space<semaphore_mem>>) src(%dma_wait3A_203 : memref<64x128xf32, #tpu.memory_space<hbm>>) dst(%arg18 : memref<64x128xf32, #tpu.memory_space<vmem>>)
      %slice3A_204 = vector.extract_strided_slice %get3A_43 {offsets = [4], sizes = [1], strides = [1]} : vector<16xi32> to vector<1xi32>
      %squeeze3A_205 = vector.extract %slice3A_204[0] : i32 from vector<1xi32>
      %while3A_206 = arith.constant 0 : i32
      %while3A_207 = arith.constant 0 : i32
      %while3A_208 = arith.subi %squeeze3A_205, %while3A_207 : i32
      %while3A_209 = arith.addi %while3A_207, %while3A_208 : i32
      %while3A_210 = arith.constant 1 : i32
      %while3A_211 = arith.divsi %while3A_208, %while3A_210 : i32
      %while3A_212 = arith.muli %while3A_211, %while3A_210 : i32
      %while3A_213 = arith.addi %while3A_207, %while3A_212 : i32
      %while3A_214 = arith.constant 1 : i32
      scf.for %while3A_458 = %while3A_207 to %while3A_213 step %while3A_214  : i32 {
        %add3A_459 = arith.addi %add3A_190, %while3A_458 : i32
        %get3A_460 = arith.index_cast %add3A_459 : i32 to index
        %get3A_461 = tpu.vector_load %arg11[%get3A_460] {strides = array<i32>} : memref<528xi32, #tpu.memory_space<vmem>>, vector<16xi32>,
        %slice3A_462 = vector.extract_strided_slice %get3A_461 {offsets = [0], sizes = [1], strides = [1]} : vector<16xi32> to vector<1xi32>
        %squeeze3A_463 = vector.extract %slice3A_462[0] : i32 from vector<1xi32>
        %get3A_464 = arith.index_cast %add3A_459 : i32 to index
        %get3A_465 = tpu.vector_load %arg12[%get3A_464] {strides = array<i32>} : memref<528xi32, #tpu.memory_space<vmem>>, vector<16xi32>,
        %slice3A_466 = vector.extract_strided_slice %get3A_465 {offsets = [0], sizes = [1], strides = [1]} : vector<16xi32> to vector<1xi32>
        %squeeze3A_467 = vector.extract %slice3A_466[0] : i32 from vector<1xi32>
        %broadcast_in_dim3A = vector.broadcast %squeeze3A_463 : i32 to vector<16xi32>
        %broadcast_in_dim3A_468 = vector.broadcast %add3A_459 : i32 to vector<16xi32>
        %add3A_469 = arith.constant 0 : i32
        %add3A_470 = vector.broadcast %add3A_469 : i32 to vector<16xi32>
        %add3A_471 = arith.addi %iota3A, %add3A_470 : vector<16xi32>
        %gather3A = tpu.vector_load_idx %arg18[%add3A_471, %broadcast_in_dim3A] : memref<64x128xf32, #tpu.memory_space<vmem>>[vector<16xi32>, vector<16xi32>], vector<16xf32>,
        tpu.vector_store_idx %arg20[%broadcast_in_dim3A_468, %add3A_471], %gather3A : memref<512x64xf32, #tpu.memory_space<vmem>>[vector<16xi32>, vector<16xi32>], vector<16xf32>,
        %add3A_472 = arith.constant 16 : i32
        %add3A_473 = vector.broadcast %add3A_472 : i32 to vector<16xi32>
        %add3A_474 = arith.addi %iota3A, %add3A_473 : vector<16xi32>
        %gather3A_475 = tpu.vector_load_idx %arg18[%add3A_474, %broadcast_in_dim3A] : memref<64x128xf32, #tpu.memory_space<vmem>>[vector<16xi32>, vector<16xi32>], vector<16xf32>,
        tpu.vector_store_idx %arg20[%broadcast_in_dim3A_468, %add3A_474], %gather3A_475 : memref<512x64xf32, #tpu.memory_space<vmem>>[vector<16xi32>, vector<16xi32>], vector<16xf32>,
        %add3A_476 = arith.constant 32 : i32
        %add3A_477 = vector.broadcast %add3A_476 : i32 to vector<16xi32>
        %add3A_478 = arith.addi %iota3A, %add3A_477 : vector<16xi32>
        %gather3A_479 = tpu.vector_load_idx %arg18[%add3A_478, %broadcast_in_dim3A] : memref<64x128xf32, #tpu.memory_space<vmem>>[vector<16xi32>, vector<16xi32>], vector<16xf32>,
        tpu.vector_store_idx %arg20[%broadcast_in_dim3A_468, %add3A_478], %gather3A_479 : memref<512x64xf32, #tpu.memory_space<vmem>>[vector<16xi32>, vector<16xi32>], vector<16xf32>,
        %add3A_480 = arith.constant 48 : i32
        %add3A_481 = vector.broadcast %add3A_480 : i32 to vector<16xi32>
        %add3A_482 = arith.addi %iota3A, %add3A_481 : vector<16xi32>
        %gather3A_483 = tpu.vector_load_idx %arg18[%add3A_482, %broadcast_in_dim3A] : memref<64x128xf32, #tpu.memory_space<vmem>>[vector<16xi32>, vector<16xi32>], vector<16xf32>,
        tpu.vector_store_idx %arg20[%broadcast_in_dim3A_468, %add3A_482], %gather3A_483 : memref<512x64xf32, #tpu.memory_space<vmem>>[vector<16xi32>, vector<16xi32>], vector<16xf32>,
        %dma_start3A_484 = arith.constant 0 : i32
        %dma_start3A_485 = tpu.memref_slice %arg20[%add3A_459, %dma_start3A_484] : memref<512x64xf32, #tpu.memory_space<vmem>> -> memref<1x64xf32, #tpu.memory_space<vmem>>
        %dma_start3A_486 = arith.constant 0 : i32
        %dma_start3A_487 = tpu.memref_slice %arg8[%squeeze3A_467, %dma_start3A_486] : memref<16384x64xf32, #tpu.memory_space<hbm>> -> memref<1x64xf32, #tpu.memory_space<hbm>>
        %dma_start3A_488 = arith.constant 0 : i32
        %dma_start3A_489 = tpu.memref_slice %arg8[%squeeze3A_467, %dma_start3A_488] : memref<16384x64xf32, #tpu.memory_space<hbm>> -> memref<1x64xf32, #tpu.memory_space<hbm>>
        %dma_start3A_490 = arith.constant 0 : i32
        %dma_start3A_491 = tpu.memref_slice %arg20[%add3A_459, %dma_start3A_490] : memref<512x64xf32, #tpu.memory_space<vmem>> -> memref<1x64xf32, #tpu.memory_space<vmem>>
        tpu.enqueue_dma source(%dma_start3A_491 : memref<1x64xf32, #tpu.memory_space<vmem>>) target(%dma_start3A_489 : memref<1x64xf32, #tpu.memory_space<hbm>>) target_semaphore(%arg27 : memref<!tpu.dma_semaphore, #tpu.memory_space<semaphore_mem>>)
      }
      %while3A_215 = arith.constant 1 : i32
      scf.for %while3A_458 = %while3A_213 to %while3A_209 step %while3A_215  : i32 {
        %add3A_459 = arith.addi %add3A_190, %while3A_458 : i32
        %get3A_460 = arith.index_cast %add3A_459 : i32 to index
        %get3A_461 = tpu.vector_load %arg11[%get3A_460] {strides = array<i32>} : memref<528xi32, #tpu.memory_space<vmem>>, vector<16xi32>,
        %slice3A_462 = vector.extract_strided_slice %get3A_461 {offsets = [0], sizes = [1], strides = [1]} : vector<16xi32> to vector<1xi32>
        %squeeze3A_463 = vector.extract %slice3A_462[0] : i32 from vector<1xi32>
        %get3A_464 = arith.index_cast %add3A_459 : i32 to index
        %get3A_465 = tpu.vector_load %arg12[%get3A_464] {strides = array<i32>} : memref<528xi32, #tpu.memory_space<vmem>>, vector<16xi32>,
        %slice3A_466 = vector.extract_strided_slice %get3A_465 {offsets = [0], sizes = [1], strides = [1]} : vector<16xi32> to vector<1xi32>
        %squeeze3A_467 = vector.extract %slice3A_466[0] : i32 from vector<1xi32>
        %broadcast_in_dim3A = vector.broadcast %squeeze3A_463 : i32 to vector<16xi32>
        %broadcast_in_dim3A_468 = vector.broadcast %add3A_459 : i32 to vector<16xi32>
        %add3A_469 = arith.constant 0 : i32
        %add3A_470 = vector.broadcast %add3A_469 : i32 to vector<16xi32>
        %add3A_471 = arith.addi %iota3A, %add3A_470 : vector<16xi32>
        %gather3A = tpu.vector_load_idx %arg18[%add3A_471, %broadcast_in_dim3A] : memref<64x128xf32, #tpu.memory_space<vmem>>[vector<16xi32>, vector<16xi32>], vector<16xf32>,
        tpu.vector_store_idx %arg20[%broadcast_in_dim3A_468, %add3A_471], %gather3A : memref<512x64xf32, #tpu.memory_space<vmem>>[vector<16xi32>, vector<16xi32>], vector<16xf32>,
        %add3A_472 = arith.constant 16 : i32
        %add3A_473 = vector.broadcast %add3A_472 : i32 to vector<16xi32>
        %add3A_474 = arith.addi %iota3A, %add3A_473 : vector<16xi32>
        %gather3A_475 = tpu.vector_load_idx %arg18[%add3A_474, %broadcast_in_dim3A] : memref<64x128xf32, #tpu.memory_space<vmem>>[vector<16xi32>, vector<16xi32>], vector<16xf32>,
        tpu.vector_store_idx %arg20[%broadcast_in_dim3A_468, %add3A_474], %gather3A_475 : memref<512x64xf32, #tpu.memory_space<vmem>>[vector<16xi32>, vector<16xi32>], vector<16xf32>,
        %add3A_476 = arith.constant 32 : i32
        %add3A_477 = vector.broadcast %add3A_476 : i32 to vector<16xi32>
        %add3A_478 = arith.addi %iota3A, %add3A_477 : vector<16xi32>
        %gather3A_479 = tpu.vector_load_idx %arg18[%add3A_478, %broadcast_in_dim3A] : memref<64x128xf32, #tpu.memory_space<vmem>>[vector<16xi32>, vector<16xi32>], vector<16xf32>,
        tpu.vector_store_idx %arg20[%broadcast_in_dim3A_468, %add3A_478], %gather3A_479 : memref<512x64xf32, #tpu.memory_space<vmem>>[vector<16xi32>, vector<16xi32>], vector<16xf32>,
        %add3A_480 = arith.constant 48 : i32
        %add3A_481 = vector.broadcast %add3A_480 : i32 to vector<16xi32>
        %add3A_482 = arith.addi %iota3A, %add3A_481 : vector<16xi32>
        %gather3A_483 = tpu.vector_load_idx %arg18[%add3A_482, %broadcast_in_dim3A] : memref<64x128xf32, #tpu.memory_space<vmem>>[vector<16xi32>, vector<16xi32>], vector<16xf32>,
        tpu.vector_store_idx %arg20[%broadcast_in_dim3A_468, %add3A_482], %gather3A_483 : memref<512x64xf32, #tpu.memory_space<vmem>>[vector<16xi32>, vector<16xi32>], vector<16xf32>,
        %dma_start3A_484 = arith.constant 0 : i32
        %dma_start3A_485 = tpu.memref_slice %arg20[%add3A_459, %dma_start3A_484] : memref<512x64xf32, #tpu.memory_space<vmem>> -> memref<1x64xf32, #tpu.memory_space<vmem>>
        %dma_start3A_486 = arith.constant 0 : i32
        %dma_start3A_487 = tpu.memref_slice %arg8[%squeeze3A_467, %dma_start3A_486] : memref<16384x64xf32, #tpu.memory_space<hbm>> -> memref<1x64xf32, #tpu.memory_space<hbm>>
        %dma_start3A_488 = arith.constant 0 : i32
        %dma_start3A_489 = tpu.memref_slice %arg8[%squeeze3A_467, %dma_start3A_488] : memref<16384x64xf32, #tpu.memory_space<hbm>> -> memref<1x64xf32, #tpu.memory_space<hbm>>
        %dma_start3A_490 = arith.constant 0 : i32
        %dma_start3A_491 = tpu.memref_slice %arg20[%add3A_459, %dma_start3A_490] : memref<512x64xf32, #tpu.memory_space<vmem>> -> memref<1x64xf32, #tpu.memory_space<vmem>>
        tpu.enqueue_dma source(%dma_start3A_491 : memref<1x64xf32, #tpu.memory_space<vmem>>) target(%dma_start3A_489 : memref<1x64xf32, #tpu.memory_space<hbm>>) target_semaphore(%arg27 : memref<!tpu.dma_semaphore, #tpu.memory_space<semaphore_mem>>)
      }
      %add3A_216 = arith.addi %add3A_190, %squeeze3A_205 : i32
      %slice3A_217 = vector.extract_strided_slice %get3A_41 {offsets = [10], sizes = [1], strides = [1]} : vector<16xi32> to vector<1xi32>
      %squeeze3A_218 = vector.extract %slice3A_217[0] : i32 from vector<1xi32>
      %mul3A_219 = arith.constant 128 : i32
      %mul3A_220 = arith.muli %squeeze3A_218, %mul3A_219 : i32
      %multiple_of3A_221 = tpu.assume_multiple %mul3A_220, 128 : i32
      %dma_start3A_222 = arith.constant 0 : i32
      %dma_start3A_223 = tpu.memref_slice %arg7[%dma_start3A_222, %multiple_of3A_221] : memref<64x1000001xf32, #tpu.memory_space<hbm>> -> memref<64x128xf32, #tpu.memory_space<hbm>>
      %dma_start3A_224 = arith.constant 0 : i32
      %dma_start3A_225 = tpu.memref_slice %arg7[%dma_start3A_224, %multiple_of3A_221] : memref<64x1000001xf32, #tpu.memory_space<hbm>> -> memref<64x128xf32, #tpu.memory_space<hbm>>
      tpu.enqueue_dma source(%dma_start3A_225 : memref<64x128xf32, #tpu.memory_space<hbm>>) target(%arg18 : memref<64x128xf32, #tpu.memory_space<vmem>>) target_semaphore(%arg25 : memref<!tpu.dma_semaphore, #tpu.memory_space<semaphore_mem>>)
      %dma_wait3A_226 = arith.constant 0 : i32
      %dma_wait3A_227 = tpu.memref_slice %arg7[%dma_wait3A_226, %multiple_of3A_91] : memref<64x1000001xf32, #tpu.memory_space<hbm>> -> memref<64x128xf32, #tpu.memory_space<hbm>>
      %dma_wait3A_228 = arith.constant 0 : i32
      %dma_wait3A_229 = tpu.memref_slice %arg7[%dma_wait3A_228, %multiple_of3A_91] : memref<64x1000001xf32, #tpu.memory_space<hbm>> -> memref<64x128xf32, #tpu.memory_space<hbm>>
      tpu.wait_dma2 semaphore(%arg26 : memref<!tpu.dma_semaphore, #tpu.memory_space<semaphore_mem>>) src(%dma_wait3A_229 : memref<64x128xf32, #tpu.memory_space<hbm>>) dst(%arg19 : memref<64x128xf32, #tpu.memory_space<vmem>>)
      %slice3A_230 = vector.extract_strided_slice %get3A_43 {offsets = [5], sizes = [1], strides = [1]} : vector<16xi32> to vector<1xi32>
      %squeeze3A_231 = vector.extract %slice3A_230[0] : i32 from vector<1xi32>
      %while3A_232 = arith.constant 0 : i32
      %while3A_233 = arith.constant 0 : i32
      %while3A_234 = arith.subi %squeeze3A_231, %while3A_233 : i32
      %while3A_235 = arith.addi %while3A_233, %while3A_234 : i32
      %while3A_236 = arith.constant 1 : i32
      %while3A_237 = arith.divsi %while3A_234, %while3A_236 : i32
      %while3A_238 = arith.muli %while3A_237, %while3A_236 : i32
      %while3A_239 = arith.addi %while3A_233, %while3A_238 : i32
      %while3A_240 = arith.constant 1 : i32
      scf.for %while3A_458 = %while3A_233 to %while3A_239 step %while3A_240  : i32 {
        %add3A_459 = arith.addi %add3A_216, %while3A_458 : i32
        %get3A_460 = arith.index_cast %add3A_459 : i32 to index
        %get3A_461 = tpu.vector_load %arg11[%get3A_460] {strides = array<i32>} : memref<528xi32, #tpu.memory_space<vmem>>, vector<16xi32>,
        %slice3A_462 = vector.extract_strided_slice %get3A_461 {offsets = [0], sizes = [1], strides = [1]} : vector<16xi32> to vector<1xi32>
        %squeeze3A_463 = vector.extract %slice3A_462[0] : i32 from vector<1xi32>
        %get3A_464 = arith.index_cast %add3A_459 : i32 to index
        %get3A_465 = tpu.vector_load %arg12[%get3A_464] {strides = array<i32>} : memref<528xi32, #tpu.memory_space<vmem>>, vector<16xi32>,
        %slice3A_466 = vector.extract_strided_slice %get3A_465 {offsets = [0], sizes = [1], strides = [1]} : vector<16xi32> to vector<1xi32>
        %squeeze3A_467 = vector.extract %slice3A_466[0] : i32 from vector<1xi32>
        %broadcast_in_dim3A = vector.broadcast %squeeze3A_463 : i32 to vector<16xi32>
        %broadcast_in_dim3A_468 = vector.broadcast %add3A_459 : i32 to vector<16xi32>
        %add3A_469 = arith.constant 0 : i32
        %add3A_470 = vector.broadcast %add3A_469 : i32 to vector<16xi32>
        %add3A_471 = arith.addi %iota3A, %add3A_470 : vector<16xi32>
        %gather3A = tpu.vector_load_idx %arg19[%add3A_471, %broadcast_in_dim3A] : memref<64x128xf32, #tpu.memory_space<vmem>>[vector<16xi32>, vector<16xi32>], vector<16xf32>,
        tpu.vector_store_idx %arg20[%broadcast_in_dim3A_468, %add3A_471], %gather3A : memref<512x64xf32, #tpu.memory_space<vmem>>[vector<16xi32>, vector<16xi32>], vector<16xf32>,
        %add3A_472 = arith.constant 16 : i32
        %add3A_473 = vector.broadcast %add3A_472 : i32 to vector<16xi32>
        %add3A_474 = arith.addi %iota3A, %add3A_473 : vector<16xi32>
        %gather3A_475 = tpu.vector_load_idx %arg19[%add3A_474, %broadcast_in_dim3A] : memref<64x128xf32, #tpu.memory_space<vmem>>[vector<16xi32>, vector<16xi32>], vector<16xf32>,
        tpu.vector_store_idx %arg20[%broadcast_in_dim3A_468, %add3A_474], %gather3A_475 : memref<512x64xf32, #tpu.memory_space<vmem>>[vector<16xi32>, vector<16xi32>], vector<16xf32>,
        %add3A_476 = arith.constant 32 : i32
        %add3A_477 = vector.broadcast %add3A_476 : i32 to vector<16xi32>
        %add3A_478 = arith.addi %iota3A, %add3A_477 : vector<16xi32>
        %gather3A_479 = tpu.vector_load_idx %arg19[%add3A_478, %broadcast_in_dim3A] : memref<64x128xf32, #tpu.memory_space<vmem>>[vector<16xi32>, vector<16xi32>], vector<16xf32>,
        tpu.vector_store_idx %arg20[%broadcast_in_dim3A_468, %add3A_478], %gather3A_479 : memref<512x64xf32, #tpu.memory_space<vmem>>[vector<16xi32>, vector<16xi32>], vector<16xf32>,
        %add3A_480 = arith.constant 48 : i32
        %add3A_481 = vector.broadcast %add3A_480 : i32 to vector<16xi32>
        %add3A_482 = arith.addi %iota3A, %add3A_481 : vector<16xi32>
        %gather3A_483 = tpu.vector_load_idx %arg19[%add3A_482, %broadcast_in_dim3A] : memref<64x128xf32, #tpu.memory_space<vmem>>[vector<16xi32>, vector<16xi32>], vector<16xf32>,
        tpu.vector_store_idx %arg20[%broadcast_in_dim3A_468, %add3A_482], %gather3A_483 : memref<512x64xf32, #tpu.memory_space<vmem>>[vector<16xi32>, vector<16xi32>], vector<16xf32>,
        %dma_start3A_484 = arith.constant 0 : i32
        %dma_start3A_485 = tpu.memref_slice %arg20[%add3A_459, %dma_start3A_484] : memref<512x64xf32, #tpu.memory_space<vmem>> -> memref<1x64xf32, #tpu.memory_space<vmem>>
        %dma_start3A_486 = arith.constant 0 : i32
        %dma_start3A_487 = tpu.memref_slice %arg8[%squeeze3A_467, %dma_start3A_486] : memref<16384x64xf32, #tpu.memory_space<hbm>> -> memref<1x64xf32, #tpu.memory_space<hbm>>
        %dma_start3A_488 = arith.constant 0 : i32
        %dma_start3A_489 = tpu.memref_slice %arg8[%squeeze3A_467, %dma_start3A_488] : memref<16384x64xf32, #tpu.memory_space<hbm>> -> memref<1x64xf32, #tpu.memory_space<hbm>>
        %dma_start3A_490 = arith.constant 0 : i32
        %dma_start3A_491 = tpu.memref_slice %arg20[%add3A_459, %dma_start3A_490] : memref<512x64xf32, #tpu.memory_space<vmem>> -> memref<1x64xf32, #tpu.memory_space<vmem>>
        tpu.enqueue_dma source(%dma_start3A_491 : memref<1x64xf32, #tpu.memory_space<vmem>>) target(%dma_start3A_489 : memref<1x64xf32, #tpu.memory_space<hbm>>) target_semaphore(%arg27 : memref<!tpu.dma_semaphore, #tpu.memory_space<semaphore_mem>>)
      }
      %while3A_241 = arith.constant 1 : i32
      scf.for %while3A_458 = %while3A_239 to %while3A_235 step %while3A_241  : i32 {
        %add3A_459 = arith.addi %add3A_216, %while3A_458 : i32
        %get3A_460 = arith.index_cast %add3A_459 : i32 to index
        %get3A_461 = tpu.vector_load %arg11[%get3A_460] {strides = array<i32>} : memref<528xi32, #tpu.memory_space<vmem>>, vector<16xi32>,
        %slice3A_462 = vector.extract_strided_slice %get3A_461 {offsets = [0], sizes = [1], strides = [1]} : vector<16xi32> to vector<1xi32>
        %squeeze3A_463 = vector.extract %slice3A_462[0] : i32 from vector<1xi32>
        %get3A_464 = arith.index_cast %add3A_459 : i32 to index
        %get3A_465 = tpu.vector_load %arg12[%get3A_464] {strides = array<i32>} : memref<528xi32, #tpu.memory_space<vmem>>, vector<16xi32>,
        %slice3A_466 = vector.extract_strided_slice %get3A_465 {offsets = [0], sizes = [1], strides = [1]} : vector<16xi32> to vector<1xi32>
        %squeeze3A_467 = vector.extract %slice3A_466[0] : i32 from vector<1xi32>
        %broadcast_in_dim3A = vector.broadcast %squeeze3A_463 : i32 to vector<16xi32>
        %broadcast_in_dim3A_468 = vector.broadcast %add3A_459 : i32 to vector<16xi32>
        %add3A_469 = arith.constant 0 : i32
        %add3A_470 = vector.broadcast %add3A_469 : i32 to vector<16xi32>
        %add3A_471 = arith.addi %iota3A, %add3A_470 : vector<16xi32>
        %gather3A = tpu.vector_load_idx %arg19[%add3A_471, %broadcast_in_dim3A] : memref<64x128xf32, #tpu.memory_space<vmem>>[vector<16xi32>, vector<16xi32>], vector<16xf32>,
        tpu.vector_store_idx %arg20[%broadcast_in_dim3A_468, %add3A_471], %gather3A : memref<512x64xf32, #tpu.memory_space<vmem>>[vector<16xi32>, vector<16xi32>], vector<16xf32>,
        %add3A_472 = arith.constant 16 : i32
        %add3A_473 = vector.broadcast %add3A_472 : i32 to vector<16xi32>
        %add3A_474 = arith.addi %iota3A, %add3A_473 : vector<16xi32>
        %gather3A_475 = tpu.vector_load_idx %arg19[%add3A_474, %broadcast_in_dim3A] : memref<64x128xf32, #tpu.memory_space<vmem>>[vector<16xi32>, vector<16xi32>], vector<16xf32>,
        tpu.vector_store_idx %arg20[%broadcast_in_dim3A_468, %add3A_474], %gather3A_475 : memref<512x64xf32, #tpu.memory_space<vmem>>[vector<16xi32>, vector<16xi32>], vector<16xf32>,
        %add3A_476 = arith.constant 32 : i32
        %add3A_477 = vector.broadcast %add3A_476 : i32 to vector<16xi32>
        %add3A_478 = arith.addi %iota3A, %add3A_477 : vector<16xi32>
        %gather3A_479 = tpu.vector_load_idx %arg19[%add3A_478, %broadcast_in_dim3A] : memref<64x128xf32, #tpu.memory_space<vmem>>[vector<16xi32>, vector<16xi32>], vector<16xf32>,
        tpu.vector_store_idx %arg20[%broadcast_in_dim3A_468, %add3A_478], %gather3A_479 : memref<512x64xf32, #tpu.memory_space<vmem>>[vector<16xi32>, vector<16xi32>], vector<16xf32>,
        %add3A_480 = arith.constant 48 : i32
        %add3A_481 = vector.broadcast %add3A_480 : i32 to vector<16xi32>
        %add3A_482 = arith.addi %iota3A, %add3A_481 : vector<16xi32>
        %gather3A_483 = tpu.vector_load_idx %arg19[%add3A_482, %broadcast_in_dim3A] : memref<64x128xf32, #tpu.memory_space<vmem>>[vector<16xi32>, vector<16xi32>], vector<16xf32>,
        tpu.vector_store_idx %arg20[%broadcast_in_dim3A_468, %add3A_482], %gather3A_483 : memref<512x64xf32, #tpu.memory_space<vmem>>[vector<16xi32>, vector<16xi32>], vector<16xf32>,
        %dma_start3A_484 = arith.constant 0 : i32
        %dma_start3A_485 = tpu.memref_slice %arg20[%add3A_459, %dma_start3A_484] : memref<512x64xf32, #tpu.memory_space<vmem>> -> memref<1x64xf32, #tpu.memory_space<vmem>>
        %dma_start3A_486 = arith.constant 0 : i32
        %dma_start3A_487 = tpu.memref_slice %arg8[%squeeze3A_467, %dma_start3A_486] : memref<16384x64xf32, #tpu.memory_space<hbm>> -> memref<1x64xf32, #tpu.memory_space<hbm>>
        %dma_start3A_488 = arith.constant 0 : i32
        %dma_start3A_489 = tpu.memref_slice %arg8[%squeeze3A_467, %dma_start3A_488] : memref<16384x64xf32, #tpu.memory_space<hbm>> -> memref<1x64xf32, #tpu.memory_space<hbm>>
        %dma_start3A_490 = arith.constant 0 : i32
        %dma_start3A_491 = tpu.memref_slice %arg20[%add3A_459, %dma_start3A_490] : memref<512x64xf32, #tpu.memory_space<vmem>> -> memref<1x64xf32, #tpu.memory_space<vmem>>
        tpu.enqueue_dma source(%dma_start3A_491 : memref<1x64xf32, #tpu.memory_space<vmem>>) target(%dma_start3A_489 : memref<1x64xf32, #tpu.memory_space<hbm>>) target_semaphore(%arg27 : memref<!tpu.dma_semaphore, #tpu.memory_space<semaphore_mem>>)
      }
      %add3A_242 = arith.addi %add3A_216, %squeeze3A_231 : i32
      %slice3A_243 = vector.extract_strided_slice %get3A_41 {offsets = [11], sizes = [1], strides = [1]} : vector<16xi32> to vector<1xi32>
      %squeeze3A_244 = vector.extract %slice3A_243[0] : i32 from vector<1xi32>
      %mul3A_245 = arith.constant 128 : i32
      %mul3A_246 = arith.muli %squeeze3A_244, %mul3A_245 : i32
      %multiple_of3A_247 = tpu.assume_multiple %mul3A_246, 128 : i32
      %dma_start3A_248 = arith.constant 0 : i32
      %dma_start3A_249 = tpu.memref_slice %arg7[%dma_start3A_248, %multiple_of3A_247] : memref<64x1000001xf32, #tpu.memory_space<hbm>> -> memref<64x128xf32, #tpu.memory_space<hbm>>
      %dma_start3A_250 = arith.constant 0 : i32
      %dma_start3A_251 = tpu.memref_slice %arg7[%dma_start3A_250, %multiple_of3A_247] : memref<64x1000001xf32, #tpu.memory_space<hbm>> -> memref<64x128xf32, #tpu.memory_space<hbm>>
      tpu.enqueue_dma source(%dma_start3A_251 : memref<64x128xf32, #tpu.memory_space<hbm>>) target(%arg19 : memref<64x128xf32, #tpu.memory_space<vmem>>) target_semaphore(%arg26 : memref<!tpu.dma_semaphore, #tpu.memory_space<semaphore_mem>>)
      %dma_wait3A_252 = arith.constant 0 : i32
      %dma_wait3A_253 = tpu.memref_slice %arg7[%dma_wait3A_252, %multiple_of3A_117] : memref<64x1000001xf32, #tpu.memory_space<hbm>> -> memref<64x128xf32, #tpu.memory_space<hbm>>
      %dma_wait3A_254 = arith.constant 0 : i32
      %dma_wait3A_255 = tpu.memref_slice %arg7[%dma_wait3A_254, %multiple_of3A_117] : memref<64x1000001xf32, #tpu.memory_space<hbm>> -> memref<64x128xf32, #tpu.memory_space<hbm>>
      tpu.wait_dma2 semaphore(%arg21 : memref<!tpu.dma_semaphore, #tpu.memory_space<semaphore_mem>>) src(%dma_wait3A_255 : memref<64x128xf32, #tpu.memory_space<hbm>>) dst(%arg14 : memref<64x128xf32, #tpu.memory_space<vmem>>)
      %slice3A_256 = vector.extract_strided_slice %get3A_43 {offsets = [6], sizes = [1], strides = [1]} : vector<16xi32> to vector<1xi32>
      %squeeze3A_257 = vector.extract %slice3A_256[0] : i32 from vector<1xi32>
      %while3A_258 = arith.constant 0 : i32
      %while3A_259 = arith.constant 0 : i32
      %while3A_260 = arith.subi %squeeze3A_257, %while3A_259 : i32
      %while3A_261 = arith.addi %while3A_259, %while3A_260 : i32
      %while3A_262 = arith.constant 1 : i32
      %while3A_263 = arith.divsi %while3A_260, %while3A_262 : i32
      %while3A_264 = arith.muli %while3A_263, %while3A_262 : i32
      %while3A_265 = arith.addi %while3A_259, %while3A_264 : i32
      %while3A_266 = arith.constant 1 : i32
      scf.for %while3A_458 = %while3A_259 to %while3A_265 step %while3A_266  : i32 {
        %add3A_459 = arith.addi %add3A_242, %while3A_458 : i32
        %get3A_460 = arith.index_cast %add3A_459 : i32 to index
        %get3A_461 = tpu.vector_load %arg11[%get3A_460] {strides = array<i32>} : memref<528xi32, #tpu.memory_space<vmem>>, vector<16xi32>,
        %slice3A_462 = vector.extract_strided_slice %get3A_461 {offsets = [0], sizes = [1], strides = [1]} : vector<16xi32> to vector<1xi32>
        %squeeze3A_463 = vector.extract %slice3A_462[0] : i32 from vector<1xi32>
        %get3A_464 = arith.index_cast %add3A_459 : i32 to index
        %get3A_465 = tpu.vector_load %arg12[%get3A_464] {strides = array<i32>} : memref<528xi32, #tpu.memory_space<vmem>>, vector<16xi32>,
        %slice3A_466 = vector.extract_strided_slice %get3A_465 {offsets = [0], sizes = [1], strides = [1]} : vector<16xi32> to vector<1xi32>
        %squeeze3A_467 = vector.extract %slice3A_466[0] : i32 from vector<1xi32>
        %broadcast_in_dim3A = vector.broadcast %squeeze3A_463 : i32 to vector<16xi32>
        %broadcast_in_dim3A_468 = vector.broadcast %add3A_459 : i32 to vector<16xi32>
        %add3A_469 = arith.constant 0 : i32
        %add3A_470 = vector.broadcast %add3A_469 : i32 to vector<16xi32>
        %add3A_471 = arith.addi %iota3A, %add3A_470 : vector<16xi32>
        %gather3A = tpu.vector_load_idx %arg14[%add3A_471, %broadcast_in_dim3A] : memref<64x128xf32, #tpu.memory_space<vmem>>[vector<16xi32>, vector<16xi32>], vector<16xf32>,
        tpu.vector_store_idx %arg20[%broadcast_in_dim3A_468, %add3A_471], %gather3A : memref<512x64xf32, #tpu.memory_space<vmem>>[vector<16xi32>, vector<16xi32>], vector<16xf32>,
        %add3A_472 = arith.constant 16 : i32
        %add3A_473 = vector.broadcast %add3A_472 : i32 to vector<16xi32>
        %add3A_474 = arith.addi %iota3A, %add3A_473 : vector<16xi32>
        %gather3A_475 = tpu.vector_load_idx %arg14[%add3A_474, %broadcast_in_dim3A] : memref<64x128xf32, #tpu.memory_space<vmem>>[vector<16xi32>, vector<16xi32>], vector<16xf32>,
        tpu.vector_store_idx %arg20[%broadcast_in_dim3A_468, %add3A_474], %gather3A_475 : memref<512x64xf32, #tpu.memory_space<vmem>>[vector<16xi32>, vector<16xi32>], vector<16xf32>,
        %add3A_476 = arith.constant 32 : i32
        %add3A_477 = vector.broadcast %add3A_476 : i32 to vector<16xi32>
        %add3A_478 = arith.addi %iota3A, %add3A_477 : vector<16xi32>
        %gather3A_479 = tpu.vector_load_idx %arg14[%add3A_478, %broadcast_in_dim3A] : memref<64x128xf32, #tpu.memory_space<vmem>>[vector<16xi32>, vector<16xi32>], vector<16xf32>,
        tpu.vector_store_idx %arg20[%broadcast_in_dim3A_468, %add3A_478], %gather3A_479 : memref<512x64xf32, #tpu.memory_space<vmem>>[vector<16xi32>, vector<16xi32>], vector<16xf32>,
        %add3A_480 = arith.constant 48 : i32
        %add3A_481 = vector.broadcast %add3A_480 : i32 to vector<16xi32>
        %add3A_482 = arith.addi %iota3A, %add3A_481 : vector<16xi32>
        %gather3A_483 = tpu.vector_load_idx %arg14[%add3A_482, %broadcast_in_dim3A] : memref<64x128xf32, #tpu.memory_space<vmem>>[vector<16xi32>, vector<16xi32>], vector<16xf32>,
        tpu.vector_store_idx %arg20[%broadcast_in_dim3A_468, %add3A_482], %gather3A_483 : memref<512x64xf32, #tpu.memory_space<vmem>>[vector<16xi32>, vector<16xi32>], vector<16xf32>,
        %dma_start3A_484 = arith.constant 0 : i32
        %dma_start3A_485 = tpu.memref_slice %arg20[%add3A_459, %dma_start3A_484] : memref<512x64xf32, #tpu.memory_space<vmem>> -> memref<1x64xf32, #tpu.memory_space<vmem>>
        %dma_start3A_486 = arith.constant 0 : i32
        %dma_start3A_487 = tpu.memref_slice %arg8[%squeeze3A_467, %dma_start3A_486] : memref<16384x64xf32, #tpu.memory_space<hbm>> -> memref<1x64xf32, #tpu.memory_space<hbm>>
        %dma_start3A_488 = arith.constant 0 : i32
        %dma_start3A_489 = tpu.memref_slice %arg8[%squeeze3A_467, %dma_start3A_488] : memref<16384x64xf32, #tpu.memory_space<hbm>> -> memref<1x64xf32, #tpu.memory_space<hbm>>
        %dma_start3A_490 = arith.constant 0 : i32
        %dma_start3A_491 = tpu.memref_slice %arg20[%add3A_459, %dma_start3A_490] : memref<512x64xf32, #tpu.memory_space<vmem>> -> memref<1x64xf32, #tpu.memory_space<vmem>>
        tpu.enqueue_dma source(%dma_start3A_491 : memref<1x64xf32, #tpu.memory_space<vmem>>) target(%dma_start3A_489 : memref<1x64xf32, #tpu.memory_space<hbm>>) target_semaphore(%arg27 : memref<!tpu.dma_semaphore, #tpu.memory_space<semaphore_mem>>)
      }
      %while3A_267 = arith.constant 1 : i32
      scf.for %while3A_458 = %while3A_265 to %while3A_261 step %while3A_267  : i32 {
        %add3A_459 = arith.addi %add3A_242, %while3A_458 : i32
        %get3A_460 = arith.index_cast %add3A_459 : i32 to index
        %get3A_461 = tpu.vector_load %arg11[%get3A_460] {strides = array<i32>} : memref<528xi32, #tpu.memory_space<vmem>>, vector<16xi32>,
        %slice3A_462 = vector.extract_strided_slice %get3A_461 {offsets = [0], sizes = [1], strides = [1]} : vector<16xi32> to vector<1xi32>
        %squeeze3A_463 = vector.extract %slice3A_462[0] : i32 from vector<1xi32>
        %get3A_464 = arith.index_cast %add3A_459 : i32 to index
        %get3A_465 = tpu.vector_load %arg12[%get3A_464] {strides = array<i32>} : memref<528xi32, #tpu.memory_space<vmem>>, vector<16xi32>,
        %slice3A_466 = vector.extract_strided_slice %get3A_465 {offsets = [0], sizes = [1], strides = [1]} : vector<16xi32> to vector<1xi32>
        %squeeze3A_467 = vector.extract %slice3A_466[0] : i32 from vector<1xi32>
        %broadcast_in_dim3A = vector.broadcast %squeeze3A_463 : i32 to vector<16xi32>
        %broadcast_in_dim3A_468 = vector.broadcast %add3A_459 : i32 to vector<16xi32>
        %add3A_469 = arith.constant 0 : i32
        %add3A_470 = vector.broadcast %add3A_469 : i32 to vector<16xi32>
        %add3A_471 = arith.addi %iota3A, %add3A_470 : vector<16xi32>
        %gather3A = tpu.vector_load_idx %arg14[%add3A_471, %broadcast_in_dim3A] : memref<64x128xf32, #tpu.memory_space<vmem>>[vector<16xi32>, vector<16xi32>], vector<16xf32>,
        tpu.vector_store_idx %arg20[%broadcast_in_dim3A_468, %add3A_471], %gather3A : memref<512x64xf32, #tpu.memory_space<vmem>>[vector<16xi32>, vector<16xi32>], vector<16xf32>,
        %add3A_472 = arith.constant 16 : i32
        %add3A_473 = vector.broadcast %add3A_472 : i32 to vector<16xi32>
        %add3A_474 = arith.addi %iota3A, %add3A_473 : vector<16xi32>
        %gather3A_475 = tpu.vector_load_idx %arg14[%add3A_474, %broadcast_in_dim3A] : memref<64x128xf32, #tpu.memory_space<vmem>>[vector<16xi32>, vector<16xi32>], vector<16xf32>,
        tpu.vector_store_idx %arg20[%broadcast_in_dim3A_468, %add3A_474], %gather3A_475 : memref<512x64xf32, #tpu.memory_space<vmem>>[vector<16xi32>, vector<16xi32>], vector<16xf32>,
        %add3A_476 = arith.constant 32 : i32
        %add3A_477 = vector.broadcast %add3A_476 : i32 to vector<16xi32>
        %add3A_478 = arith.addi %iota3A, %add3A_477 : vector<16xi32>
        %gather3A_479 = tpu.vector_load_idx %arg14[%add3A_478, %broadcast_in_dim3A] : memref<64x128xf32, #tpu.memory_space<vmem>>[vector<16xi32>, vector<16xi32>], vector<16xf32>,
        tpu.vector_store_idx %arg20[%broadcast_in_dim3A_468, %add3A_478], %gather3A_479 : memref<512x64xf32, #tpu.memory_space<vmem>>[vector<16xi32>, vector<16xi32>], vector<16xf32>,
        %add3A_480 = arith.constant 48 : i32
        %add3A_481 = vector.broadcast %add3A_480 : i32 to vector<16xi32>
        %add3A_482 = arith.addi %iota3A, %add3A_481 : vector<16xi32>
        %gather3A_483 = tpu.vector_load_idx %arg14[%add3A_482, %broadcast_in_dim3A] : memref<64x128xf32, #tpu.memory_space<vmem>>[vector<16xi32>, vector<16xi32>], vector<16xf32>,
        tpu.vector_store_idx %arg20[%broadcast_in_dim3A_468, %add3A_482], %gather3A_483 : memref<512x64xf32, #tpu.memory_space<vmem>>[vector<16xi32>, vector<16xi32>], vector<16xf32>,
        %dma_start3A_484 = arith.constant 0 : i32
        %dma_start3A_485 = tpu.memref_slice %arg20[%add3A_459, %dma_start3A_484] : memref<512x64xf32, #tpu.memory_space<vmem>> -> memref<1x64xf32, #tpu.memory_space<vmem>>
        %dma_start3A_486 = arith.constant 0 : i32
        %dma_start3A_487 = tpu.memref_slice %arg8[%squeeze3A_467, %dma_start3A_486] : memref<16384x64xf32, #tpu.memory_space<hbm>> -> memref<1x64xf32, #tpu.memory_space<hbm>>
        %dma_start3A_488 = arith.constant 0 : i32
        %dma_start3A_489 = tpu.memref_slice %arg8[%squeeze3A_467, %dma_start3A_488] : memref<16384x64xf32, #tpu.memory_space<hbm>> -> memref<1x64xf32, #tpu.memory_space<hbm>>
        %dma_start3A_490 = arith.constant 0 : i32
        %dma_start3A_491 = tpu.memref_slice %arg20[%add3A_459, %dma_start3A_490] : memref<512x64xf32, #tpu.memory_space<vmem>> -> memref<1x64xf32, #tpu.memory_space<vmem>>
        tpu.enqueue_dma source(%dma_start3A_491 : memref<1x64xf32, #tpu.memory_space<vmem>>) target(%dma_start3A_489 : memref<1x64xf32, #tpu.memory_space<hbm>>) target_semaphore(%arg27 : memref<!tpu.dma_semaphore, #tpu.memory_space<semaphore_mem>>)
      }
      %add3A_268 = arith.addi %add3A_242, %squeeze3A_257 : i32
      %slice3A_269 = vector.extract_strided_slice %get3A_41 {offsets = [12], sizes = [1], strides = [1]} : vector<16xi32> to vector<1xi32>
      %squeeze3A_270 = vector.extract %slice3A_269[0] : i32 from vector<1xi32>
      %mul3A_271 = arith.constant 128 : i32
      %mul3A_272 = arith.muli %squeeze3A_270, %mul3A_271 : i32
      %multiple_of3A_273 = tpu.assume_multiple %mul3A_272, 128 : i32
      %dma_start3A_274 = arith.constant 0 : i32
      %dma_start3A_275 = tpu.memref_slice %arg7[%dma_start3A_274, %multiple_of3A_273] : memref<64x1000001xf32, #tpu.memory_space<hbm>> -> memref<64x128xf32, #tpu.memory_space<hbm>>
      %dma_start3A_276 = arith.constant 0 : i32
      %dma_start3A_277 = tpu.memref_slice %arg7[%dma_start3A_276, %multiple_of3A_273] : memref<64x1000001xf32, #tpu.memory_space<hbm>> -> memref<64x128xf32, #tpu.memory_space<hbm>>
      tpu.enqueue_dma source(%dma_start3A_277 : memref<64x128xf32, #tpu.memory_space<hbm>>) target(%arg14 : memref<64x128xf32, #tpu.memory_space<vmem>>) target_semaphore(%arg21 : memref<!tpu.dma_semaphore, #tpu.memory_space<semaphore_mem>>)
      %dma_wait3A_278 = arith.constant 0 : i32
      %dma_wait3A_279 = tpu.memref_slice %arg7[%dma_wait3A_278, %multiple_of3A_143] : memref<64x1000001xf32, #tpu.memory_space<hbm>> -> memref<64x128xf32, #tpu.memory_space<hbm>>
      %dma_wait3A_280 = arith.constant 0 : i32
      %dma_wait3A_281 = tpu.memref_slice %arg7[%dma_wait3A_280, %multiple_of3A_143] : memref<64x1000001xf32, #tpu.memory_space<hbm>> -> memref<64x128xf32, #tpu.memory_space<hbm>>
      tpu.wait_dma2 semaphore(%arg22 : memref<!tpu.dma_semaphore, #tpu.memory_space<semaphore_mem>>) src(%dma_wait3A_281 : memref<64x128xf32, #tpu.memory_space<hbm>>) dst(%arg15 : memref<64x128xf32, #tpu.memory_space<vmem>>)
      %slice3A_282 = vector.extract_strided_slice %get3A_43 {offsets = [7], sizes = [1], strides = [1]} : vector<16xi32> to vector<1xi32>
      %squeeze3A_283 = vector.extract %slice3A_282[0] : i32 from vector<1xi32>
      %while3A_284 = arith.constant 0 : i32
      %while3A_285 = arith.constant 0 : i32
      %while3A_286 = arith.subi %squeeze3A_283, %while3A_285 : i32
      %while3A_287 = arith.addi %while3A_285, %while3A_286 : i32
      %while3A_288 = arith.constant 1 : i32
      %while3A_289 = arith.divsi %while3A_286, %while3A_288 : i32
      %while3A_290 = arith.muli %while3A_289, %while3A_288 : i32
      %while3A_291 = arith.addi %while3A_285, %while3A_290 : i32
      %while3A_292 = arith.constant 1 : i32
      scf.for %while3A_458 = %while3A_285 to %while3A_291 step %while3A_292  : i32 {
        %add3A_459 = arith.addi %add3A_268, %while3A_458 : i32
        %get3A_460 = arith.index_cast %add3A_459 : i32 to index
        %get3A_461 = tpu.vector_load %arg11[%get3A_460] {strides = array<i32>} : memref<528xi32, #tpu.memory_space<vmem>>, vector<16xi32>,
        %slice3A_462 = vector.extract_strided_slice %get3A_461 {offsets = [0], sizes = [1], strides = [1]} : vector<16xi32> to vector<1xi32>
        %squeeze3A_463 = vector.extract %slice3A_462[0] : i32 from vector<1xi32>
        %get3A_464 = arith.index_cast %add3A_459 : i32 to index
        %get3A_465 = tpu.vector_load %arg12[%get3A_464] {strides = array<i32>} : memref<528xi32, #tpu.memory_space<vmem>>, vector<16xi32>,
        %slice3A_466 = vector.extract_strided_slice %get3A_465 {offsets = [0], sizes = [1], strides = [1]} : vector<16xi32> to vector<1xi32>
        %squeeze3A_467 = vector.extract %slice3A_466[0] : i32 from vector<1xi32>
        %broadcast_in_dim3A = vector.broadcast %squeeze3A_463 : i32 to vector<16xi32>
        %broadcast_in_dim3A_468 = vector.broadcast %add3A_459 : i32 to vector<16xi32>
        %add3A_469 = arith.constant 0 : i32
        %add3A_470 = vector.broadcast %add3A_469 : i32 to vector<16xi32>
        %add3A_471 = arith.addi %iota3A, %add3A_470 : vector<16xi32>
        %gather3A = tpu.vector_load_idx %arg15[%add3A_471, %broadcast_in_dim3A] : memref<64x128xf32, #tpu.memory_space<vmem>>[vector<16xi32>, vector<16xi32>], vector<16xf32>,
        tpu.vector_store_idx %arg20[%broadcast_in_dim3A_468, %add3A_471], %gather3A : memref<512x64xf32, #tpu.memory_space<vmem>>[vector<16xi32>, vector<16xi32>], vector<16xf32>,
        %add3A_472 = arith.constant 16 : i32
        %add3A_473 = vector.broadcast %add3A_472 : i32 to vector<16xi32>
        %add3A_474 = arith.addi %iota3A, %add3A_473 : vector<16xi32>
        %gather3A_475 = tpu.vector_load_idx %arg15[%add3A_474, %broadcast_in_dim3A] : memref<64x128xf32, #tpu.memory_space<vmem>>[vector<16xi32>, vector<16xi32>], vector<16xf32>,
        tpu.vector_store_idx %arg20[%broadcast_in_dim3A_468, %add3A_474], %gather3A_475 : memref<512x64xf32, #tpu.memory_space<vmem>>[vector<16xi32>, vector<16xi32>], vector<16xf32>,
        %add3A_476 = arith.constant 32 : i32
        %add3A_477 = vector.broadcast %add3A_476 : i32 to vector<16xi32>
        %add3A_478 = arith.addi %iota3A, %add3A_477 : vector<16xi32>
        %gather3A_479 = tpu.vector_load_idx %arg15[%add3A_478, %broadcast_in_dim3A] : memref<64x128xf32, #tpu.memory_space<vmem>>[vector<16xi32>, vector<16xi32>], vector<16xf32>,
        tpu.vector_store_idx %arg20[%broadcast_in_dim3A_468, %add3A_478], %gather3A_479 : memref<512x64xf32, #tpu.memory_space<vmem>>[vector<16xi32>, vector<16xi32>], vector<16xf32>,
        %add3A_480 = arith.constant 48 : i32
        %add3A_481 = vector.broadcast %add3A_480 : i32 to vector<16xi32>
        %add3A_482 = arith.addi %iota3A, %add3A_481 : vector<16xi32>
        %gather3A_483 = tpu.vector_load_idx %arg15[%add3A_482, %broadcast_in_dim3A] : memref<64x128xf32, #tpu.memory_space<vmem>>[vector<16xi32>, vector<16xi32>], vector<16xf32>,
        tpu.vector_store_idx %arg20[%broadcast_in_dim3A_468, %add3A_482], %gather3A_483 : memref<512x64xf32, #tpu.memory_space<vmem>>[vector<16xi32>, vector<16xi32>], vector<16xf32>,
        %dma_start3A_484 = arith.constant 0 : i32
        %dma_start3A_485 = tpu.memref_slice %arg20[%add3A_459, %dma_start3A_484] : memref<512x64xf32, #tpu.memory_space<vmem>> -> memref<1x64xf32, #tpu.memory_space<vmem>>
        %dma_start3A_486 = arith.constant 0 : i32
        %dma_start3A_487 = tpu.memref_slice %arg8[%squeeze3A_467, %dma_start3A_486] : memref<16384x64xf32, #tpu.memory_space<hbm>> -> memref<1x64xf32, #tpu.memory_space<hbm>>
        %dma_start3A_488 = arith.constant 0 : i32
        %dma_start3A_489 = tpu.memref_slice %arg8[%squeeze3A_467, %dma_start3A_488] : memref<16384x64xf32, #tpu.memory_space<hbm>> -> memref<1x64xf32, #tpu.memory_space<hbm>>
        %dma_start3A_490 = arith.constant 0 : i32
        %dma_start3A_491 = tpu.memref_slice %arg20[%add3A_459, %dma_start3A_490] : memref<512x64xf32, #tpu.memory_space<vmem>> -> memref<1x64xf32, #tpu.memory_space<vmem>>
        tpu.enqueue_dma source(%dma_start3A_491 : memref<1x64xf32, #tpu.memory_space<vmem>>) target(%dma_start3A_489 : memref<1x64xf32, #tpu.memory_space<hbm>>) target_semaphore(%arg27 : memref<!tpu.dma_semaphore, #tpu.memory_space<semaphore_mem>>)
      }
      %while3A_293 = arith.constant 1 : i32
      scf.for %while3A_458 = %while3A_291 to %while3A_287 step %while3A_293  : i32 {
        %add3A_459 = arith.addi %add3A_268, %while3A_458 : i32
        %get3A_460 = arith.index_cast %add3A_459 : i32 to index
        %get3A_461 = tpu.vector_load %arg11[%get3A_460] {strides = array<i32>} : memref<528xi32, #tpu.memory_space<vmem>>, vector<16xi32>,
        %slice3A_462 = vector.extract_strided_slice %get3A_461 {offsets = [0], sizes = [1], strides = [1]} : vector<16xi32> to vector<1xi32>
        %squeeze3A_463 = vector.extract %slice3A_462[0] : i32 from vector<1xi32>
        %get3A_464 = arith.index_cast %add3A_459 : i32 to index
        %get3A_465 = tpu.vector_load %arg12[%get3A_464] {strides = array<i32>} : memref<528xi32, #tpu.memory_space<vmem>>, vector<16xi32>,
        %slice3A_466 = vector.extract_strided_slice %get3A_465 {offsets = [0], sizes = [1], strides = [1]} : vector<16xi32> to vector<1xi32>
        %squeeze3A_467 = vector.extract %slice3A_466[0] : i32 from vector<1xi32>
        %broadcast_in_dim3A = vector.broadcast %squeeze3A_463 : i32 to vector<16xi32>
        %broadcast_in_dim3A_468 = vector.broadcast %add3A_459 : i32 to vector<16xi32>
        %add3A_469 = arith.constant 0 : i32
        %add3A_470 = vector.broadcast %add3A_469 : i32 to vector<16xi32>
        %add3A_471 = arith.addi %iota3A, %add3A_470 : vector<16xi32>
        %gather3A = tpu.vector_load_idx %arg15[%add3A_471, %broadcast_in_dim3A] : memref<64x128xf32, #tpu.memory_space<vmem>>[vector<16xi32>, vector<16xi32>], vector<16xf32>,
        tpu.vector_store_idx %arg20[%broadcast_in_dim3A_468, %add3A_471], %gather3A : memref<512x64xf32, #tpu.memory_space<vmem>>[vector<16xi32>, vector<16xi32>], vector<16xf32>,
        %add3A_472 = arith.constant 16 : i32
        %add3A_473 = vector.broadcast %add3A_472 : i32 to vector<16xi32>
        %add3A_474 = arith.addi %iota3A, %add3A_473 : vector<16xi32>
        %gather3A_475 = tpu.vector_load_idx %arg15[%add3A_474, %broadcast_in_dim3A] : memref<64x128xf32, #tpu.memory_space<vmem>>[vector<16xi32>, vector<16xi32>], vector<16xf32>,
        tpu.vector_store_idx %arg20[%broadcast_in_dim3A_468, %add3A_474], %gather3A_475 : memref<512x64xf32, #tpu.memory_space<vmem>>[vector<16xi32>, vector<16xi32>], vector<16xf32>,
        %add3A_476 = arith.constant 32 : i32
        %add3A_477 = vector.broadcast %add3A_476 : i32 to vector<16xi32>
        %add3A_478 = arith.addi %iota3A, %add3A_477 : vector<16xi32>
        %gather3A_479 = tpu.vector_load_idx %arg15[%add3A_478, %broadcast_in_dim3A] : memref<64x128xf32, #tpu.memory_space<vmem>>[vector<16xi32>, vector<16xi32>], vector<16xf32>,
        tpu.vector_store_idx %arg20[%broadcast_in_dim3A_468, %add3A_478], %gather3A_479 : memref<512x64xf32, #tpu.memory_space<vmem>>[vector<16xi32>, vector<16xi32>], vector<16xf32>,
        %add3A_480 = arith.constant 48 : i32
        %add3A_481 = vector.broadcast %add3A_480 : i32 to vector<16xi32>
        %add3A_482 = arith.addi %iota3A, %add3A_481 : vector<16xi32>
        %gather3A_483 = tpu.vector_load_idx %arg15[%add3A_482, %broadcast_in_dim3A] : memref<64x128xf32, #tpu.memory_space<vmem>>[vector<16xi32>, vector<16xi32>], vector<16xf32>,
        tpu.vector_store_idx %arg20[%broadcast_in_dim3A_468, %add3A_482], %gather3A_483 : memref<512x64xf32, #tpu.memory_space<vmem>>[vector<16xi32>, vector<16xi32>], vector<16xf32>,
        %dma_start3A_484 = arith.constant 0 : i32
        %dma_start3A_485 = tpu.memref_slice %arg20[%add3A_459, %dma_start3A_484] : memref<512x64xf32, #tpu.memory_space<vmem>> -> memref<1x64xf32, #tpu.memory_space<vmem>>
        %dma_start3A_486 = arith.constant 0 : i32
        %dma_start3A_487 = tpu.memref_slice %arg8[%squeeze3A_467, %dma_start3A_486] : memref<16384x64xf32, #tpu.memory_space<hbm>> -> memref<1x64xf32, #tpu.memory_space<hbm>>
        %dma_start3A_488 = arith.constant 0 : i32
        %dma_start3A_489 = tpu.memref_slice %arg8[%squeeze3A_467, %dma_start3A_488] : memref<16384x64xf32, #tpu.memory_space<hbm>> -> memref<1x64xf32, #tpu.memory_space<hbm>>
        %dma_start3A_490 = arith.constant 0 : i32
        %dma_start3A_491 = tpu.memref_slice %arg20[%add3A_459, %dma_start3A_490] : memref<512x64xf32, #tpu.memory_space<vmem>> -> memref<1x64xf32, #tpu.memory_space<vmem>>
        tpu.enqueue_dma source(%dma_start3A_491 : memref<1x64xf32, #tpu.memory_space<vmem>>) target(%dma_start3A_489 : memref<1x64xf32, #tpu.memory_space<hbm>>) target_semaphore(%arg27 : memref<!tpu.dma_semaphore, #tpu.memory_space<semaphore_mem>>)
      }
      %add3A_294 = arith.addi %add3A_268, %squeeze3A_283 : i32
      %slice3A_295 = vector.extract_strided_slice %get3A_41 {offsets = [13], sizes = [1], strides = [1]} : vector<16xi32> to vector<1xi32>
      %squeeze3A_296 = vector.extract %slice3A_295[0] : i32 from vector<1xi32>
      %mul3A_297 = arith.constant 128 : i32
      %mul3A_298 = arith.muli %squeeze3A_296, %mul3A_297 : i32
      %multiple_of3A_299 = tpu.assume_multiple %mul3A_298, 128 : i32
      %dma_start3A_300 = arith.constant 0 : i32
      %dma_start3A_301 = tpu.memref_slice %arg7[%dma_start3A_300, %multiple_of3A_299] : memref<64x1000001xf32, #tpu.memory_space<hbm>> -> memref<64x128xf32, #tpu.memory_space<hbm>>
      %dma_start3A_302 = arith.constant 0 : i32
      %dma_start3A_303 = tpu.memref_slice %arg7[%dma_start3A_302, %multiple_of3A_299] : memref<64x1000001xf32, #tpu.memory_space<hbm>> -> memref<64x128xf32, #tpu.memory_space<hbm>>
      tpu.enqueue_dma source(%dma_start3A_303 : memref<64x128xf32, #tpu.memory_space<hbm>>) target(%arg15 : memref<64x128xf32, #tpu.memory_space<vmem>>) target_semaphore(%arg22 : memref<!tpu.dma_semaphore, #tpu.memory_space<semaphore_mem>>)
      %dma_wait3A_304 = arith.constant 0 : i32
      %dma_wait3A_305 = tpu.memref_slice %arg7[%dma_wait3A_304, %multiple_of3A_169] : memref<64x1000001xf32, #tpu.memory_space<hbm>> -> memref<64x128xf32, #tpu.memory_space<hbm>>
      %dma_wait3A_306 = arith.constant 0 : i32
      %dma_wait3A_307 = tpu.memref_slice %arg7[%dma_wait3A_306, %multiple_of3A_169] : memref<64x1000001xf32, #tpu.memory_space<hbm>> -> memref<64x128xf32, #tpu.memory_space<hbm>>
      tpu.wait_dma2 semaphore(%arg23 : memref<!tpu.dma_semaphore, #tpu.memory_space<semaphore_mem>>) src(%dma_wait3A_307 : memref<64x128xf32, #tpu.memory_space<hbm>>) dst(%arg16 : memref<64x128xf32, #tpu.memory_space<vmem>>)
      %slice3A_308 = vector.extract_strided_slice %get3A_43 {offsets = [8], sizes = [1], strides = [1]} : vector<16xi32> to vector<1xi32>
      %squeeze3A_309 = vector.extract %slice3A_308[0] : i32 from vector<1xi32>
      %while3A_310 = arith.constant 0 : i32
      %while3A_311 = arith.constant 0 : i32
      %while3A_312 = arith.subi %squeeze3A_309, %while3A_311 : i32
      %while3A_313 = arith.addi %while3A_311, %while3A_312 : i32
      %while3A_314 = arith.constant 1 : i32
      %while3A_315 = arith.divsi %while3A_312, %while3A_314 : i32
      %while3A_316 = arith.muli %while3A_315, %while3A_314 : i32
      %while3A_317 = arith.addi %while3A_311, %while3A_316 : i32
      %while3A_318 = arith.constant 1 : i32
      scf.for %while3A_458 = %while3A_311 to %while3A_317 step %while3A_318  : i32 {
        %add3A_459 = arith.addi %add3A_294, %while3A_458 : i32
        %get3A_460 = arith.index_cast %add3A_459 : i32 to index
        %get3A_461 = tpu.vector_load %arg11[%get3A_460] {strides = array<i32>} : memref<528xi32, #tpu.memory_space<vmem>>, vector<16xi32>,
        %slice3A_462 = vector.extract_strided_slice %get3A_461 {offsets = [0], sizes = [1], strides = [1]} : vector<16xi32> to vector<1xi32>
        %squeeze3A_463 = vector.extract %slice3A_462[0] : i32 from vector<1xi32>
        %get3A_464 = arith.index_cast %add3A_459 : i32 to index
        %get3A_465 = tpu.vector_load %arg12[%get3A_464] {strides = array<i32>} : memref<528xi32, #tpu.memory_space<vmem>>, vector<16xi32>,
        %slice3A_466 = vector.extract_strided_slice %get3A_465 {offsets = [0], sizes = [1], strides = [1]} : vector<16xi32> to vector<1xi32>
        %squeeze3A_467 = vector.extract %slice3A_466[0] : i32 from vector<1xi32>
        %broadcast_in_dim3A = vector.broadcast %squeeze3A_463 : i32 to vector<16xi32>
        %broadcast_in_dim3A_468 = vector.broadcast %add3A_459 : i32 to vector<16xi32>
        %add3A_469 = arith.constant 0 : i32
        %add3A_470 = vector.broadcast %add3A_469 : i32 to vector<16xi32>
        %add3A_471 = arith.addi %iota3A, %add3A_470 : vector<16xi32>
        %gather3A = tpu.vector_load_idx %arg16[%add3A_471, %broadcast_in_dim3A] : memref<64x128xf32, #tpu.memory_space<vmem>>[vector<16xi32>, vector<16xi32>], vector<16xf32>,
        tpu.vector_store_idx %arg20[%broadcast_in_dim3A_468, %add3A_471], %gather3A : memref<512x64xf32, #tpu.memory_space<vmem>>[vector<16xi32>, vector<16xi32>], vector<16xf32>,
        %add3A_472 = arith.constant 16 : i32
        %add3A_473 = vector.broadcast %add3A_472 : i32 to vector<16xi32>
        %add3A_474 = arith.addi %iota3A, %add3A_473 : vector<16xi32>
        %gather3A_475 = tpu.vector_load_idx %arg16[%add3A_474, %broadcast_in_dim3A] : memref<64x128xf32, #tpu.memory_space<vmem>>[vector<16xi32>, vector<16xi32>], vector<16xf32>,
        tpu.vector_store_idx %arg20[%broadcast_in_dim3A_468, %add3A_474], %gather3A_475 : memref<512x64xf32, #tpu.memory_space<vmem>>[vector<16xi32>, vector<16xi32>], vector<16xf32>,
        %add3A_476 = arith.constant 32 : i32
        %add3A_477 = vector.broadcast %add3A_476 : i32 to vector<16xi32>
        %add3A_478 = arith.addi %iota3A, %add3A_477 : vector<16xi32>
        %gather3A_479 = tpu.vector_load_idx %arg16[%add3A_478, %broadcast_in_dim3A] : memref<64x128xf32, #tpu.memory_space<vmem>>[vector<16xi32>, vector<16xi32>], vector<16xf32>,
        tpu.vector_store_idx %arg20[%broadcast_in_dim3A_468, %add3A_478], %gather3A_479 : memref<512x64xf32, #tpu.memory_space<vmem>>[vector<16xi32>, vector<16xi32>], vector<16xf32>,
        %add3A_480 = arith.constant 48 : i32
        %add3A_481 = vector.broadcast %add3A_480 : i32 to vector<16xi32>
        %add3A_482 = arith.addi %iota3A, %add3A_481 : vector<16xi32>
        %gather3A_483 = tpu.vector_load_idx %arg16[%add3A_482, %broadcast_in_dim3A] : memref<64x128xf32, #tpu.memory_space<vmem>>[vector<16xi32>, vector<16xi32>], vector<16xf32>,
        tpu.vector_store_idx %arg20[%broadcast_in_dim3A_468, %add3A_482], %gather3A_483 : memref<512x64xf32, #tpu.memory_space<vmem>>[vector<16xi32>, vector<16xi32>], vector<16xf32>,
        %dma_start3A_484 = arith.constant 0 : i32
        %dma_start3A_485 = tpu.memref_slice %arg20[%add3A_459, %dma_start3A_484] : memref<512x64xf32, #tpu.memory_space<vmem>> -> memref<1x64xf32, #tpu.memory_space<vmem>>
        %dma_start3A_486 = arith.constant 0 : i32
        %dma_start3A_487 = tpu.memref_slice %arg8[%squeeze3A_467, %dma_start3A_486] : memref<16384x64xf32, #tpu.memory_space<hbm>> -> memref<1x64xf32, #tpu.memory_space<hbm>>
        %dma_start3A_488 = arith.constant 0 : i32
        %dma_start3A_489 = tpu.memref_slice %arg8[%squeeze3A_467, %dma_start3A_488] : memref<16384x64xf32, #tpu.memory_space<hbm>> -> memref<1x64xf32, #tpu.memory_space<hbm>>
        %dma_start3A_490 = arith.constant 0 : i32
        %dma_start3A_491 = tpu.memref_slice %arg20[%add3A_459, %dma_start3A_490] : memref<512x64xf32, #tpu.memory_space<vmem>> -> memref<1x64xf32, #tpu.memory_space<vmem>>
        tpu.enqueue_dma source(%dma_start3A_491 : memref<1x64xf32, #tpu.memory_space<vmem>>) target(%dma_start3A_489 : memref<1x64xf32, #tpu.memory_space<hbm>>) target_semaphore(%arg27 : memref<!tpu.dma_semaphore, #tpu.memory_space<semaphore_mem>>)
      }
      %while3A_319 = arith.constant 1 : i32
      scf.for %while3A_458 = %while3A_317 to %while3A_313 step %while3A_319  : i32 {
        %add3A_459 = arith.addi %add3A_294, %while3A_458 : i32
        %get3A_460 = arith.index_cast %add3A_459 : i32 to index
        %get3A_461 = tpu.vector_load %arg11[%get3A_460] {strides = array<i32>} : memref<528xi32, #tpu.memory_space<vmem>>, vector<16xi32>,
        %slice3A_462 = vector.extract_strided_slice %get3A_461 {offsets = [0], sizes = [1], strides = [1]} : vector<16xi32> to vector<1xi32>
        %squeeze3A_463 = vector.extract %slice3A_462[0] : i32 from vector<1xi32>
        %get3A_464 = arith.index_cast %add3A_459 : i32 to index
        %get3A_465 = tpu.vector_load %arg12[%get3A_464] {strides = array<i32>} : memref<528xi32, #tpu.memory_space<vmem>>, vector<16xi32>,
        %slice3A_466 = vector.extract_strided_slice %get3A_465 {offsets = [0], sizes = [1], strides = [1]} : vector<16xi32> to vector<1xi32>
        %squeeze3A_467 = vector.extract %slice3A_466[0] : i32 from vector<1xi32>
        %broadcast_in_dim3A = vector.broadcast %squeeze3A_463 : i32 to vector<16xi32>
        %broadcast_in_dim3A_468 = vector.broadcast %add3A_459 : i32 to vector<16xi32>
        %add3A_469 = arith.constant 0 : i32
        %add3A_470 = vector.broadcast %add3A_469 : i32 to vector<16xi32>
        %add3A_471 = arith.addi %iota3A, %add3A_470 : vector<16xi32>
        %gather3A = tpu.vector_load_idx %arg16[%add3A_471, %broadcast_in_dim3A] : memref<64x128xf32, #tpu.memory_space<vmem>>[vector<16xi32>, vector<16xi32>], vector<16xf32>,
        tpu.vector_store_idx %arg20[%broadcast_in_dim3A_468, %add3A_471], %gather3A : memref<512x64xf32, #tpu.memory_space<vmem>>[vector<16xi32>, vector<16xi32>], vector<16xf32>,
        %add3A_472 = arith.constant 16 : i32
        %add3A_473 = vector.broadcast %add3A_472 : i32 to vector<16xi32>
        %add3A_474 = arith.addi %iota3A, %add3A_473 : vector<16xi32>
        %gather3A_475 = tpu.vector_load_idx %arg16[%add3A_474, %broadcast_in_dim3A] : memref<64x128xf32, #tpu.memory_space<vmem>>[vector<16xi32>, vector<16xi32>], vector<16xf32>,
        tpu.vector_store_idx %arg20[%broadcast_in_dim3A_468, %add3A_474], %gather3A_475 : memref<512x64xf32, #tpu.memory_space<vmem>>[vector<16xi32>, vector<16xi32>], vector<16xf32>,
        %add3A_476 = arith.constant 32 : i32
        %add3A_477 = vector.broadcast %add3A_476 : i32 to vector<16xi32>
        %add3A_478 = arith.addi %iota3A, %add3A_477 : vector<16xi32>
        %gather3A_479 = tpu.vector_load_idx %arg16[%add3A_478, %broadcast_in_dim3A] : memref<64x128xf32, #tpu.memory_space<vmem>>[vector<16xi32>, vector<16xi32>], vector<16xf32>,
        tpu.vector_store_idx %arg20[%broadcast_in_dim3A_468, %add3A_478], %gather3A_479 : memref<512x64xf32, #tpu.memory_space<vmem>>[vector<16xi32>, vector<16xi32>], vector<16xf32>,
        %add3A_480 = arith.constant 48 : i32
        %add3A_481 = vector.broadcast %add3A_480 : i32 to vector<16xi32>
        %add3A_482 = arith.addi %iota3A, %add3A_481 : vector<16xi32>
        %gather3A_483 = tpu.vector_load_idx %arg16[%add3A_482, %broadcast_in_dim3A] : memref<64x128xf32, #tpu.memory_space<vmem>>[vector<16xi32>, vector<16xi32>], vector<16xf32>,
        tpu.vector_store_idx %arg20[%broadcast_in_dim3A_468, %add3A_482], %gather3A_483 : memref<512x64xf32, #tpu.memory_space<vmem>>[vector<16xi32>, vector<16xi32>], vector<16xf32>,
        %dma_start3A_484 = arith.constant 0 : i32
        %dma_start3A_485 = tpu.memref_slice %arg20[%add3A_459, %dma_start3A_484] : memref<512x64xf32, #tpu.memory_space<vmem>> -> memref<1x64xf32, #tpu.memory_space<vmem>>
        %dma_start3A_486 = arith.constant 0 : i32
        %dma_start3A_487 = tpu.memref_slice %arg8[%squeeze3A_467, %dma_start3A_486] : memref<16384x64xf32, #tpu.memory_space<hbm>> -> memref<1x64xf32, #tpu.memory_space<hbm>>
        %dma_start3A_488 = arith.constant 0 : i32
        %dma_start3A_489 = tpu.memref_slice %arg8[%squeeze3A_467, %dma_start3A_488] : memref<16384x64xf32, #tpu.memory_space<hbm>> -> memref<1x64xf32, #tpu.memory_space<hbm>>
        %dma_start3A_490 = arith.constant 0 : i32
        %dma_start3A_491 = tpu.memref_slice %arg20[%add3A_459, %dma_start3A_490] : memref<512x64xf32, #tpu.memory_space<vmem>> -> memref<1x64xf32, #tpu.memory_space<vmem>>
        tpu.enqueue_dma source(%dma_start3A_491 : memref<1x64xf32, #tpu.memory_space<vmem>>) target(%dma_start3A_489 : memref<1x64xf32, #tpu.memory_space<hbm>>) target_semaphore(%arg27 : memref<!tpu.dma_semaphore, #tpu.memory_space<semaphore_mem>>)
      }
      %add3A_320 = arith.addi %add3A_294, %squeeze3A_309 : i32
      %slice3A_321 = vector.extract_strided_slice %get3A_41 {offsets = [14], sizes = [1], strides = [1]} : vector<16xi32> to vector<1xi32>
      %squeeze3A_322 = vector.extract %slice3A_321[0] : i32 from vector<1xi32>
      %mul3A_323 = arith.constant 128 : i32
      %mul3A_324 = arith.muli %squeeze3A_322, %mul3A_323 : i32
      %multiple_of3A_325 = tpu.assume_multiple %mul3A_324, 128 : i32
      %dma_start3A_326 = arith.constant 0 : i32
      %dma_start3A_327 = tpu.memref_slice %arg7[%dma_start3A_326, %multiple_of3A_325] : memref<64x1000001xf32, #tpu.memory_space<hbm>> -> memref<64x128xf32, #tpu.memory_space<hbm>>
      %dma_start3A_328 = arith.constant 0 : i32
      %dma_start3A_329 = tpu.memref_slice %arg7[%dma_start3A_328, %multiple_of3A_325] : memref<64x1000001xf32, #tpu.memory_space<hbm>> -> memref<64x128xf32, #tpu.memory_space<hbm>>
      tpu.enqueue_dma source(%dma_start3A_329 : memref<64x128xf32, #tpu.memory_space<hbm>>) target(%arg16 : memref<64x128xf32, #tpu.memory_space<vmem>>) target_semaphore(%arg23 : memref<!tpu.dma_semaphore, #tpu.memory_space<semaphore_mem>>)
      %dma_wait3A_330 = arith.constant 0 : i32
      %dma_wait3A_331 = tpu.memref_slice %arg7[%dma_wait3A_330, %multiple_of3A_195] : memref<64x1000001xf32, #tpu.memory_space<hbm>> -> memref<64x128xf32, #tpu.memory_space<hbm>>
      %dma_wait3A_332 = arith.constant 0 : i32
      %dma_wait3A_333 = tpu.memref_slice %arg7[%dma_wait3A_332, %multiple_of3A_195] : memref<64x1000001xf32, #tpu.memory_space<hbm>> -> memref<64x128xf32, #tpu.memory_space<hbm>>
      tpu.wait_dma2 semaphore(%arg24 : memref<!tpu.dma_semaphore, #tpu.memory_space<semaphore_mem>>) src(%dma_wait3A_333 : memref<64x128xf32, #tpu.memory_space<hbm>>) dst(%arg17 : memref<64x128xf32, #tpu.memory_space<vmem>>)
      %slice3A_334 = vector.extract_strided_slice %get3A_43 {offsets = [9], sizes = [1], strides = [1]} : vector<16xi32> to vector<1xi32>
      %squeeze3A_335 = vector.extract %slice3A_334[0] : i32 from vector<1xi32>
      %while3A_336 = arith.constant 0 : i32
      %while3A_337 = arith.constant 0 : i32
      %while3A_338 = arith.subi %squeeze3A_335, %while3A_337 : i32
      %while3A_339 = arith.addi %while3A_337, %while3A_338 : i32
      %while3A_340 = arith.constant 1 : i32
      %while3A_341 = arith.divsi %while3A_338, %while3A_340 : i32
      %while3A_342 = arith.muli %while3A_341, %while3A_340 : i32
      %while3A_343 = arith.addi %while3A_337, %while3A_342 : i32
      %while3A_344 = arith.constant 1 : i32
      scf.for %while3A_458 = %while3A_337 to %while3A_343 step %while3A_344  : i32 {
        %add3A_459 = arith.addi %add3A_320, %while3A_458 : i32
        %get3A_460 = arith.index_cast %add3A_459 : i32 to index
        %get3A_461 = tpu.vector_load %arg11[%get3A_460] {strides = array<i32>} : memref<528xi32, #tpu.memory_space<vmem>>, vector<16xi32>,
        %slice3A_462 = vector.extract_strided_slice %get3A_461 {offsets = [0], sizes = [1], strides = [1]} : vector<16xi32> to vector<1xi32>
        %squeeze3A_463 = vector.extract %slice3A_462[0] : i32 from vector<1xi32>
        %get3A_464 = arith.index_cast %add3A_459 : i32 to index
        %get3A_465 = tpu.vector_load %arg12[%get3A_464] {strides = array<i32>} : memref<528xi32, #tpu.memory_space<vmem>>, vector<16xi32>,
        %slice3A_466 = vector.extract_strided_slice %get3A_465 {offsets = [0], sizes = [1], strides = [1]} : vector<16xi32> to vector<1xi32>
        %squeeze3A_467 = vector.extract %slice3A_466[0] : i32 from vector<1xi32>
        %broadcast_in_dim3A = vector.broadcast %squeeze3A_463 : i32 to vector<16xi32>
        %broadcast_in_dim3A_468 = vector.broadcast %add3A_459 : i32 to vector<16xi32>
        %add3A_469 = arith.constant 0 : i32
        %add3A_470 = vector.broadcast %add3A_469 : i32 to vector<16xi32>
        %add3A_471 = arith.addi %iota3A, %add3A_470 : vector<16xi32>
        %gather3A = tpu.vector_load_idx %arg17[%add3A_471, %broadcast_in_dim3A] : memref<64x128xf32, #tpu.memory_space<vmem>>[vector<16xi32>, vector<16xi32>], vector<16xf32>,
        tpu.vector_store_idx %arg20[%broadcast_in_dim3A_468, %add3A_471], %gather3A : memref<512x64xf32, #tpu.memory_space<vmem>>[vector<16xi32>, vector<16xi32>], vector<16xf32>,
        %add3A_472 = arith.constant 16 : i32
        %add3A_473 = vector.broadcast %add3A_472 : i32 to vector<16xi32>
        %add3A_474 = arith.addi %iota3A, %add3A_473 : vector<16xi32>
        %gather3A_475 = tpu.vector_load_idx %arg17[%add3A_474, %broadcast_in_dim3A] : memref<64x128xf32, #tpu.memory_space<vmem>>[vector<16xi32>, vector<16xi32>], vector<16xf32>,
        tpu.vector_store_idx %arg20[%broadcast_in_dim3A_468, %add3A_474], %gather3A_475 : memref<512x64xf32, #tpu.memory_space<vmem>>[vector<16xi32>, vector<16xi32>], vector<16xf32>,
        %add3A_476 = arith.constant 32 : i32
        %add3A_477 = vector.broadcast %add3A_476 : i32 to vector<16xi32>
        %add3A_478 = arith.addi %iota3A, %add3A_477 : vector<16xi32>
        %gather3A_479 = tpu.vector_load_idx %arg17[%add3A_478, %broadcast_in_dim3A] : memref<64x128xf32, #tpu.memory_space<vmem>>[vector<16xi32>, vector<16xi32>], vector<16xf32>,
        tpu.vector_store_idx %arg20[%broadcast_in_dim3A_468, %add3A_478], %gather3A_479 : memref<512x64xf32, #tpu.memory_space<vmem>>[vector<16xi32>, vector<16xi32>], vector<16xf32>,
        %add3A_480 = arith.constant 48 : i32
        %add3A_481 = vector.broadcast %add3A_480 : i32 to vector<16xi32>
        %add3A_482 = arith.addi %iota3A, %add3A_481 : vector<16xi32>
        %gather3A_483 = tpu.vector_load_idx %arg17[%add3A_482, %broadcast_in_dim3A] : memref<64x128xf32, #tpu.memory_space<vmem>>[vector<16xi32>, vector<16xi32>], vector<16xf32>,
        tpu.vector_store_idx %arg20[%broadcast_in_dim3A_468, %add3A_482], %gather3A_483 : memref<512x64xf32, #tpu.memory_space<vmem>>[vector<16xi32>, vector<16xi32>], vector<16xf32>,
        %dma_start3A_484 = arith.constant 0 : i32
        %dma_start3A_485 = tpu.memref_slice %arg20[%add3A_459, %dma_start3A_484] : memref<512x64xf32, #tpu.memory_space<vmem>> -> memref<1x64xf32, #tpu.memory_space<vmem>>
        %dma_start3A_486 = arith.constant 0 : i32
        %dma_start3A_487 = tpu.memref_slice %arg8[%squeeze3A_467, %dma_start3A_486] : memref<16384x64xf32, #tpu.memory_space<hbm>> -> memref<1x64xf32, #tpu.memory_space<hbm>>
        %dma_start3A_488 = arith.constant 0 : i32
        %dma_start3A_489 = tpu.memref_slice %arg8[%squeeze3A_467, %dma_start3A_488] : memref<16384x64xf32, #tpu.memory_space<hbm>> -> memref<1x64xf32, #tpu.memory_space<hbm>>
        %dma_start3A_490 = arith.constant 0 : i32
        %dma_start3A_491 = tpu.memref_slice %arg20[%add3A_459, %dma_start3A_490] : memref<512x64xf32, #tpu.memory_space<vmem>> -> memref<1x64xf32, #tpu.memory_space<vmem>>
        tpu.enqueue_dma source(%dma_start3A_491 : memref<1x64xf32, #tpu.memory_space<vmem>>) target(%dma_start3A_489 : memref<1x64xf32, #tpu.memory_space<hbm>>) target_semaphore(%arg27 : memref<!tpu.dma_semaphore, #tpu.memory_space<semaphore_mem>>)
      }
      %while3A_345 = arith.constant 1 : i32
      scf.for %while3A_458 = %while3A_343 to %while3A_339 step %while3A_345  : i32 {
        %add3A_459 = arith.addi %add3A_320, %while3A_458 : i32
        %get3A_460 = arith.index_cast %add3A_459 : i32 to index
        %get3A_461 = tpu.vector_load %arg11[%get3A_460] {strides = array<i32>} : memref<528xi32, #tpu.memory_space<vmem>>, vector<16xi32>,
        %slice3A_462 = vector.extract_strided_slice %get3A_461 {offsets = [0], sizes = [1], strides = [1]} : vector<16xi32> to vector<1xi32>
        %squeeze3A_463 = vector.extract %slice3A_462[0] : i32 from vector<1xi32>
        %get3A_464 = arith.index_cast %add3A_459 : i32 to index
        %get3A_465 = tpu.vector_load %arg12[%get3A_464] {strides = array<i32>} : memref<528xi32, #tpu.memory_space<vmem>>, vector<16xi32>,
        %slice3A_466 = vector.extract_strided_slice %get3A_465 {offsets = [0], sizes = [1], strides = [1]} : vector<16xi32> to vector<1xi32>
        %squeeze3A_467 = vector.extract %slice3A_466[0] : i32 from vector<1xi32>
        %broadcast_in_dim3A = vector.broadcast %squeeze3A_463 : i32 to vector<16xi32>
        %broadcast_in_dim3A_468 = vector.broadcast %add3A_459 : i32 to vector<16xi32>
        %add3A_469 = arith.constant 0 : i32
        %add3A_470 = vector.broadcast %add3A_469 : i32 to vector<16xi32>
        %add3A_471 = arith.addi %iota3A, %add3A_470 : vector<16xi32>
        %gather3A = tpu.vector_load_idx %arg17[%add3A_471, %broadcast_in_dim3A] : memref<64x128xf32, #tpu.memory_space<vmem>>[vector<16xi32>, vector<16xi32>], vector<16xf32>,
        tpu.vector_store_idx %arg20[%broadcast_in_dim3A_468, %add3A_471], %gather3A : memref<512x64xf32, #tpu.memory_space<vmem>>[vector<16xi32>, vector<16xi32>], vector<16xf32>,
        %add3A_472 = arith.constant 16 : i32
        %add3A_473 = vector.broadcast %add3A_472 : i32 to vector<16xi32>
        %add3A_474 = arith.addi %iota3A, %add3A_473 : vector<16xi32>
        %gather3A_475 = tpu.vector_load_idx %arg17[%add3A_474, %broadcast_in_dim3A] : memref<64x128xf32, #tpu.memory_space<vmem>>[vector<16xi32>, vector<16xi32>], vector<16xf32>,
        tpu.vector_store_idx %arg20[%broadcast_in_dim3A_468, %add3A_474], %gather3A_475 : memref<512x64xf32, #tpu.memory_space<vmem>>[vector<16xi32>, vector<16xi32>], vector<16xf32>,
        %add3A_476 = arith.constant 32 : i32
        %add3A_477 = vector.broadcast %add3A_476 : i32 to vector<16xi32>
        %add3A_478 = arith.addi %iota3A, %add3A_477 : vector<16xi32>
        %gather3A_479 = tpu.vector_load_idx %arg17[%add3A_478, %broadcast_in_dim3A] : memref<64x128xf32, #tpu.memory_space<vmem>>[vector<16xi32>, vector<16xi32>], vector<16xf32>,
        tpu.vector_store_idx %arg20[%broadcast_in_dim3A_468, %add3A_478], %gather3A_479 : memref<512x64xf32, #tpu.memory_space<vmem>>[vector<16xi32>, vector<16xi32>], vector<16xf32>,
        %add3A_480 = arith.constant 48 : i32
        %add3A_481 = vector.broadcast %add3A_480 : i32 to vector<16xi32>
        %add3A_482 = arith.addi %iota3A, %add3A_481 : vector<16xi32>
        %gather3A_483 = tpu.vector_load_idx %arg17[%add3A_482, %broadcast_in_dim3A] : memref<64x128xf32, #tpu.memory_space<vmem>>[vector<16xi32>, vector<16xi32>], vector<16xf32>,
        tpu.vector_store_idx %arg20[%broadcast_in_dim3A_468, %add3A_482], %gather3A_483 : memref<512x64xf32, #tpu.memory_space<vmem>>[vector<16xi32>, vector<16xi32>], vector<16xf32>,
        %dma_start3A_484 = arith.constant 0 : i32
        %dma_start3A_485 = tpu.memref_slice %arg20[%add3A_459, %dma_start3A_484] : memref<512x64xf32, #tpu.memory_space<vmem>> -> memref<1x64xf32, #tpu.memory_space<vmem>>
        %dma_start3A_486 = arith.constant 0 : i32
        %dma_start3A_487 = tpu.memref_slice %arg8[%squeeze3A_467, %dma_start3A_486] : memref<16384x64xf32, #tpu.memory_space<hbm>> -> memref<1x64xf32, #tpu.memory_space<hbm>>
        %dma_start3A_488 = arith.constant 0 : i32
        %dma_start3A_489 = tpu.memref_slice %arg8[%squeeze3A_467, %dma_start3A_488] : memref<16384x64xf32, #tpu.memory_space<hbm>> -> memref<1x64xf32, #tpu.memory_space<hbm>>
        %dma_start3A_490 = arith.constant 0 : i32
        %dma_start3A_491 = tpu.memref_slice %arg20[%add3A_459, %dma_start3A_490] : memref<512x64xf32, #tpu.memory_space<vmem>> -> memref<1x64xf32, #tpu.memory_space<vmem>>
        tpu.enqueue_dma source(%dma_start3A_491 : memref<1x64xf32, #tpu.memory_space<vmem>>) target(%dma_start3A_489 : memref<1x64xf32, #tpu.memory_space<hbm>>) target_semaphore(%arg27 : memref<!tpu.dma_semaphore, #tpu.memory_space<semaphore_mem>>)
      }
      %add3A_346 = arith.addi %add3A_320, %squeeze3A_335 : i32
      %slice3A_347 = vector.extract_strided_slice %get3A_41 {offsets = [15], sizes = [1], strides = [1]} : vector<16xi32> to vector<1xi32>
      %squeeze3A_348 = vector.extract %slice3A_347[0] : i32 from vector<1xi32>
      %mul3A_349 = arith.constant 128 : i32
      %mul3A_350 = arith.muli %squeeze3A_348, %mul3A_349 : i32
      %multiple_of3A_351 = tpu.assume_multiple %mul3A_350, 128 : i32
      %dma_start3A_352 = arith.constant 0 : i32
      %dma_start3A_353 = tpu.memref_slice %arg7[%dma_start3A_352, %multiple_of3A_351] : memref<64x1000001xf32, #tpu.memory_space<hbm>> -> memref<64x128xf32, #tpu.memory_space<hbm>>
      %dma_start3A_354 = arith.constant 0 : i32
      %dma_start3A_355 = tpu.memref_slice %arg7[%dma_start3A_354, %multiple_of3A_351] : memref<64x1000001xf32, #tpu.memory_space<hbm>> -> memref<64x128xf32, #tpu.memory_space<hbm>>
      tpu.enqueue_dma source(%dma_start3A_355 : memref<64x128xf32, #tpu.memory_space<hbm>>) target(%arg17 : memref<64x128xf32, #tpu.memory_space<vmem>>) target_semaphore(%arg24 : memref<!tpu.dma_semaphore, #tpu.memory_space<semaphore_mem>>)
      %dma_wait3A_356 = arith.constant 0 : i32
      %dma_wait3A_357 = tpu.memref_slice %arg7[%dma_wait3A_356, %multiple_of3A_221] : memref<64x1000001xf32, #tpu.memory_space<hbm>> -> memref<64x128xf32, #tpu.memory_space<hbm>>
      %dma_wait3A_358 = arith.constant 0 : i32
      %dma_wait3A_359 = tpu.memref_slice %arg7[%dma_wait3A_358, %multiple_of3A_221] : memref<64x1000001xf32, #tpu.memory_space<hbm>> -> memref<64x128xf32, #tpu.memory_space<hbm>>
      tpu.wait_dma2 semaphore(%arg25 : memref<!tpu.dma_semaphore, #tpu.memory_space<semaphore_mem>>) src(%dma_wait3A_359 : memref<64x128xf32, #tpu.memory_space<hbm>>) dst(%arg18 : memref<64x128xf32, #tpu.memory_space<vmem>>)
      %slice3A_360 = vector.extract_strided_slice %get3A_43 {offsets = [10], sizes = [1], strides = [1]} : vector<16xi32> to vector<1xi32>
      %squeeze3A_361 = vector.extract %slice3A_360[0] : i32 from vector<1xi32>
      %while3A_362 = arith.constant 0 : i32
      %while3A_363 = arith.constant 0 : i32
      %while3A_364 = arith.subi %squeeze3A_361, %while3A_363 : i32
      %while3A_365 = arith.addi %while3A_363, %while3A_364 : i32
      %while3A_366 = arith.constant 1 : i32
      %while3A_367 = arith.divsi %while3A_364, %while3A_366 : i32
      %while3A_368 = arith.muli %while3A_367, %while3A_366 : i32
      %while3A_369 = arith.addi %while3A_363, %while3A_368 : i32
      %while3A_370 = arith.constant 1 : i32
      scf.for %while3A_458 = %while3A_363 to %while3A_369 step %while3A_370  : i32 {
        %add3A_459 = arith.addi %add3A_346, %while3A_458 : i32
        %get3A_460 = arith.index_cast %add3A_459 : i32 to index
        %get3A_461 = tpu.vector_load %arg11[%get3A_460] {strides = array<i32>} : memref<528xi32, #tpu.memory_space<vmem>>, vector<16xi32>,
        %slice3A_462 = vector.extract_strided_slice %get3A_461 {offsets = [0], sizes = [1], strides = [1]} : vector<16xi32> to vector<1xi32>
        %squeeze3A_463 = vector.extract %slice3A_462[0] : i32 from vector<1xi32>
        %get3A_464 = arith.index_cast %add3A_459 : i32 to index
        %get3A_465 = tpu.vector_load %arg12[%get3A_464] {strides = array<i32>} : memref<528xi32, #tpu.memory_space<vmem>>, vector<16xi32>,
        %slice3A_466 = vector.extract_strided_slice %get3A_465 {offsets = [0], sizes = [1], strides = [1]} : vector<16xi32> to vector<1xi32>
        %squeeze3A_467 = vector.extract %slice3A_466[0] : i32 from vector<1xi32>
        %broadcast_in_dim3A = vector.broadcast %squeeze3A_463 : i32 to vector<16xi32>
        %broadcast_in_dim3A_468 = vector.broadcast %add3A_459 : i32 to vector<16xi32>
        %add3A_469 = arith.constant 0 : i32
        %add3A_470 = vector.broadcast %add3A_469 : i32 to vector<16xi32>
        %add3A_471 = arith.addi %iota3A, %add3A_470 : vector<16xi32>
        %gather3A = tpu.vector_load_idx %arg18[%add3A_471, %broadcast_in_dim3A] : memref<64x128xf32, #tpu.memory_space<vmem>>[vector<16xi32>, vector<16xi32>], vector<16xf32>,
        tpu.vector_store_idx %arg20[%broadcast_in_dim3A_468, %add3A_471], %gather3A : memref<512x64xf32, #tpu.memory_space<vmem>>[vector<16xi32>, vector<16xi32>], vector<16xf32>,
        %add3A_472 = arith.constant 16 : i32
        %add3A_473 = vector.broadcast %add3A_472 : i32 to vector<16xi32>
        %add3A_474 = arith.addi %iota3A, %add3A_473 : vector<16xi32>
        %gather3A_475 = tpu.vector_load_idx %arg18[%add3A_474, %broadcast_in_dim3A] : memref<64x128xf32, #tpu.memory_space<vmem>>[vector<16xi32>, vector<16xi32>], vector<16xf32>,
        tpu.vector_store_idx %arg20[%broadcast_in_dim3A_468, %add3A_474], %gather3A_475 : memref<512x64xf32, #tpu.memory_space<vmem>>[vector<16xi32>, vector<16xi32>], vector<16xf32>,
        %add3A_476 = arith.constant 32 : i32
        %add3A_477 = vector.broadcast %add3A_476 : i32 to vector<16xi32>
        %add3A_478 = arith.addi %iota3A, %add3A_477 : vector<16xi32>
        %gather3A_479 = tpu.vector_load_idx %arg18[%add3A_478, %broadcast_in_dim3A] : memref<64x128xf32, #tpu.memory_space<vmem>>[vector<16xi32>, vector<16xi32>], vector<16xf32>,
        tpu.vector_store_idx %arg20[%broadcast_in_dim3A_468, %add3A_478], %gather3A_479 : memref<512x64xf32, #tpu.memory_space<vmem>>[vector<16xi32>, vector<16xi32>], vector<16xf32>,
        %add3A_480 = arith.constant 48 : i32
        %add3A_481 = vector.broadcast %add3A_480 : i32 to vector<16xi32>
        %add3A_482 = arith.addi %iota3A, %add3A_481 : vector<16xi32>
        %gather3A_483 = tpu.vector_load_idx %arg18[%add3A_482, %broadcast_in_dim3A] : memref<64x128xf32, #tpu.memory_space<vmem>>[vector<16xi32>, vector<16xi32>], vector<16xf32>,
        tpu.vector_store_idx %arg20[%broadcast_in_dim3A_468, %add3A_482], %gather3A_483 : memref<512x64xf32, #tpu.memory_space<vmem>>[vector<16xi32>, vector<16xi32>], vector<16xf32>,
        %dma_start3A_484 = arith.constant 0 : i32
        %dma_start3A_485 = tpu.memref_slice %arg20[%add3A_459, %dma_start3A_484] : memref<512x64xf32, #tpu.memory_space<vmem>> -> memref<1x64xf32, #tpu.memory_space<vmem>>
        %dma_start3A_486 = arith.constant 0 : i32
        %dma_start3A_487 = tpu.memref_slice %arg8[%squeeze3A_467, %dma_start3A_486] : memref<16384x64xf32, #tpu.memory_space<hbm>> -> memref<1x64xf32, #tpu.memory_space<hbm>>
        %dma_start3A_488 = arith.constant 0 : i32
        %dma_start3A_489 = tpu.memref_slice %arg8[%squeeze3A_467, %dma_start3A_488] : memref<16384x64xf32, #tpu.memory_space<hbm>> -> memref<1x64xf32, #tpu.memory_space<hbm>>
        %dma_start3A_490 = arith.constant 0 : i32
        %dma_start3A_491 = tpu.memref_slice %arg20[%add3A_459, %dma_start3A_490] : memref<512x64xf32, #tpu.memory_space<vmem>> -> memref<1x64xf32, #tpu.memory_space<vmem>>
        tpu.enqueue_dma source(%dma_start3A_491 : memref<1x64xf32, #tpu.memory_space<vmem>>) target(%dma_start3A_489 : memref<1x64xf32, #tpu.memory_space<hbm>>) target_semaphore(%arg27 : memref<!tpu.dma_semaphore, #tpu.memory_space<semaphore_mem>>)
      }
      %while3A_371 = arith.constant 1 : i32
      scf.for %while3A_458 = %while3A_369 to %while3A_365 step %while3A_371  : i32 {
        %add3A_459 = arith.addi %add3A_346, %while3A_458 : i32
        %get3A_460 = arith.index_cast %add3A_459 : i32 to index
        %get3A_461 = tpu.vector_load %arg11[%get3A_460] {strides = array<i32>} : memref<528xi32, #tpu.memory_space<vmem>>, vector<16xi32>,
        %slice3A_462 = vector.extract_strided_slice %get3A_461 {offsets = [0], sizes = [1], strides = [1]} : vector<16xi32> to vector<1xi32>
        %squeeze3A_463 = vector.extract %slice3A_462[0] : i32 from vector<1xi32>
        %get3A_464 = arith.index_cast %add3A_459 : i32 to index
        %get3A_465 = tpu.vector_load %arg12[%get3A_464] {strides = array<i32>} : memref<528xi32, #tpu.memory_space<vmem>>, vector<16xi32>,
        %slice3A_466 = vector.extract_strided_slice %get3A_465 {offsets = [0], sizes = [1], strides = [1]} : vector<16xi32> to vector<1xi32>
        %squeeze3A_467 = vector.extract %slice3A_466[0] : i32 from vector<1xi32>
        %broadcast_in_dim3A = vector.broadcast %squeeze3A_463 : i32 to vector<16xi32>
        %broadcast_in_dim3A_468 = vector.broadcast %add3A_459 : i32 to vector<16xi32>
        %add3A_469 = arith.constant 0 : i32
        %add3A_470 = vector.broadcast %add3A_469 : i32 to vector<16xi32>
        %add3A_471 = arith.addi %iota3A, %add3A_470 : vector<16xi32>
        %gather3A = tpu.vector_load_idx %arg18[%add3A_471, %broadcast_in_dim3A] : memref<64x128xf32, #tpu.memory_space<vmem>>[vector<16xi32>, vector<16xi32>], vector<16xf32>,
        tpu.vector_store_idx %arg20[%broadcast_in_dim3A_468, %add3A_471], %gather3A : memref<512x64xf32, #tpu.memory_space<vmem>>[vector<16xi32>, vector<16xi32>], vector<16xf32>,
        %add3A_472 = arith.constant 16 : i32
        %add3A_473 = vector.broadcast %add3A_472 : i32 to vector<16xi32>
        %add3A_474 = arith.addi %iota3A, %add3A_473 : vector<16xi32>
        %gather3A_475 = tpu.vector_load_idx %arg18[%add3A_474, %broadcast_in_dim3A] : memref<64x128xf32, #tpu.memory_space<vmem>>[vector<16xi32>, vector<16xi32>], vector<16xf32>,
        tpu.vector_store_idx %arg20[%broadcast_in_dim3A_468, %add3A_474], %gather3A_475 : memref<512x64xf32, #tpu.memory_space<vmem>>[vector<16xi32>, vector<16xi32>], vector<16xf32>,
        %add3A_476 = arith.constant 32 : i32
        %add3A_477 = vector.broadcast %add3A_476 : i32 to vector<16xi32>
        %add3A_478 = arith.addi %iota3A, %add3A_477 : vector<16xi32>
        %gather3A_479 = tpu.vector_load_idx %arg18[%add3A_478, %broadcast_in_dim3A] : memref<64x128xf32, #tpu.memory_space<vmem>>[vector<16xi32>, vector<16xi32>], vector<16xf32>,
        tpu.vector_store_idx %arg20[%broadcast_in_dim3A_468, %add3A_478], %gather3A_479 : memref<512x64xf32, #tpu.memory_space<vmem>>[vector<16xi32>, vector<16xi32>], vector<16xf32>,
        %add3A_480 = arith.constant 48 : i32
        %add3A_481 = vector.broadcast %add3A_480 : i32 to vector<16xi32>
        %add3A_482 = arith.addi %iota3A, %add3A_481 : vector<16xi32>
        %gather3A_483 = tpu.vector_load_idx %arg18[%add3A_482, %broadcast_in_dim3A] : memref<64x128xf32, #tpu.memory_space<vmem>>[vector<16xi32>, vector<16xi32>], vector<16xf32>,
        tpu.vector_store_idx %arg20[%broadcast_in_dim3A_468, %add3A_482], %gather3A_483 : memref<512x64xf32, #tpu.memory_space<vmem>>[vector<16xi32>, vector<16xi32>], vector<16xf32>,
        %dma_start3A_484 = arith.constant 0 : i32
        %dma_start3A_485 = tpu.memref_slice %arg20[%add3A_459, %dma_start3A_484] : memref<512x64xf32, #tpu.memory_space<vmem>> -> memref<1x64xf32, #tpu.memory_space<vmem>>
        %dma_start3A_486 = arith.constant 0 : i32
        %dma_start3A_487 = tpu.memref_slice %arg8[%squeeze3A_467, %dma_start3A_486] : memref<16384x64xf32, #tpu.memory_space<hbm>> -> memref<1x64xf32, #tpu.memory_space<hbm>>
        %dma_start3A_488 = arith.constant 0 : i32
        %dma_start3A_489 = tpu.memref_slice %arg8[%squeeze3A_467, %dma_start3A_488] : memref<16384x64xf32, #tpu.memory_space<hbm>> -> memref<1x64xf32, #tpu.memory_space<hbm>>
        %dma_start3A_490 = arith.constant 0 : i32
        %dma_start3A_491 = tpu.memref_slice %arg20[%add3A_459, %dma_start3A_490] : memref<512x64xf32, #tpu.memory_space<vmem>> -> memref<1x64xf32, #tpu.memory_space<vmem>>
        tpu.enqueue_dma source(%dma_start3A_491 : memref<1x64xf32, #tpu.memory_space<vmem>>) target(%dma_start3A_489 : memref<1x64xf32, #tpu.memory_space<hbm>>) target_semaphore(%arg27 : memref<!tpu.dma_semaphore, #tpu.memory_space<semaphore_mem>>)
      }
      %add3A_372 = arith.addi %add3A_346, %squeeze3A_361 : i32
      %dma_wait3A_373 = arith.constant 0 : i32
      %dma_wait3A_374 = tpu.memref_slice %arg7[%dma_wait3A_373, %multiple_of3A_247] : memref<64x1000001xf32, #tpu.memory_space<hbm>> -> memref<64x128xf32, #tpu.memory_space<hbm>>
      %dma_wait3A_375 = arith.constant 0 : i32
      %dma_wait3A_376 = tpu.memref_slice %arg7[%dma_wait3A_375, %multiple_of3A_247] : memref<64x1000001xf32, #tpu.memory_space<hbm>> -> memref<64x128xf32, #tpu.memory_space<hbm>>
      tpu.wait_dma2 semaphore(%arg26 : memref<!tpu.dma_semaphore, #tpu.memory_space<semaphore_mem>>) src(%dma_wait3A_376 : memref<64x128xf32, #tpu.memory_space<hbm>>) dst(%arg19 : memref<64x128xf32, #tpu.memory_space<vmem>>)
      %slice3A_377 = vector.extract_strided_slice %get3A_43 {offsets = [11], sizes = [1], strides = [1]} : vector<16xi32> to vector<1xi32>
      %squeeze3A_378 = vector.extract %slice3A_377[0] : i32 from vector<1xi32>
      %while3A_379 = arith.constant 0 : i32
      %while3A_380 = arith.constant 0 : i32
      %while3A_381 = arith.subi %squeeze3A_378, %while3A_380 : i32
      %while3A_382 = arith.addi %while3A_380, %while3A_381 : i32
      %while3A_383 = arith.constant 1 : i32
      %while3A_384 = arith.divsi %while3A_381, %while3A_383 : i32
      %while3A_385 = arith.muli %while3A_384, %while3A_383 : i32
      %while3A_386 = arith.addi %while3A_380, %while3A_385 : i32
      %while3A_387 = arith.constant 1 : i32
      scf.for %while3A_458 = %while3A_380 to %while3A_386 step %while3A_387  : i32 {
        %add3A_459 = arith.addi %add3A_372, %while3A_458 : i32
        %get3A_460 = arith.index_cast %add3A_459 : i32 to index
        %get3A_461 = tpu.vector_load %arg11[%get3A_460] {strides = array<i32>} : memref<528xi32, #tpu.memory_space<vmem>>, vector<16xi32>,
        %slice3A_462 = vector.extract_strided_slice %get3A_461 {offsets = [0], sizes = [1], strides = [1]} : vector<16xi32> to vector<1xi32>
        %squeeze3A_463 = vector.extract %slice3A_462[0] : i32 from vector<1xi32>
        %get3A_464 = arith.index_cast %add3A_459 : i32 to index
        %get3A_465 = tpu.vector_load %arg12[%get3A_464] {strides = array<i32>} : memref<528xi32, #tpu.memory_space<vmem>>, vector<16xi32>,
        %slice3A_466 = vector.extract_strided_slice %get3A_465 {offsets = [0], sizes = [1], strides = [1]} : vector<16xi32> to vector<1xi32>
        %squeeze3A_467 = vector.extract %slice3A_466[0] : i32 from vector<1xi32>
        %broadcast_in_dim3A = vector.broadcast %squeeze3A_463 : i32 to vector<16xi32>
        %broadcast_in_dim3A_468 = vector.broadcast %add3A_459 : i32 to vector<16xi32>
        %add3A_469 = arith.constant 0 : i32
        %add3A_470 = vector.broadcast %add3A_469 : i32 to vector<16xi32>
        %add3A_471 = arith.addi %iota3A, %add3A_470 : vector<16xi32>
        %gather3A = tpu.vector_load_idx %arg19[%add3A_471, %broadcast_in_dim3A] : memref<64x128xf32, #tpu.memory_space<vmem>>[vector<16xi32>, vector<16xi32>], vector<16xf32>,
        tpu.vector_store_idx %arg20[%broadcast_in_dim3A_468, %add3A_471], %gather3A : memref<512x64xf32, #tpu.memory_space<vmem>>[vector<16xi32>, vector<16xi32>], vector<16xf32>,
        %add3A_472 = arith.constant 16 : i32
        %add3A_473 = vector.broadcast %add3A_472 : i32 to vector<16xi32>
        %add3A_474 = arith.addi %iota3A, %add3A_473 : vector<16xi32>
        %gather3A_475 = tpu.vector_load_idx %arg19[%add3A_474, %broadcast_in_dim3A] : memref<64x128xf32, #tpu.memory_space<vmem>>[vector<16xi32>, vector<16xi32>], vector<16xf32>,
        tpu.vector_store_idx %arg20[%broadcast_in_dim3A_468, %add3A_474], %gather3A_475 : memref<512x64xf32, #tpu.memory_space<vmem>>[vector<16xi32>, vector<16xi32>], vector<16xf32>,
        %add3A_476 = arith.constant 32 : i32
        %add3A_477 = vector.broadcast %add3A_476 : i32 to vector<16xi32>
        %add3A_478 = arith.addi %iota3A, %add3A_477 : vector<16xi32>
        %gather3A_479 = tpu.vector_load_idx %arg19[%add3A_478, %broadcast_in_dim3A] : memref<64x128xf32, #tpu.memory_space<vmem>>[vector<16xi32>, vector<16xi32>], vector<16xf32>,
        tpu.vector_store_idx %arg20[%broadcast_in_dim3A_468, %add3A_478], %gather3A_479 : memref<512x64xf32, #tpu.memory_space<vmem>>[vector<16xi32>, vector<16xi32>], vector<16xf32>,
        %add3A_480 = arith.constant 48 : i32
        %add3A_481 = vector.broadcast %add3A_480 : i32 to vector<16xi32>
        %add3A_482 = arith.addi %iota3A, %add3A_481 : vector<16xi32>
        %gather3A_483 = tpu.vector_load_idx %arg19[%add3A_482, %broadcast_in_dim3A] : memref<64x128xf32, #tpu.memory_space<vmem>>[vector<16xi32>, vector<16xi32>], vector<16xf32>,
        tpu.vector_store_idx %arg20[%broadcast_in_dim3A_468, %add3A_482], %gather3A_483 : memref<512x64xf32, #tpu.memory_space<vmem>>[vector<16xi32>, vector<16xi32>], vector<16xf32>,
        %dma_start3A_484 = arith.constant 0 : i32
        %dma_start3A_485 = tpu.memref_slice %arg20[%add3A_459, %dma_start3A_484] : memref<512x64xf32, #tpu.memory_space<vmem>> -> memref<1x64xf32, #tpu.memory_space<vmem>>
        %dma_start3A_486 = arith.constant 0 : i32
        %dma_start3A_487 = tpu.memref_slice %arg8[%squeeze3A_467, %dma_start3A_486] : memref<16384x64xf32, #tpu.memory_space<hbm>> -> memref<1x64xf32, #tpu.memory_space<hbm>>
        %dma_start3A_488 = arith.constant 0 : i32
        %dma_start3A_489 = tpu.memref_slice %arg8[%squeeze3A_467, %dma_start3A_488] : memref<16384x64xf32, #tpu.memory_space<hbm>> -> memref<1x64xf32, #tpu.memory_space<hbm>>
        %dma_start3A_490 = arith.constant 0 : i32
        %dma_start3A_491 = tpu.memref_slice %arg20[%add3A_459, %dma_start3A_490] : memref<512x64xf32, #tpu.memory_space<vmem>> -> memref<1x64xf32, #tpu.memory_space<vmem>>
        tpu.enqueue_dma source(%dma_start3A_491 : memref<1x64xf32, #tpu.memory_space<vmem>>) target(%dma_start3A_489 : memref<1x64xf32, #tpu.memory_space<hbm>>) target_semaphore(%arg27 : memref<!tpu.dma_semaphore, #tpu.memory_space<semaphore_mem>>)
      }
      %while3A_388 = arith.constant 1 : i32
      scf.for %while3A_458 = %while3A_386 to %while3A_382 step %while3A_388  : i32 {
        %add3A_459 = arith.addi %add3A_372, %while3A_458 : i32
        %get3A_460 = arith.index_cast %add3A_459 : i32 to index
        %get3A_461 = tpu.vector_load %arg11[%get3A_460] {strides = array<i32>} : memref<528xi32, #tpu.memory_space<vmem>>, vector<16xi32>,
        %slice3A_462 = vector.extract_strided_slice %get3A_461 {offsets = [0], sizes = [1], strides = [1]} : vector<16xi32> to vector<1xi32>
        %squeeze3A_463 = vector.extract %slice3A_462[0] : i32 from vector<1xi32>
        %get3A_464 = arith.index_cast %add3A_459 : i32 to index
        %get3A_465 = tpu.vector_load %arg12[%get3A_464] {strides = array<i32>} : memref<528xi32, #tpu.memory_space<vmem>>, vector<16xi32>,
        %slice3A_466 = vector.extract_strided_slice %get3A_465 {offsets = [0], sizes = [1], strides = [1]} : vector<16xi32> to vector<1xi32>
        %squeeze3A_467 = vector.extract %slice3A_466[0] : i32 from vector<1xi32>
        %broadcast_in_dim3A = vector.broadcast %squeeze3A_463 : i32 to vector<16xi32>
        %broadcast_in_dim3A_468 = vector.broadcast %add3A_459 : i32 to vector<16xi32>
        %add3A_469 = arith.constant 0 : i32
        %add3A_470 = vector.broadcast %add3A_469 : i32 to vector<16xi32>
        %add3A_471 = arith.addi %iota3A, %add3A_470 : vector<16xi32>
        %gather3A = tpu.vector_load_idx %arg19[%add3A_471, %broadcast_in_dim3A] : memref<64x128xf32, #tpu.memory_space<vmem>>[vector<16xi32>, vector<16xi32>], vector<16xf32>,
        tpu.vector_store_idx %arg20[%broadcast_in_dim3A_468, %add3A_471], %gather3A : memref<512x64xf32, #tpu.memory_space<vmem>>[vector<16xi32>, vector<16xi32>], vector<16xf32>,
        %add3A_472 = arith.constant 16 : i32
        %add3A_473 = vector.broadcast %add3A_472 : i32 to vector<16xi32>
        %add3A_474 = arith.addi %iota3A, %add3A_473 : vector<16xi32>
        %gather3A_475 = tpu.vector_load_idx %arg19[%add3A_474, %broadcast_in_dim3A] : memref<64x128xf32, #tpu.memory_space<vmem>>[vector<16xi32>, vector<16xi32>], vector<16xf32>,
        tpu.vector_store_idx %arg20[%broadcast_in_dim3A_468, %add3A_474], %gather3A_475 : memref<512x64xf32, #tpu.memory_space<vmem>>[vector<16xi32>, vector<16xi32>], vector<16xf32>,
        %add3A_476 = arith.constant 32 : i32
        %add3A_477 = vector.broadcast %add3A_476 : i32 to vector<16xi32>
        %add3A_478 = arith.addi %iota3A, %add3A_477 : vector<16xi32>
        %gather3A_479 = tpu.vector_load_idx %arg19[%add3A_478, %broadcast_in_dim3A] : memref<64x128xf32, #tpu.memory_space<vmem>>[vector<16xi32>, vector<16xi32>], vector<16xf32>,
        tpu.vector_store_idx %arg20[%broadcast_in_dim3A_468, %add3A_478], %gather3A_479 : memref<512x64xf32, #tpu.memory_space<vmem>>[vector<16xi32>, vector<16xi32>], vector<16xf32>,
        %add3A_480 = arith.constant 48 : i32
        %add3A_481 = vector.broadcast %add3A_480 : i32 to vector<16xi32>
        %add3A_482 = arith.addi %iota3A, %add3A_481 : vector<16xi32>
        %gather3A_483 = tpu.vector_load_idx %arg19[%add3A_482, %broadcast_in_dim3A] : memref<64x128xf32, #tpu.memory_space<vmem>>[vector<16xi32>, vector<16xi32>], vector<16xf32>,
        tpu.vector_store_idx %arg20[%broadcast_in_dim3A_468, %add3A_482], %gather3A_483 : memref<512x64xf32, #tpu.memory_space<vmem>>[vector<16xi32>, vector<16xi32>], vector<16xf32>,
        %dma_start3A_484 = arith.constant 0 : i32
        %dma_start3A_485 = tpu.memref_slice %arg20[%add3A_459, %dma_start3A_484] : memref<512x64xf32, #tpu.memory_space<vmem>> -> memref<1x64xf32, #tpu.memory_space<vmem>>
        %dma_start3A_486 = arith.constant 0 : i32
        %dma_start3A_487 = tpu.memref_slice %arg8[%squeeze3A_467, %dma_start3A_486] : memref<16384x64xf32, #tpu.memory_space<hbm>> -> memref<1x64xf32, #tpu.memory_space<hbm>>
        %dma_start3A_488 = arith.constant 0 : i32
        %dma_start3A_489 = tpu.memref_slice %arg8[%squeeze3A_467, %dma_start3A_488] : memref<16384x64xf32, #tpu.memory_space<hbm>> -> memref<1x64xf32, #tpu.memory_space<hbm>>
        %dma_start3A_490 = arith.constant 0 : i32
        %dma_start3A_491 = tpu.memref_slice %arg20[%add3A_459, %dma_start3A_490] : memref<512x64xf32, #tpu.memory_space<vmem>> -> memref<1x64xf32, #tpu.memory_space<vmem>>
        tpu.enqueue_dma source(%dma_start3A_491 : memref<1x64xf32, #tpu.memory_space<vmem>>) target(%dma_start3A_489 : memref<1x64xf32, #tpu.memory_space<hbm>>) target_semaphore(%arg27 : memref<!tpu.dma_semaphore, #tpu.memory_space<semaphore_mem>>)
      }
      %add3A_389 = arith.addi %add3A_372, %squeeze3A_378 : i32
      %dma_wait3A_390 = arith.constant 0 : i32
      %dma_wait3A_391 = tpu.memref_slice %arg7[%dma_wait3A_390, %multiple_of3A_273] : memref<64x1000001xf32, #tpu.memory_space<hbm>> -> memref<64x128xf32, #tpu.memory_space<hbm>>
      %dma_wait3A_392 = arith.constant 0 : i32
      %dma_wait3A_393 = tpu.memref_slice %arg7[%dma_wait3A_392, %multiple_of3A_273] : memref<64x1000001xf32, #tpu.memory_space<hbm>> -> memref<64x128xf32, #tpu.memory_space<hbm>>
      tpu.wait_dma2 semaphore(%arg21 : memref<!tpu.dma_semaphore, #tpu.memory_space<semaphore_mem>>) src(%dma_wait3A_393 : memref<64x128xf32, #tpu.memory_space<hbm>>) dst(%arg14 : memref<64x128xf32, #tpu.memory_space<vmem>>)
      %slice3A_394 = vector.extract_strided_slice %get3A_43 {offsets = [12], sizes = [1], strides = [1]} : vector<16xi32> to vector<1xi32>
      %squeeze3A_395 = vector.extract %slice3A_394[0] : i32 from vector<1xi32>
      %while3A_396 = arith.constant 0 : i32
      %while3A_397 = arith.constant 0 : i32
      %while3A_398 = arith.subi %squeeze3A_395, %while3A_397 : i32
      %while3A_399 = arith.addi %while3A_397, %while3A_398 : i32
      %while3A_400 = arith.constant 1 : i32
      %while3A_401 = arith.divsi %while3A_398, %while3A_400 : i32
      %while3A_402 = arith.muli %while3A_401, %while3A_400 : i32
      %while3A_403 = arith.addi %while3A_397, %while3A_402 : i32
      %while3A_404 = arith.constant 1 : i32
      scf.for %while3A_458 = %while3A_397 to %while3A_403 step %while3A_404  : i32 {
        %add3A_459 = arith.addi %add3A_389, %while3A_458 : i32
        %get3A_460 = arith.index_cast %add3A_459 : i32 to index
        %get3A_461 = tpu.vector_load %arg11[%get3A_460] {strides = array<i32>} : memref<528xi32, #tpu.memory_space<vmem>>, vector<16xi32>,
        %slice3A_462 = vector.extract_strided_slice %get3A_461 {offsets = [0], sizes = [1], strides = [1]} : vector<16xi32> to vector<1xi32>
        %squeeze3A_463 = vector.extract %slice3A_462[0] : i32 from vector<1xi32>
        %get3A_464 = arith.index_cast %add3A_459 : i32 to index
        %get3A_465 = tpu.vector_load %arg12[%get3A_464] {strides = array<i32>} : memref<528xi32, #tpu.memory_space<vmem>>, vector<16xi32>,
        %slice3A_466 = vector.extract_strided_slice %get3A_465 {offsets = [0], sizes = [1], strides = [1]} : vector<16xi32> to vector<1xi32>
        %squeeze3A_467 = vector.extract %slice3A_466[0] : i32 from vector<1xi32>
        %broadcast_in_dim3A = vector.broadcast %squeeze3A_463 : i32 to vector<16xi32>
        %broadcast_in_dim3A_468 = vector.broadcast %add3A_459 : i32 to vector<16xi32>
        %add3A_469 = arith.constant 0 : i32
        %add3A_470 = vector.broadcast %add3A_469 : i32 to vector<16xi32>
        %add3A_471 = arith.addi %iota3A, %add3A_470 : vector<16xi32>
        %gather3A = tpu.vector_load_idx %arg14[%add3A_471, %broadcast_in_dim3A] : memref<64x128xf32, #tpu.memory_space<vmem>>[vector<16xi32>, vector<16xi32>], vector<16xf32>,
        tpu.vector_store_idx %arg20[%broadcast_in_dim3A_468, %add3A_471], %gather3A : memref<512x64xf32, #tpu.memory_space<vmem>>[vector<16xi32>, vector<16xi32>], vector<16xf32>,
        %add3A_472 = arith.constant 16 : i32
        %add3A_473 = vector.broadcast %add3A_472 : i32 to vector<16xi32>
        %add3A_474 = arith.addi %iota3A, %add3A_473 : vector<16xi32>
        %gather3A_475 = tpu.vector_load_idx %arg14[%add3A_474, %broadcast_in_dim3A] : memref<64x128xf32, #tpu.memory_space<vmem>>[vector<16xi32>, vector<16xi32>], vector<16xf32>,
        tpu.vector_store_idx %arg20[%broadcast_in_dim3A_468, %add3A_474], %gather3A_475 : memref<512x64xf32, #tpu.memory_space<vmem>>[vector<16xi32>, vector<16xi32>], vector<16xf32>,
        %add3A_476 = arith.constant 32 : i32
        %add3A_477 = vector.broadcast %add3A_476 : i32 to vector<16xi32>
        %add3A_478 = arith.addi %iota3A, %add3A_477 : vector<16xi32>
        %gather3A_479 = tpu.vector_load_idx %arg14[%add3A_478, %broadcast_in_dim3A] : memref<64x128xf32, #tpu.memory_space<vmem>>[vector<16xi32>, vector<16xi32>], vector<16xf32>,
        tpu.vector_store_idx %arg20[%broadcast_in_dim3A_468, %add3A_478], %gather3A_479 : memref<512x64xf32, #tpu.memory_space<vmem>>[vector<16xi32>, vector<16xi32>], vector<16xf32>,
        %add3A_480 = arith.constant 48 : i32
        %add3A_481 = vector.broadcast %add3A_480 : i32 to vector<16xi32>
        %add3A_482 = arith.addi %iota3A, %add3A_481 : vector<16xi32>
        %gather3A_483 = tpu.vector_load_idx %arg14[%add3A_482, %broadcast_in_dim3A] : memref<64x128xf32, #tpu.memory_space<vmem>>[vector<16xi32>, vector<16xi32>], vector<16xf32>,
        tpu.vector_store_idx %arg20[%broadcast_in_dim3A_468, %add3A_482], %gather3A_483 : memref<512x64xf32, #tpu.memory_space<vmem>>[vector<16xi32>, vector<16xi32>], vector<16xf32>,
        %dma_start3A_484 = arith.constant 0 : i32
        %dma_start3A_485 = tpu.memref_slice %arg20[%add3A_459, %dma_start3A_484] : memref<512x64xf32, #tpu.memory_space<vmem>> -> memref<1x64xf32, #tpu.memory_space<vmem>>
        %dma_start3A_486 = arith.constant 0 : i32
        %dma_start3A_487 = tpu.memref_slice %arg8[%squeeze3A_467, %dma_start3A_486] : memref<16384x64xf32, #tpu.memory_space<hbm>> -> memref<1x64xf32, #tpu.memory_space<hbm>>
        %dma_start3A_488 = arith.constant 0 : i32
        %dma_start3A_489 = tpu.memref_slice %arg8[%squeeze3A_467, %dma_start3A_488] : memref<16384x64xf32, #tpu.memory_space<hbm>> -> memref<1x64xf32, #tpu.memory_space<hbm>>
        %dma_start3A_490 = arith.constant 0 : i32
        %dma_start3A_491 = tpu.memref_slice %arg20[%add3A_459, %dma_start3A_490] : memref<512x64xf32, #tpu.memory_space<vmem>> -> memref<1x64xf32, #tpu.memory_space<vmem>>
        tpu.enqueue_dma source(%dma_start3A_491 : memref<1x64xf32, #tpu.memory_space<vmem>>) target(%dma_start3A_489 : memref<1x64xf32, #tpu.memory_space<hbm>>) target_semaphore(%arg27 : memref<!tpu.dma_semaphore, #tpu.memory_space<semaphore_mem>>)
      }
      %while3A_405 = arith.constant 1 : i32
      scf.for %while3A_458 = %while3A_403 to %while3A_399 step %while3A_405  : i32 {
        %add3A_459 = arith.addi %add3A_389, %while3A_458 : i32
        %get3A_460 = arith.index_cast %add3A_459 : i32 to index
        %get3A_461 = tpu.vector_load %arg11[%get3A_460] {strides = array<i32>} : memref<528xi32, #tpu.memory_space<vmem>>, vector<16xi32>,
        %slice3A_462 = vector.extract_strided_slice %get3A_461 {offsets = [0], sizes = [1], strides = [1]} : vector<16xi32> to vector<1xi32>
        %squeeze3A_463 = vector.extract %slice3A_462[0] : i32 from vector<1xi32>
        %get3A_464 = arith.index_cast %add3A_459 : i32 to index
        %get3A_465 = tpu.vector_load %arg12[%get3A_464] {strides = array<i32>} : memref<528xi32, #tpu.memory_space<vmem>>, vector<16xi32>,
        %slice3A_466 = vector.extract_strided_slice %get3A_465 {offsets = [0], sizes = [1], strides = [1]} : vector<16xi32> to vector<1xi32>
        %squeeze3A_467 = vector.extract %slice3A_466[0] : i32 from vector<1xi32>
        %broadcast_in_dim3A = vector.broadcast %squeeze3A_463 : i32 to vector<16xi32>
        %broadcast_in_dim3A_468 = vector.broadcast %add3A_459 : i32 to vector<16xi32>
        %add3A_469 = arith.constant 0 : i32
        %add3A_470 = vector.broadcast %add3A_469 : i32 to vector<16xi32>
        %add3A_471 = arith.addi %iota3A, %add3A_470 : vector<16xi32>
        %gather3A = tpu.vector_load_idx %arg14[%add3A_471, %broadcast_in_dim3A] : memref<64x128xf32, #tpu.memory_space<vmem>>[vector<16xi32>, vector<16xi32>], vector<16xf32>,
        tpu.vector_store_idx %arg20[%broadcast_in_dim3A_468, %add3A_471], %gather3A : memref<512x64xf32, #tpu.memory_space<vmem>>[vector<16xi32>, vector<16xi32>], vector<16xf32>,
        %add3A_472 = arith.constant 16 : i32
        %add3A_473 = vector.broadcast %add3A_472 : i32 to vector<16xi32>
        %add3A_474 = arith.addi %iota3A, %add3A_473 : vector<16xi32>
        %gather3A_475 = tpu.vector_load_idx %arg14[%add3A_474, %broadcast_in_dim3A] : memref<64x128xf32, #tpu.memory_space<vmem>>[vector<16xi32>, vector<16xi32>], vector<16xf32>,
        tpu.vector_store_idx %arg20[%broadcast_in_dim3A_468, %add3A_474], %gather3A_475 : memref<512x64xf32, #tpu.memory_space<vmem>>[vector<16xi32>, vector<16xi32>], vector<16xf32>,
        %add3A_476 = arith.constant 32 : i32
        %add3A_477 = vector.broadcast %add3A_476 : i32 to vector<16xi32>
        %add3A_478 = arith.addi %iota3A, %add3A_477 : vector<16xi32>
        %gather3A_479 = tpu.vector_load_idx %arg14[%add3A_478, %broadcast_in_dim3A] : memref<64x128xf32, #tpu.memory_space<vmem>>[vector<16xi32>, vector<16xi32>], vector<16xf32>,
        tpu.vector_store_idx %arg20[%broadcast_in_dim3A_468, %add3A_478], %gather3A_479 : memref<512x64xf32, #tpu.memory_space<vmem>>[vector<16xi32>, vector<16xi32>], vector<16xf32>,
        %add3A_480 = arith.constant 48 : i32
        %add3A_481 = vector.broadcast %add3A_480 : i32 to vector<16xi32>
        %add3A_482 = arith.addi %iota3A, %add3A_481 : vector<16xi32>
        %gather3A_483 = tpu.vector_load_idx %arg14[%add3A_482, %broadcast_in_dim3A] : memref<64x128xf32, #tpu.memory_space<vmem>>[vector<16xi32>, vector<16xi32>], vector<16xf32>,
        tpu.vector_store_idx %arg20[%broadcast_in_dim3A_468, %add3A_482], %gather3A_483 : memref<512x64xf32, #tpu.memory_space<vmem>>[vector<16xi32>, vector<16xi32>], vector<16xf32>,
        %dma_start3A_484 = arith.constant 0 : i32
        %dma_start3A_485 = tpu.memref_slice %arg20[%add3A_459, %dma_start3A_484] : memref<512x64xf32, #tpu.memory_space<vmem>> -> memref<1x64xf32, #tpu.memory_space<vmem>>
        %dma_start3A_486 = arith.constant 0 : i32
        %dma_start3A_487 = tpu.memref_slice %arg8[%squeeze3A_467, %dma_start3A_486] : memref<16384x64xf32, #tpu.memory_space<hbm>> -> memref<1x64xf32, #tpu.memory_space<hbm>>
        %dma_start3A_488 = arith.constant 0 : i32
        %dma_start3A_489 = tpu.memref_slice %arg8[%squeeze3A_467, %dma_start3A_488] : memref<16384x64xf32, #tpu.memory_space<hbm>> -> memref<1x64xf32, #tpu.memory_space<hbm>>
        %dma_start3A_490 = arith.constant 0 : i32
        %dma_start3A_491 = tpu.memref_slice %arg20[%add3A_459, %dma_start3A_490] : memref<512x64xf32, #tpu.memory_space<vmem>> -> memref<1x64xf32, #tpu.memory_space<vmem>>
        tpu.enqueue_dma source(%dma_start3A_491 : memref<1x64xf32, #tpu.memory_space<vmem>>) target(%dma_start3A_489 : memref<1x64xf32, #tpu.memory_space<hbm>>) target_semaphore(%arg27 : memref<!tpu.dma_semaphore, #tpu.memory_space<semaphore_mem>>)
      }
      %add3A_406 = arith.addi %add3A_389, %squeeze3A_395 : i32
      %dma_wait3A_407 = arith.constant 0 : i32
      %dma_wait3A_408 = tpu.memref_slice %arg7[%dma_wait3A_407, %multiple_of3A_299] : memref<64x1000001xf32, #tpu.memory_space<hbm>> -> memref<64x128xf32, #tpu.memory_space<hbm>>
      %dma_wait3A_409 = arith.constant 0 : i32
      %dma_wait3A_410 = tpu.memref_slice %arg7[%dma_wait3A_409, %multiple_of3A_299] : memref<64x1000001xf32, #tpu.memory_space<hbm>> -> memref<64x128xf32, #tpu.memory_space<hbm>>
      tpu.wait_dma2 semaphore(%arg22 : memref<!tpu.dma_semaphore, #tpu.memory_space<semaphore_mem>>) src(%dma_wait3A_410 : memref<64x128xf32, #tpu.memory_space<hbm>>) dst(%arg15 : memref<64x128xf32, #tpu.memory_space<vmem>>)
      %slice3A_411 = vector.extract_strided_slice %get3A_43 {offsets = [13], sizes = [1], strides = [1]} : vector<16xi32> to vector<1xi32>
      %squeeze3A_412 = vector.extract %slice3A_411[0] : i32 from vector<1xi32>
      %while3A_413 = arith.constant 0 : i32
      %while3A_414 = arith.constant 0 : i32
      %while3A_415 = arith.subi %squeeze3A_412, %while3A_414 : i32
      %while3A_416 = arith.addi %while3A_414, %while3A_415 : i32
      %while3A_417 = arith.constant 1 : i32
      %while3A_418 = arith.divsi %while3A_415, %while3A_417 : i32
      %while3A_419 = arith.muli %while3A_418, %while3A_417 : i32
      %while3A_420 = arith.addi %while3A_414, %while3A_419 : i32
      %while3A_421 = arith.constant 1 : i32
      scf.for %while3A_458 = %while3A_414 to %while3A_420 step %while3A_421  : i32 {
        %add3A_459 = arith.addi %add3A_406, %while3A_458 : i32
        %get3A_460 = arith.index_cast %add3A_459 : i32 to index
        %get3A_461 = tpu.vector_load %arg11[%get3A_460] {strides = array<i32>} : memref<528xi32, #tpu.memory_space<vmem>>, vector<16xi32>,
        %slice3A_462 = vector.extract_strided_slice %get3A_461 {offsets = [0], sizes = [1], strides = [1]} : vector<16xi32> to vector<1xi32>
        %squeeze3A_463 = vector.extract %slice3A_462[0] : i32 from vector<1xi32>
        %get3A_464 = arith.index_cast %add3A_459 : i32 to index
        %get3A_465 = tpu.vector_load %arg12[%get3A_464] {strides = array<i32>} : memref<528xi32, #tpu.memory_space<vmem>>, vector<16xi32>,
        %slice3A_466 = vector.extract_strided_slice %get3A_465 {offsets = [0], sizes = [1], strides = [1]} : vector<16xi32> to vector<1xi32>
        %squeeze3A_467 = vector.extract %slice3A_466[0] : i32 from vector<1xi32>
        %broadcast_in_dim3A = vector.broadcast %squeeze3A_463 : i32 to vector<16xi32>
        %broadcast_in_dim3A_468 = vector.broadcast %add3A_459 : i32 to vector<16xi32>
        %add3A_469 = arith.constant 0 : i32
        %add3A_470 = vector.broadcast %add3A_469 : i32 to vector<16xi32>
        %add3A_471 = arith.addi %iota3A, %add3A_470 : vector<16xi32>
        %gather3A = tpu.vector_load_idx %arg15[%add3A_471, %broadcast_in_dim3A] : memref<64x128xf32, #tpu.memory_space<vmem>>[vector<16xi32>, vector<16xi32>], vector<16xf32>,
        tpu.vector_store_idx %arg20[%broadcast_in_dim3A_468, %add3A_471], %gather3A : memref<512x64xf32, #tpu.memory_space<vmem>>[vector<16xi32>, vector<16xi32>], vector<16xf32>,
        %add3A_472 = arith.constant 16 : i32
        %add3A_473 = vector.broadcast %add3A_472 : i32 to vector<16xi32>
        %add3A_474 = arith.addi %iota3A, %add3A_473 : vector<16xi32>
        %gather3A_475 = tpu.vector_load_idx %arg15[%add3A_474, %broadcast_in_dim3A] : memref<64x128xf32, #tpu.memory_space<vmem>>[vector<16xi32>, vector<16xi32>], vector<16xf32>,
        tpu.vector_store_idx %arg20[%broadcast_in_dim3A_468, %add3A_474], %gather3A_475 : memref<512x64xf32, #tpu.memory_space<vmem>>[vector<16xi32>, vector<16xi32>], vector<16xf32>,
        %add3A_476 = arith.constant 32 : i32
        %add3A_477 = vector.broadcast %add3A_476 : i32 to vector<16xi32>
        %add3A_478 = arith.addi %iota3A, %add3A_477 : vector<16xi32>
        %gather3A_479 = tpu.vector_load_idx %arg15[%add3A_478, %broadcast_in_dim3A] : memref<64x128xf32, #tpu.memory_space<vmem>>[vector<16xi32>, vector<16xi32>], vector<16xf32>,
        tpu.vector_store_idx %arg20[%broadcast_in_dim3A_468, %add3A_478], %gather3A_479 : memref<512x64xf32, #tpu.memory_space<vmem>>[vector<16xi32>, vector<16xi32>], vector<16xf32>,
        %add3A_480 = arith.constant 48 : i32
        %add3A_481 = vector.broadcast %add3A_480 : i32 to vector<16xi32>
        %add3A_482 = arith.addi %iota3A, %add3A_481 : vector<16xi32>
        %gather3A_483 = tpu.vector_load_idx %arg15[%add3A_482, %broadcast_in_dim3A] : memref<64x128xf32, #tpu.memory_space<vmem>>[vector<16xi32>, vector<16xi32>], vector<16xf32>,
        tpu.vector_store_idx %arg20[%broadcast_in_dim3A_468, %add3A_482], %gather3A_483 : memref<512x64xf32, #tpu.memory_space<vmem>>[vector<16xi32>, vector<16xi32>], vector<16xf32>,
        %dma_start3A_484 = arith.constant 0 : i32
        %dma_start3A_485 = tpu.memref_slice %arg20[%add3A_459, %dma_start3A_484] : memref<512x64xf32, #tpu.memory_space<vmem>> -> memref<1x64xf32, #tpu.memory_space<vmem>>
        %dma_start3A_486 = arith.constant 0 : i32
        %dma_start3A_487 = tpu.memref_slice %arg8[%squeeze3A_467, %dma_start3A_486] : memref<16384x64xf32, #tpu.memory_space<hbm>> -> memref<1x64xf32, #tpu.memory_space<hbm>>
        %dma_start3A_488 = arith.constant 0 : i32
        %dma_start3A_489 = tpu.memref_slice %arg8[%squeeze3A_467, %dma_start3A_488] : memref<16384x64xf32, #tpu.memory_space<hbm>> -> memref<1x64xf32, #tpu.memory_space<hbm>>
        %dma_start3A_490 = arith.constant 0 : i32
        %dma_start3A_491 = tpu.memref_slice %arg20[%add3A_459, %dma_start3A_490] : memref<512x64xf32, #tpu.memory_space<vmem>> -> memref<1x64xf32, #tpu.memory_space<vmem>>
        tpu.enqueue_dma source(%dma_start3A_491 : memref<1x64xf32, #tpu.memory_space<vmem>>) target(%dma_start3A_489 : memref<1x64xf32, #tpu.memory_space<hbm>>) target_semaphore(%arg27 : memref<!tpu.dma_semaphore, #tpu.memory_space<semaphore_mem>>)
      }
      %while3A_422 = arith.constant 1 : i32
      scf.for %while3A_458 = %while3A_420 to %while3A_416 step %while3A_422  : i32 {
        %add3A_459 = arith.addi %add3A_406, %while3A_458 : i32
        %get3A_460 = arith.index_cast %add3A_459 : i32 to index
        %get3A_461 = tpu.vector_load %arg11[%get3A_460] {strides = array<i32>} : memref<528xi32, #tpu.memory_space<vmem>>, vector<16xi32>,
        %slice3A_462 = vector.extract_strided_slice %get3A_461 {offsets = [0], sizes = [1], strides = [1]} : vector<16xi32> to vector<1xi32>
        %squeeze3A_463 = vector.extract %slice3A_462[0] : i32 from vector<1xi32>
        %get3A_464 = arith.index_cast %add3A_459 : i32 to index
        %get3A_465 = tpu.vector_load %arg12[%get3A_464] {strides = array<i32>} : memref<528xi32, #tpu.memory_space<vmem>>, vector<16xi32>,
        %slice3A_466 = vector.extract_strided_slice %get3A_465 {offsets = [0], sizes = [1], strides = [1]} : vector<16xi32> to vector<1xi32>
        %squeeze3A_467 = vector.extract %slice3A_466[0] : i32 from vector<1xi32>
        %broadcast_in_dim3A = vector.broadcast %squeeze3A_463 : i32 to vector<16xi32>
        %broadcast_in_dim3A_468 = vector.broadcast %add3A_459 : i32 to vector<16xi32>
        %add3A_469 = arith.constant 0 : i32
        %add3A_470 = vector.broadcast %add3A_469 : i32 to vector<16xi32>
        %add3A_471 = arith.addi %iota3A, %add3A_470 : vector<16xi32>
        %gather3A = tpu.vector_load_idx %arg15[%add3A_471, %broadcast_in_dim3A] : memref<64x128xf32, #tpu.memory_space<vmem>>[vector<16xi32>, vector<16xi32>], vector<16xf32>,
        tpu.vector_store_idx %arg20[%broadcast_in_dim3A_468, %add3A_471], %gather3A : memref<512x64xf32, #tpu.memory_space<vmem>>[vector<16xi32>, vector<16xi32>], vector<16xf32>,
        %add3A_472 = arith.constant 16 : i32
        %add3A_473 = vector.broadcast %add3A_472 : i32 to vector<16xi32>
        %add3A_474 = arith.addi %iota3A, %add3A_473 : vector<16xi32>
        %gather3A_475 = tpu.vector_load_idx %arg15[%add3A_474, %broadcast_in_dim3A] : memref<64x128xf32, #tpu.memory_space<vmem>>[vector<16xi32>, vector<16xi32>], vector<16xf32>,
        tpu.vector_store_idx %arg20[%broadcast_in_dim3A_468, %add3A_474], %gather3A_475 : memref<512x64xf32, #tpu.memory_space<vmem>>[vector<16xi32>, vector<16xi32>], vector<16xf32>,
        %add3A_476 = arith.constant 32 : i32
        %add3A_477 = vector.broadcast %add3A_476 : i32 to vector<16xi32>
        %add3A_478 = arith.addi %iota3A, %add3A_477 : vector<16xi32>
        %gather3A_479 = tpu.vector_load_idx %arg15[%add3A_478, %broadcast_in_dim3A] : memref<64x128xf32, #tpu.memory_space<vmem>>[vector<16xi32>, vector<16xi32>], vector<16xf32>,
        tpu.vector_store_idx %arg20[%broadcast_in_dim3A_468, %add3A_478], %gather3A_479 : memref<512x64xf32, #tpu.memory_space<vmem>>[vector<16xi32>, vector<16xi32>], vector<16xf32>,
        %add3A_480 = arith.constant 48 : i32
        %add3A_481 = vector.broadcast %add3A_480 : i32 to vector<16xi32>
        %add3A_482 = arith.addi %iota3A, %add3A_481 : vector<16xi32>
        %gather3A_483 = tpu.vector_load_idx %arg15[%add3A_482, %broadcast_in_dim3A] : memref<64x128xf32, #tpu.memory_space<vmem>>[vector<16xi32>, vector<16xi32>], vector<16xf32>,
        tpu.vector_store_idx %arg20[%broadcast_in_dim3A_468, %add3A_482], %gather3A_483 : memref<512x64xf32, #tpu.memory_space<vmem>>[vector<16xi32>, vector<16xi32>], vector<16xf32>,
        %dma_start3A_484 = arith.constant 0 : i32
        %dma_start3A_485 = tpu.memref_slice %arg20[%add3A_459, %dma_start3A_484] : memref<512x64xf32, #tpu.memory_space<vmem>> -> memref<1x64xf32, #tpu.memory_space<vmem>>
        %dma_start3A_486 = arith.constant 0 : i32
        %dma_start3A_487 = tpu.memref_slice %arg8[%squeeze3A_467, %dma_start3A_486] : memref<16384x64xf32, #tpu.memory_space<hbm>> -> memref<1x64xf32, #tpu.memory_space<hbm>>
        %dma_start3A_488 = arith.constant 0 : i32
        %dma_start3A_489 = tpu.memref_slice %arg8[%squeeze3A_467, %dma_start3A_488] : memref<16384x64xf32, #tpu.memory_space<hbm>> -> memref<1x64xf32, #tpu.memory_space<hbm>>
        %dma_start3A_490 = arith.constant 0 : i32
        %dma_start3A_491 = tpu.memref_slice %arg20[%add3A_459, %dma_start3A_490] : memref<512x64xf32, #tpu.memory_space<vmem>> -> memref<1x64xf32, #tpu.memory_space<vmem>>
        tpu.enqueue_dma source(%dma_start3A_491 : memref<1x64xf32, #tpu.memory_space<vmem>>) target(%dma_start3A_489 : memref<1x64xf32, #tpu.memory_space<hbm>>) target_semaphore(%arg27 : memref<!tpu.dma_semaphore, #tpu.memory_space<semaphore_mem>>)
      }
      %add3A_423 = arith.addi %add3A_406, %squeeze3A_412 : i32
      %dma_wait3A_424 = arith.constant 0 : i32
      %dma_wait3A_425 = tpu.memref_slice %arg7[%dma_wait3A_424, %multiple_of3A_325] : memref<64x1000001xf32, #tpu.memory_space<hbm>> -> memref<64x128xf32, #tpu.memory_space<hbm>>
      %dma_wait3A_426 = arith.constant 0 : i32
      %dma_wait3A_427 = tpu.memref_slice %arg7[%dma_wait3A_426, %multiple_of3A_325] : memref<64x1000001xf32, #tpu.memory_space<hbm>> -> memref<64x128xf32, #tpu.memory_space<hbm>>
      tpu.wait_dma2 semaphore(%arg23 : memref<!tpu.dma_semaphore, #tpu.memory_space<semaphore_mem>>) src(%dma_wait3A_427 : memref<64x128xf32, #tpu.memory_space<hbm>>) dst(%arg16 : memref<64x128xf32, #tpu.memory_space<vmem>>)
      %slice3A_428 = vector.extract_strided_slice %get3A_43 {offsets = [14], sizes = [1], strides = [1]} : vector<16xi32> to vector<1xi32>
      %squeeze3A_429 = vector.extract %slice3A_428[0] : i32 from vector<1xi32>
      %while3A_430 = arith.constant 0 : i32
      %while3A_431 = arith.constant 0 : i32
      %while3A_432 = arith.subi %squeeze3A_429, %while3A_431 : i32
      %while3A_433 = arith.addi %while3A_431, %while3A_432 : i32
      %while3A_434 = arith.constant 1 : i32
      %while3A_435 = arith.divsi %while3A_432, %while3A_434 : i32
      %while3A_436 = arith.muli %while3A_435, %while3A_434 : i32
      %while3A_437 = arith.addi %while3A_431, %while3A_436 : i32
      %while3A_438 = arith.constant 1 : i32
      scf.for %while3A_458 = %while3A_431 to %while3A_437 step %while3A_438  : i32 {
        %add3A_459 = arith.addi %add3A_423, %while3A_458 : i32
        %get3A_460 = arith.index_cast %add3A_459 : i32 to index
        %get3A_461 = tpu.vector_load %arg11[%get3A_460] {strides = array<i32>} : memref<528xi32, #tpu.memory_space<vmem>>, vector<16xi32>,
        %slice3A_462 = vector.extract_strided_slice %get3A_461 {offsets = [0], sizes = [1], strides = [1]} : vector<16xi32> to vector<1xi32>
        %squeeze3A_463 = vector.extract %slice3A_462[0] : i32 from vector<1xi32>
        %get3A_464 = arith.index_cast %add3A_459 : i32 to index
        %get3A_465 = tpu.vector_load %arg12[%get3A_464] {strides = array<i32>} : memref<528xi32, #tpu.memory_space<vmem>>, vector<16xi32>,
        %slice3A_466 = vector.extract_strided_slice %get3A_465 {offsets = [0], sizes = [1], strides = [1]} : vector<16xi32> to vector<1xi32>
        %squeeze3A_467 = vector.extract %slice3A_466[0] : i32 from vector<1xi32>
        %broadcast_in_dim3A = vector.broadcast %squeeze3A_463 : i32 to vector<16xi32>
        %broadcast_in_dim3A_468 = vector.broadcast %add3A_459 : i32 to vector<16xi32>
        %add3A_469 = arith.constant 0 : i32
        %add3A_470 = vector.broadcast %add3A_469 : i32 to vector<16xi32>
        %add3A_471 = arith.addi %iota3A, %add3A_470 : vector<16xi32>
        %gather3A = tpu.vector_load_idx %arg16[%add3A_471, %broadcast_in_dim3A] : memref<64x128xf32, #tpu.memory_space<vmem>>[vector<16xi32>, vector<16xi32>], vector<16xf32>,
        tpu.vector_store_idx %arg20[%broadcast_in_dim3A_468, %add3A_471], %gather3A : memref<512x64xf32, #tpu.memory_space<vmem>>[vector<16xi32>, vector<16xi32>], vector<16xf32>,
        %add3A_472 = arith.constant 16 : i32
        %add3A_473 = vector.broadcast %add3A_472 : i32 to vector<16xi32>
        %add3A_474 = arith.addi %iota3A, %add3A_473 : vector<16xi32>
        %gather3A_475 = tpu.vector_load_idx %arg16[%add3A_474, %broadcast_in_dim3A] : memref<64x128xf32, #tpu.memory_space<vmem>>[vector<16xi32>, vector<16xi32>], vector<16xf32>,
        tpu.vector_store_idx %arg20[%broadcast_in_dim3A_468, %add3A_474], %gather3A_475 : memref<512x64xf32, #tpu.memory_space<vmem>>[vector<16xi32>, vector<16xi32>], vector<16xf32>,
        %add3A_476 = arith.constant 32 : i32
        %add3A_477 = vector.broadcast %add3A_476 : i32 to vector<16xi32>
        %add3A_478 = arith.addi %iota3A, %add3A_477 : vector<16xi32>
        %gather3A_479 = tpu.vector_load_idx %arg16[%add3A_478, %broadcast_in_dim3A] : memref<64x128xf32, #tpu.memory_space<vmem>>[vector<16xi32>, vector<16xi32>], vector<16xf32>,
        tpu.vector_store_idx %arg20[%broadcast_in_dim3A_468, %add3A_478], %gather3A_479 : memref<512x64xf32, #tpu.memory_space<vmem>>[vector<16xi32>, vector<16xi32>], vector<16xf32>,
        %add3A_480 = arith.constant 48 : i32
        %add3A_481 = vector.broadcast %add3A_480 : i32 to vector<16xi32>
        %add3A_482 = arith.addi %iota3A, %add3A_481 : vector<16xi32>
        %gather3A_483 = tpu.vector_load_idx %arg16[%add3A_482, %broadcast_in_dim3A] : memref<64x128xf32, #tpu.memory_space<vmem>>[vector<16xi32>, vector<16xi32>], vector<16xf32>,
        tpu.vector_store_idx %arg20[%broadcast_in_dim3A_468, %add3A_482], %gather3A_483 : memref<512x64xf32, #tpu.memory_space<vmem>>[vector<16xi32>, vector<16xi32>], vector<16xf32>,
        %dma_start3A_484 = arith.constant 0 : i32
        %dma_start3A_485 = tpu.memref_slice %arg20[%add3A_459, %dma_start3A_484] : memref<512x64xf32, #tpu.memory_space<vmem>> -> memref<1x64xf32, #tpu.memory_space<vmem>>
        %dma_start3A_486 = arith.constant 0 : i32
        %dma_start3A_487 = tpu.memref_slice %arg8[%squeeze3A_467, %dma_start3A_486] : memref<16384x64xf32, #tpu.memory_space<hbm>> -> memref<1x64xf32, #tpu.memory_space<hbm>>
        %dma_start3A_488 = arith.constant 0 : i32
        %dma_start3A_489 = tpu.memref_slice %arg8[%squeeze3A_467, %dma_start3A_488] : memref<16384x64xf32, #tpu.memory_space<hbm>> -> memref<1x64xf32, #tpu.memory_space<hbm>>
        %dma_start3A_490 = arith.constant 0 : i32
        %dma_start3A_491 = tpu.memref_slice %arg20[%add3A_459, %dma_start3A_490] : memref<512x64xf32, #tpu.memory_space<vmem>> -> memref<1x64xf32, #tpu.memory_space<vmem>>
        tpu.enqueue_dma source(%dma_start3A_491 : memref<1x64xf32, #tpu.memory_space<vmem>>) target(%dma_start3A_489 : memref<1x64xf32, #tpu.memory_space<hbm>>) target_semaphore(%arg27 : memref<!tpu.dma_semaphore, #tpu.memory_space<semaphore_mem>>)
      }
      %while3A_439 = arith.constant 1 : i32
      scf.for %while3A_458 = %while3A_437 to %while3A_433 step %while3A_439  : i32 {
        %add3A_459 = arith.addi %add3A_423, %while3A_458 : i32
        %get3A_460 = arith.index_cast %add3A_459 : i32 to index
        %get3A_461 = tpu.vector_load %arg11[%get3A_460] {strides = array<i32>} : memref<528xi32, #tpu.memory_space<vmem>>, vector<16xi32>,
        %slice3A_462 = vector.extract_strided_slice %get3A_461 {offsets = [0], sizes = [1], strides = [1]} : vector<16xi32> to vector<1xi32>
        %squeeze3A_463 = vector.extract %slice3A_462[0] : i32 from vector<1xi32>
        %get3A_464 = arith.index_cast %add3A_459 : i32 to index
        %get3A_465 = tpu.vector_load %arg12[%get3A_464] {strides = array<i32>} : memref<528xi32, #tpu.memory_space<vmem>>, vector<16xi32>,
        %slice3A_466 = vector.extract_strided_slice %get3A_465 {offsets = [0], sizes = [1], strides = [1]} : vector<16xi32> to vector<1xi32>
        %squeeze3A_467 = vector.extract %slice3A_466[0] : i32 from vector<1xi32>
        %broadcast_in_dim3A = vector.broadcast %squeeze3A_463 : i32 to vector<16xi32>
        %broadcast_in_dim3A_468 = vector.broadcast %add3A_459 : i32 to vector<16xi32>
        %add3A_469 = arith.constant 0 : i32
        %add3A_470 = vector.broadcast %add3A_469 : i32 to vector<16xi32>
        %add3A_471 = arith.addi %iota3A, %add3A_470 : vector<16xi32>
        %gather3A = tpu.vector_load_idx %arg16[%add3A_471, %broadcast_in_dim3A] : memref<64x128xf32, #tpu.memory_space<vmem>>[vector<16xi32>, vector<16xi32>], vector<16xf32>,
        tpu.vector_store_idx %arg20[%broadcast_in_dim3A_468, %add3A_471], %gather3A : memref<512x64xf32, #tpu.memory_space<vmem>>[vector<16xi32>, vector<16xi32>], vector<16xf32>,
        %add3A_472 = arith.constant 16 : i32
        %add3A_473 = vector.broadcast %add3A_472 : i32 to vector<16xi32>
        %add3A_474 = arith.addi %iota3A, %add3A_473 : vector<16xi32>
        %gather3A_475 = tpu.vector_load_idx %arg16[%add3A_474, %broadcast_in_dim3A] : memref<64x128xf32, #tpu.memory_space<vmem>>[vector<16xi32>, vector<16xi32>], vector<16xf32>,
        tpu.vector_store_idx %arg20[%broadcast_in_dim3A_468, %add3A_474], %gather3A_475 : memref<512x64xf32, #tpu.memory_space<vmem>>[vector<16xi32>, vector<16xi32>], vector<16xf32>,
        %add3A_476 = arith.constant 32 : i32
        %add3A_477 = vector.broadcast %add3A_476 : i32 to vector<16xi32>
        %add3A_478 = arith.addi %iota3A, %add3A_477 : vector<16xi32>
        %gather3A_479 = tpu.vector_load_idx %arg16[%add3A_478, %broadcast_in_dim3A] : memref<64x128xf32, #tpu.memory_space<vmem>>[vector<16xi32>, vector<16xi32>], vector<16xf32>,
        tpu.vector_store_idx %arg20[%broadcast_in_dim3A_468, %add3A_478], %gather3A_479 : memref<512x64xf32, #tpu.memory_space<vmem>>[vector<16xi32>, vector<16xi32>], vector<16xf32>,
        %add3A_480 = arith.constant 48 : i32
        %add3A_481 = vector.broadcast %add3A_480 : i32 to vector<16xi32>
        %add3A_482 = arith.addi %iota3A, %add3A_481 : vector<16xi32>
        %gather3A_483 = tpu.vector_load_idx %arg16[%add3A_482, %broadcast_in_dim3A] : memref<64x128xf32, #tpu.memory_space<vmem>>[vector<16xi32>, vector<16xi32>], vector<16xf32>,
        tpu.vector_store_idx %arg20[%broadcast_in_dim3A_468, %add3A_482], %gather3A_483 : memref<512x64xf32, #tpu.memory_space<vmem>>[vector<16xi32>, vector<16xi32>], vector<16xf32>,
        %dma_start3A_484 = arith.constant 0 : i32
        %dma_start3A_485 = tpu.memref_slice %arg20[%add3A_459, %dma_start3A_484] : memref<512x64xf32, #tpu.memory_space<vmem>> -> memref<1x64xf32, #tpu.memory_space<vmem>>
        %dma_start3A_486 = arith.constant 0 : i32
        %dma_start3A_487 = tpu.memref_slice %arg8[%squeeze3A_467, %dma_start3A_486] : memref<16384x64xf32, #tpu.memory_space<hbm>> -> memref<1x64xf32, #tpu.memory_space<hbm>>
        %dma_start3A_488 = arith.constant 0 : i32
        %dma_start3A_489 = tpu.memref_slice %arg8[%squeeze3A_467, %dma_start3A_488] : memref<16384x64xf32, #tpu.memory_space<hbm>> -> memref<1x64xf32, #tpu.memory_space<hbm>>
        %dma_start3A_490 = arith.constant 0 : i32
        %dma_start3A_491 = tpu.memref_slice %arg20[%add3A_459, %dma_start3A_490] : memref<512x64xf32, #tpu.memory_space<vmem>> -> memref<1x64xf32, #tpu.memory_space<vmem>>
        tpu.enqueue_dma source(%dma_start3A_491 : memref<1x64xf32, #tpu.memory_space<vmem>>) target(%dma_start3A_489 : memref<1x64xf32, #tpu.memory_space<hbm>>) target_semaphore(%arg27 : memref<!tpu.dma_semaphore, #tpu.memory_space<semaphore_mem>>)
      }
      %add3A_440 = arith.addi %add3A_423, %squeeze3A_429 : i32
      %dma_wait3A_441 = arith.constant 0 : i32
      %dma_wait3A_442 = tpu.memref_slice %arg7[%dma_wait3A_441, %multiple_of3A_351] : memref<64x1000001xf32, #tpu.memory_space<hbm>> -> memref<64x128xf32, #tpu.memory_space<hbm>>
      %dma_wait3A_443 = arith.constant 0 : i32
      %dma_wait3A_444 = tpu.memref_slice %arg7[%dma_wait3A_443, %multiple_of3A_351] : memref<64x1000001xf32, #tpu.memory_space<hbm>> -> memref<64x128xf32, #tpu.memory_space<hbm>>
      tpu.wait_dma2 semaphore(%arg24 : memref<!tpu.dma_semaphore, #tpu.memory_space<semaphore_mem>>) src(%dma_wait3A_444 : memref<64x128xf32, #tpu.memory_space<hbm>>) dst(%arg17 : memref<64x128xf32, #tpu.memory_space<vmem>>)
      %slice3A_445 = vector.extract_strided_slice %get3A_43 {offsets = [15], sizes = [1], strides = [1]} : vector<16xi32> to vector<1xi32>
      %squeeze3A_446 = vector.extract %slice3A_445[0] : i32 from vector<1xi32>
      %while3A_447 = arith.constant 0 : i32
      %while3A_448 = arith.constant 0 : i32
      %while3A_449 = arith.subi %squeeze3A_446, %while3A_448 : i32
      %while3A_450 = arith.addi %while3A_448, %while3A_449 : i32
      %while3A_451 = arith.constant 1 : i32
      %while3A_452 = arith.divsi %while3A_449, %while3A_451 : i32
      %while3A_453 = arith.muli %while3A_452, %while3A_451 : i32
      %while3A_454 = arith.addi %while3A_448, %while3A_453 : i32
      %while3A_455 = arith.constant 1 : i32
      scf.for %while3A_458 = %while3A_448 to %while3A_454 step %while3A_455  : i32 {
        %add3A_459 = arith.addi %add3A_440, %while3A_458 : i32
        %get3A_460 = arith.index_cast %add3A_459 : i32 to index
        %get3A_461 = tpu.vector_load %arg11[%get3A_460] {strides = array<i32>} : memref<528xi32, #tpu.memory_space<vmem>>, vector<16xi32>,
        %slice3A_462 = vector.extract_strided_slice %get3A_461 {offsets = [0], sizes = [1], strides = [1]} : vector<16xi32> to vector<1xi32>
        %squeeze3A_463 = vector.extract %slice3A_462[0] : i32 from vector<1xi32>
        %get3A_464 = arith.index_cast %add3A_459 : i32 to index
        %get3A_465 = tpu.vector_load %arg12[%get3A_464] {strides = array<i32>} : memref<528xi32, #tpu.memory_space<vmem>>, vector<16xi32>,
        %slice3A_466 = vector.extract_strided_slice %get3A_465 {offsets = [0], sizes = [1], strides = [1]} : vector<16xi32> to vector<1xi32>
        %squeeze3A_467 = vector.extract %slice3A_466[0] : i32 from vector<1xi32>
        %broadcast_in_dim3A = vector.broadcast %squeeze3A_463 : i32 to vector<16xi32>
        %broadcast_in_dim3A_468 = vector.broadcast %add3A_459 : i32 to vector<16xi32>
        %add3A_469 = arith.constant 0 : i32
        %add3A_470 = vector.broadcast %add3A_469 : i32 to vector<16xi32>
        %add3A_471 = arith.addi %iota3A, %add3A_470 : vector<16xi32>
        %gather3A = tpu.vector_load_idx %arg17[%add3A_471, %broadcast_in_dim3A] : memref<64x128xf32, #tpu.memory_space<vmem>>[vector<16xi32>, vector<16xi32>], vector<16xf32>,
        tpu.vector_store_idx %arg20[%broadcast_in_dim3A_468, %add3A_471], %gather3A : memref<512x64xf32, #tpu.memory_space<vmem>>[vector<16xi32>, vector<16xi32>], vector<16xf32>,
        %add3A_472 = arith.constant 16 : i32
        %add3A_473 = vector.broadcast %add3A_472 : i32 to vector<16xi32>
        %add3A_474 = arith.addi %iota3A, %add3A_473 : vector<16xi32>
        %gather3A_475 = tpu.vector_load_idx %arg17[%add3A_474, %broadcast_in_dim3A] : memref<64x128xf32, #tpu.memory_space<vmem>>[vector<16xi32>, vector<16xi32>], vector<16xf32>,
        tpu.vector_store_idx %arg20[%broadcast_in_dim3A_468, %add3A_474], %gather3A_475 : memref<512x64xf32, #tpu.memory_space<vmem>>[vector<16xi32>, vector<16xi32>], vector<16xf32>,
        %add3A_476 = arith.constant 32 : i32
        %add3A_477 = vector.broadcast %add3A_476 : i32 to vector<16xi32>
        %add3A_478 = arith.addi %iota3A, %add3A_477 : vector<16xi32>
        %gather3A_479 = tpu.vector_load_idx %arg17[%add3A_478, %broadcast_in_dim3A] : memref<64x128xf32, #tpu.memory_space<vmem>>[vector<16xi32>, vector<16xi32>], vector<16xf32>,
        tpu.vector_store_idx %arg20[%broadcast_in_dim3A_468, %add3A_478], %gather3A_479 : memref<512x64xf32, #tpu.memory_space<vmem>>[vector<16xi32>, vector<16xi32>], vector<16xf32>,
        %add3A_480 = arith.constant 48 : i32
        %add3A_481 = vector.broadcast %add3A_480 : i32 to vector<16xi32>
        %add3A_482 = arith.addi %iota3A, %add3A_481 : vector<16xi32>
        %gather3A_483 = tpu.vector_load_idx %arg17[%add3A_482, %broadcast_in_dim3A] : memref<64x128xf32, #tpu.memory_space<vmem>>[vector<16xi32>, vector<16xi32>], vector<16xf32>,
        tpu.vector_store_idx %arg20[%broadcast_in_dim3A_468, %add3A_482], %gather3A_483 : memref<512x64xf32, #tpu.memory_space<vmem>>[vector<16xi32>, vector<16xi32>], vector<16xf32>,
        %dma_start3A_484 = arith.constant 0 : i32
        %dma_start3A_485 = tpu.memref_slice %arg20[%add3A_459, %dma_start3A_484] : memref<512x64xf32, #tpu.memory_space<vmem>> -> memref<1x64xf32, #tpu.memory_space<vmem>>
        %dma_start3A_486 = arith.constant 0 : i32
        %dma_start3A_487 = tpu.memref_slice %arg8[%squeeze3A_467, %dma_start3A_486] : memref<16384x64xf32, #tpu.memory_space<hbm>> -> memref<1x64xf32, #tpu.memory_space<hbm>>
        %dma_start3A_488 = arith.constant 0 : i32
        %dma_start3A_489 = tpu.memref_slice %arg8[%squeeze3A_467, %dma_start3A_488] : memref<16384x64xf32, #tpu.memory_space<hbm>> -> memref<1x64xf32, #tpu.memory_space<hbm>>
        %dma_start3A_490 = arith.constant 0 : i32
        %dma_start3A_491 = tpu.memref_slice %arg20[%add3A_459, %dma_start3A_490] : memref<512x64xf32, #tpu.memory_space<vmem>> -> memref<1x64xf32, #tpu.memory_space<vmem>>
        tpu.enqueue_dma source(%dma_start3A_491 : memref<1x64xf32, #tpu.memory_space<vmem>>) target(%dma_start3A_489 : memref<1x64xf32, #tpu.memory_space<hbm>>) target_semaphore(%arg27 : memref<!tpu.dma_semaphore, #tpu.memory_space<semaphore_mem>>)
      }
      %while3A_456 = arith.constant 1 : i32
      scf.for %while3A_458 = %while3A_454 to %while3A_450 step %while3A_456  : i32 {
        %add3A_459 = arith.addi %add3A_440, %while3A_458 : i32
        %get3A_460 = arith.index_cast %add3A_459 : i32 to index
        %get3A_461 = tpu.vector_load %arg11[%get3A_460] {strides = array<i32>} : memref<528xi32, #tpu.memory_space<vmem>>, vector<16xi32>,
        %slice3A_462 = vector.extract_strided_slice %get3A_461 {offsets = [0], sizes = [1], strides = [1]} : vector<16xi32> to vector<1xi32>
        %squeeze3A_463 = vector.extract %slice3A_462[0] : i32 from vector<1xi32>
        %get3A_464 = arith.index_cast %add3A_459 : i32 to index
        %get3A_465 = tpu.vector_load %arg12[%get3A_464] {strides = array<i32>} : memref<528xi32, #tpu.memory_space<vmem>>, vector<16xi32>,
        %slice3A_466 = vector.extract_strided_slice %get3A_465 {offsets = [0], sizes = [1], strides = [1]} : vector<16xi32> to vector<1xi32>
        %squeeze3A_467 = vector.extract %slice3A_466[0] : i32 from vector<1xi32>
        %broadcast_in_dim3A = vector.broadcast %squeeze3A_463 : i32 to vector<16xi32>
        %broadcast_in_dim3A_468 = vector.broadcast %add3A_459 : i32 to vector<16xi32>
        %add3A_469 = arith.constant 0 : i32
        %add3A_470 = vector.broadcast %add3A_469 : i32 to vector<16xi32>
        %add3A_471 = arith.addi %iota3A, %add3A_470 : vector<16xi32>
        %gather3A = tpu.vector_load_idx %arg17[%add3A_471, %broadcast_in_dim3A] : memref<64x128xf32, #tpu.memory_space<vmem>>[vector<16xi32>, vector<16xi32>], vector<16xf32>,
        tpu.vector_store_idx %arg20[%broadcast_in_dim3A_468, %add3A_471], %gather3A : memref<512x64xf32, #tpu.memory_space<vmem>>[vector<16xi32>, vector<16xi32>], vector<16xf32>,
        %add3A_472 = arith.constant 16 : i32
        %add3A_473 = vector.broadcast %add3A_472 : i32 to vector<16xi32>
        %add3A_474 = arith.addi %iota3A, %add3A_473 : vector<16xi32>
        %gather3A_475 = tpu.vector_load_idx %arg17[%add3A_474, %broadcast_in_dim3A] : memref<64x128xf32, #tpu.memory_space<vmem>>[vector<16xi32>, vector<16xi32>], vector<16xf32>,
        tpu.vector_store_idx %arg20[%broadcast_in_dim3A_468, %add3A_474], %gather3A_475 : memref<512x64xf32, #tpu.memory_space<vmem>>[vector<16xi32>, vector<16xi32>], vector<16xf32>,
        %add3A_476 = arith.constant 32 : i32
        %add3A_477 = vector.broadcast %add3A_476 : i32 to vector<16xi32>
        %add3A_478 = arith.addi %iota3A, %add3A_477 : vector<16xi32>
        %gather3A_479 = tpu.vector_load_idx %arg17[%add3A_478, %broadcast_in_dim3A] : memref<64x128xf32, #tpu.memory_space<vmem>>[vector<16xi32>, vector<16xi32>], vector<16xf32>,
        tpu.vector_store_idx %arg20[%broadcast_in_dim3A_468, %add3A_478], %gather3A_479 : memref<512x64xf32, #tpu.memory_space<vmem>>[vector<16xi32>, vector<16xi32>], vector<16xf32>,
        %add3A_480 = arith.constant 48 : i32
        %add3A_481 = vector.broadcast %add3A_480 : i32 to vector<16xi32>
        %add3A_482 = arith.addi %iota3A, %add3A_481 : vector<16xi32>
        %gather3A_483 = tpu.vector_load_idx %arg17[%add3A_482, %broadcast_in_dim3A] : memref<64x128xf32, #tpu.memory_space<vmem>>[vector<16xi32>, vector<16xi32>], vector<16xf32>,
        tpu.vector_store_idx %arg20[%broadcast_in_dim3A_468, %add3A_482], %gather3A_483 : memref<512x64xf32, #tpu.memory_space<vmem>>[vector<16xi32>, vector<16xi32>], vector<16xf32>,
        %dma_start3A_484 = arith.constant 0 : i32
        %dma_start3A_485 = tpu.memref_slice %arg20[%add3A_459, %dma_start3A_484] : memref<512x64xf32, #tpu.memory_space<vmem>> -> memref<1x64xf32, #tpu.memory_space<vmem>>
        %dma_start3A_486 = arith.constant 0 : i32
        %dma_start3A_487 = tpu.memref_slice %arg8[%squeeze3A_467, %dma_start3A_486] : memref<16384x64xf32, #tpu.memory_space<hbm>> -> memref<1x64xf32, #tpu.memory_space<hbm>>
        %dma_start3A_488 = arith.constant 0 : i32
        %dma_start3A_489 = tpu.memref_slice %arg8[%squeeze3A_467, %dma_start3A_488] : memref<16384x64xf32, #tpu.memory_space<hbm>> -> memref<1x64xf32, #tpu.memory_space<hbm>>
        %dma_start3A_490 = arith.constant 0 : i32
        %dma_start3A_491 = tpu.memref_slice %arg20[%add3A_459, %dma_start3A_490] : memref<512x64xf32, #tpu.memory_space<vmem>> -> memref<1x64xf32, #tpu.memory_space<vmem>>
        tpu.enqueue_dma source(%dma_start3A_491 : memref<1x64xf32, #tpu.memory_space<vmem>>) target(%dma_start3A_489 : memref<1x64xf32, #tpu.memory_space<hbm>>) target_semaphore(%arg27 : memref<!tpu.dma_semaphore, #tpu.memory_space<semaphore_mem>>)
      }
      %add3A_457 = arith.addi %add3A_440, %squeeze3A_446 : i32
      scf.yield %add3A_457 : i32
    }
    %dma_wait3A = arith.constant 0 : i32
    %dma_wait3A_31 = arith.constant 0 : i32
    %dma_wait3A_32 = tpu.memref_slice %arg8[%dma_wait3A, %dma_wait3A_31] : memref<16384x64xf32, #tpu.memory_space<hbm>> -> memref<512x64xf32, #tpu.memory_space<hbm>>
    %dma_wait3A_33 = arith.constant 0 : i32
    %dma_wait3A_34 = arith.constant 0 : i32
    %dma_wait3A_35 = tpu.memref_slice %arg8[%dma_wait3A_33, %dma_wait3A_34] : memref<16384x64xf32, #tpu.memory_space<hbm>> -> memref<512x64xf32, #tpu.memory_space<hbm>>
    tpu.wait_dma2 semaphore(%arg27 : memref<!tpu.dma_semaphore, #tpu.memory_space<semaphore_mem>>) src(%dma_wait3A_35 : memref<512x64xf32, #tpu.memory_space<hbm>>) dst(%arg20 : memref<512x64xf32, #tpu.memory_space<vmem>>)
    return
  }
}

</mosaic_0001>

<sc_bundles>
// kernel: _gather_rows.3.cloned.1.call-start
scs
__scs_entry_jumppad:
0x0: {  	(pc) =	sbr.rel $0x88, $3  }
0x1: {  	(tag) =	ssettag $0x0;
	lr =	simm.s32 $0x1  }
0x2: {  	[smem:$0x3F9F] =	sst lr;
	_ =	strace $0xD0000000  }
0x3: {  	_ = 	snop  }
0x4: {  	_ = 	snop  }
0x5: {  	_ = 	snop  }
0x6: {  	_ = 	snop  }
0x7: {  	_ = 	snop  }
__scs_overlays_trampoline_lowered:
0x8: {  	[smem:$0x3FAE] =	sst s0  }
0x9: {  	[smem:$0x3FAF] =	sst s1  }
0xa: {  	[smem:$0x3FB0] =	sst s2  }
0xb: {  	[smem:$0x3FB1] =	sst s3  }
0xc: {  	[smem:$0x3FB2] =	sst s4  }
0xd: {  	[smem:$0x3FB3] =	sst s5  }
0xe: {  	[smem:$0x3FB4] =	sst s6  }
0xf: {  	[smem:$0x3FB5] =	sst s7  }
0x10: {  	[smem:$0x3FB6] =	sst s8  }
0x11: {  	[smem:$0x3FB7] =	sst s9;
	s0 =	simm.s32 @!p0 $0x0  }
0x12: {  	s1 =	sld [smem:$0x3F9D];
	s0 =	simm.s32 @p0 $0x1  }
0x13: {  	[smem:$0x3FB8] =	sst s0;
	s0 =	simm.s32 @!p1 $0x0  }
0x14: {  	s2 =	sld [smem:$0x3F9C];
	s0 =	simm.s32 @p1 $0x1  }
0x15: {  	[smem:$0x3FB9] =	sst s0;
	s0 =	simm.s32 @!p2 $0x0  }
0x16: {  	s3 =	sld [smem:$0x3FDB];
	s0 =	simm.s32 @p2 $0x1  }
0x17: {  	s4 =	simm.s32 $0x1BF5;
	[smem:$0x3FBB] =	sst s0  }
0x18: {  	s0 =	sld [smem:$0x3F9E];
	_ =	swait.ge [sflag:s4], $0x0  }
0x19: {  	s7 =	sld [smem:$0x3F9F]  }
0x1a: {  	s8 =	sadd.s32 $0xFFFFE003, lr  }
0x1b: {  	s9 =	sadd.s32 $0xFFFFFEF7, lr;
	s5 =	simm.s32 $0xFFFFFFFF;
	p2 =	slt.u32 s8, $0xFFFFF086  }
0x1c: {  	p1 =	slt.u32 s9, $0xF7A;
	s5 =	simm.s32 @!p2 $0x0  }
0x1d: {  	s5 =	simm.s32 @p1 $0x1;
	p0 =	seq.s32 s7, s2  }
0x1e: {  	s7 =	smul.u32 @!p0 $0xF7A, s2;
	p2 =	seq.s32 @!p0 s5, $0x0  }
0x1f: {  	s9 =	smul.u32 $0xF7A, s1;
	s8 =	simm.s32 @!p0 $0x1BF5;
	p2 =	por !p2, p0  }
0x20: {  	[sflag:s8] =	ssyncset.s32 @!p0 $0xFFFFF086;
	s6 =	sadd.s32 @!p0 s3, s7;
	s7 =	simm.s32 @!p0 $0x108  }
0x21: {  	s3 =	sadd.s32 s3, s9;
	s6 =	sadd.s32 @!p0 $0x88, s6;
	s7 =	simm.s32 @p2 $0x1082  }
0x22: {  	[simem:s7], [sflag:s8] =	dma.local @!p0 [hbm:s6], $0xF7A  }
0x23: {  	s9 =	sor.u32 $0xD0000000, s2;
	s6 =	simm.s32 $0x108;
	_ =	swait.ge @!p0 [sflag:s8], $0x0  }
0x24: {  	s3 =	sadd.s32 $0x88, s3;
	s6 =	simm.s32 @!p1 $0x1082;
	[sflag:s4] =	ssyncset.s32 $0xFFFFF086  }
0x25: {  	[simem:s6], [sflag:s4] =	dma.local [hbm:s3], $0xF7A  }
0x26: {  	[smem:$0x3F9F] =	sst s1;
	(tag) =	ssettag s2;
	_ =	strace s9  }
0x27: {  	s1 =	sld [smem:$0x3FAF]  }
0x28: {  	s2 =	sld [smem:$0x3FB0]  }
0x29: {  	s4 =	sld [smem:$0x3FB2]  }
0x2a: {  	p0 =	seq.s32 s5, $0x0;
	s5 =	sld [smem:$0x3FB3]  }
0x2b: {  	s6 =	sld [smem:$0x3FB4]  }
0x2c: {  	s7 =	sld [smem:$0x3FB5]  }
0x2d: {  	s3 =	simm.s32 $0x108;
	s8 =	sld [smem:$0x3FB6]  }
0x2e: {  	s3 =	simm.s32 @!p0 $0x1082;
	s9 =	sld [smem:$0x3FB7]  }
0x2f: {  	lr =	sadd.s32 s0, s3;
	s0 =	sld [smem:$0x3FAE]  }
0x30: {  	s3 =	sld [smem:$0x3FB1]  }
0x31: {  	[smem:$0x3FBA] =	sst s10  }
0x32: {  	s10 =	sld [smem:$0x3FB8];
	_ =	sdelay $0x3  }
0x33: {  	p0 =	seq.s32 s10, $0x1;
	s10 =	sld [smem:$0x3FBA];
	_ =	sdelay $0x3  }
0x34: {  	[smem:$0x3FBA] =	sst s10  }
0x35: {  	s10 =	sld [smem:$0x3FB9];
	_ =	sdelay $0x3  }
0x36: {  	p1 =	seq.s32 s10, $0x1;
	s10 =	sld [smem:$0x3FBA];
	_ =	sdelay $0x3  }
0x37: {  	[smem:$0x3FBA] =	sst s10  }
0x38: {  	s10 =	sld [smem:$0x3FBB]  }
0x39: {  	_ = 	snop;
	(pc) =	sbr.ind lr, $3  }
0x3a: {  	_ = 	snop  }
0x3b: {  	_ = 	snop  }
0x3c: {  	p2 =	seq.s32 s10, $0x1;
	s10 =	sld [smem:$0x3FBA]  }
0x3d: {  	_ =	shalt  }
0x3e: {  	_ =	shalt  }
0x3f: {  	_ =	shalt  }
0x40: {  	_ =	shalt  }
0x41: {  	_ =	shalt  }
0x42: {  	_ =	shalt  }
0x43: {  	_ =	shalt  }
0x44: {  	_ =	shalt  }
0x45: {  	_ =	shalt  }
0x46: {  	_ =	shalt  }
0x47: {  	_ =	shalt  }
0x48: {  	_ =	shalt  }
0x49: {  	_ =	shalt  }
0x4a: {  	_ =	shalt  }
0x4b: {  	_ =	shalt  }
0x4c: {  	_ =	shalt  }
0x4d: {  	_ =	shalt  }
0x4e: {  	_ =	shalt  }
0x4f: {  	_ =	shalt  }
0x50: {  	_ =	shalt  }
0x51: {  	_ =	shalt  }
0x52: {  	_ =	shalt  }
0x53: {  	_ =	shalt  }
0x54: {  	_ =	shalt  }
0x55: {  	_ =	shalt  }
0x56: {  	_ =	shalt  }
0x57: {  	_ =	shalt  }
0x58: {  	_ =	shalt  }
0x59: {  	_ =	shalt  }
0x5a: {  	_ =	shalt  }
0x5b: {  	_ =	shalt  }
0x5c: {  	_ =	shalt  }
0x5d: {  	_ =	shalt  }
0x5e: {  	_ =	shalt  }
0x5f: {  	_ =	shalt  }
0x60: {  	_ =	shalt  }
0x61: {  	_ =	shalt  }
0x62: {  	_ =	shalt  }
0x63: {  	_ =	shalt  }
0x64: {  	_ =	shalt  }
0x65: {  	_ =	shalt  }
0x66: {  	_ =	shalt  }
0x67: {  	_ =	shalt  }
0x68: {  	_ =	shalt  }
0x69: {  	_ =	shalt  }
0x6a: {  	_ =	shalt  }
0x6b: {  	_ =	shalt  }
0x6c: {  	_ =	shalt  }
0x6d: {  	_ =	shalt  }
0x6e: {  	_ =	shalt  }
0x6f: {  	_ =	shalt  }
0x70: {  	_ =	shalt  }
0x71: {  	_ =	shalt  }
0x72: {  	_ =	shalt  }
0x73: {  	_ =	shalt  }
0x74: {  	_ =	shalt  }
0x75: {  	_ =	shalt  }
0x76: {  	_ =	shalt  }
0x77: {  	_ =	shalt  }
0x78: {  	_ =	shalt  }
0x79: {  	_ =	shalt  }
0x7a: {  	_ =	shalt  }
0x7b: {  	_ =	shalt  }
0x7c: {  	_ =	shalt  }
0x7d: {  	_ =	shalt  }
0x7e: {  	_ =	shalt  }
0x7f: {  	_ =	shalt  }
0x80: {  	_ =	shalt  }
0x81: {  	_ =	shalt  }
0x82: {  	_ =	shalt  }
0x83: {  	_ =	shalt  }
0x84: {  	_ =	shalt  }
0x85: {  	_ =	shalt  }
0x86: {  	_ =	shalt  }
0x87: {  	_ =	shalt  }
.Lfunc_end0:
.L_simem_size_0:
called_computation_lowered:
.L_overlay_start_0:
0x88: {  	s2 =	sld [smem:$0x3FD9]  }
0x89: {  	s3 =	sld [smem:$0x3FFE];
	_ =	sdelay $0x1  }
0x8a: {  	s1 =	srdreg.scid  }
0x8b: {  	s0 =	sand.u32 $0x1, s1  }
0x8c: {  	s17 =	sshll.u32 s0, $0xA;
	s2 =	sadd.s32 s3, s2  }
0x8d: {  	s2 =	sadd.s32 s2, s17  }
0x8e: {  	[smem:$0x3FC6] =	sst s2  }
0x8f: {  	_ = 	snop  }
0x90: {  	s2 =	sld [smem:$0x3FC8]  }
0x91: {  	s18 =	sld [smem:$0x3FD0];
	(tm) =	ssettm $0x1  }
0x92: {  	s4 =	sld [smem:$0x3FFB];
	_ =	sdelay $0x3  }
0x93: {  	_ =	strace s4  }
0x94: {  	s4 =	sld [smem:$0x3FFC];
	_ =	sdelay $0x3  }
0x95: {  	_ =	strace s4  }
0x96: {  	s4 =	sld [smem:$0x3FFD];
	_ =	sdelay $0x3  }
0x97: {  	_ =	strace s4  }
0x98: {  	_ =	strace $0x8FFFFFFF  }
0x99: {  	s19 =	sld [smem:$0x3FDB];
	_ =	sdelay $0x1  }
0x9a: {  	s5 =	simm.s32 $_scs_section_size  }
0x9b: {  	s6 =	simm.s32 $_size__tile_overlayer_lowered;
	s7 =	simm.s32 $_tile_overlayer_lowered  }
0x9c: {  	s22 =	simm.s32 $0x1BFF;
	s21 =	sshll.u32 s7, $0x1;
	s4 =	sadd.s32 s5, s19  }
0x9d: {  	s8 =	simm.s32 $0x0;
	s20 =	sshll.u32 s6, $0x1;
	s6 =	sadd.s32 s21, s4  }
0x9e: {  	[timem:s8], [sflag:s22] =	dma.local [hbm:s6], s20  }
0x9f: {  	_ =	swait.ge [sflag:s22], s20  }
0xa0: {  	s5 =	ssub.s32 $0x0, s20;
	[sflag:s22] =	ssyncset.done $0x0  }
0xa1: {  	[sflag:s22] =	ssyncadd.s32 s5;
	_ =	sdelay $0x1  }
0xa2: {  	s23 =	simm.s32 $0x1B8B  }
0xa3: {  	_ =	swait.ge [sflag:s23], $0x1  }
0xa4: {  	[sflag:s23] =	ssyncset.done $0x0  }
0xa5: {  	s25 =	simm.s32 $0x1B8E;
	s24 =	sld [smem:$0x3FFE];
	[sflag:s23] =	ssyncadd.s32 $0xFFFFFFFF  }
0xa6: {  	s26 =	simm.s32 $execute0_lowered;
	[smem:$0x3FD2] =	sst s25  }
0xa7: {  	s6 =	sshll.u32 s26, $0x1;
	_ =	strace $0x80000046;
	[dreg:$0x1] =	wrdreg $0xFFFFFFFF  }
0xa8: {  	s28 =	simm.s32 $_size_execute0_lowered;
	s4 =	sadd.s32 s4, s6;
	[dreg:$0x0] =	wrdreg $0x0  }
0xa9: {  	s6 =	sshll.u32 s28, $0x1;
	[dreg:$0x2] =	wrdreg s4  }
0xaa: {  	[dreg:$0x3] =	wrdreg s6  }
0xab: {  	[dreg:$0x4] =	wrdreg $0xC0  }
0xac: {  	_ =	task [dreg:s8], $0x5FFFF  }
0xad: {  	[dreg:$0x1] =	wrdreg $0xFFFFFFFF  }
0xae: {  	[dreg:$0x0] =	wrdreg $0x60  }
0xaf: {  	[dreg:$0x2] =	wrdreg s18  }
0xb0: {  	[dreg:$0x3] =	wrdreg s24  }
0xb1: {  	[dreg:$0x4] =	wrdreg s2  }
0xb2: {  	[dreg:$0x5] =	wrdreg $0x9  }
0xb3: {  	_ =	task.clear_ibuf [dreg:s8], $0x6FFFF;
	_ =	strace $0x90000046  }
0xb4: {  	s29 =	simm.s32 $0x9;
	_ =	strace $0x80000048  }
0xb5: {  	_ =	swait.ge [sflag:s29], $0x1  }
0xb6: {  	[sflag:s29] =	ssyncadd.s32 $0xFFFFFFFF  }
0xb7: {  	_ =	strace $0x90000048  }
0xb8: {  	_ =	sfence  }
0xb9: {  	s30 =	sld [smem:$0x0];
	_ =	sdelay $0x2  }
0xba: {  	s31 =	sshll.u32 s1, $0xD;
	s1 =	sshrl.u32 s1, $0x2  }
0xbb: {  	s3 =	sand.u32 $0x4000, s31;
	s1 =	sadd.s32 s1, s30  }
0xbc: {  	s0 =	sor.u32 s3, s0;
	s1 =	sshll.u32 s1, $0x11  }
0xbd: {  	s0 =	sor.u32 s1, s0  }
0xbe: {  	s0 =	sadd.s32 $0x8F2B, s0  }
0xbf: {  	[sflag:s0] =	ssyncadd.remote.s32 $0x1  }
0xc0: {  	_ =	sfence.sel $0xFFFF  }
0xc1: {  	[dreg:$0x0] =	wrdreg $0xFFFFFFFF;
	(pc) =	sbr.abs _section_cstart, $3  }
0xc2: {  	[dreg:$0x1] =	wrdreg $0xFFFFFFFF  }
0xc3: {  	_ =	task.clear_ibuf [dreg:s8], $0x2FFFF;
	_ =	strace $0x9FFFFFFF  }
0xc4: {  	(tm) =	ssettm $0x7FFFFFFF  }
0xc5: {  	_ =	shalt  }
tec
execute0_lowered:
.L_overlay_start_1:
0x0: {  	(tag) =	ssettag $0x1  }
0x1: {  	s0 =	rddreg [dreg:$0x0]  }
0x2: {  	s1 =	rddreg [dreg:$0x1]  }
0x3: {  	s28 =	rddreg [dreg:$0x2];
	s2 =	srdreg.scid  }
0x4: {  	s4 =	stileid.u32;
	s29 =	simm.s32 $0x400;
	s30 =	simm.s32 $0x1  }
0x5: {  	s31 =	simm.s32 $0x7A1400;
	s20 =	simm.s32 $0xA80;
	s21 =	simm.s32 $0x2A80  }
0x6: {  	s22 =	simm.s32 $0x4A80;
	s2 =	sand.u32 $0x1, s2;
	s3 =	sshll.u32 s4, $0x8  }
0x7: {  	s4 =	sshrl.u32 s4, $0x2;
	s5 =	sshll.u32 s2, $0x7;
	s6 =	sand.u32 $0x300, s3  }
0x8: {  	s3 =	simm.s32 $0x0;
	s23 =	sshll.u32 s4, $0xA;
	s4 =	smul.u32 $0x1400, s4  }
0x9: {  	s2 =	ssub.s32 $0x2, s2;
	s5 =	sor.u32 s5, s6;
	[smem:$0x7FF] =	sst s3  }
0xa: {  	s7 =	sshrl.u32 s2, $0x1;
	s6 =	sor.u32 s23, s5;
	_ =	strace $0x80000047  }
0xb: {  	s5 =	sor.u32 s4, s5;
	s4 =	sadd.s32 $0x2000, s1;
	s2 =	ssub.s32 s2, s7  }
0xc: {  	s23 =	simm.s32 $0x6A80;
	s5 =	sshrl.u32 s5, $0x3;
	s26 =	smax.u32 s2, $0x1  }
0xd: {  	s6 =	sshrl.u32 s6, $0x3;
	s0 =	sadd.s32 s0, s5;
	[dreg:$0x9] =	wrdreg s26  }
.Ltmp0:
0xe: {  	s24 =	sadd.s32 s1, s5;
	[dreg:$0x4] =	wrdreg s0;
	(pc) =	sbr.rel .LBB2_1-.Ltmp0, $4  }
0xf: {  	v0 =	vlaneseq.u32;
	s6 =	sadd.s32 s6, s1;
	s1 =	sadd.s32 $0xA00, s24;
	[dreg:$0x5] =	wrdreg s24  }
0x10: {  	v1 =	vmul.u32 $0x80, v0;
	s2 =	simm.s32 $0x0;
	s0 =	sadd.s32 $0x1400, s24;
	[dreg:$0x6] =	wrdreg s1  }
0x11: {  	v3 =	vor.u32 $0x10, v0;
	v5 =	vor.u32 $0x20, v0;
	v7 =	vor.u32 $0x30, v0;
	s26 =	simm.s32 $0xCA80;
	s25 =	sadd.s32 $0x1E00, s6;
	[dreg:$0x7] =	wrdreg s0  }
0x12: {  	v2 =	vor.u32 $0x800, v1;
	v4 =	vor.u32 $0x1000, v1;
	v6 =	vor.u32 $0x1800, v1;
	s24 =	simm.s32 $0x8A80;
	[dreg:$0x8] =	wrdreg s25;
	s25 =	simm.s32 $0xAA80  }
.LBB2_115:
0x13: {  	s1 =	simm.s32 $0x7  }
0x14: {  	_ =	swait.ge [sflag:s1], $0x10000  }
0x15: {  	s2 =	rddreg [dreg:$0xa]  }
0x16: {  	s0 =	rddreg [dreg:$0x9];
	s2 =	sadd.s32 $0x1, s2  }
0x17: {  	p0 =	sne.s32 s2, s0  }
.Ltmp1:
0x18: {  	_ = 	snop;
	(pc) =	sbr.rel @!p0 .LBB2_116-.Ltmp1, $3  }
0x19: {  	_ =	sdelay $0x1  }
0x1a: {  	[sflag:s1] =	ssyncset.done $0x0  }
0x1b: {  	[sflag:s1] =	ssyncadd.s32 $0xFFFF0000  }
.LBB2_1:
0x1c: {  	[dreg:$0xa] =	wrdreg s2  }
0x1d: {  	s0 =	rddreg [dreg:$0x4];
	s1 =	simm.s32 $0x80;
	s8 =	simm.s32 $0x8  }
0x1e: {  	[tilespmem:s3], [sflag:$0x8] =	stream.strided.gather [hbm4b:s0+s1], $0x280, s29, s1, $0x38;
	[tilespmem:$0x1CA80] =	vst v63  }
0x1f: {  	_ =	swait.ge [sflag:s8], $0x280  }
0x20: {  	[sflag:s8] =	ssyncset.done $0x0  }
0x21: {  	s5 =	simm.s32 $0x280;
	s9 =	rddreg [dreg:$0x6];
	[sflag:s8] =	ssyncadd.s32 $0xFFFFFD80  }
0x22: {  	[tilespmem:s5], [sflag:$0x8] =	stream.strided.gather [hbm4b:s9+s1], $0x280, s29, s1, $0x38;
	[tilespmem:$0x1CA80] =	vst v63  }
0x23: {  	_ =	swait.ge [sflag:s8], $0x280  }
0x24: {  	[sflag:s8] =	ssyncset.done $0x0  }
0x25: {  	s11 =	simm.s32 $0x500;
	s10 =	rddreg [dreg:$0x7];
	[sflag:s8] =	ssyncadd.s32 $0xFFFFFD80  }
0x26: {  	[tilespmem:s11], [sflag:$0x8] =	stream.strided.gather [hbm4b:s10+s1], $0x280, s29, s1, $0x38;
	[tilespmem:$0x1CA80] =	vst v63  }
0x27: {  	_ =	swait.ge [sflag:s8], $0x280  }
0x28: {  	[sflag:s8] =	ssyncset.done $0x0  }
0x29: {  	s13 =	simm.s32 $0x780;
	s12 =	rddreg [dreg:$0x5];
	[sflag:s8] =	ssyncadd.s32 $0xFFFFFD80  }
0x2a: {  	[tilespmem:s13], [sflag:$0x8] =	stream.strided.gather [hbm4b:s12+s1], $0x280, s29, s1, $0x38;
	[tilespmem:$0x1CA80] =	vst v63  }
0x2b: {  	_ =	swait.ge [sflag:s8], $0x280  }
0x2c: {  	[sflag:s8] =	ssyncset.done $0x0  }
0x2d: {  	s15 =	simm.s32 $0xA00;
	s14 =	rddreg [dreg:$0x8];
	[sflag:s8] =	ssyncadd.s32 $0xFFFFFD80  }
0x2e: {  	[tilespmem:s15], [sflag:$0x8] =	stream.linear.gather [hbm4b:s14+s3], $0x80, $0x38;
	[tilespmem:$0x1CA80] =	vst v63  }
0x2f: {  	_ =	swait.ge [sflag:s8], $0x80  }
0x30: {  	[sflag:s8] =	ssyncset.done $0x0  }
0x31: {  	[sflag:s8] =	ssyncadd.s32 $0xFFFFFF80  }
0x32: {  	v8 =	vld [tilespmem:$0xA00];
	_ =	sdelay $0x4  }
0x33: {  	(v2sf) =	vpush v8, $0x0;
	_ =	sdelay $0xe  }
0x34: {  	s16 =	spop (v2sf)  }
0x35: {  	s0 =	sadd.s32 $0xF, s16  }
0x36: {  	s17 =	sand.u32 $0xF, s0  }
0x37: {  	s18 =	sshra.s32 s0, $0x1F;
	p0 =	slt.s32 s0, $0x1;
	p1 =	sne.s32 s17, $0x0  }
0x38: {  	s19 =	sshrl.u32 s18, $0x1C;
	p0 =	por !p0, !p1  }
0x39: {  	s1 =	simm.s32 $0x1;
	s0 =	sadd.s32 s19, s0;
	p0 =	por !p0, !p0  }
0x3a: {  	s0 =	sshra.s32 s0, $0x4;
	s1 =	simm.s32 @!p0 $0x0  }
0x3b: {  	s0 =	ssub.s32 s0, s1  }
0x3c: {  	p0 =	slt.s32 s0, $0x1  }
.Ltmp2:
0x3d: {  	_ = 	snop;
	(pc) =	sbr.rel @!p0 .LBB2_2-.Ltmp2, $4  }
.Ltmp3:
0x3e: {  	_ = 	snop;
	(pc) =	sbr.rel @p0 .LBB2_115-.Ltmp3, $4  }
0x3f: {  	_ = 	snop  }
0x40: {  	_ = 	snop  }
0x41: {  	s2 =	simm.s32 $0x0;
	s17 =	simm.s32 $0x0;
	[dreg:$0xb] =	wrdreg s0  }
0x42: {  	_ = 	snop  }
.LBB2_109:
0x43: {  	s9 =	smov.u32 s7;
	s2 =	smov.u32 s5  }
.LBB2_113:
0x44: {  	v9 =	vadd.s32 v1, v8;
	_ =	sdelay $0x1  }
0x45: {  	s6 =	sadd.s32 @p0 $0x1, s9  }
0x46: {  	s7 =	smov.u32 @p0 s6  }
0x47: {  	v10 =	vld [tilespmem:s8+$0x0];
	s6 =	sshll.u32 s7, $0x7  }
0x48: {  	v11 =	vor.u32 s6, v0;
	v9 =	vld.idx.msk [tilespmem:v9+s23+$0x0], $0xffff  }
0x49: {  	v12 =	vadd.s32 v2, v8;
	_ =	sdelay $0x3  }
0x4a: {  	(v2sf) =	vpush v10, $0x0;
	[tilespmem:v11+s26+$0x0] =	vst.idx.msk $0xffff, v9  }
0x4b: {  	v60 =	vor.u32 s6, v3;
	v9 =	vld.idx.msk [tilespmem:v12+s23+$0x0], $0xffff  }
0x4c: {  	v61 =	vadd.s32 v4, v8;
	_ =	sdelay $0x3  }
0x4d: {  	[tilespmem:v60+s26+$0x0] =	vst.idx.msk $0xffff, v9  }
0x4e: {  	v62 =	vor.u32 s6, v5;
	v9 =	vld.idx.msk [tilespmem:v61+s23+$0x0], $0xffff  }
0x4f: {  	v8 =	vadd.s32 v6, v8;
	_ =	sdelay $0x3  }
0x50: {  	[tilespmem:v62+s26+$0x0] =	vst.idx.msk $0xffff, v9  }
0x51: {  	v63 =	vor.u32 s6, v7;
	v8 =	vld.idx.msk [tilespmem:v8+s23+$0x0], $0xffff;
	_ =	sdelay $0x1  }
0x52: {  	s19 =	spop (v2sf)  }
0x53: {  	s6 =	sshll.u32 s19, $0x4  }
0x54: {  	s2 =	sadd.s32 @p0 $0x80, s2;
	s6 =	sand.u32 $0x1FFFFFF0, s6  }
0x55: {  	s5 =	smov.u32 @p0 s2;
	s6 =	sadd.s32 s4, s6;
	[tilespmem:v63+s26+$0x0] =	vst.idx.msk $0xffff, v8  }
0x56: {  	[hbm4b:s6+s3] =	stream.linear.scatter [tilespmem:s5], [sflag:$0x7], $0x80, $0x38;
	[tilespmem:$0x1CA80] =	vst v63  }
0x57: {  	s6 =	smov.u32 s16  }
.LBB2_114:
0x58: {  	s2 =	sadd.s32 s10, s6  }
0x59: {  	s17 =	rddreg [dreg:$0xc];
	s1 =	sadd.s32 s1, s2  }
0x5a: {  	s19 =	rddreg [dreg:$0xb];
	s2 =	sadd.s32 $0x1, s17;
	s1 =	sadd.s32 s14, s1  }
0x5b: {  	p0 =	sne.s32 s2, s19;
	s1 =	sadd.s32 s13, s1  }
.Ltmp4:
0x5c: {  	s1 =	sadd.s32 s15, s1;
	(pc) =	sbr.rel @!p0 .LBB2_115-.Ltmp4, $4  }
0x5d: {  	s1 =	sadd.s32 s31, s1  }
0x5e: {  	s0 =	sadd.s32 s0, s1  }
0x5f: {  	s0 =	sadd.s32 s18, s0  }
0x60: {  	s31 =	simm.s32 $0x7A1400;
	s17 =	sadd.s32 s28, s0;
	s28 =	rddreg [dreg:$0x2]  }
.LBB2_2:
0x61: {  	s0 =	sshll.u32 s2, $0x4  }
0x62: {  	v9 =	vld [tilespmem:s0+$0x0];
	_ =	sdelay $0x4  }
0x63: {  	v10 =	vshll.u32 v9, $0x7  }
0x64: {  	(v2sf) =	vpush v10, $0x0;
	_ =	sdelay $0x1  }
0x65: {  	(v2sf) =	vpush v10, $0x1;
	_ =	sdelay $0x4  }
0x66: {  	(v2sf) =	vpush v10, $0x2;
	_ =	sdelay $0x2  }
0x67: {  	(v2sf) =	vpush v10, $0x3;
	_ =	sdelay $0x4  }
0x68: {  	s1 =	spop (v2sf);
	(v2sf) =	vpush v10, $0x4;
	_ =	sdelay $0x1  }
0x69: {  	s14 =	spop (v2sf);
	(v2sf) =	vpush v10, $0x5;
	_ =	sdelay $0x1  }
0x6a: {  	s1 =	sand.u32 $0x1FFFFF80, s1  }
0x6b: {  	v8 =	vld [tilespmem:s0+$0x280];
	s13 =	sadd.s32 s28, s1;
	s0 =	sand.u32 $0x1FFFFF80, s14  }
0x6c: {  	[tilespmem:s20], [sflag:$0x1] =	stream.strided.gather [hbm4b:s13+s29], $0x2000, s31, s29, $0x38;
	[tilespmem:$0x1CA80] =	vst v63  }
0x6d: {  	s15 =	spop (v2sf);
	s0 =	sadd.s32 s28, s0  }
0x6e: {  	[tilespmem:s21], [sflag:$0x2] =	stream.strided.gather [hbm4b:s0+s29], $0x2000, s31, s29, $0x38;
	[tilespmem:$0x1CA80] =	vst v63  }
0x6f: {  	s0 =	sand.u32 $0x1FFFFF80, s15  }
0x70: {  	s16 =	spop (v2sf);
	s0 =	sadd.s32 s28, s0  }
0x71: {  	[tilespmem:s22], [sflag:$0x3] =	stream.strided.gather [hbm4b:s0+s29], $0x2000, s31, s29, $0x38;
	[tilespmem:$0x1CA80] =	vst v63  }
0x72: {  	s0 =	sand.u32 $0x1FFFFF80, s16  }
0x73: {  	s0 =	sadd.s32 s28, s0  }
0x74: {  	[tilespmem:s23], [sflag:$0x4] =	stream.strided.gather [hbm4b:s0+s29], $0x2000, s31, s29, $0x38;
	[tilespmem:$0x1CA80] =	vst v63  }
0x75: {  	s18 =	spop (v2sf)  }
0x76: {  	s0 =	sand.u32 $0x1FFFFF80, s18  }
0x77: {  	s19 =	spop (v2sf);
	s0 =	sadd.s32 s28, s0  }
0x78: {  	[tilespmem:s24], [sflag:$0x5] =	stream.strided.gather [hbm4b:s0+s29], $0x2000, s31, s29, $0x38;
	[tilespmem:$0x1CA80] =	vst v63  }
0x79: {  	s0 =	sand.u32 $0x1FFFFF80, s19  }
0x7a: {  	[dreg:$0xc] =	wrdreg s2;
	s0 =	sadd.s32 s28, s0  }
0x7b: {  	[tilespmem:s25], [sflag:$0x6] =	stream.strided.gather [hbm4b:s0+s29], $0x2000, s31, s29, $0x38;
	[tilespmem:$0x1CA80] =	vst v63  }
0x7c: {  	_ =	swait.ge [sflag:s30], $0x2000  }
0x7d: {  	(v2sf) =	vpush v8, $0x0;
	_ =	sdelay $0xe  }
0x7e: {  	s11 =	spop (v2sf)  }
0x7f: {  	p0 =	slt.s32 s11, $0x1  }
.Ltmp5:
0x80: {  	_ = 	snop;
	(pc) =	sbr.rel @p0 .LBB2_9-.Ltmp5, $3  }
0x81: {  	_ =	sdelay $0x1  }
0x82: {  	[sflag:s30] =	ssyncset.done $0x0  }
0x83: {  	[sflag:s30] =	ssyncadd.s32 $0xFFFFE000  }
0x84: {  	p1 =	sne.s32 s11, $0x1  }
.Ltmp6:
0x85: {  	_ = 	snop;
	(pc) =	sbr.rel @!p1 .LBB2_4-.Ltmp6, $4  }
0x86: {  	s1 =	sshll.u32 s17, $0x2  }
0x87: {  	s0 =	sshll.u32 s17, $0x9;
	s1 =	sshra.s32 s1, $0x2  }
0x88: {  	s5 =	sadd.s32 $0xFFFFFFFF, s11;
	s0 =	sshra.s32 s0, $0x2;
	s2 =	sadd.s32 $0x500, s1  }
0x89: {  	p0 =	por $0x0, $0x0;
	s0 =	sadd.s32 $0xCA80, s0;
	s1 =	sadd.s32 $0x780, s1;
	v10 =	vld.msk [tilespmem:s2+$0x0 ss:$0x0], $0xffff  }
0x8a: {  	_ =	sdelay $0x3  }
0x8b: {  	v11 =	vadd.s32 v1, v10;
	_ =	sdelay $0x3  }
0x8c: {  	v12 =	vld [tilespmem:s1+$0x0];
	s6 =	sshll.u32 s17, $0x7  }
0x8d: {  	v13 =	vor.u32 s6, v0;
	v11 =	vld.idx.msk [tilespmem:v11+s20+$0x0], $0xffff  }
0x8e: {  	v14 =	vadd.s32 v2, v10;
	_ =	sdelay $0x3  }
0x8f: {  	(v2sf) =	vpush v12, $0x0;
	[tilespmem:v13+s26+$0x0] =	vst.idx.msk $0xffff, v11  }
0x90: {  	v61 =	vor.u32 s6, v3;
	v11 =	vld.idx.msk [tilespmem:v14+s20+$0x0], $0xffff  }
0x91: {  	v62 =	vadd.s32 v4, v10;
	_ =	sdelay $0x3  }
0x92: {  	[tilespmem:v61+s26+$0x0] =	vst.idx.msk $0xffff, v11  }
0x93: {  	v63 =	vor.u32 s6, v5;
	v11 =	vld.idx.msk [tilespmem:v62+s20+$0x0], $0xffff  }
0x94: {  	v10 =	vadd.s32 v6, v10;
	_ =	sdelay $0x3  }
0x95: {  	[tilespmem:v63+s26+$0x0] =	vst.idx.msk $0xffff, v11  }
0x96: {  	v11 =	vor.u32 s6, v7;
	v10 =	vld.idx.msk [tilespmem:v10+s20+$0x0], $0xffff;
	_ =	sdelay $0x1  }
0x97: {  	s19 =	spop (v2sf)  }
0x98: {  	p1 =	sne.s32 s5, $0x1;
	s6 =	sshll.u32 s19, $0x4  }
.Ltmp7:
0x99: {  	s6 =	sand.u32 $0x1FFFFFF0, s6;
	(pc) =	sbr.rel @!p1 .LBB2_6-.Ltmp7, $4  }
0x9a: {  	s6 =	sadd.s32 s4, s6;
	[tilespmem:v11+s26+$0x0] =	vst.idx.msk $0xffff, v10  }
0x9b: {  	[hbm4b:s6+s3] =	stream.linear.scatter [tilespmem:s0], [sflag:$0x7], $0x80, $0x38;
	[tilespmem:$0x1CA80] =	vst v63  }
0x9c: {  	s7 =	sadd.s32 $0xFFFFFFFF, s5;
	s1 =	sadd.s32 $0x1, s1;
	s6 =	sadd.s32 $0x1, s2  }
0x9d: {  	p0 =	por $0x1, $0x1;
	s5 =	smov.u32 s0;
	s2 =	smov.u32 s17;
	v10 =	vld.msk [tilespmem:s6+$0x0 ss:$0x0], $0xffff  }
.LBB2_7:
0x9e: {  	p1 =	sne.s32 s7, $0x1;
	v11 =	vld [tilespmem:s1+$0x0];
	_ =	sdelay $0x4  }
0x9f: {  	v12 =	vadd.s32 v1, v10;
	_ =	sdelay $0x3  }
0xa0: {  	s2 =	sadd.s32 $0x1, s2  }
0xa1: {  	s8 =	sshll.u32 s2, $0x7;
	v12 =	vld.idx.msk [tilespmem:v12+s20+$0x0], $0xffff  }
0xa2: {  	v13 =	vor.u32 s8, v0  }
0xa3: {  	v14 =	vadd.s32 v2, v10;
	_ =	sdelay $0x3  }
0xa4: {  	[tilespmem:v13+s26+$0x0] =	vst.idx.msk $0xffff, v12  }
0xa5: {  	v12 =	vld.idx.msk [tilespmem:v14+s20+$0x0], $0xffff  }
0xa6: {  	v13 =	vor.u32 s8, v3;
	(v2sf) =	vpush v11, $0x0  }
0xa7: {  	v11 =	vadd.s32 v4, v10;
	_ =	sdelay $0x3  }
0xa8: {  	[tilespmem:v13+s26+$0x0] =	vst.idx.msk $0xffff, v12  }
0xa9: {  	v11 =	vld.idx.msk [tilespmem:v11+s20+$0x0], $0xffff  }
0xaa: {  	v12 =	vor.u32 s8, v5  }
0xab: {  	v10 =	vadd.s32 v6, v10;
	_ =	sdelay $0x3  }
0xac: {  	[tilespmem:v12+s26+$0x0] =	vst.idx.msk $0xffff, v11  }
0xad: {  	v10 =	vld.idx.msk [tilespmem:v10+s20+$0x0], $0xffff  }
0xae: {  	v11 =	vor.u32 s8, v7  }
0xaf: {  	s8 =	spop (v2sf)  }
.Ltmp8:
0xb0: {  	s8 =	sshll.u32 s8, $0x4;
	(pc) =	sbr.rel @p1 .LBB2_7-.Ltmp8, $4  }
0xb1: {  	s8 =	sand.u32 $0x1FFFFFF0, s8  }
0xb2: {  	s6 =	sadd.s32 $0x1, s6;
	s5 =	sadd.s32 $0x80, s5;
	s8 =	sadd.s32 s4, s8  }
0xb3: {  	[tilespmem:v11+s26+$0x0] =	vst.idx.msk $0xffff, v10;
	[hbm4b:s8+s3] =	stream.linear.scatter [tilespmem:s5], [sflag:$0x7], $0x80, $0x38  }
0xb4: {  	s7 =	sadd.s32 $0xFFFFFFFF, s7;
	s1 =	sadd.s32 $0x1, s1;
	v10 =	vld.msk [tilespmem:s6+$0x0 ss:$0x0], $0xffff  }
.LBB2_8:
0xb5: {  	_ =	sdelay $0x3  }
0xb6: {  	v11 =	vadd.s32 v1, v10;
	_ =	sdelay $0x1  }
0xb7: {  	s2 =	sadd.s32 @p0 $0x1, s2;
	s6 =	smov.u32 s17  }
0xb8: {  	s6 =	smov.u32 @p0 s2  }
0xb9: {  	v12 =	vld [tilespmem:s1+$0x0];
	s18 =	sshll.u32 s6, $0x7  }
0xba: {  	v13 =	vor.u32 s18, v0;
	v11 =	vld.idx.msk [tilespmem:v11+s20+$0x0], $0xffff  }
0xbb: {  	v14 =	vadd.s32 v2, v10;
	_ =	sdelay $0x3  }
0xbc: {  	(v2sf) =	vpush v12, $0x0;
	[tilespmem:v13+s26+$0x0] =	vst.idx.msk $0xffff, v11  }
0xbd: {  	v61 =	vor.u32 s18, v3;
	v11 =	vld.idx.msk [tilespmem:v14+s20+$0x0], $0xffff  }
0xbe: {  	v62 =	vadd.s32 v4, v10;
	_ =	sdelay $0x3  }
0xbf: {  	[tilespmem:v61+s26+$0x0] =	vst.idx.msk $0xffff, v11  }
0xc0: {  	v63 =	vor.u32 s18, v5;
	v11 =	vld.idx.msk [tilespmem:v62+s20+$0x0], $0xffff  }
0xc1: {  	v10 =	vadd.s32 v6, v10;
	_ =	sdelay $0x3  }
0xc2: {  	[tilespmem:v63+s26+$0x0] =	vst.idx.msk $0xffff, v11  }
0xc3: {  	v11 =	vor.u32 s18, v7;
	v10 =	vld.idx.msk [tilespmem:v10+s20+$0x0], $0xffff;
	_ =	sdelay $0x1  }
0xc4: {  	s19 =	spop (v2sf)  }
0xc5: {  	s1 =	sshll.u32 s19, $0x4  }
0xc6: {  	s2 =	sadd.s32 @p0 $0x80, s5;
	s1 =	sand.u32 $0x1FFFFFF0, s1  }
0xc7: {  	s0 =	smov.u32 @p0 s2;
	s1 =	sadd.s32 s4, s1;
	[tilespmem:v11+s26+$0x0] =	vst.idx.msk $0xffff, v10  }
0xc8: {  	[hbm4b:s1+s3] =	stream.linear.scatter [tilespmem:s0], [sflag:$0x7], $0x80, $0x38;
	[tilespmem:$0x1CA80] =	vst v63  }
.LBB2_9:
0xc9: {  	(v2sf) =	vpush v9, $0x6;
	_ =	sdelay $0xe  }
0xca: {  	s0 =	spop (v2sf)  }
0xcb: {  	s0 =	sshll.u32 s0, $0x7  }
0xcc: {  	s0 =	sand.u32 $0x1FFFFF80, s0  }
0xcd: {  	s1 =	simm.s32 $0x2;
	s0 =	sadd.s32 s28, s0  }
0xce: {  	[tilespmem:s20], [sflag:$0x1] =	stream.strided.gather [hbm4b:s0+s29], $0x2000, s31, s29, $0x38;
	[tilespmem:$0x1CA80] =	vst v63  }
0xcf: {  	_ =	swait.ge [sflag:s1], $0x2000  }
0xd0: {  	(v2sf) =	vpush v8, $0x1;
	_ =	sdelay $0xe  }
0xd1: {  	s14 =	spop (v2sf)  }
0xd2: {  	p0 =	slt.s32 s14, $0x1  }
.Ltmp9:
0xd3: {  	_ = 	snop;
	(pc) =	sbr.rel @p0 .LBB2_16-.Ltmp9, $3  }
0xd4: {  	_ =	sdelay $0x1  }
0xd5: {  	[sflag:s1] =	ssyncset.done $0x0  }
0xd6: {  	s0 =	sadd.s32 s17, s11;
	[sflag:s1] =	ssyncadd.s32 $0xFFFFE000  }
0xd7: {  	p1 =	sne.s32 s14, $0x1  }
.Ltmp10:
0xd8: {  	_ = 	snop;
	(pc) =	sbr.rel @!p1 .LBB2_11-.Ltmp10, $4  }
0xd9: {  	s2 =	sshll.u32 s0, $0x2  }
0xda: {  	s1 =	sshll.u32 s0, $0x9;
	s5 =	sshra.s32 s2, $0x2  }
0xdb: {  	s6 =	sadd.s32 $0xFFFFFFFF, s14;
	s1 =	sshra.s32 s1, $0x2;
	s2 =	sadd.s32 $0x500, s5  }
0xdc: {  	p0 =	por $0x0, $0x0;
	s1 =	sadd.s32 $0xCA80, s1;
	s5 =	sadd.s32 $0x780, s5;
	v10 =	vld.msk [tilespmem:s2+$0x0 ss:$0x0], $0xffff  }
0xdd: {  	_ =	sdelay $0x3  }
0xde: {  	v11 =	vadd.s32 v1, v10;
	_ =	sdelay $0x3  }
0xdf: {  	v12 =	vld [tilespmem:s5+$0x0];
	s7 =	sshll.u32 s0, $0x7  }
0xe0: {  	v13 =	vor.u32 s7, v0;
	v11 =	vld.idx.msk [tilespmem:v11+s21+$0x0], $0xffff  }
0xe1: {  	v14 =	vadd.s32 v2, v10;
	_ =	sdelay $0x3  }
0xe2: {  	(v2sf) =	vpush v12, $0x0;
	[tilespmem:v13+s26+$0x0] =	vst.idx.msk $0xffff, v11  }
0xe3: {  	v61 =	vor.u32 s7, v3;
	v11 =	vld.idx.msk [tilespmem:v14+s21+$0x0], $0xffff  }
0xe4: {  	v62 =	vadd.s32 v4, v10;
	_ =	sdelay $0x3  }
0xe5: {  	[tilespmem:v61+s26+$0x0] =	vst.idx.msk $0xffff, v11  }
0xe6: {  	v63 =	vor.u32 s7, v5;
	v11 =	vld.idx.msk [tilespmem:v62+s21+$0x0], $0xffff  }
0xe7: {  	v10 =	vadd.s32 v6, v10;
	_ =	sdelay $0x3  }
0xe8: {  	[tilespmem:v63+s26+$0x0] =	vst.idx.msk $0xffff, v11  }
0xe9: {  	v11 =	vor.u32 s7, v7;
	v10 =	vld.idx.msk [tilespmem:v10+s21+$0x0], $0xffff;
	_ =	sdelay $0x1  }
0xea: {  	s19 =	spop (v2sf)  }
0xeb: {  	p1 =	sne.s32 s6, $0x1;
	s7 =	sshll.u32 s19, $0x4  }
.Ltmp11:
0xec: {  	s7 =	sand.u32 $0x1FFFFFF0, s7;
	(pc) =	sbr.rel @!p1 .LBB2_13-.Ltmp11, $4  }
0xed: {  	s7 =	sadd.s32 s4, s7;
	[tilespmem:v11+s26+$0x0] =	vst.idx.msk $0xffff, v10  }
0xee: {  	[hbm4b:s7+s3] =	stream.linear.scatter [tilespmem:s1], [sflag:$0x7], $0x80, $0x38;
	[tilespmem:$0x1CA80] =	vst v63  }
0xef: {  	s8 =	sadd.s32 $0xFFFFFFFF, s6;
	s5 =	sadd.s32 $0x1, s5;
	s7 =	sadd.s32 $0x1, s2  }
0xf0: {  	p0 =	por $0x1, $0x1;
	s6 =	smov.u32 s1;
	s2 =	smov.u32 s0;
	v10 =	vld.msk [tilespmem:s7+$0x0 ss:$0x0], $0xffff  }
.LBB2_14:
0xf1: {  	p1 =	sne.s32 s8, $0x1;
	v11 =	vld [tilespmem:s5+$0x0];
	_ =	sdelay $0x4  }
0xf2: {  	v12 =	vadd.s32 v1, v10;
	_ =	sdelay $0x3  }
0xf3: {  	s2 =	sadd.s32 $0x1, s2  }
0xf4: {  	s9 =	sshll.u32 s2, $0x7;
	v12 =	vld.idx.msk [tilespmem:v12+s21+$0x0], $0xffff  }
0xf5: {  	v13 =	vor.u32 s9, v0  }
0xf6: {  	v14 =	vadd.s32 v2, v10;
	_ =	sdelay $0x3  }
0xf7: {  	[tilespmem:v13+s26+$0x0] =	vst.idx.msk $0xffff, v12  }
0xf8: {  	v12 =	vld.idx.msk [tilespmem:v14+s21+$0x0], $0xffff  }
0xf9: {  	v13 =	vor.u32 s9, v3;
	(v2sf) =	vpush v11, $0x0  }
0xfa: {  	v11 =	vadd.s32 v4, v10;
	_ =	sdelay $0x3  }
0xfb: {  	[tilespmem:v13+s26+$0x0] =	vst.idx.msk $0xffff, v12  }
0xfc: {  	v11 =	vld.idx.msk [tilespmem:v11+s21+$0x0], $0xffff  }
0xfd: {  	v12 =	vor.u32 s9, v5  }
0xfe: {  	v10 =	vadd.s32 v6, v10;
	_ =	sdelay $0x3  }
0xff: {  	[tilespmem:v12+s26+$0x0] =	vst.idx.msk $0xffff, v11  }
0x100: {  	v10 =	vld.idx.msk [tilespmem:v10+s21+$0x0], $0xffff  }
0x101: {  	v11 =	vor.u32 s9, v7  }
0x102: {  	s9 =	spop (v2sf)  }
.Ltmp12:
0x103: {  	s9 =	sshll.u32 s9, $0x4;
	(pc) =	sbr.rel @p1 .LBB2_14-.Ltmp12, $4  }
0x104: {  	s9 =	sand.u32 $0x1FFFFFF0, s9  }
0x105: {  	s7 =	sadd.s32 $0x1, s7;
	s6 =	sadd.s32 $0x80, s6;
	s9 =	sadd.s32 s4, s9  }
0x106: {  	[tilespmem:v11+s26+$0x0] =	vst.idx.msk $0xffff, v10;
	[hbm4b:s9+s3] =	stream.linear.scatter [tilespmem:s6], [sflag:$0x7], $0x80, $0x38  }
0x107: {  	s8 =	sadd.s32 $0xFFFFFFFF, s8;
	s5 =	sadd.s32 $0x1, s5;
	v10 =	vld.msk [tilespmem:s7+$0x0 ss:$0x0], $0xffff  }
.LBB2_15:
0x108: {  	_ =	sdelay $0x3  }
0x109: {  	v11 =	vadd.s32 v1, v10;
	_ =	sdelay $0x1  }
0x10a: {  	s2 =	sadd.s32 @p0 $0x1, s2;
	s7 =	smov.u32 s0  }
0x10b: {  	s7 =	smov.u32 @p0 s2  }
0x10c: {  	v12 =	vld [tilespmem:s5+$0x0];
	s2 =	sshll.u32 s7, $0x7  }
0x10d: {  	v13 =	vor.u32 s2, v0;
	v11 =	vld.idx.msk [tilespmem:v11+s21+$0x0], $0xffff  }
0x10e: {  	v14 =	vadd.s32 v2, v10;
	_ =	sdelay $0x3  }
0x10f: {  	(v2sf) =	vpush v12, $0x0;
	[tilespmem:v13+s26+$0x0] =	vst.idx.msk $0xffff, v11  }
0x110: {  	v61 =	vor.u32 s2, v3;
	v11 =	vld.idx.msk [tilespmem:v14+s21+$0x0], $0xffff  }
0x111: {  	v62 =	vadd.s32 v4, v10;
	_ =	sdelay $0x3  }
0x112: {  	[tilespmem:v61+s26+$0x0] =	vst.idx.msk $0xffff, v11  }
0x113: {  	v63 =	vor.u32 s2, v5;
	v11 =	vld.idx.msk [tilespmem:v62+s21+$0x0], $0xffff  }
0x114: {  	v10 =	vadd.s32 v6, v10;
	_ =	sdelay $0x3  }
0x115: {  	[tilespmem:v63+s26+$0x0] =	vst.idx.msk $0xffff, v11  }
0x116: {  	v11 =	vor.u32 s2, v7;
	v10 =	vld.idx.msk [tilespmem:v10+s21+$0x0], $0xffff;
	_ =	sdelay $0x1  }
0x117: {  	s19 =	spop (v2sf)  }
0x118: {  	s2 =	sshll.u32 s19, $0x4  }
0x119: {  	s5 =	sadd.s32 @p0 $0x80, s6;
	s2 =	sand.u32 $0x1FFFFFF0, s2  }
0x11a: {  	s1 =	smov.u32 @p0 s5;
	s2 =	sadd.s32 s4, s2;
	[tilespmem:v11+s26+$0x0] =	vst.idx.msk $0xffff, v10  }
0x11b: {  	[hbm4b:s2+s3] =	stream.linear.scatter [tilespmem:s1], [sflag:$0x7], $0x80, $0x38;
	[tilespmem:$0x1CA80] =	vst v63  }
.LBB2_16:
0x11c: {  	(v2sf) =	vpush v9, $0x7;
	_ =	sdelay $0xe  }
0x11d: {  	s1 =	spop (v2sf)  }
0x11e: {  	s1 =	sshll.u32 s1, $0x7  }
0x11f: {  	s1 =	sand.u32 $0x1FFFFF80, s1  }
0x120: {  	s19 =	simm.s32 $0x3;
	s1 =	sadd.s32 s28, s1  }
0x121: {  	[tilespmem:s21], [sflag:$0x2] =	stream.strided.gather [hbm4b:s1+s29], $0x2000, s31, s29, $0x38;
	[tilespmem:$0x1CA80] =	vst v63  }
0x122: {  	_ =	swait.ge [sflag:s19], $0x2000  }
0x123: {  	(v2sf) =	vpush v8, $0x2;
	_ =	sdelay $0xe  }
0x124: {  	s13 =	spop (v2sf)  }
0x125: {  	p0 =	slt.s32 s13, $0x1  }
.Ltmp13:
0x126: {  	_ = 	snop;
	(pc) =	sbr.rel @p0 .LBB2_23-.Ltmp13, $3  }
0x127: {  	_ =	sdelay $0x1  }
0x128: {  	[sflag:s19] =	ssyncset.done $0x0  }
0x129: {  	s0 =	sadd.s32 s14, s0;
	[sflag:s19] =	ssyncadd.s32 $0xFFFFE000  }
0x12a: {  	p1 =	sne.s32 s13, $0x1  }
.Ltmp14:
0x12b: {  	_ = 	snop;
	(pc) =	sbr.rel @!p1 .LBB2_18-.Ltmp14, $4  }
0x12c: {  	s2 =	sshll.u32 s0, $0x2  }
0x12d: {  	s1 =	sshll.u32 s0, $0x9;
	s5 =	sshra.s32 s2, $0x2  }
0x12e: {  	s6 =	sadd.s32 $0xFFFFFFFF, s13;
	s1 =	sshra.s32 s1, $0x2;
	s2 =	sadd.s32 $0x500, s5  }
0x12f: {  	p0 =	por $0x0, $0x0;
	s1 =	sadd.s32 $0xCA80, s1;
	s5 =	sadd.s32 $0x780, s5;
	v10 =	vld.msk [tilespmem:s2+$0x0 ss:$0x0], $0xffff  }
0x130: {  	_ =	sdelay $0x3  }
0x131: {  	v11 =	vadd.s32 v1, v10;
	_ =	sdelay $0x3  }
0x132: {  	v12 =	vld [tilespmem:s5+$0x0];
	s7 =	sshll.u32 s0, $0x7  }
0x133: {  	v13 =	vor.u32 s7, v0;
	v11 =	vld.idx.msk [tilespmem:v11+s22+$0x0], $0xffff  }
0x134: {  	v14 =	vadd.s32 v2, v10;
	_ =	sdelay $0x3  }
0x135: {  	(v2sf) =	vpush v12, $0x0;
	[tilespmem:v13+s26+$0x0] =	vst.idx.msk $0xffff, v11  }
0x136: {  	v61 =	vor.u32 s7, v3;
	v11 =	vld.idx.msk [tilespmem:v14+s22+$0x0], $0xffff  }
0x137: {  	v62 =	vadd.s32 v4, v10;
	_ =	sdelay $0x3  }
0x138: {  	[tilespmem:v61+s26+$0x0] =	vst.idx.msk $0xffff, v11  }
0x139: {  	v63 =	vor.u32 s7, v5;
	v11 =	vld.idx.msk [tilespmem:v62+s22+$0x0], $0xffff  }
0x13a: {  	v10 =	vadd.s32 v6, v10;
	_ =	sdelay $0x3  }
0x13b: {  	[tilespmem:v63+s26+$0x0] =	vst.idx.msk $0xffff, v11  }
0x13c: {  	v11 =	vor.u32 s7, v7;
	v10 =	vld.idx.msk [tilespmem:v10+s22+$0x0], $0xffff;
	_ =	sdelay $0x1  }
0x13d: {  	s19 =	spop (v2sf)  }
0x13e: {  	p1 =	sne.s32 s6, $0x1;
	s7 =	sshll.u32 s19, $0x4  }
.Ltmp15:
0x13f: {  	s7 =	sand.u32 $0x1FFFFFF0, s7;
	(pc) =	sbr.rel @!p1 .LBB2_20-.Ltmp15, $4  }
0x140: {  	s7 =	sadd.s32 s4, s7;
	[tilespmem:v11+s26+$0x0] =	vst.idx.msk $0xffff, v10  }
0x141: {  	[hbm4b:s7+s3] =	stream.linear.scatter [tilespmem:s1], [sflag:$0x7], $0x80, $0x38;
	[tilespmem:$0x1CA80] =	vst v63  }
0x142: {  	s8 =	sadd.s32 $0xFFFFFFFF, s6;
	s5 =	sadd.s32 $0x1, s5;
	s7 =	sadd.s32 $0x1, s2  }
0x143: {  	p0 =	por $0x1, $0x1;
	s6 =	smov.u32 s1;
	s2 =	smov.u32 s0;
	v10 =	vld.msk [tilespmem:s7+$0x0 ss:$0x0], $0xffff  }
.LBB2_21:
0x144: {  	p1 =	sne.s32 s8, $0x1;
	v11 =	vld [tilespmem:s5+$0x0];
	_ =	sdelay $0x4  }
0x145: {  	v12 =	vadd.s32 v1, v10;
	_ =	sdelay $0x3  }
0x146: {  	s2 =	sadd.s32 $0x1, s2  }
0x147: {  	s9 =	sshll.u32 s2, $0x7;
	v12 =	vld.idx.msk [tilespmem:v12+s22+$0x0], $0xffff  }
0x148: {  	v13 =	vor.u32 s9, v0  }
0x149: {  	v14 =	vadd.s32 v2, v10;
	_ =	sdelay $0x3  }
0x14a: {  	[tilespmem:v13+s26+$0x0] =	vst.idx.msk $0xffff, v12  }
0x14b: {  	v12 =	vld.idx.msk [tilespmem:v14+s22+$0x0], $0xffff  }
0x14c: {  	v13 =	vor.u32 s9, v3;
	(v2sf) =	vpush v11, $0x0  }
0x14d: {  	v11 =	vadd.s32 v4, v10;
	_ =	sdelay $0x3  }
0x14e: {  	[tilespmem:v13+s26+$0x0] =	vst.idx.msk $0xffff, v12  }
0x14f: {  	v11 =	vld.idx.msk [tilespmem:v11+s22+$0x0], $0xffff  }
0x150: {  	v12 =	vor.u32 s9, v5  }
0x151: {  	v10 =	vadd.s32 v6, v10;
	_ =	sdelay $0x3  }
0x152: {  	[tilespmem:v12+s26+$0x0] =	vst.idx.msk $0xffff, v11  }
0x153: {  	v10 =	vld.idx.msk [tilespmem:v10+s22+$0x0], $0xffff  }
0x154: {  	v11 =	vor.u32 s9, v7  }
0x155: {  	s9 =	spop (v2sf)  }
.Ltmp16:
0x156: {  	s9 =	sshll.u32 s9, $0x4;
	(pc) =	sbr.rel @p1 .LBB2_21-.Ltmp16, $4  }
0x157: {  	s9 =	sand.u32 $0x1FFFFFF0, s9  }
0x158: {  	s7 =	sadd.s32 $0x1, s7;
	s6 =	sadd.s32 $0x80, s6;
	s9 =	sadd.s32 s4, s9  }
0x159: {  	[tilespmem:v11+s26+$0x0] =	vst.idx.msk $0xffff, v10;
	[hbm4b:s9+s3] =	stream.linear.scatter [tilespmem:s6], [sflag:$0x7], $0x80, $0x38  }
0x15a: {  	s8 =	sadd.s32 $0xFFFFFFFF, s8;
	s5 =	sadd.s32 $0x1, s5;
	v10 =	vld.msk [tilespmem:s7+$0x0 ss:$0x0], $0xffff  }
.LBB2_22:
0x15b: {  	_ =	sdelay $0x3  }
0x15c: {  	v11 =	vadd.s32 v1, v10;
	_ =	sdelay $0x1  }
0x15d: {  	s2 =	sadd.s32 @p0 $0x1, s2;
	s7 =	smov.u32 s0  }
0x15e: {  	s7 =	smov.u32 @p0 s2  }
0x15f: {  	v12 =	vld [tilespmem:s5+$0x0];
	s2 =	sshll.u32 s7, $0x7  }
0x160: {  	v13 =	vor.u32 s2, v0;
	v11 =	vld.idx.msk [tilespmem:v11+s22+$0x0], $0xffff  }
0x161: {  	v14 =	vadd.s32 v2, v10;
	_ =	sdelay $0x3  }
0x162: {  	(v2sf) =	vpush v12, $0x0;
	[tilespmem:v13+s26+$0x0] =	vst.idx.msk $0xffff, v11  }
0x163: {  	v61 =	vor.u32 s2, v3;
	v11 =	vld.idx.msk [tilespmem:v14+s22+$0x0], $0xffff  }
0x164: {  	v62 =	vadd.s32 v4, v10;
	_ =	sdelay $0x3  }
0x165: {  	[tilespmem:v61+s26+$0x0] =	vst.idx.msk $0xffff, v11  }
0x166: {  	v63 =	vor.u32 s2, v5;
	v11 =	vld.idx.msk [tilespmem:v62+s22+$0x0], $0xffff  }
0x167: {  	v10 =	vadd.s32 v6, v10;
	_ =	sdelay $0x3  }
0x168: {  	[tilespmem:v63+s26+$0x0] =	vst.idx.msk $0xffff, v11  }
0x169: {  	v11 =	vor.u32 s2, v7;
	v10 =	vld.idx.msk [tilespmem:v10+s22+$0x0], $0xffff;
	_ =	sdelay $0x1  }
0x16a: {  	s19 =	spop (v2sf)  }
0x16b: {  	s2 =	sshll.u32 s19, $0x4  }
0x16c: {  	s5 =	sadd.s32 @p0 $0x80, s6;
	s2 =	sand.u32 $0x1FFFFFF0, s2  }
0x16d: {  	s1 =	smov.u32 @p0 s5;
	s2 =	sadd.s32 s4, s2;
	[tilespmem:v11+s26+$0x0] =	vst.idx.msk $0xffff, v10  }
0x16e: {  	[hbm4b:s2+s3] =	stream.linear.scatter [tilespmem:s1], [sflag:$0x7], $0x80, $0x38;
	[tilespmem:$0x1CA80] =	vst v63  }
.LBB2_23:
0x16f: {  	(v2sf) =	vpush v9, $0x8;
	_ =	sdelay $0xe  }
0x170: {  	s1 =	spop (v2sf)  }
0x171: {  	s1 =	sshll.u32 s1, $0x7  }
0x172: {  	s1 =	sand.u32 $0x1FFFFF80, s1  }
0x173: {  	s19 =	simm.s32 $0x4;
	s1 =	sadd.s32 s28, s1  }
0x174: {  	[tilespmem:s22], [sflag:$0x3] =	stream.strided.gather [hbm4b:s1+s29], $0x2000, s31, s29, $0x38;
	[tilespmem:$0x1CA80] =	vst v63  }
0x175: {  	_ =	swait.ge [sflag:s19], $0x2000  }
0x176: {  	(v2sf) =	vpush v8, $0x3;
	_ =	sdelay $0xe  }
0x177: {  	s5 =	spop (v2sf)  }
0x178: {  	p0 =	slt.s32 s5, $0x1  }
.Ltmp17:
0x179: {  	_ = 	snop;
	(pc) =	sbr.rel @p0 .LBB2_30-.Ltmp17, $3  }
0x17a: {  	_ =	sdelay $0x1  }
0x17b: {  	[sflag:s19] =	ssyncset.done $0x0  }
0x17c: {  	s0 =	sadd.s32 s13, s0;
	[sflag:s19] =	ssyncadd.s32 $0xFFFFE000  }
0x17d: {  	p1 =	sne.s32 s5, $0x1  }
.Ltmp18:
0x17e: {  	_ = 	snop;
	(pc) =	sbr.rel @!p1 .LBB2_25-.Ltmp18, $4  }
0x17f: {  	s2 =	sshll.u32 s0, $0x2  }
0x180: {  	s1 =	sshll.u32 s0, $0x9;
	s6 =	sshra.s32 s2, $0x2  }
0x181: {  	s7 =	sadd.s32 $0xFFFFFFFF, s5;
	s1 =	sshra.s32 s1, $0x2;
	s2 =	sadd.s32 $0x500, s6  }
0x182: {  	p0 =	por $0x0, $0x0;
	s1 =	sadd.s32 $0xCA80, s1;
	s6 =	sadd.s32 $0x780, s6;
	v10 =	vld.msk [tilespmem:s2+$0x0 ss:$0x0], $0xffff  }
0x183: {  	_ =	sdelay $0x3  }
0x184: {  	v11 =	vadd.s32 v1, v10;
	_ =	sdelay $0x3  }
0x185: {  	v12 =	vld [tilespmem:s6+$0x0];
	s8 =	sshll.u32 s0, $0x7  }
0x186: {  	v13 =	vor.u32 s8, v0;
	v11 =	vld.idx.msk [tilespmem:v11+s23+$0x0], $0xffff  }
0x187: {  	v14 =	vadd.s32 v2, v10;
	_ =	sdelay $0x3  }
0x188: {  	(v2sf) =	vpush v12, $0x0;
	[tilespmem:v13+s26+$0x0] =	vst.idx.msk $0xffff, v11  }
0x189: {  	v61 =	vor.u32 s8, v3;
	v11 =	vld.idx.msk [tilespmem:v14+s23+$0x0], $0xffff  }
0x18a: {  	v62 =	vadd.s32 v4, v10;
	_ =	sdelay $0x3  }
0x18b: {  	[tilespmem:v61+s26+$0x0] =	vst.idx.msk $0xffff, v11  }
0x18c: {  	v63 =	vor.u32 s8, v5;
	v11 =	vld.idx.msk [tilespmem:v62+s23+$0x0], $0xffff  }
0x18d: {  	v10 =	vadd.s32 v6, v10;
	_ =	sdelay $0x3  }
0x18e: {  	[tilespmem:v63+s26+$0x0] =	vst.idx.msk $0xffff, v11  }
0x18f: {  	v11 =	vor.u32 s8, v7;
	v10 =	vld.idx.msk [tilespmem:v10+s23+$0x0], $0xffff;
	_ =	sdelay $0x1  }
0x190: {  	s19 =	spop (v2sf)  }
0x191: {  	p1 =	sne.s32 s7, $0x1;
	s8 =	sshll.u32 s19, $0x4  }
.Ltmp19:
0x192: {  	s8 =	sand.u32 $0x1FFFFFF0, s8;
	(pc) =	sbr.rel @!p1 .LBB2_27-.Ltmp19, $4  }
0x193: {  	s8 =	sadd.s32 s4, s8;
	[tilespmem:v11+s26+$0x0] =	vst.idx.msk $0xffff, v10  }
0x194: {  	[hbm4b:s8+s3] =	stream.linear.scatter [tilespmem:s1], [sflag:$0x7], $0x80, $0x38;
	[tilespmem:$0x1CA80] =	vst v63  }
0x195: {  	s9 =	sadd.s32 $0xFFFFFFFF, s7;
	s6 =	sadd.s32 $0x1, s6;
	s8 =	sadd.s32 $0x1, s2  }
0x196: {  	p0 =	por $0x1, $0x1;
	s7 =	smov.u32 s1;
	s2 =	smov.u32 s0;
	v10 =	vld.msk [tilespmem:s8+$0x0 ss:$0x0], $0xffff  }
.LBB2_28:
0x197: {  	p1 =	sne.s32 s9, $0x1;
	v11 =	vld [tilespmem:s6+$0x0];
	_ =	sdelay $0x4  }
0x198: {  	v12 =	vadd.s32 v1, v10;
	_ =	sdelay $0x3  }
0x199: {  	s2 =	sadd.s32 $0x1, s2  }
0x19a: {  	s10 =	sshll.u32 s2, $0x7;
	v12 =	vld.idx.msk [tilespmem:v12+s23+$0x0], $0xffff  }
0x19b: {  	v13 =	vor.u32 s10, v0  }
0x19c: {  	v14 =	vadd.s32 v2, v10;
	_ =	sdelay $0x3  }
0x19d: {  	[tilespmem:v13+s26+$0x0] =	vst.idx.msk $0xffff, v12  }
0x19e: {  	v12 =	vld.idx.msk [tilespmem:v14+s23+$0x0], $0xffff  }
0x19f: {  	v13 =	vor.u32 s10, v3;
	(v2sf) =	vpush v11, $0x0  }
0x1a0: {  	v11 =	vadd.s32 v4, v10;
	_ =	sdelay $0x3  }
0x1a1: {  	[tilespmem:v13+s26+$0x0] =	vst.idx.msk $0xffff, v12  }
0x1a2: {  	v11 =	vld.idx.msk [tilespmem:v11+s23+$0x0], $0xffff  }
0x1a3: {  	v12 =	vor.u32 s10, v5  }
0x1a4: {  	v10 =	vadd.s32 v6, v10;
	_ =	sdelay $0x3  }
0x1a5: {  	[tilespmem:v12+s26+$0x0] =	vst.idx.msk $0xffff, v11  }
0x1a6: {  	v10 =	vld.idx.msk [tilespmem:v10+s23+$0x0], $0xffff  }
0x1a7: {  	v11 =	vor.u32 s10, v7  }
0x1a8: {  	s10 =	spop (v2sf)  }
.Ltmp20:
0x1a9: {  	s10 =	sshll.u32 s10, $0x4;
	(pc) =	sbr.rel @p1 .LBB2_28-.Ltmp20, $4  }
0x1aa: {  	s10 =	sand.u32 $0x1FFFFFF0, s10  }
0x1ab: {  	s8 =	sadd.s32 $0x1, s8;
	s7 =	sadd.s32 $0x80, s7;
	s10 =	sadd.s32 s4, s10  }
0x1ac: {  	[tilespmem:v11+s26+$0x0] =	vst.idx.msk $0xffff, v10;
	[hbm4b:s10+s3] =	stream.linear.scatter [tilespmem:s7], [sflag:$0x7], $0x80, $0x38  }
0x1ad: {  	s9 =	sadd.s32 $0xFFFFFFFF, s9;
	s6 =	sadd.s32 $0x1, s6;
	v10 =	vld.msk [tilespmem:s8+$0x0 ss:$0x0], $0xffff  }
.LBB2_29:
0x1ae: {  	_ =	sdelay $0x3  }
0x1af: {  	v11 =	vadd.s32 v1, v10;
	_ =	sdelay $0x1  }
0x1b0: {  	s2 =	sadd.s32 @p0 $0x1, s2;
	s8 =	smov.u32 s0  }
0x1b1: {  	s8 =	smov.u32 @p0 s2  }
0x1b2: {  	v12 =	vld [tilespmem:s6+$0x0];
	s2 =	sshll.u32 s8, $0x7  }
0x1b3: {  	v13 =	vor.u32 s2, v0;
	v11 =	vld.idx.msk [tilespmem:v11+s23+$0x0], $0xffff  }
0x1b4: {  	v14 =	vadd.s32 v2, v10;
	_ =	sdelay $0x3  }
0x1b5: {  	(v2sf) =	vpush v12, $0x0;
	[tilespmem:v13+s26+$0x0] =	vst.idx.msk $0xffff, v11  }
0x1b6: {  	v61 =	vor.u32 s2, v3;
	v11 =	vld.idx.msk [tilespmem:v14+s23+$0x0], $0xffff  }
0x1b7: {  	v62 =	vadd.s32 v4, v10;
	_ =	sdelay $0x3  }
0x1b8: {  	[tilespmem:v61+s26+$0x0] =	vst.idx.msk $0xffff, v11  }
0x1b9: {  	v63 =	vor.u32 s2, v5;
	v11 =	vld.idx.msk [tilespmem:v62+s23+$0x0], $0xffff  }
0x1ba: {  	v10 =	vadd.s32 v6, v10;
	_ =	sdelay $0x3  }
0x1bb: {  	[tilespmem:v63+s26+$0x0] =	vst.idx.msk $0xffff, v11  }
0x1bc: {  	v11 =	vor.u32 s2, v7;
	v10 =	vld.idx.msk [tilespmem:v10+s23+$0x0], $0xffff;
	_ =	sdelay $0x1  }
0x1bd: {  	s19 =	spop (v2sf)  }
0x1be: {  	s2 =	sshll.u32 s19, $0x4  }
0x1bf: {  	s6 =	sadd.s32 @p0 $0x80, s7;
	s2 =	sand.u32 $0x1FFFFFF0, s2  }
0x1c0: {  	s1 =	smov.u32 @p0 s6;
	s2 =	sadd.s32 s4, s2;
	[tilespmem:v11+s26+$0x0] =	vst.idx.msk $0xffff, v10  }
0x1c1: {  	[hbm4b:s2+s3] =	stream.linear.scatter [tilespmem:s1], [sflag:$0x7], $0x80, $0x38;
	[tilespmem:$0x1CA80] =	vst v63  }
.LBB2_30:
0x1c2: {  	(v2sf) =	vpush v9, $0x9;
	_ =	sdelay $0xe  }
0x1c3: {  	s1 =	spop (v2sf)  }
0x1c4: {  	s1 =	sshll.u32 s1, $0x7  }
0x1c5: {  	s1 =	sand.u32 $0x1FFFFF80, s1  }
0x1c6: {  	s19 =	simm.s32 $0x5;
	s1 =	sadd.s32 s28, s1  }
0x1c7: {  	[tilespmem:s23], [sflag:$0x4] =	stream.strided.gather [hbm4b:s1+s29], $0x2000, s31, s29, $0x38;
	[tilespmem:$0x1CA80] =	vst v63  }
0x1c8: {  	_ =	swait.ge [sflag:s19], $0x2000  }
0x1c9: {  	(v2sf) =	vpush v8, $0x4;
	_ =	sdelay $0xe  }
0x1ca: {  	s7 =	spop (v2sf)  }
0x1cb: {  	p0 =	slt.s32 s7, $0x1  }
.Ltmp21:
0x1cc: {  	_ = 	snop;
	(pc) =	sbr.rel @p0 .LBB2_37-.Ltmp21, $3  }
0x1cd: {  	_ =	sdelay $0x1  }
0x1ce: {  	[sflag:s19] =	ssyncset.done $0x0  }
0x1cf: {  	s0 =	sadd.s32 s5, s0;
	[sflag:s19] =	ssyncadd.s32 $0xFFFFE000  }
0x1d0: {  	p1 =	sne.s32 s7, $0x1  }
.Ltmp22:
0x1d1: {  	_ = 	snop;
	(pc) =	sbr.rel @!p1 .LBB2_32-.Ltmp22, $4  }
0x1d2: {  	s2 =	sshll.u32 s0, $0x2  }
0x1d3: {  	s1 =	sshll.u32 s0, $0x9;
	s6 =	sshra.s32 s2, $0x2  }
0x1d4: {  	s8 =	sadd.s32 $0xFFFFFFFF, s7;
	s1 =	sshra.s32 s1, $0x2;
	s2 =	sadd.s32 $0x500, s6  }
0x1d5: {  	p0 =	por $0x0, $0x0;
	s1 =	sadd.s32 $0xCA80, s1;
	s6 =	sadd.s32 $0x780, s6;
	v10 =	vld.msk [tilespmem:s2+$0x0 ss:$0x0], $0xffff  }
0x1d6: {  	_ =	sdelay $0x3  }
0x1d7: {  	v11 =	vadd.s32 v1, v10;
	_ =	sdelay $0x3  }
0x1d8: {  	v12 =	vld [tilespmem:s6+$0x0];
	s9 =	sshll.u32 s0, $0x7  }
0x1d9: {  	v13 =	vor.u32 s9, v0;
	v11 =	vld.idx.msk [tilespmem:v11+s24+$0x0], $0xffff  }
0x1da: {  	v14 =	vadd.s32 v2, v10;
	_ =	sdelay $0x3  }
0x1db: {  	(v2sf) =	vpush v12, $0x0;
	[tilespmem:v13+s26+$0x0] =	vst.idx.msk $0xffff, v11  }
0x1dc: {  	v61 =	vor.u32 s9, v3;
	v11 =	vld.idx.msk [tilespmem:v14+s24+$0x0], $0xffff  }
0x1dd: {  	v62 =	vadd.s32 v4, v10;
	_ =	sdelay $0x3  }
0x1de: {  	[tilespmem:v61+s26+$0x0] =	vst.idx.msk $0xffff, v11  }
0x1df: {  	v63 =	vor.u32 s9, v5;
	v11 =	vld.idx.msk [tilespmem:v62+s24+$0x0], $0xffff  }
0x1e0: {  	v10 =	vadd.s32 v6, v10;
	_ =	sdelay $0x3  }
0x1e1: {  	[tilespmem:v63+s26+$0x0] =	vst.idx.msk $0xffff, v11  }
0x1e2: {  	v11 =	vor.u32 s9, v7;
	v10 =	vld.idx.msk [tilespmem:v10+s24+$0x0], $0xffff;
	_ =	sdelay $0x1  }
0x1e3: {  	s19 =	spop (v2sf)  }
0x1e4: {  	p1 =	sne.s32 s8, $0x1;
	s9 =	sshll.u32 s19, $0x4  }
.Ltmp23:
0x1e5: {  	s9 =	sand.u32 $0x1FFFFFF0, s9;
	(pc) =	sbr.rel @!p1 .LBB2_34-.Ltmp23, $4  }
0x1e6: {  	s9 =	sadd.s32 s4, s9;
	[tilespmem:v11+s26+$0x0] =	vst.idx.msk $0xffff, v10  }
0x1e7: {  	[hbm4b:s9+s3] =	stream.linear.scatter [tilespmem:s1], [sflag:$0x7], $0x80, $0x38;
	[tilespmem:$0x1CA80] =	vst v63  }
0x1e8: {  	s10 =	sadd.s32 $0xFFFFFFFF, s8;
	s6 =	sadd.s32 $0x1, s6;
	s9 =	sadd.s32 $0x1, s2  }
0x1e9: {  	p0 =	por $0x1, $0x1;
	s8 =	smov.u32 s1;
	s2 =	smov.u32 s0;
	v10 =	vld.msk [tilespmem:s9+$0x0 ss:$0x0], $0xffff  }
.LBB2_35:
0x1ea: {  	p1 =	sne.s32 s10, $0x1;
	v11 =	vld [tilespmem:s6+$0x0];
	_ =	sdelay $0x4  }
0x1eb: {  	v12 =	vadd.s32 v1, v10;
	_ =	sdelay $0x3  }
0x1ec: {  	s2 =	sadd.s32 $0x1, s2  }
0x1ed: {  	s12 =	sshll.u32 s2, $0x7;
	v12 =	vld.idx.msk [tilespmem:v12+s24+$0x0], $0xffff  }
0x1ee: {  	v13 =	vor.u32 s12, v0  }
0x1ef: {  	v14 =	vadd.s32 v2, v10;
	_ =	sdelay $0x3  }
0x1f0: {  	[tilespmem:v13+s26+$0x0] =	vst.idx.msk $0xffff, v12  }
0x1f1: {  	v12 =	vld.idx.msk [tilespmem:v14+s24+$0x0], $0xffff  }
0x1f2: {  	v13 =	vor.u32 s12, v3;
	(v2sf) =	vpush v11, $0x0  }
0x1f3: {  	v11 =	vadd.s32 v4, v10;
	_ =	sdelay $0x3  }
0x1f4: {  	[tilespmem:v13+s26+$0x0] =	vst.idx.msk $0xffff, v12  }
0x1f5: {  	v11 =	vld.idx.msk [tilespmem:v11+s24+$0x0], $0xffff  }
0x1f6: {  	v12 =	vor.u32 s12, v5  }
0x1f7: {  	v10 =	vadd.s32 v6, v10;
	_ =	sdelay $0x3  }
0x1f8: {  	[tilespmem:v12+s26+$0x0] =	vst.idx.msk $0xffff, v11  }
0x1f9: {  	v10 =	vld.idx.msk [tilespmem:v10+s24+$0x0], $0xffff  }
0x1fa: {  	v11 =	vor.u32 s12, v7  }
0x1fb: {  	s12 =	spop (v2sf)  }
.Ltmp24:
0x1fc: {  	s12 =	sshll.u32 s12, $0x4;
	(pc) =	sbr.rel @p1 .LBB2_35-.Ltmp24, $4  }
0x1fd: {  	s12 =	sand.u32 $0x1FFFFFF0, s12  }
0x1fe: {  	s9 =	sadd.s32 $0x1, s9;
	s8 =	sadd.s32 $0x80, s8;
	s12 =	sadd.s32 s4, s12  }
0x1ff: {  	[tilespmem:v11+s26+$0x0] =	vst.idx.msk $0xffff, v10;
	[hbm4b:s12+s3] =	stream.linear.scatter [tilespmem:s8], [sflag:$0x7], $0x80, $0x38  }
0x200: {  	s10 =	sadd.s32 $0xFFFFFFFF, s10;
	s6 =	sadd.s32 $0x1, s6;
	v10 =	vld.msk [tilespmem:s9+$0x0 ss:$0x0], $0xffff  }
.LBB2_36:
0x201: {  	_ =	sdelay $0x3  }
0x202: {  	v11 =	vadd.s32 v1, v10;
	_ =	sdelay $0x1  }
0x203: {  	s2 =	sadd.s32 @p0 $0x1, s2;
	s9 =	smov.u32 s0  }
0x204: {  	s9 =	smov.u32 @p0 s2  }
0x205: {  	v12 =	vld [tilespmem:s6+$0x0];
	s2 =	sshll.u32 s9, $0x7  }
0x206: {  	v13 =	vor.u32 s2, v0;
	v11 =	vld.idx.msk [tilespmem:v11+s24+$0x0], $0xffff  }
0x207: {  	v14 =	vadd.s32 v2, v10;
	_ =	sdelay $0x3  }
0x208: {  	(v2sf) =	vpush v12, $0x0;
	[tilespmem:v13+s26+$0x0] =	vst.idx.msk $0xffff, v11  }
0x209: {  	v61 =	vor.u32 s2, v3;
	v11 =	vld.idx.msk [tilespmem:v14+s24+$0x0], $0xffff  }
0x20a: {  	v62 =	vadd.s32 v4, v10;
	_ =	sdelay $0x3  }
0x20b: {  	[tilespmem:v61+s26+$0x0] =	vst.idx.msk $0xffff, v11  }
0x20c: {  	v63 =	vor.u32 s2, v5;
	v11 =	vld.idx.msk [tilespmem:v62+s24+$0x0], $0xffff  }
0x20d: {  	v10 =	vadd.s32 v6, v10;
	_ =	sdelay $0x3  }
0x20e: {  	[tilespmem:v63+s26+$0x0] =	vst.idx.msk $0xffff, v11  }
0x20f: {  	v11 =	vor.u32 s2, v7;
	v10 =	vld.idx.msk [tilespmem:v10+s24+$0x0], $0xffff;
	_ =	sdelay $0x1  }
0x210: {  	s19 =	spop (v2sf)  }
0x211: {  	s2 =	sshll.u32 s19, $0x4  }
0x212: {  	s6 =	sadd.s32 @p0 $0x80, s8;
	s2 =	sand.u32 $0x1FFFFFF0, s2  }
0x213: {  	s1 =	smov.u32 @p0 s6;
	s2 =	sadd.s32 s4, s2;
	[tilespmem:v11+s26+$0x0] =	vst.idx.msk $0xffff, v10  }
0x214: {  	[hbm4b:s2+s3] =	stream.linear.scatter [tilespmem:s1], [sflag:$0x7], $0x80, $0x38;
	[tilespmem:$0x1CA80] =	vst v63  }
.LBB2_37:
0x215: {  	(v2sf) =	vpush v9, $0xA;
	_ =	sdelay $0xe  }
0x216: {  	s1 =	spop (v2sf)  }
0x217: {  	s1 =	sshll.u32 s1, $0x7  }
0x218: {  	s1 =	sand.u32 $0x1FFFFF80, s1  }
0x219: {  	s19 =	simm.s32 $0x6;
	s1 =	sadd.s32 s28, s1  }
0x21a: {  	[tilespmem:s24], [sflag:$0x5] =	stream.strided.gather [hbm4b:s1+s29], $0x2000, s31, s29, $0x38;
	[tilespmem:$0x1CA80] =	vst v63  }
0x21b: {  	_ =	swait.ge [sflag:s19], $0x2000  }
0x21c: {  	(v2sf) =	vpush v8, $0x5;
	_ =	sdelay $0xe  }
0x21d: {  	s8 =	spop (v2sf)  }
0x21e: {  	p0 =	slt.s32 s8, $0x1  }
.Ltmp25:
0x21f: {  	_ = 	snop;
	(pc) =	sbr.rel @p0 .LBB2_44-.Ltmp25, $3  }
0x220: {  	_ =	sdelay $0x1  }
0x221: {  	[sflag:s19] =	ssyncset.done $0x0  }
0x222: {  	s0 =	sadd.s32 s7, s0;
	[sflag:s19] =	ssyncadd.s32 $0xFFFFE000  }
0x223: {  	p1 =	sne.s32 s8, $0x1  }
.Ltmp26:
0x224: {  	_ = 	snop;
	(pc) =	sbr.rel @!p1 .LBB2_39-.Ltmp26, $4  }
0x225: {  	s2 =	sshll.u32 s0, $0x2  }
0x226: {  	s1 =	sshll.u32 s0, $0x9;
	s6 =	sshra.s32 s2, $0x2  }
0x227: {  	s9 =	sadd.s32 $0xFFFFFFFF, s8;
	s1 =	sshra.s32 s1, $0x2;
	s2 =	sadd.s32 $0x500, s6  }
0x228: {  	p0 =	por $0x0, $0x0;
	s1 =	sadd.s32 $0xCA80, s1;
	s6 =	sadd.s32 $0x780, s6;
	v10 =	vld.msk [tilespmem:s2+$0x0 ss:$0x0], $0xffff  }
0x229: {  	_ =	sdelay $0x3  }
0x22a: {  	v11 =	vadd.s32 v1, v10;
	_ =	sdelay $0x3  }
0x22b: {  	v12 =	vld [tilespmem:s6+$0x0];
	s10 =	sshll.u32 s0, $0x7  }
0x22c: {  	v13 =	vor.u32 s10, v0;
	v11 =	vld.idx.msk [tilespmem:v11+s25+$0x0], $0xffff  }
0x22d: {  	v14 =	vadd.s32 v2, v10;
	_ =	sdelay $0x3  }
0x22e: {  	(v2sf) =	vpush v12, $0x0;
	[tilespmem:v13+s26+$0x0] =	vst.idx.msk $0xffff, v11  }
0x22f: {  	v61 =	vor.u32 s10, v3;
	v11 =	vld.idx.msk [tilespmem:v14+s25+$0x0], $0xffff  }
0x230: {  	v62 =	vadd.s32 v4, v10;
	_ =	sdelay $0x3  }
0x231: {  	[tilespmem:v61+s26+$0x0] =	vst.idx.msk $0xffff, v11  }
0x232: {  	v63 =	vor.u32 s10, v5;
	v11 =	vld.idx.msk [tilespmem:v62+s25+$0x0], $0xffff  }
0x233: {  	v10 =	vadd.s32 v6, v10;
	_ =	sdelay $0x3  }
0x234: {  	[tilespmem:v63+s26+$0x0] =	vst.idx.msk $0xffff, v11  }
0x235: {  	v11 =	vor.u32 s10, v7;
	v10 =	vld.idx.msk [tilespmem:v10+s25+$0x0], $0xffff;
	_ =	sdelay $0x1  }
0x236: {  	s19 =	spop (v2sf)  }
0x237: {  	p1 =	sne.s32 s9, $0x1;
	s10 =	sshll.u32 s19, $0x4  }
.Ltmp27:
0x238: {  	s10 =	sand.u32 $0x1FFFFFF0, s10;
	(pc) =	sbr.rel @!p1 .LBB2_41-.Ltmp27, $4  }
0x239: {  	s10 =	sadd.s32 s4, s10;
	[tilespmem:v11+s26+$0x0] =	vst.idx.msk $0xffff, v10  }
0x23a: {  	[hbm4b:s10+s3] =	stream.linear.scatter [tilespmem:s1], [sflag:$0x7], $0x80, $0x38;
	[tilespmem:$0x1CA80] =	vst v63  }
0x23b: {  	s12 =	sadd.s32 $0xFFFFFFFF, s9;
	s6 =	sadd.s32 $0x1, s6;
	s10 =	sadd.s32 $0x1, s2  }
0x23c: {  	p0 =	por $0x1, $0x1;
	s9 =	smov.u32 s1;
	s2 =	smov.u32 s0;
	v10 =	vld.msk [tilespmem:s10+$0x0 ss:$0x0], $0xffff  }
.LBB2_42:
0x23d: {  	p1 =	sne.s32 s12, $0x1;
	v11 =	vld [tilespmem:s6+$0x0];
	_ =	sdelay $0x4  }
0x23e: {  	v12 =	vadd.s32 v1, v10;
	_ =	sdelay $0x3  }
0x23f: {  	s2 =	sadd.s32 $0x1, s2  }
0x240: {  	s15 =	sshll.u32 s2, $0x7;
	v12 =	vld.idx.msk [tilespmem:v12+s25+$0x0], $0xffff  }
0x241: {  	v13 =	vor.u32 s15, v0  }
0x242: {  	v14 =	vadd.s32 v2, v10;
	_ =	sdelay $0x3  }
0x243: {  	[tilespmem:v13+s26+$0x0] =	vst.idx.msk $0xffff, v12  }
0x244: {  	v12 =	vld.idx.msk [tilespmem:v14+s25+$0x0], $0xffff  }
0x245: {  	v13 =	vor.u32 s15, v3;
	(v2sf) =	vpush v11, $0x0  }
0x246: {  	v11 =	vadd.s32 v4, v10;
	_ =	sdelay $0x3  }
0x247: {  	[tilespmem:v13+s26+$0x0] =	vst.idx.msk $0xffff, v12  }
0x248: {  	v11 =	vld.idx.msk [tilespmem:v11+s25+$0x0], $0xffff  }
0x249: {  	v12 =	vor.u32 s15, v5  }
0x24a: {  	v10 =	vadd.s32 v6, v10;
	_ =	sdelay $0x3  }
0x24b: {  	[tilespmem:v12+s26+$0x0] =	vst.idx.msk $0xffff, v11  }
0x24c: {  	v10 =	vld.idx.msk [tilespmem:v10+s25+$0x0], $0xffff  }
0x24d: {  	v11 =	vor.u32 s15, v7  }
0x24e: {  	s15 =	spop (v2sf)  }
.Ltmp28:
0x24f: {  	s15 =	sshll.u32 s15, $0x4;
	(pc) =	sbr.rel @p1 .LBB2_42-.Ltmp28, $4  }
0x250: {  	s15 =	sand.u32 $0x1FFFFFF0, s15  }
0x251: {  	s10 =	sadd.s32 $0x1, s10;
	s9 =	sadd.s32 $0x80, s9;
	s15 =	sadd.s32 s4, s15  }
0x252: {  	[tilespmem:v11+s26+$0x0] =	vst.idx.msk $0xffff, v10;
	[hbm4b:s15+s3] =	stream.linear.scatter [tilespmem:s9], [sflag:$0x7], $0x80, $0x38  }
0x253: {  	s12 =	sadd.s32 $0xFFFFFFFF, s12;
	s6 =	sadd.s32 $0x1, s6;
	v10 =	vld.msk [tilespmem:s10+$0x0 ss:$0x0], $0xffff  }
.LBB2_43:
0x254: {  	_ =	sdelay $0x3  }
0x255: {  	v11 =	vadd.s32 v1, v10;
	_ =	sdelay $0x1  }
0x256: {  	s2 =	sadd.s32 @p0 $0x1, s2;
	s10 =	smov.u32 s0  }
0x257: {  	s10 =	smov.u32 @p0 s2  }
0x258: {  	v12 =	vld [tilespmem:s6+$0x0];
	s2 =	sshll.u32 s10, $0x7  }
0x259: {  	v13 =	vor.u32 s2, v0;
	v11 =	vld.idx.msk [tilespmem:v11+s25+$0x0], $0xffff  }
0x25a: {  	v14 =	vadd.s32 v2, v10;
	_ =	sdelay $0x3  }
0x25b: {  	(v2sf) =	vpush v12, $0x0;
	[tilespmem:v13+s26+$0x0] =	vst.idx.msk $0xffff, v11  }
0x25c: {  	v61 =	vor.u32 s2, v3;
	v11 =	vld.idx.msk [tilespmem:v14+s25+$0x0], $0xffff  }
0x25d: {  	v62 =	vadd.s32 v4, v10;
	_ =	sdelay $0x3  }
0x25e: {  	[tilespmem:v61+s26+$0x0] =	vst.idx.msk $0xffff, v11  }
0x25f: {  	v63 =	vor.u32 s2, v5;
	v11 =	vld.idx.msk [tilespmem:v62+s25+$0x0], $0xffff  }
0x260: {  	v10 =	vadd.s32 v6, v10;
	_ =	sdelay $0x3  }
0x261: {  	[tilespmem:v63+s26+$0x0] =	vst.idx.msk $0xffff, v11  }
0x262: {  	v11 =	vor.u32 s2, v7;
	v10 =	vld.idx.msk [tilespmem:v10+s25+$0x0], $0xffff;
	_ =	sdelay $0x1  }
0x263: {  	s19 =	spop (v2sf)  }
0x264: {  	s2 =	sshll.u32 s19, $0x4  }
0x265: {  	s6 =	sadd.s32 @p0 $0x80, s9;
	s2 =	sand.u32 $0x1FFFFFF0, s2  }
0x266: {  	s1 =	smov.u32 @p0 s6;
	s2 =	sadd.s32 s4, s2;
	[tilespmem:v11+s26+$0x0] =	vst.idx.msk $0xffff, v10  }
0x267: {  	[hbm4b:s2+s3] =	stream.linear.scatter [tilespmem:s1], [sflag:$0x7], $0x80, $0x38;
	[tilespmem:$0x1CA80] =	vst v63  }
.LBB2_44:
0x268: {  	(v2sf) =	vpush v9, $0xB;
	_ =	sdelay $0xe  }
0x269: {  	s1 =	spop (v2sf)  }
0x26a: {  	s1 =	sshll.u32 s1, $0x7  }
0x26b: {  	s1 =	sand.u32 $0x1FFFFF80, s1  }
0x26c: {  	s1 =	sadd.s32 s28, s1  }
0x26d: {  	[tilespmem:s25], [sflag:$0x6] =	stream.strided.gather [hbm4b:s1+s29], $0x2000, s31, s29, $0x38;
	[tilespmem:$0x1CA80] =	vst v63  }
0x26e: {  	_ =	swait.ge [sflag:s30], $0x2000  }
0x26f: {  	(v2sf) =	vpush v8, $0x6;
	_ =	sdelay $0xe  }
0x270: {  	s9 =	spop (v2sf)  }
0x271: {  	p0 =	slt.s32 s9, $0x1  }
.Ltmp29:
0x272: {  	_ = 	snop;
	(pc) =	sbr.rel @p0 .LBB2_51-.Ltmp29, $3  }
0x273: {  	_ =	sdelay $0x1  }
0x274: {  	[sflag:s30] =	ssyncset.done $0x0  }
0x275: {  	s0 =	sadd.s32 s8, s0;
	[sflag:s30] =	ssyncadd.s32 $0xFFFFE000  }
0x276: {  	p1 =	sne.s32 s9, $0x1  }
.Ltmp30:
0x277: {  	_ = 	snop;
	(pc) =	sbr.rel @!p1 .LBB2_46-.Ltmp30, $4  }
0x278: {  	s2 =	sshll.u32 s0, $0x2  }
0x279: {  	s1 =	sshll.u32 s0, $0x9;
	s6 =	sshra.s32 s2, $0x2  }
0x27a: {  	s10 =	sadd.s32 $0xFFFFFFFF, s9;
	s1 =	sshra.s32 s1, $0x2;
	s2 =	sadd.s32 $0x500, s6  }
0x27b: {  	p0 =	por $0x0, $0x0;
	s1 =	sadd.s32 $0xCA80, s1;
	s6 =	sadd.s32 $0x780, s6;
	v10 =	vld.msk [tilespmem:s2+$0x0 ss:$0x0], $0xffff  }
0x27c: {  	_ =	sdelay $0x3  }
0x27d: {  	v11 =	vadd.s32 v1, v10;
	_ =	sdelay $0x3  }
0x27e: {  	v12 =	vld [tilespmem:s6+$0x0];
	s12 =	sshll.u32 s0, $0x7  }
0x27f: {  	v13 =	vor.u32 s12, v0;
	v11 =	vld.idx.msk [tilespmem:v11+s20+$0x0], $0xffff  }
0x280: {  	v14 =	vadd.s32 v2, v10;
	_ =	sdelay $0x3  }
0x281: {  	(v2sf) =	vpush v12, $0x0;
	[tilespmem:v13+s26+$0x0] =	vst.idx.msk $0xffff, v11  }
0x282: {  	v61 =	vor.u32 s12, v3;
	v11 =	vld.idx.msk [tilespmem:v14+s20+$0x0], $0xffff  }
0x283: {  	v62 =	vadd.s32 v4, v10;
	_ =	sdelay $0x3  }
0x284: {  	[tilespmem:v61+s26+$0x0] =	vst.idx.msk $0xffff, v11  }
0x285: {  	v63 =	vor.u32 s12, v5;
	v11 =	vld.idx.msk [tilespmem:v62+s20+$0x0], $0xffff  }
0x286: {  	v10 =	vadd.s32 v6, v10;
	_ =	sdelay $0x3  }
0x287: {  	[tilespmem:v63+s26+$0x0] =	vst.idx.msk $0xffff, v11  }
0x288: {  	v11 =	vor.u32 s12, v7;
	v10 =	vld.idx.msk [tilespmem:v10+s20+$0x0], $0xffff;
	_ =	sdelay $0x1  }
0x289: {  	p1 =	sne.s32 s10, $0x1;
	s19 =	spop (v2sf)  }
.Ltmp31:
0x28a: {  	s12 =	sshll.u32 s19, $0x4;
	(pc) =	sbr.rel @!p1 .LBB2_48-.Ltmp31, $4  }
0x28b: {  	s15 =	sadd.s32 $0x1, s2;
	s12 =	sand.u32 $0x1FFFFFF0, s12  }
0x28c: {  	s6 =	sadd.s32 $0x1, s6;
	p0 =	por $0x1, $0x1;
	s12 =	sadd.s32 s4, s12;
	[tilespmem:v11+s26+$0x0] =	vst.idx.msk $0xffff, v10  }
0x28d: {  	[hbm4b:s12+s3] =	stream.linear.scatter [tilespmem:s1], [sflag:$0x7], $0x80, $0x38;
	[tilespmem:$0x1CA80] =	vst v63  }
0x28e: {  	s2 =	smov.u32 s0;
	s12 =	sadd.s32 $0xFFFFFFFF, s10;
	s10 =	smov.u32 s1;
	v10 =	vld.msk [tilespmem:s15+$0x0 ss:$0x0], $0xffff  }
.LBB2_49:
0x28f: {  	p1 =	sne.s32 s12, $0x1;
	v11 =	vld [tilespmem:s6+$0x0];
	_ =	sdelay $0x4  }
0x290: {  	v12 =	vadd.s32 v1, v10;
	_ =	sdelay $0x3  }
0x291: {  	s2 =	sadd.s32 $0x1, s2  }
0x292: {  	s16 =	sshll.u32 s2, $0x7;
	v12 =	vld.idx.msk [tilespmem:v12+s20+$0x0], $0xffff  }
0x293: {  	v13 =	vor.u32 s16, v0  }
0x294: {  	v14 =	vadd.s32 v2, v10;
	_ =	sdelay $0x3  }
0x295: {  	[tilespmem:v13+s26+$0x0] =	vst.idx.msk $0xffff, v12  }
0x296: {  	v12 =	vld.idx.msk [tilespmem:v14+s20+$0x0], $0xffff  }
0x297: {  	v13 =	vor.u32 s16, v3;
	(v2sf) =	vpush v11, $0x0  }
0x298: {  	v11 =	vadd.s32 v4, v10;
	_ =	sdelay $0x3  }
0x299: {  	[tilespmem:v13+s26+$0x0] =	vst.idx.msk $0xffff, v12  }
0x29a: {  	v11 =	vld.idx.msk [tilespmem:v11+s20+$0x0], $0xffff  }
0x29b: {  	v12 =	vor.u32 s16, v5  }
0x29c: {  	v10 =	vadd.s32 v6, v10;
	_ =	sdelay $0x3  }
0x29d: {  	[tilespmem:v12+s26+$0x0] =	vst.idx.msk $0xffff, v11  }
0x29e: {  	v10 =	vld.idx.msk [tilespmem:v10+s20+$0x0], $0xffff  }
0x29f: {  	v11 =	vor.u32 s16, v7  }
0x2a0: {  	s16 =	spop (v2sf)  }
.Ltmp32:
0x2a1: {  	s16 =	sshll.u32 s16, $0x4;
	(pc) =	sbr.rel @p1 .LBB2_49-.Ltmp32, $4  }
0x2a2: {  	s16 =	sand.u32 $0x1FFFFFF0, s16  }
0x2a3: {  	s15 =	sadd.s32 $0x1, s15;
	s10 =	sadd.s32 $0x80, s10;
	s16 =	sadd.s32 s4, s16  }
0x2a4: {  	[tilespmem:v11+s26+$0x0] =	vst.idx.msk $0xffff, v10;
	[hbm4b:s16+s3] =	stream.linear.scatter [tilespmem:s10], [sflag:$0x7], $0x80, $0x38  }
0x2a5: {  	s12 =	sadd.s32 $0xFFFFFFFF, s12;
	s6 =	sadd.s32 $0x1, s6;
	v10 =	vld.msk [tilespmem:s15+$0x0 ss:$0x0], $0xffff  }
.LBB2_50:
0x2a6: {  	_ =	sdelay $0x3  }
0x2a7: {  	v11 =	vadd.s32 v1, v10;
	_ =	sdelay $0x1  }
0x2a8: {  	s2 =	sadd.s32 @p0 $0x1, s2;
	s12 =	smov.u32 s0  }
0x2a9: {  	s12 =	smov.u32 @p0 s2  }
0x2aa: {  	v12 =	vld [tilespmem:s6+$0x0];
	s2 =	sshll.u32 s12, $0x7  }
0x2ab: {  	v13 =	vor.u32 s2, v0;
	v11 =	vld.idx.msk [tilespmem:v11+s20+$0x0], $0xffff  }
0x2ac: {  	v14 =	vadd.s32 v2, v10;
	_ =	sdelay $0x3  }
0x2ad: {  	(v2sf) =	vpush v12, $0x0;
	[tilespmem:v13+s26+$0x0] =	vst.idx.msk $0xffff, v11  }
0x2ae: {  	v61 =	vor.u32 s2, v3;
	v11 =	vld.idx.msk [tilespmem:v14+s20+$0x0], $0xffff  }
0x2af: {  	v62 =	vadd.s32 v4, v10;
	_ =	sdelay $0x3  }
0x2b0: {  	[tilespmem:v61+s26+$0x0] =	vst.idx.msk $0xffff, v11  }
0x2b1: {  	v63 =	vor.u32 s2, v5;
	v11 =	vld.idx.msk [tilespmem:v62+s20+$0x0], $0xffff  }
0x2b2: {  	v10 =	vadd.s32 v6, v10;
	_ =	sdelay $0x3  }
0x2b3: {  	[tilespmem:v63+s26+$0x0] =	vst.idx.msk $0xffff, v11  }
0x2b4: {  	v11 =	vor.u32 s2, v7;
	v10 =	vld.idx.msk [tilespmem:v10+s20+$0x0], $0xffff;
	_ =	sdelay $0x1  }
0x2b5: {  	s19 =	spop (v2sf)  }
0x2b6: {  	s2 =	sshll.u32 s19, $0x4  }
0x2b7: {  	s6 =	sadd.s32 @p0 $0x80, s10;
	s2 =	sand.u32 $0x1FFFFFF0, s2  }
0x2b8: {  	s1 =	smov.u32 @p0 s6;
	s2 =	sadd.s32 s4, s2;
	[tilespmem:v11+s26+$0x0] =	vst.idx.msk $0xffff, v10  }
0x2b9: {  	[hbm4b:s2+s3] =	stream.linear.scatter [tilespmem:s1], [sflag:$0x7], $0x80, $0x38;
	[tilespmem:$0x1CA80] =	vst v63  }
.LBB2_51:
0x2ba: {  	(v2sf) =	vpush v9, $0xC;
	_ =	sdelay $0xe  }
0x2bb: {  	s1 =	spop (v2sf)  }
0x2bc: {  	s1 =	sshll.u32 s1, $0x7  }
0x2bd: {  	s1 =	sand.u32 $0x1FFFFF80, s1  }
0x2be: {  	s19 =	simm.s32 $0x2;
	s1 =	sadd.s32 s28, s1  }
0x2bf: {  	[tilespmem:s20], [sflag:$0x1] =	stream.strided.gather [hbm4b:s1+s29], $0x2000, s31, s29, $0x38;
	[tilespmem:$0x1CA80] =	vst v63  }
0x2c0: {  	_ =	swait.ge [sflag:s19], $0x2000  }
0x2c1: {  	(v2sf) =	vpush v8, $0x7;
	_ =	sdelay $0xe  }
0x2c2: {  	s10 =	spop (v2sf)  }
0x2c3: {  	p0 =	slt.s32 s10, $0x1  }
.Ltmp33:
0x2c4: {  	_ = 	snop;
	(pc) =	sbr.rel @p0 .LBB2_58-.Ltmp33, $3  }
0x2c5: {  	_ =	sdelay $0x1  }
0x2c6: {  	[sflag:s19] =	ssyncset.done $0x0  }
0x2c7: {  	s6 =	sadd.s32 s9, s0;
	[sflag:s19] =	ssyncadd.s32 $0xFFFFE000  }
0x2c8: {  	p1 =	sne.s32 s10, $0x1  }
.Ltmp34:
0x2c9: {  	_ = 	snop;
	(pc) =	sbr.rel @!p1 .LBB2_53-.Ltmp34, $4  }
0x2ca: {  	s1 =	sshll.u32 s6, $0x2  }
0x2cb: {  	s0 =	sshll.u32 s6, $0x9;
	s1 =	sshra.s32 s1, $0x2  }
0x2cc: {  	s12 =	sadd.s32 $0xFFFFFFFF, s10;
	s0 =	sshra.s32 s0, $0x2;
	s2 =	sadd.s32 $0x500, s1  }
0x2cd: {  	p0 =	por $0x0, $0x0;
	s0 =	sadd.s32 $0xCA80, s0;
	s1 =	sadd.s32 $0x780, s1;
	v10 =	vld.msk [tilespmem:s2+$0x0 ss:$0x0], $0xffff  }
0x2ce: {  	_ =	sdelay $0x3  }
0x2cf: {  	v11 =	vadd.s32 v1, v10;
	_ =	sdelay $0x3  }
0x2d0: {  	v12 =	vld [tilespmem:s1+$0x0];
	s15 =	sshll.u32 s6, $0x7  }
0x2d1: {  	v13 =	vor.u32 s15, v0;
	v11 =	vld.idx.msk [tilespmem:v11+s21+$0x0], $0xffff  }
0x2d2: {  	v14 =	vadd.s32 v2, v10;
	_ =	sdelay $0x3  }
0x2d3: {  	(v2sf) =	vpush v12, $0x0;
	[tilespmem:v13+s26+$0x0] =	vst.idx.msk $0xffff, v11  }
0x2d4: {  	v61 =	vor.u32 s15, v3;
	v11 =	vld.idx.msk [tilespmem:v14+s21+$0x0], $0xffff  }
0x2d5: {  	v62 =	vadd.s32 v4, v10;
	_ =	sdelay $0x3  }
0x2d6: {  	[tilespmem:v61+s26+$0x0] =	vst.idx.msk $0xffff, v11  }
0x2d7: {  	v63 =	vor.u32 s15, v5;
	v11 =	vld.idx.msk [tilespmem:v62+s21+$0x0], $0xffff  }
0x2d8: {  	v10 =	vadd.s32 v6, v10;
	_ =	sdelay $0x3  }
0x2d9: {  	[tilespmem:v63+s26+$0x0] =	vst.idx.msk $0xffff, v11  }
0x2da: {  	v11 =	vor.u32 s15, v7;
	v10 =	vld.idx.msk [tilespmem:v10+s21+$0x0], $0xffff;
	_ =	sdelay $0x1  }
0x2db: {  	p1 =	sne.s32 s12, $0x1;
	s19 =	spop (v2sf)  }
.Ltmp35:
0x2dc: {  	s15 =	sshll.u32 s19, $0x4;
	(pc) =	sbr.rel @!p1 .LBB2_55-.Ltmp35, $4  }
0x2dd: {  	s18 =	sadd.s32 $0x1, s2;
	s15 =	sand.u32 $0x1FFFFFF0, s15  }
0x2de: {  	s12 =	sadd.s32 $0xFFFFFFFF, s12;
	s1 =	sadd.s32 $0x1, s1;
	s15 =	sadd.s32 s4, s15;
	[tilespmem:v11+s26+$0x0] =	vst.idx.msk $0xffff, v10  }
0x2df: {  	[hbm4b:s15+s3] =	stream.linear.scatter [tilespmem:s0], [sflag:$0x7], $0x80, $0x38;
	[tilespmem:$0x1CA80] =	vst v63  }
0x2e0: {  	p0 =	por $0x1, $0x1;
	s2 =	smov.u32 s6;
	s15 =	smov.u32 s0;
	v10 =	vld.msk [tilespmem:s18+$0x0 ss:$0x0], $0xffff  }
.LBB2_56:
0x2e1: {  	p1 =	sne.s32 s12, $0x1;
	v11 =	vld [tilespmem:s1+$0x0];
	_ =	sdelay $0x4  }
0x2e2: {  	v12 =	vadd.s32 v1, v10;
	_ =	sdelay $0x3  }
0x2e3: {  	s2 =	sadd.s32 $0x1, s2  }
0x2e4: {  	s16 =	sshll.u32 s2, $0x7;
	v12 =	vld.idx.msk [tilespmem:v12+s21+$0x0], $0xffff  }
0x2e5: {  	v13 =	vor.u32 s16, v0  }
0x2e6: {  	v14 =	vadd.s32 v2, v10;
	_ =	sdelay $0x3  }
0x2e7: {  	[tilespmem:v13+s26+$0x0] =	vst.idx.msk $0xffff, v12  }
0x2e8: {  	v12 =	vld.idx.msk [tilespmem:v14+s21+$0x0], $0xffff  }
0x2e9: {  	v13 =	vor.u32 s16, v3;
	(v2sf) =	vpush v11, $0x0  }
0x2ea: {  	v11 =	vadd.s32 v4, v10;
	_ =	sdelay $0x3  }
0x2eb: {  	[tilespmem:v13+s26+$0x0] =	vst.idx.msk $0xffff, v12  }
0x2ec: {  	v11 =	vld.idx.msk [tilespmem:v11+s21+$0x0], $0xffff  }
0x2ed: {  	v12 =	vor.u32 s16, v5  }
0x2ee: {  	v10 =	vadd.s32 v6, v10;
	_ =	sdelay $0x3  }
0x2ef: {  	[tilespmem:v12+s26+$0x0] =	vst.idx.msk $0xffff, v11  }
0x2f0: {  	v10 =	vld.idx.msk [tilespmem:v10+s21+$0x0], $0xffff  }
0x2f1: {  	v11 =	vor.u32 s16, v7  }
0x2f2: {  	s16 =	spop (v2sf)  }
.Ltmp36:
0x2f3: {  	s16 =	sshll.u32 s16, $0x4;
	(pc) =	sbr.rel @p1 .LBB2_56-.Ltmp36, $4  }
0x2f4: {  	s16 =	sand.u32 $0x1FFFFFF0, s16  }
0x2f5: {  	s18 =	sadd.s32 $0x1, s18;
	s15 =	sadd.s32 $0x80, s15;
	s16 =	sadd.s32 s4, s16  }
0x2f6: {  	[tilespmem:v11+s26+$0x0] =	vst.idx.msk $0xffff, v10;
	[hbm4b:s16+s3] =	stream.linear.scatter [tilespmem:s15], [sflag:$0x7], $0x80, $0x38  }
0x2f7: {  	s12 =	sadd.s32 $0xFFFFFFFF, s12;
	s1 =	sadd.s32 $0x1, s1;
	v10 =	vld.msk [tilespmem:s18+$0x0 ss:$0x0], $0xffff  }
.LBB2_57:
0x2f8: {  	_ =	sdelay $0x3  }
0x2f9: {  	v11 =	vadd.s32 v1, v10;
	_ =	sdelay $0x1  }
0x2fa: {  	s2 =	sadd.s32 @p0 $0x1, s2;
	s12 =	smov.u32 s6  }
0x2fb: {  	s12 =	smov.u32 @p0 s2  }
0x2fc: {  	v12 =	vld [tilespmem:s1+$0x0];
	s18 =	sshll.u32 s12, $0x7  }
0x2fd: {  	v13 =	vor.u32 s18, v0;
	v11 =	vld.idx.msk [tilespmem:v11+s21+$0x0], $0xffff  }
0x2fe: {  	v14 =	vadd.s32 v2, v10;
	_ =	sdelay $0x3  }
0x2ff: {  	(v2sf) =	vpush v12, $0x0;
	[tilespmem:v13+s26+$0x0] =	vst.idx.msk $0xffff, v11  }
0x300: {  	v61 =	vor.u32 s18, v3;
	v11 =	vld.idx.msk [tilespmem:v14+s21+$0x0], $0xffff  }
0x301: {  	v62 =	vadd.s32 v4, v10;
	_ =	sdelay $0x3  }
0x302: {  	[tilespmem:v61+s26+$0x0] =	vst.idx.msk $0xffff, v11  }
0x303: {  	v63 =	vor.u32 s18, v5;
	v11 =	vld.idx.msk [tilespmem:v62+s21+$0x0], $0xffff  }
0x304: {  	v10 =	vadd.s32 v6, v10;
	_ =	sdelay $0x3  }
0x305: {  	[tilespmem:v63+s26+$0x0] =	vst.idx.msk $0xffff, v11  }
0x306: {  	v11 =	vor.u32 s18, v7;
	v10 =	vld.idx.msk [tilespmem:v10+s21+$0x0], $0xffff;
	_ =	sdelay $0x1  }
0x307: {  	s19 =	spop (v2sf)  }
0x308: {  	s1 =	sshll.u32 s19, $0x4  }
0x309: {  	s2 =	sadd.s32 @p0 $0x80, s15;
	s1 =	sand.u32 $0x1FFFFFF0, s1  }
0x30a: {  	s0 =	smov.u32 @p0 s2;
	s1 =	sadd.s32 s4, s1;
	[tilespmem:v11+s26+$0x0] =	vst.idx.msk $0xffff, v10  }
0x30b: {  	[hbm4b:s1+s3] =	stream.linear.scatter [tilespmem:s0], [sflag:$0x7], $0x80, $0x38;
	[tilespmem:$0x1CA80] =	vst v63  }
.LBB2_58:
0x30c: {  	(v2sf) =	vpush v9, $0xD;
	_ =	sdelay $0xe  }
0x30d: {  	s0 =	spop (v2sf)  }
0x30e: {  	s0 =	sshll.u32 s0, $0x7  }
0x30f: {  	s0 =	sand.u32 $0x1FFFFF80, s0  }
0x310: {  	s2 =	simm.s32 $0x3;
	s0 =	sadd.s32 s28, s0  }
0x311: {  	[tilespmem:s21], [sflag:$0x2] =	stream.strided.gather [hbm4b:s0+s29], $0x2000, s31, s29, $0x38;
	[tilespmem:$0x1CA80] =	vst v63  }
0x312: {  	_ =	swait.ge [sflag:s2], $0x2000  }
0x313: {  	(v2sf) =	vpush v8, $0x8;
	_ =	sdelay $0xe  }
0x314: {  	s1 =	spop (v2sf)  }
0x315: {  	p0 =	slt.s32 s1, $0x1  }
.Ltmp37:
0x316: {  	_ = 	snop;
	(pc) =	sbr.rel @p0 .LBB2_65-.Ltmp37, $3  }
0x317: {  	_ =	sdelay $0x1  }
0x318: {  	s19 =	sadd.s32 s14, s11;
	[sflag:s2] =	ssyncset.done $0x0  }
0x319: {  	s11 =	sadd.s32 s13, s19;
	[sflag:s2] =	ssyncadd.s32 $0xFFFFE000  }
0x31a: {  	s0 =	sadd.s32 s5, s11  }
0x31b: {  	s0 =	sadd.s32 s7, s0  }
0x31c: {  	s0 =	sadd.s32 s8, s0  }
0x31d: {  	s0 =	sadd.s32 s9, s0  }
0x31e: {  	p1 =	sne.s32 s1, $0x1;
	s0 =	sadd.s32 s10, s0  }
.Ltmp38:
0x31f: {  	s13 =	sadd.s32 s17, s0;
	(pc) =	sbr.rel @!p1 .LBB2_60-.Ltmp38, $4  }
0x320: {  	s2 =	sshll.u32 s13, $0x2  }
0x321: {  	s0 =	sshll.u32 s13, $0x9;
	s12 =	sshra.s32 s2, $0x2  }
0x322: {  	p0 =	por $0x0, $0x0;
	s0 =	sshra.s32 s0, $0x2;
	s2 =	sadd.s32 $0x500, s12  }
0x323: {  	s0 =	sadd.s32 $0xCA80, s0;
	s14 =	sadd.s32 $0x780, s12;
	s12 =	sadd.s32 $0xFFFFFFFF, s1;
	v10 =	vld.msk [tilespmem:s2+$0x0 ss:$0x0], $0xffff  }
0x324: {  	_ =	sdelay $0x3  }
0x325: {  	v11 =	vadd.s32 v1, v10;
	_ =	sdelay $0x3  }
0x326: {  	v12 =	vld [tilespmem:s14+$0x0];
	s15 =	sshll.u32 s13, $0x7  }
0x327: {  	v13 =	vor.u32 s15, v0;
	v11 =	vld.idx.msk [tilespmem:v11+s22+$0x0], $0xffff  }
0x328: {  	v14 =	vadd.s32 v2, v10;
	_ =	sdelay $0x3  }
0x329: {  	(v2sf) =	vpush v12, $0x0;
	[tilespmem:v13+s26+$0x0] =	vst.idx.msk $0xffff, v11  }
0x32a: {  	v61 =	vor.u32 s15, v3;
	v11 =	vld.idx.msk [tilespmem:v14+s22+$0x0], $0xffff  }
0x32b: {  	v62 =	vadd.s32 v4, v10;
	_ =	sdelay $0x3  }
0x32c: {  	[tilespmem:v61+s26+$0x0] =	vst.idx.msk $0xffff, v11  }
0x32d: {  	v63 =	vor.u32 s15, v5;
	v11 =	vld.idx.msk [tilespmem:v62+s22+$0x0], $0xffff  }
0x32e: {  	v10 =	vadd.s32 v6, v10;
	_ =	sdelay $0x3  }
0x32f: {  	[tilespmem:v63+s26+$0x0] =	vst.idx.msk $0xffff, v11  }
0x330: {  	v11 =	vor.u32 s15, v7;
	v10 =	vld.idx.msk [tilespmem:v10+s22+$0x0], $0xffff;
	_ =	sdelay $0x1  }
0x331: {  	p1 =	sne.s32 s12, $0x1;
	s19 =	spop (v2sf)  }
.Ltmp39:
0x332: {  	s15 =	sshll.u32 s19, $0x4;
	(pc) =	sbr.rel @!p1 .LBB2_62-.Ltmp39, $4  }
0x333: {  	s18 =	sadd.s32 $0x1, s2;
	s15 =	sand.u32 $0x1FFFFFF0, s15  }
0x334: {  	s12 =	sadd.s32 $0xFFFFFFFF, s12;
	s14 =	sadd.s32 $0x1, s14;
	s15 =	sadd.s32 s4, s15;
	[tilespmem:v11+s26+$0x0] =	vst.idx.msk $0xffff, v10  }
0x335: {  	[hbm4b:s15+s3] =	stream.linear.scatter [tilespmem:s0], [sflag:$0x7], $0x80, $0x38;
	[tilespmem:$0x1CA80] =	vst v63  }
0x336: {  	p0 =	por $0x1, $0x1;
	s2 =	smov.u32 s13;
	s15 =	smov.u32 s0;
	v10 =	vld.msk [tilespmem:s18+$0x0 ss:$0x0], $0xffff  }
.LBB2_63:
0x337: {  	p1 =	sne.s32 s12, $0x1;
	v11 =	vld [tilespmem:s14+$0x0];
	_ =	sdelay $0x4  }
0x338: {  	v12 =	vadd.s32 v1, v10;
	_ =	sdelay $0x3  }
0x339: {  	s2 =	sadd.s32 $0x1, s2  }
0x33a: {  	s16 =	sshll.u32 s2, $0x7;
	v12 =	vld.idx.msk [tilespmem:v12+s22+$0x0], $0xffff  }
0x33b: {  	v13 =	vor.u32 s16, v0  }
0x33c: {  	v14 =	vadd.s32 v2, v10;
	_ =	sdelay $0x3  }
0x33d: {  	[tilespmem:v13+s26+$0x0] =	vst.idx.msk $0xffff, v12  }
0x33e: {  	v12 =	vld.idx.msk [tilespmem:v14+s22+$0x0], $0xffff  }
0x33f: {  	v13 =	vor.u32 s16, v3;
	(v2sf) =	vpush v11, $0x0  }
0x340: {  	v11 =	vadd.s32 v4, v10;
	_ =	sdelay $0x3  }
0x341: {  	[tilespmem:v13+s26+$0x0] =	vst.idx.msk $0xffff, v12  }
0x342: {  	v11 =	vld.idx.msk [tilespmem:v11+s22+$0x0], $0xffff  }
0x343: {  	v12 =	vor.u32 s16, v5  }
0x344: {  	v10 =	vadd.s32 v6, v10;
	_ =	sdelay $0x3  }
0x345: {  	[tilespmem:v12+s26+$0x0] =	vst.idx.msk $0xffff, v11  }
0x346: {  	v10 =	vld.idx.msk [tilespmem:v10+s22+$0x0], $0xffff  }
0x347: {  	v11 =	vor.u32 s16, v7  }
0x348: {  	s16 =	spop (v2sf)  }
.Ltmp40:
0x349: {  	s16 =	sshll.u32 s16, $0x4;
	(pc) =	sbr.rel @p1 .LBB2_63-.Ltmp40, $4  }
0x34a: {  	s16 =	sand.u32 $0x1FFFFFF0, s16  }
0x34b: {  	s18 =	sadd.s32 $0x1, s18;
	s15 =	sadd.s32 $0x80, s15;
	s16 =	sadd.s32 s4, s16  }
0x34c: {  	[tilespmem:v11+s26+$0x0] =	vst.idx.msk $0xffff, v10;
	[hbm4b:s16+s3] =	stream.linear.scatter [tilespmem:s15], [sflag:$0x7], $0x80, $0x38  }
0x34d: {  	s12 =	sadd.s32 $0xFFFFFFFF, s12;
	s14 =	sadd.s32 $0x1, s14;
	v10 =	vld.msk [tilespmem:s18+$0x0 ss:$0x0], $0xffff  }
.LBB2_64:
0x34e: {  	_ =	sdelay $0x3  }
0x34f: {  	v11 =	vadd.s32 v1, v10;
	_ =	sdelay $0x1  }
0x350: {  	s2 =	sadd.s32 @p0 $0x1, s2  }
0x351: {  	s13 =	smov.u32 @p0 s2  }
0x352: {  	v12 =	vld [tilespmem:s14+$0x0];
	s2 =	sshll.u32 s13, $0x7  }
0x353: {  	v13 =	vor.u32 s2, v0;
	v11 =	vld.idx.msk [tilespmem:v11+s22+$0x0], $0xffff  }
0x354: {  	v14 =	vadd.s32 v2, v10;
	_ =	sdelay $0x3  }
0x355: {  	(v2sf) =	vpush v12, $0x0;
	[tilespmem:v13+s26+$0x0] =	vst.idx.msk $0xffff, v11  }
0x356: {  	v61 =	vor.u32 s2, v3;
	v11 =	vld.idx.msk [tilespmem:v14+s22+$0x0], $0xffff  }
0x357: {  	v62 =	vadd.s32 v4, v10;
	_ =	sdelay $0x3  }
0x358: {  	[tilespmem:v61+s26+$0x0] =	vst.idx.msk $0xffff, v11  }
0x359: {  	v63 =	vor.u32 s2, v5;
	v11 =	vld.idx.msk [tilespmem:v62+s22+$0x0], $0xffff  }
0x35a: {  	v10 =	vadd.s32 v6, v10;
	_ =	sdelay $0x3  }
0x35b: {  	[tilespmem:v63+s26+$0x0] =	vst.idx.msk $0xffff, v11  }
0x35c: {  	v11 =	vor.u32 s2, v7;
	v10 =	vld.idx.msk [tilespmem:v10+s22+$0x0], $0xffff;
	_ =	sdelay $0x1  }
0x35d: {  	s19 =	spop (v2sf)  }
0x35e: {  	s2 =	sshll.u32 s19, $0x4  }
0x35f: {  	s12 =	sadd.s32 @p0 $0x80, s15;
	s2 =	sand.u32 $0x1FFFFFF0, s2  }
0x360: {  	s0 =	smov.u32 @p0 s12;
	s2 =	sadd.s32 s4, s2;
	[tilespmem:v11+s26+$0x0] =	vst.idx.msk $0xffff, v10  }
0x361: {  	[hbm4b:s2+s3] =	stream.linear.scatter [tilespmem:s0], [sflag:$0x7], $0x80, $0x38;
	[tilespmem:$0x1CA80] =	vst v63  }
.LBB2_65:
0x362: {  	(v2sf) =	vpush v9, $0xE;
	_ =	sdelay $0xe  }
0x363: {  	s0 =	spop (v2sf)  }
0x364: {  	s0 =	sshll.u32 s0, $0x7  }
0x365: {  	s0 =	sand.u32 $0x1FFFFF80, s0  }
0x366: {  	s19 =	simm.s32 $0x4;
	s0 =	sadd.s32 s28, s0  }
0x367: {  	[tilespmem:s22], [sflag:$0x3] =	stream.strided.gather [hbm4b:s0+s29], $0x2000, s31, s29, $0x38;
	[tilespmem:$0x1CA80] =	vst v63  }
0x368: {  	_ =	swait.ge [sflag:s19], $0x2000  }
0x369: {  	(v2sf) =	vpush v8, $0x9;
	_ =	sdelay $0xe  }
0x36a: {  	s14 =	spop (v2sf)  }
0x36b: {  	p0 =	slt.s32 s14, $0x1  }
.Ltmp41:
0x36c: {  	_ = 	snop;
	(pc) =	sbr.rel @p0 .LBB2_72-.Ltmp41, $3  }
0x36d: {  	_ =	sdelay $0x1  }
0x36e: {  	[sflag:s19] =	ssyncset.done $0x0  }
0x36f: {  	[sflag:s19] =	ssyncadd.s32 $0xFFFFE000  }
0x370: {  	s0 =	sadd.s32 s5, s11  }
0x371: {  	s0 =	sadd.s32 s7, s0  }
0x372: {  	s0 =	sadd.s32 s8, s0  }
0x373: {  	s0 =	sadd.s32 s9, s0  }
0x374: {  	s0 =	sadd.s32 s10, s0  }
0x375: {  	p1 =	sne.s32 s14, $0x1;
	s0 =	sadd.s32 s1, s0  }
.Ltmp42:
0x376: {  	s13 =	sadd.s32 s17, s0;
	(pc) =	sbr.rel @!p1 .LBB2_67-.Ltmp42, $4  }
0x377: {  	s2 =	sshll.u32 s13, $0x2  }
0x378: {  	s0 =	sshll.u32 s13, $0x9;
	s12 =	sshra.s32 s2, $0x2  }
0x379: {  	p0 =	por $0x0, $0x0;
	s0 =	sshra.s32 s0, $0x2;
	s2 =	sadd.s32 $0x500, s12  }
0x37a: {  	s0 =	sadd.s32 $0xCA80, s0;
	s15 =	sadd.s32 $0x780, s12;
	s12 =	sadd.s32 $0xFFFFFFFF, s14;
	v10 =	vld.msk [tilespmem:s2+$0x0 ss:$0x0], $0xffff  }
0x37b: {  	_ =	sdelay $0x3  }
0x37c: {  	v11 =	vadd.s32 v1, v10;
	_ =	sdelay $0x3  }
0x37d: {  	v12 =	vld [tilespmem:s15+$0x0];
	s16 =	sshll.u32 s13, $0x7  }
0x37e: {  	v13 =	vor.u32 s16, v0;
	v11 =	vld.idx.msk [tilespmem:v11+s23+$0x0], $0xffff  }
0x37f: {  	v14 =	vadd.s32 v2, v10;
	_ =	sdelay $0x3  }
0x380: {  	(v2sf) =	vpush v12, $0x0;
	[tilespmem:v13+s26+$0x0] =	vst.idx.msk $0xffff, v11  }
0x381: {  	v61 =	vor.u32 s16, v3;
	v11 =	vld.idx.msk [tilespmem:v14+s23+$0x0], $0xffff  }
0x382: {  	v62 =	vadd.s32 v4, v10;
	_ =	sdelay $0x3  }
0x383: {  	[tilespmem:v61+s26+$0x0] =	vst.idx.msk $0xffff, v11  }
0x384: {  	v63 =	vor.u32 s16, v5;
	v11 =	vld.idx.msk [tilespmem:v62+s23+$0x0], $0xffff  }
0x385: {  	v10 =	vadd.s32 v6, v10;
	_ =	sdelay $0x3  }
0x386: {  	[tilespmem:v63+s26+$0x0] =	vst.idx.msk $0xffff, v11  }
0x387: {  	v11 =	vor.u32 s16, v7;
	v10 =	vld.idx.msk [tilespmem:v10+s23+$0x0], $0xffff;
	_ =	sdelay $0x1  }
0x388: {  	p1 =	sne.s32 s12, $0x1;
	s19 =	spop (v2sf)  }
.Ltmp43:
0x389: {  	s16 =	sshll.u32 s19, $0x4;
	(pc) =	sbr.rel @!p1 .LBB2_69-.Ltmp43, $4  }
0x38a: {  	s12 =	sadd.s32 $0xFFFFFFFF, s12;
	s16 =	sand.u32 $0x1FFFFFF0, s16  }
0x38b: {  	s15 =	sadd.s32 $0x1, s15;
	s19 =	sadd.s32 $0x1, s2;
	s16 =	sadd.s32 s4, s16;
	[tilespmem:v11+s26+$0x0] =	vst.idx.msk $0xffff, v10  }
0x38c: {  	[hbm4b:s16+s3] =	stream.linear.scatter [tilespmem:s0], [sflag:$0x7], $0x80, $0x38;
	[tilespmem:$0x1CA80] =	vst v63  }
0x38d: {  	p0 =	por $0x1, $0x1;
	s18 =	smov.u32 s0;
	s2 =	smov.u32 s13;
	v10 =	vld.msk [tilespmem:s19+$0x0 ss:$0x0], $0xffff  }
.LBB2_70:
0x38e: {  	p1 =	sne.s32 s12, $0x1;
	v11 =	vld [tilespmem:s15+$0x0];
	_ =	sdelay $0x4  }
0x38f: {  	v12 =	vadd.s32 v1, v10;
	_ =	sdelay $0x3  }
0x390: {  	s2 =	sadd.s32 $0x1, s2  }
0x391: {  	s16 =	sshll.u32 s2, $0x7;
	v12 =	vld.idx.msk [tilespmem:v12+s23+$0x0], $0xffff  }
0x392: {  	v13 =	vor.u32 s16, v0  }
0x393: {  	v14 =	vadd.s32 v2, v10;
	_ =	sdelay $0x3  }
0x394: {  	[tilespmem:v13+s26+$0x0] =	vst.idx.msk $0xffff, v12  }
0x395: {  	v12 =	vld.idx.msk [tilespmem:v14+s23+$0x0], $0xffff  }
0x396: {  	v13 =	vor.u32 s16, v3;
	(v2sf) =	vpush v11, $0x0  }
0x397: {  	v11 =	vadd.s32 v4, v10;
	_ =	sdelay $0x3  }
0x398: {  	[tilespmem:v13+s26+$0x0] =	vst.idx.msk $0xffff, v12  }
0x399: {  	v11 =	vld.idx.msk [tilespmem:v11+s23+$0x0], $0xffff  }
0x39a: {  	v12 =	vor.u32 s16, v5  }
0x39b: {  	v10 =	vadd.s32 v6, v10;
	_ =	sdelay $0x3  }
0x39c: {  	[tilespmem:v12+s26+$0x0] =	vst.idx.msk $0xffff, v11  }
0x39d: {  	v10 =	vld.idx.msk [tilespmem:v10+s23+$0x0], $0xffff  }
0x39e: {  	v11 =	vor.u32 s16, v7  }
0x39f: {  	s16 =	spop (v2sf)  }
.Ltmp44:
0x3a0: {  	s16 =	sshll.u32 s16, $0x4;
	(pc) =	sbr.rel @p1 .LBB2_70-.Ltmp44, $4  }
0x3a1: {  	s16 =	sand.u32 $0x1FFFFFF0, s16  }
0x3a2: {  	s19 =	sadd.s32 $0x1, s19;
	s18 =	sadd.s32 $0x80, s18;
	s16 =	sadd.s32 s4, s16  }
0x3a3: {  	[tilespmem:v11+s26+$0x0] =	vst.idx.msk $0xffff, v10;
	[hbm4b:s16+s3] =	stream.linear.scatter [tilespmem:s18], [sflag:$0x7], $0x80, $0x38  }
0x3a4: {  	s12 =	sadd.s32 $0xFFFFFFFF, s12;
	s15 =	sadd.s32 $0x1, s15;
	v10 =	vld.msk [tilespmem:s19+$0x0 ss:$0x0], $0xffff  }
.LBB2_71:
0x3a5: {  	_ =	sdelay $0x3  }
0x3a6: {  	v11 =	vadd.s32 v1, v10;
	_ =	sdelay $0x1  }
0x3a7: {  	s2 =	sadd.s32 @p0 $0x1, s2  }
0x3a8: {  	s13 =	smov.u32 @p0 s2  }
0x3a9: {  	v12 =	vld [tilespmem:s15+$0x0];
	s2 =	sshll.u32 s13, $0x7  }
0x3aa: {  	v13 =	vor.u32 s2, v0;
	v11 =	vld.idx.msk [tilespmem:v11+s23+$0x0], $0xffff  }
0x3ab: {  	v14 =	vadd.s32 v2, v10;
	_ =	sdelay $0x3  }
0x3ac: {  	(v2sf) =	vpush v12, $0x0;
	[tilespmem:v13+s26+$0x0] =	vst.idx.msk $0xffff, v11  }
0x3ad: {  	v61 =	vor.u32 s2, v3;
	v11 =	vld.idx.msk [tilespmem:v14+s23+$0x0], $0xffff  }
0x3ae: {  	v62 =	vadd.s32 v4, v10;
	_ =	sdelay $0x3  }
0x3af: {  	[tilespmem:v61+s26+$0x0] =	vst.idx.msk $0xffff, v11  }
0x3b0: {  	v63 =	vor.u32 s2, v5;
	v11 =	vld.idx.msk [tilespmem:v62+s23+$0x0], $0xffff  }
0x3b1: {  	v10 =	vadd.s32 v6, v10;
	_ =	sdelay $0x3  }
0x3b2: {  	[tilespmem:v63+s26+$0x0] =	vst.idx.msk $0xffff, v11  }
0x3b3: {  	v11 =	vor.u32 s2, v7;
	v10 =	vld.idx.msk [tilespmem:v10+s23+$0x0], $0xffff;
	_ =	sdelay $0x1  }
0x3b4: {  	s19 =	spop (v2sf)  }
0x3b5: {  	s2 =	sshll.u32 s19, $0x4  }
0x3b6: {  	s12 =	sadd.s32 @p0 $0x80, s18;
	s2 =	sand.u32 $0x1FFFFFF0, s2  }
0x3b7: {  	s0 =	smov.u32 @p0 s12;
	s2 =	sadd.s32 s4, s2;
	[tilespmem:v11+s26+$0x0] =	vst.idx.msk $0xffff, v10  }
0x3b8: {  	[hbm4b:s2+s3] =	stream.linear.scatter [tilespmem:s0], [sflag:$0x7], $0x80, $0x38;
	[tilespmem:$0x1CA80] =	vst v63  }
.LBB2_72:
0x3b9: {  	(v2sf) =	vpush v9, $0xF;
	_ =	sdelay $0xe  }
0x3ba: {  	s0 =	spop (v2sf)  }
0x3bb: {  	s0 =	sshll.u32 s0, $0x7  }
0x3bc: {  	s0 =	sand.u32 $0x1FFFFF80, s0  }
0x3bd: {  	s0 =	sadd.s32 s28, s0  }
0x3be: {  	[tilespmem:s23], [sflag:$0x4] =	stream.strided.gather [hbm4b:s0+s29], $0x2000, s31, s29, $0x38;
	[tilespmem:$0x1CA80] =	vst v63  }
0x3bf: {  	s31 =	simm.s32 $0x5  }
0x3c0: {  	_ =	swait.ge [sflag:s31], $0x2000  }
0x3c1: {  	(v2sf) =	vpush v8, $0xA;
	_ =	sdelay $0xe  }
0x3c2: {  	s13 =	spop (v2sf)  }
0x3c3: {  	p0 =	slt.s32 s13, $0x1  }
.Ltmp45:
0x3c4: {  	_ = 	snop;
	(pc) =	sbr.rel @p0 .LBB2_79-.Ltmp45, $3  }
0x3c5: {  	_ =	sdelay $0x1  }
0x3c6: {  	[sflag:s31] =	ssyncset.done $0x0  }
0x3c7: {  	[sflag:s31] =	ssyncadd.s32 $0xFFFFE000  }
0x3c8: {  	s0 =	sadd.s32 s5, s11  }
0x3c9: {  	s0 =	sadd.s32 s7, s0  }
0x3ca: {  	s0 =	sadd.s32 s8, s0  }
0x3cb: {  	s0 =	sadd.s32 s9, s0  }
0x3cc: {  	s0 =	sadd.s32 s10, s0  }
0x3cd: {  	s0 =	sadd.s32 s1, s0  }
0x3ce: {  	p1 =	sne.s32 s13, $0x1;
	s0 =	sadd.s32 s14, s0  }
.Ltmp46:
0x3cf: {  	s15 =	sadd.s32 s17, s0;
	(pc) =	sbr.rel @!p1 .LBB2_74-.Ltmp46, $4  }
0x3d0: {  	s2 =	sshll.u32 s15, $0x2  }
0x3d1: {  	s0 =	sshll.u32 s15, $0x9;
	s12 =	sshra.s32 s2, $0x2  }
0x3d2: {  	p0 =	por $0x0, $0x0;
	s0 =	sshra.s32 s0, $0x2;
	s2 =	sadd.s32 $0x500, s12  }
0x3d3: {  	s0 =	sadd.s32 $0xCA80, s0;
	s18 =	sadd.s32 $0x780, s12;
	s12 =	sadd.s32 $0xFFFFFFFF, s13;
	v9 =	vld.msk [tilespmem:s2+$0x0 ss:$0x0], $0xffff  }
0x3d4: {  	_ =	sdelay $0x3  }
0x3d5: {  	v10 =	vadd.s32 v1, v9;
	_ =	sdelay $0x3  }
0x3d6: {  	v11 =	vld [tilespmem:s18+$0x0];
	s16 =	sshll.u32 s15, $0x7  }
0x3d7: {  	v12 =	vor.u32 s16, v0;
	v10 =	vld.idx.msk [tilespmem:v10+s24+$0x0], $0xffff  }
0x3d8: {  	v13 =	vadd.s32 v2, v9;
	_ =	sdelay $0x3  }
0x3d9: {  	(v2sf) =	vpush v11, $0x0;
	[tilespmem:v12+s26+$0x0] =	vst.idx.msk $0xffff, v10  }
0x3da: {  	v11 =	vor.u32 s16, v3;
	v10 =	vld.idx.msk [tilespmem:v13+s24+$0x0], $0xffff  }
0x3db: {  	v63 =	vadd.s32 v4, v9;
	_ =	sdelay $0x3  }
0x3dc: {  	[tilespmem:v11+s26+$0x0] =	vst.idx.msk $0xffff, v10  }
0x3dd: {  	v11 =	vor.u32 s16, v5;
	v10 =	vld.idx.msk [tilespmem:v63+s24+$0x0], $0xffff  }
0x3de: {  	v9 =	vadd.s32 v6, v9;
	_ =	sdelay $0x3  }
0x3df: {  	[tilespmem:v11+s26+$0x0] =	vst.idx.msk $0xffff, v10  }
0x3e0: {  	v10 =	vor.u32 s16, v7;
	v9 =	vld.idx.msk [tilespmem:v9+s24+$0x0], $0xffff;
	_ =	sdelay $0x1  }
0x3e1: {  	p1 =	sne.s32 s12, $0x1;
	s31 =	spop (v2sf)  }
.Ltmp47:
0x3e2: {  	s16 =	sshll.u32 s31, $0x4;
	(pc) =	sbr.rel @!p1 .LBB2_76-.Ltmp47, $4  }
0x3e3: {  	s19 =	sadd.s32 $0x1, s2;
	s16 =	sand.u32 $0x1FFFFFF0, s16  }
0x3e4: {  	s12 =	sadd.s32 $0xFFFFFFFF, s12;
	s18 =	sadd.s32 $0x1, s18;
	s16 =	sadd.s32 s4, s16;
	[tilespmem:v10+s26+$0x0] =	vst.idx.msk $0xffff, v9  }
0x3e5: {  	[hbm4b:s16+s3] =	stream.linear.scatter [tilespmem:s0], [sflag:$0x7], $0x80, $0x38;
	[tilespmem:$0x1CA80] =	vst v63  }
0x3e6: {  	p0 =	por $0x1, $0x1;
	s2 =	smov.u32 s15;
	s28 =	smov.u32 s0;
	v9 =	vld.msk [tilespmem:s19+$0x0 ss:$0x0], $0xffff  }
.LBB2_77:
0x3e7: {  	p1 =	sne.s32 s12, $0x1;
	v10 =	vld [tilespmem:s18+$0x0];
	_ =	sdelay $0x4  }
0x3e8: {  	v11 =	vadd.s32 v1, v9;
	_ =	sdelay $0x3  }
0x3e9: {  	s2 =	sadd.s32 $0x1, s2  }
0x3ea: {  	s16 =	sshll.u32 s2, $0x7;
	v11 =	vld.idx.msk [tilespmem:v11+s24+$0x0], $0xffff  }
0x3eb: {  	v12 =	vor.u32 s16, v0  }
0x3ec: {  	v13 =	vadd.s32 v2, v9;
	_ =	sdelay $0x3  }
0x3ed: {  	[tilespmem:v12+s26+$0x0] =	vst.idx.msk $0xffff, v11  }
0x3ee: {  	v11 =	vld.idx.msk [tilespmem:v13+s24+$0x0], $0xffff  }
0x3ef: {  	v12 =	vor.u32 s16, v3;
	(v2sf) =	vpush v10, $0x0  }
0x3f0: {  	v10 =	vadd.s32 v4, v9;
	_ =	sdelay $0x3  }
0x3f1: {  	[tilespmem:v12+s26+$0x0] =	vst.idx.msk $0xffff, v11  }
0x3f2: {  	v10 =	vld.idx.msk [tilespmem:v10+s24+$0x0], $0xffff  }
0x3f3: {  	v11 =	vor.u32 s16, v5  }
0x3f4: {  	v9 =	vadd.s32 v6, v9;
	_ =	sdelay $0x3  }
0x3f5: {  	[tilespmem:v11+s26+$0x0] =	vst.idx.msk $0xffff, v10  }
0x3f6: {  	v9 =	vld.idx.msk [tilespmem:v9+s24+$0x0], $0xffff  }
0x3f7: {  	v10 =	vor.u32 s16, v7  }
0x3f8: {  	s16 =	spop (v2sf)  }
.Ltmp48:
0x3f9: {  	s16 =	sshll.u32 s16, $0x4;
	(pc) =	sbr.rel @p1 .LBB2_77-.Ltmp48, $4  }
0x3fa: {  	s16 =	sand.u32 $0x1FFFFFF0, s16  }
0x3fb: {  	s19 =	sadd.s32 $0x1, s19;
	s28 =	sadd.s32 $0x80, s28;
	s16 =	sadd.s32 s4, s16  }
0x3fc: {  	[tilespmem:v10+s26+$0x0] =	vst.idx.msk $0xffff, v9;
	[hbm4b:s16+s3] =	stream.linear.scatter [tilespmem:s28], [sflag:$0x7], $0x80, $0x38  }
0x3fd: {  	s12 =	sadd.s32 $0xFFFFFFFF, s12;
	s18 =	sadd.s32 $0x1, s18;
	v9 =	vld.msk [tilespmem:s19+$0x0 ss:$0x0], $0xffff  }
.LBB2_78:
0x3fe: {  	_ =	sdelay $0x3  }
0x3ff: {  	v10 =	vadd.s32 v1, v9;
	_ =	sdelay $0x1  }
0x400: {  	s2 =	sadd.s32 @p0 $0x1, s2  }
0x401: {  	s15 =	smov.u32 @p0 s2  }
0x402: {  	v11 =	vld [tilespmem:s18+$0x0];
	s2 =	sshll.u32 s15, $0x7  }
0x403: {  	v12 =	vor.u32 s2, v0;
	v10 =	vld.idx.msk [tilespmem:v10+s24+$0x0], $0xffff  }
0x404: {  	v13 =	vadd.s32 v2, v9;
	_ =	sdelay $0x3  }
0x405: {  	(v2sf) =	vpush v11, $0x0;
	[tilespmem:v12+s26+$0x0] =	vst.idx.msk $0xffff, v10  }
0x406: {  	v11 =	vor.u32 s2, v3;
	v10 =	vld.idx.msk [tilespmem:v13+s24+$0x0], $0xffff  }
0x407: {  	v63 =	vadd.s32 v4, v9;
	_ =	sdelay $0x3  }
0x408: {  	[tilespmem:v11+s26+$0x0] =	vst.idx.msk $0xffff, v10  }
0x409: {  	v11 =	vor.u32 s2, v5;
	v10 =	vld.idx.msk [tilespmem:v63+s24+$0x0], $0xffff  }
0x40a: {  	v9 =	vadd.s32 v6, v9;
	_ =	sdelay $0x3  }
0x40b: {  	[tilespmem:v11+s26+$0x0] =	vst.idx.msk $0xffff, v10  }
0x40c: {  	v10 =	vor.u32 s2, v7;
	v9 =	vld.idx.msk [tilespmem:v9+s24+$0x0], $0xffff;
	_ =	sdelay $0x1  }
0x40d: {  	s31 =	spop (v2sf)  }
0x40e: {  	s2 =	sshll.u32 s31, $0x4  }
0x40f: {  	s12 =	sadd.s32 @p0 $0x80, s28;
	s2 =	sand.u32 $0x1FFFFFF0, s2  }
0x410: {  	s0 =	smov.u32 @p0 s12;
	s2 =	sadd.s32 s4, s2;
	[tilespmem:v10+s26+$0x0] =	vst.idx.msk $0xffff, v9  }
0x411: {  	[hbm4b:s2+s3] =	stream.linear.scatter [tilespmem:s0], [sflag:$0x7], $0x80, $0x38;
	[tilespmem:$0x1CA80] =	vst v63  }
.LBB2_79:
0x412: {  	s0 =	simm.s32 $0x6  }
0x413: {  	_ =	swait.ge [sflag:s0], $0x2000  }
0x414: {  	(v2sf) =	vpush v8, $0xB;
	_ =	sdelay $0xe  }
0x415: {  	s15 =	spop (v2sf)  }
0x416: {  	p0 =	slt.s32 s15, $0x1  }
.Ltmp49:
0x417: {  	_ = 	snop;
	(pc) =	sbr.rel @p0 .LBB2_86-.Ltmp49, $3  }
0x418: {  	_ =	sdelay $0x1  }
0x419: {  	[sflag:s0] =	ssyncset.done $0x0  }
0x41a: {  	[sflag:s0] =	ssyncadd.s32 $0xFFFFE000  }
0x41b: {  	s0 =	sadd.s32 s5, s11  }
0x41c: {  	s0 =	sadd.s32 s7, s0  }
0x41d: {  	s0 =	sadd.s32 s8, s0  }
0x41e: {  	s0 =	sadd.s32 s9, s0  }
0x41f: {  	s0 =	sadd.s32 s10, s0  }
0x420: {  	s0 =	sadd.s32 s1, s0  }
0x421: {  	s0 =	sadd.s32 s14, s0  }
0x422: {  	p1 =	sne.s32 s15, $0x1;
	s0 =	sadd.s32 s13, s0  }
.Ltmp50:
0x423: {  	s18 =	sadd.s32 s17, s0;
	(pc) =	sbr.rel @!p1 .LBB2_81-.Ltmp50, $4  }
0x424: {  	s2 =	sshll.u32 s18, $0x2  }
0x425: {  	s0 =	sshll.u32 s18, $0x9;
	s12 =	sshra.s32 s2, $0x2  }
0x426: {  	p0 =	por $0x0, $0x0;
	s0 =	sshra.s32 s0, $0x2;
	s2 =	sadd.s32 $0x500, s12  }
0x427: {  	s0 =	sadd.s32 $0xCA80, s0;
	s28 =	sadd.s32 $0x780, s12;
	s12 =	sadd.s32 $0xFFFFFFFF, s15;
	v9 =	vld.msk [tilespmem:s2+$0x0 ss:$0x0], $0xffff  }
0x428: {  	_ =	sdelay $0x3  }
0x429: {  	v10 =	vadd.s32 v1, v9;
	_ =	sdelay $0x3  }
0x42a: {  	v11 =	vld [tilespmem:s28+$0x0];
	s16 =	sshll.u32 s18, $0x7  }
0x42b: {  	v12 =	vor.u32 s16, v0;
	v10 =	vld.idx.msk [tilespmem:v10+s25+$0x0], $0xffff  }
0x42c: {  	v13 =	vadd.s32 v2, v9;
	_ =	sdelay $0x3  }
0x42d: {  	(v2sf) =	vpush v11, $0x0;
	[tilespmem:v12+s26+$0x0] =	vst.idx.msk $0xffff, v10  }
0x42e: {  	v11 =	vor.u32 s16, v3;
	v10 =	vld.idx.msk [tilespmem:v13+s25+$0x0], $0xffff  }
0x42f: {  	v63 =	vadd.s32 v4, v9;
	_ =	sdelay $0x3  }
0x430: {  	[tilespmem:v11+s26+$0x0] =	vst.idx.msk $0xffff, v10  }
0x431: {  	v11 =	vor.u32 s16, v5;
	v10 =	vld.idx.msk [tilespmem:v63+s25+$0x0], $0xffff  }
0x432: {  	v9 =	vadd.s32 v6, v9;
	_ =	sdelay $0x3  }
0x433: {  	[tilespmem:v11+s26+$0x0] =	vst.idx.msk $0xffff, v10  }
0x434: {  	v10 =	vor.u32 s16, v7;
	v9 =	vld.idx.msk [tilespmem:v9+s25+$0x0], $0xffff;
	_ =	sdelay $0x1  }
0x435: {  	p1 =	sne.s32 s12, $0x1;
	s31 =	spop (v2sf)  }
.Ltmp51:
0x436: {  	s16 =	sshll.u32 s31, $0x4;
	(pc) =	sbr.rel @!p1 .LBB2_83-.Ltmp51, $4  }
0x437: {  	s19 =	sadd.s32 $0x1, s2;
	s16 =	sand.u32 $0x1FFFFFF0, s16  }
0x438: {  	s12 =	sadd.s32 $0xFFFFFFFF, s12;
	s28 =	sadd.s32 $0x1, s28;
	s16 =	sadd.s32 s4, s16;
	[tilespmem:v10+s26+$0x0] =	vst.idx.msk $0xffff, v9  }
0x439: {  	[hbm4b:s16+s3] =	stream.linear.scatter [tilespmem:s0], [sflag:$0x7], $0x80, $0x38;
	[tilespmem:$0x1CA80] =	vst v63  }
0x43a: {  	p0 =	por $0x1, $0x1;
	s2 =	smov.u32 s18;
	s29 =	smov.u32 s0;
	v9 =	vld.msk [tilespmem:s19+$0x0 ss:$0x0], $0xffff  }
.LBB2_84:
0x43b: {  	p1 =	sne.s32 s12, $0x1;
	v10 =	vld [tilespmem:s28+$0x0];
	_ =	sdelay $0x4  }
0x43c: {  	v11 =	vadd.s32 v1, v9;
	_ =	sdelay $0x3  }
0x43d: {  	s2 =	sadd.s32 $0x1, s2  }
0x43e: {  	s16 =	sshll.u32 s2, $0x7;
	v11 =	vld.idx.msk [tilespmem:v11+s25+$0x0], $0xffff  }
0x43f: {  	v12 =	vor.u32 s16, v0  }
0x440: {  	v13 =	vadd.s32 v2, v9;
	_ =	sdelay $0x3  }
0x441: {  	[tilespmem:v12+s26+$0x0] =	vst.idx.msk $0xffff, v11  }
0x442: {  	v11 =	vld.idx.msk [tilespmem:v13+s25+$0x0], $0xffff  }
0x443: {  	v12 =	vor.u32 s16, v3;
	(v2sf) =	vpush v10, $0x0  }
0x444: {  	v10 =	vadd.s32 v4, v9;
	_ =	sdelay $0x3  }
0x445: {  	[tilespmem:v12+s26+$0x0] =	vst.idx.msk $0xffff, v11  }
0x446: {  	v10 =	vld.idx.msk [tilespmem:v10+s25+$0x0], $0xffff  }
0x447: {  	v11 =	vor.u32 s16, v5  }
0x448: {  	v9 =	vadd.s32 v6, v9;
	_ =	sdelay $0x3  }
0x449: {  	[tilespmem:v11+s26+$0x0] =	vst.idx.msk $0xffff, v10  }
0x44a: {  	v9 =	vld.idx.msk [tilespmem:v9+s25+$0x0], $0xffff  }
0x44b: {  	v10 =	vor.u32 s16, v7  }
0x44c: {  	s16 =	spop (v2sf)  }
.Ltmp52:
0x44d: {  	s16 =	sshll.u32 s16, $0x4;
	(pc) =	sbr.rel @p1 .LBB2_84-.Ltmp52, $4  }
0x44e: {  	s16 =	sand.u32 $0x1FFFFFF0, s16  }
0x44f: {  	s19 =	sadd.s32 $0x1, s19;
	s29 =	sadd.s32 $0x80, s29;
	s16 =	sadd.s32 s4, s16  }
0x450: {  	[tilespmem:v10+s26+$0x0] =	vst.idx.msk $0xffff, v9;
	[hbm4b:s16+s3] =	stream.linear.scatter [tilespmem:s29], [sflag:$0x7], $0x80, $0x38  }
0x451: {  	s12 =	sadd.s32 $0xFFFFFFFF, s12;
	s28 =	sadd.s32 $0x1, s28;
	v9 =	vld.msk [tilespmem:s19+$0x0 ss:$0x0], $0xffff  }
.LBB2_85:
0x452: {  	_ =	sdelay $0x3  }
0x453: {  	v10 =	vadd.s32 v1, v9;
	_ =	sdelay $0x1  }
0x454: {  	s2 =	sadd.s32 @p0 $0x1, s2  }
0x455: {  	s18 =	smov.u32 @p0 s2  }
0x456: {  	v11 =	vld [tilespmem:s28+$0x0];
	s2 =	sshll.u32 s18, $0x7  }
0x457: {  	v12 =	vor.u32 s2, v0;
	v10 =	vld.idx.msk [tilespmem:v10+s25+$0x0], $0xffff  }
0x458: {  	v13 =	vadd.s32 v2, v9;
	_ =	sdelay $0x3  }
0x459: {  	(v2sf) =	vpush v11, $0x0;
	[tilespmem:v12+s26+$0x0] =	vst.idx.msk $0xffff, v10  }
0x45a: {  	v11 =	vor.u32 s2, v3;
	v10 =	vld.idx.msk [tilespmem:v13+s25+$0x0], $0xffff  }
0x45b: {  	v63 =	vadd.s32 v4, v9;
	_ =	sdelay $0x3  }
0x45c: {  	[tilespmem:v11+s26+$0x0] =	vst.idx.msk $0xffff, v10  }
0x45d: {  	v11 =	vor.u32 s2, v5;
	v10 =	vld.idx.msk [tilespmem:v63+s25+$0x0], $0xffff  }
0x45e: {  	v9 =	vadd.s32 v6, v9;
	_ =	sdelay $0x3  }
0x45f: {  	[tilespmem:v11+s26+$0x0] =	vst.idx.msk $0xffff, v10  }
0x460: {  	v10 =	vor.u32 s2, v7;
	v9 =	vld.idx.msk [tilespmem:v9+s25+$0x0], $0xffff;
	_ =	sdelay $0x1  }
0x461: {  	s31 =	spop (v2sf)  }
0x462: {  	s2 =	sshll.u32 s31, $0x4  }
0x463: {  	s12 =	sadd.s32 @p0 $0x80, s29;
	s2 =	sand.u32 $0x1FFFFFF0, s2  }
0x464: {  	s0 =	smov.u32 @p0 s12;
	s2 =	sadd.s32 s4, s2;
	[tilespmem:v10+s26+$0x0] =	vst.idx.msk $0xffff, v9  }
0x465: {  	[hbm4b:s2+s3] =	stream.linear.scatter [tilespmem:s0], [sflag:$0x7], $0x80, $0x38;
	[tilespmem:$0x1CA80] =	vst v63  }
.LBB2_86:
0x466: {  	_ =	swait.ge [sflag:s30], $0x2000  }
0x467: {  	(v2sf) =	vpush v8, $0xC;
	_ =	sdelay $0xe  }
0x468: {  	s31 =	spop (v2sf)  }
0x469: {  	p0 =	slt.s32 s31, $0x1  }
.Ltmp53:
0x46a: {  	_ = 	snop;
	(pc) =	sbr.rel @p0 .LBB2_93-.Ltmp53, $3  }
0x46b: {  	_ =	sdelay $0x1  }
0x46c: {  	[sflag:s30] =	ssyncset.done $0x0  }
0x46d: {  	[sflag:s30] =	ssyncadd.s32 $0xFFFFE000  }
0x46e: {  	s0 =	sadd.s32 s5, s11  }
0x46f: {  	s0 =	sadd.s32 s7, s0  }
0x470: {  	s0 =	sadd.s32 s8, s0  }
0x471: {  	s0 =	sadd.s32 s9, s0  }
0x472: {  	s0 =	sadd.s32 s10, s0  }
0x473: {  	s0 =	sadd.s32 s1, s0  }
0x474: {  	s0 =	sadd.s32 s14, s0  }
0x475: {  	s0 =	sadd.s32 s13, s0  }
0x476: {  	p1 =	sne.s32 s31, $0x1;
	s0 =	sadd.s32 s15, s0  }
.Ltmp54:
0x477: {  	s18 =	sadd.s32 s17, s0;
	(pc) =	sbr.rel @!p1 .LBB2_88-.Ltmp54, $4  }
0x478: {  	s2 =	sshll.u32 s18, $0x2  }
0x479: {  	s0 =	sshll.u32 s18, $0x9;
	s12 =	sshra.s32 s2, $0x2  }
0x47a: {  	p0 =	por $0x0, $0x0;
	s0 =	sshra.s32 s0, $0x2;
	s2 =	sadd.s32 $0x500, s12  }
0x47b: {  	s0 =	sadd.s32 $0xCA80, s0;
	s28 =	sadd.s32 $0x780, s12;
	s12 =	sadd.s32 $0xFFFFFFFF, s31;
	v9 =	vld.msk [tilespmem:s2+$0x0 ss:$0x0], $0xffff  }
0x47c: {  	_ =	sdelay $0x3  }
0x47d: {  	v10 =	vadd.s32 v1, v9;
	_ =	sdelay $0x3  }
0x47e: {  	v11 =	vld [tilespmem:s28+$0x0];
	s16 =	sshll.u32 s18, $0x7  }
0x47f: {  	v12 =	vor.u32 s16, v0;
	v10 =	vld.idx.msk [tilespmem:v10+s20+$0x0], $0xffff  }
0x480: {  	v13 =	vadd.s32 v2, v9;
	_ =	sdelay $0x3  }
0x481: {  	(v2sf) =	vpush v11, $0x0;
	[tilespmem:v12+s26+$0x0] =	vst.idx.msk $0xffff, v10  }
0x482: {  	v11 =	vor.u32 s16, v3;
	v10 =	vld.idx.msk [tilespmem:v13+s20+$0x0], $0xffff  }
0x483: {  	v63 =	vadd.s32 v4, v9;
	_ =	sdelay $0x3  }
0x484: {  	[tilespmem:v11+s26+$0x0] =	vst.idx.msk $0xffff, v10  }
0x485: {  	v11 =	vor.u32 s16, v5;
	v10 =	vld.idx.msk [tilespmem:v63+s20+$0x0], $0xffff  }
0x486: {  	v9 =	vadd.s32 v6, v9;
	_ =	sdelay $0x3  }
0x487: {  	[tilespmem:v11+s26+$0x0] =	vst.idx.msk $0xffff, v10  }
0x488: {  	v10 =	vor.u32 s16, v7;
	v9 =	vld.idx.msk [tilespmem:v9+s20+$0x0], $0xffff;
	_ =	sdelay $0x1  }
0x489: {  	p1 =	sne.s32 s12, $0x1;
	s19 =	spop (v2sf)  }
.Ltmp55:
0x48a: {  	s16 =	sshll.u32 s19, $0x4;
	(pc) =	sbr.rel @!p1 .LBB2_90-.Ltmp55, $4  }
0x48b: {  	s12 =	sadd.s32 $0xFFFFFFFF, s12;
	s16 =	sand.u32 $0x1FFFFFF0, s16  }
0x48c: {  	s28 =	sadd.s32 $0x1, s28;
	s19 =	sadd.s32 $0x1, s2;
	s16 =	sadd.s32 s4, s16;
	[tilespmem:v10+s26+$0x0] =	vst.idx.msk $0xffff, v9  }
0x48d: {  	[hbm4b:s16+s3] =	stream.linear.scatter [tilespmem:s0], [sflag:$0x7], $0x80, $0x38;
	[tilespmem:$0x1CA80] =	vst v63  }
0x48e: {  	p0 =	por $0x1, $0x1;
	s29 =	smov.u32 s0;
	s2 =	smov.u32 s18;
	v9 =	vld.msk [tilespmem:s19+$0x0 ss:$0x0], $0xffff  }
.LBB2_91:
0x48f: {  	p1 =	sne.s32 s12, $0x1;
	v10 =	vld [tilespmem:s28+$0x0];
	_ =	sdelay $0x4  }
0x490: {  	v11 =	vadd.s32 v1, v9;
	_ =	sdelay $0x3  }
0x491: {  	s2 =	sadd.s32 $0x1, s2  }
0x492: {  	s16 =	sshll.u32 s2, $0x7;
	v11 =	vld.idx.msk [tilespmem:v11+s20+$0x0], $0xffff  }
0x493: {  	v12 =	vor.u32 s16, v0  }
0x494: {  	v13 =	vadd.s32 v2, v9;
	_ =	sdelay $0x3  }
0x495: {  	[tilespmem:v12+s26+$0x0] =	vst.idx.msk $0xffff, v11  }
0x496: {  	v11 =	vld.idx.msk [tilespmem:v13+s20+$0x0], $0xffff  }
0x497: {  	v12 =	vor.u32 s16, v3;
	(v2sf) =	vpush v10, $0x0  }
0x498: {  	v10 =	vadd.s32 v4, v9;
	_ =	sdelay $0x3  }
0x499: {  	[tilespmem:v12+s26+$0x0] =	vst.idx.msk $0xffff, v11  }
0x49a: {  	v10 =	vld.idx.msk [tilespmem:v10+s20+$0x0], $0xffff  }
0x49b: {  	v11 =	vor.u32 s16, v5  }
0x49c: {  	v9 =	vadd.s32 v6, v9;
	_ =	sdelay $0x3  }
0x49d: {  	[tilespmem:v11+s26+$0x0] =	vst.idx.msk $0xffff, v10  }
0x49e: {  	v9 =	vld.idx.msk [tilespmem:v9+s20+$0x0], $0xffff  }
0x49f: {  	v10 =	vor.u32 s16, v7  }
0x4a0: {  	s16 =	spop (v2sf)  }
.Ltmp56:
0x4a1: {  	s16 =	sshll.u32 s16, $0x4;
	(pc) =	sbr.rel @p1 .LBB2_91-.Ltmp56, $4  }
0x4a2: {  	s16 =	sand.u32 $0x1FFFFFF0, s16  }
0x4a3: {  	s19 =	sadd.s32 $0x1, s19;
	s29 =	sadd.s32 $0x80, s29;
	s16 =	sadd.s32 s4, s16  }
0x4a4: {  	[tilespmem:v10+s26+$0x0] =	vst.idx.msk $0xffff, v9;
	[hbm4b:s16+s3] =	stream.linear.scatter [tilespmem:s29], [sflag:$0x7], $0x80, $0x38  }
0x4a5: {  	s12 =	sadd.s32 $0xFFFFFFFF, s12;
	s28 =	sadd.s32 $0x1, s28;
	v9 =	vld.msk [tilespmem:s19+$0x0 ss:$0x0], $0xffff  }
.LBB2_92:
0x4a6: {  	_ =	sdelay $0x3  }
0x4a7: {  	v10 =	vadd.s32 v1, v9;
	_ =	sdelay $0x1  }
0x4a8: {  	s2 =	sadd.s32 @p0 $0x1, s2  }
0x4a9: {  	s18 =	smov.u32 @p0 s2  }
0x4aa: {  	v11 =	vld [tilespmem:s28+$0x0];
	s2 =	sshll.u32 s18, $0x7  }
0x4ab: {  	v12 =	vor.u32 s2, v0;
	v10 =	vld.idx.msk [tilespmem:v10+s20+$0x0], $0xffff  }
0x4ac: {  	v13 =	vadd.s32 v2, v9;
	_ =	sdelay $0x3  }
0x4ad: {  	(v2sf) =	vpush v11, $0x0;
	[tilespmem:v12+s26+$0x0] =	vst.idx.msk $0xffff, v10  }
0x4ae: {  	v11 =	vor.u32 s2, v3;
	v10 =	vld.idx.msk [tilespmem:v13+s20+$0x0], $0xffff  }
0x4af: {  	v63 =	vadd.s32 v4, v9;
	_ =	sdelay $0x3  }
0x4b0: {  	[tilespmem:v11+s26+$0x0] =	vst.idx.msk $0xffff, v10  }
0x4b1: {  	v11 =	vor.u32 s2, v5;
	v10 =	vld.idx.msk [tilespmem:v63+s20+$0x0], $0xffff  }
0x4b2: {  	v9 =	vadd.s32 v6, v9;
	_ =	sdelay $0x3  }
0x4b3: {  	[tilespmem:v11+s26+$0x0] =	vst.idx.msk $0xffff, v10  }
0x4b4: {  	v10 =	vor.u32 s2, v7;
	v9 =	vld.idx.msk [tilespmem:v9+s20+$0x0], $0xffff;
	_ =	sdelay $0x1  }
0x4b5: {  	s28 =	spop (v2sf)  }
0x4b6: {  	s2 =	sshll.u32 s28, $0x4  }
0x4b7: {  	s12 =	sadd.s32 @p0 $0x80, s29;
	s2 =	sand.u32 $0x1FFFFFF0, s2  }
0x4b8: {  	s0 =	smov.u32 @p0 s12;
	s2 =	sadd.s32 s4, s2;
	[tilespmem:v10+s26+$0x0] =	vst.idx.msk $0xffff, v9  }
0x4b9: {  	[hbm4b:s2+s3] =	stream.linear.scatter [tilespmem:s0], [sflag:$0x7], $0x80, $0x38;
	[tilespmem:$0x1CA80] =	vst v63  }
.LBB2_93:
0x4ba: {  	s2 =	simm.s32 $0x2  }
0x4bb: {  	_ =	swait.ge [sflag:s2], $0x2000  }
0x4bc: {  	(v2sf) =	vpush v8, $0xD;
	_ =	sdelay $0xe  }
0x4bd: {  	s0 =	spop (v2sf)  }
0x4be: {  	p0 =	slt.s32 s0, $0x1  }
.Ltmp57:
0x4bf: {  	_ = 	snop;
	(pc) =	sbr.rel @p0 .LBB2_100-.Ltmp57, $3  }
0x4c0: {  	_ =	sdelay $0x1  }
0x4c1: {  	[sflag:s2] =	ssyncset.done $0x0  }
0x4c2: {  	[sflag:s2] =	ssyncadd.s32 $0xFFFFE000  }
0x4c3: {  	s2 =	sadd.s32 s5, s11  }
0x4c4: {  	s2 =	sadd.s32 s7, s2  }
0x4c5: {  	s2 =	sadd.s32 s8, s2  }
0x4c6: {  	s2 =	sadd.s32 s9, s2  }
0x4c7: {  	s2 =	sadd.s32 s10, s2  }
0x4c8: {  	s2 =	sadd.s32 s1, s2  }
0x4c9: {  	s2 =	sadd.s32 s14, s2  }
0x4ca: {  	s2 =	sadd.s32 s13, s2  }
0x4cb: {  	s2 =	sadd.s32 s15, s2  }
0x4cc: {  	p1 =	sne.s32 s0, $0x1;
	s2 =	sadd.s32 s31, s2  }
.Ltmp58:
0x4cd: {  	s28 =	sadd.s32 s17, s2;
	(pc) =	sbr.rel @!p1 .LBB2_95-.Ltmp58, $4  }
0x4ce: {  	s2 =	sshll.u32 s28, $0x9;
	s12 =	sshll.u32 s28, $0x2  }
0x4cf: {  	s2 =	sshra.s32 s2, $0x2;
	s12 =	sshra.s32 s12, $0x2  }
0x4d0: {  	s18 =	sadd.s32 $0xCA80, s2;
	s2 =	sadd.s32 $0x500, s12  }
0x4d1: {  	p0 =	por $0x0, $0x0;
	s29 =	sadd.s32 $0x780, s12;
	s12 =	sadd.s32 $0xFFFFFFFF, s0;
	v9 =	vld.msk [tilespmem:s2+$0x0 ss:$0x0], $0xffff  }
0x4d2: {  	_ =	sdelay $0x3  }
0x4d3: {  	v10 =	vadd.s32 v1, v9;
	_ =	sdelay $0x3  }
0x4d4: {  	v11 =	vld [tilespmem:s29+$0x0];
	s16 =	sshll.u32 s28, $0x7  }
0x4d5: {  	v12 =	vor.u32 s16, v0;
	v10 =	vld.idx.msk [tilespmem:v10+s21+$0x0], $0xffff  }
0x4d6: {  	v13 =	vadd.s32 v2, v9;
	_ =	sdelay $0x3  }
0x4d7: {  	(v2sf) =	vpush v11, $0x0;
	[tilespmem:v12+s26+$0x0] =	vst.idx.msk $0xffff, v10  }
0x4d8: {  	v11 =	vor.u32 s16, v3;
	v10 =	vld.idx.msk [tilespmem:v13+s21+$0x0], $0xffff  }
0x4d9: {  	v63 =	vadd.s32 v4, v9;
	_ =	sdelay $0x3  }
0x4da: {  	[tilespmem:v11+s26+$0x0] =	vst.idx.msk $0xffff, v10  }
0x4db: {  	v11 =	vor.u32 s16, v5;
	v10 =	vld.idx.msk [tilespmem:v63+s21+$0x0], $0xffff  }
0x4dc: {  	v9 =	vadd.s32 v6, v9;
	_ =	sdelay $0x3  }
0x4dd: {  	[tilespmem:v11+s26+$0x0] =	vst.idx.msk $0xffff, v10  }
0x4de: {  	v10 =	vor.u32 s16, v7;
	v9 =	vld.idx.msk [tilespmem:v9+s21+$0x0], $0xffff;
	_ =	sdelay $0x1  }
0x4df: {  	p1 =	sne.s32 s12, $0x1;
	s19 =	spop (v2sf)  }
.Ltmp59:
0x4e0: {  	s16 =	sshll.u32 s19, $0x4;
	(pc) =	sbr.rel @!p1 .LBB2_97-.Ltmp59, $4  }
0x4e1: {  	s12 =	sadd.s32 $0xFFFFFFFF, s12;
	s16 =	sand.u32 $0x1FFFFFF0, s16  }
0x4e2: {  	s29 =	sadd.s32 $0x1, s29;
	s19 =	sadd.s32 $0x1, s2;
	s16 =	sadd.s32 s4, s16;
	[tilespmem:v10+s26+$0x0] =	vst.idx.msk $0xffff, v9  }
0x4e3: {  	[hbm4b:s16+s3] =	stream.linear.scatter [tilespmem:s18], [sflag:$0x7], $0x80, $0x38;
	[tilespmem:$0x1CA80] =	vst v63  }
0x4e4: {  	p0 =	por $0x1, $0x1;
	s30 =	smov.u32 s18;
	s2 =	smov.u32 s28;
	v9 =	vld.msk [tilespmem:s19+$0x0 ss:$0x0], $0xffff  }
.LBB2_98:
0x4e5: {  	p1 =	sne.s32 s12, $0x1;
	v10 =	vld [tilespmem:s29+$0x0];
	_ =	sdelay $0x4  }
0x4e6: {  	v11 =	vadd.s32 v1, v9;
	_ =	sdelay $0x3  }
0x4e7: {  	s2 =	sadd.s32 $0x1, s2  }
0x4e8: {  	s16 =	sshll.u32 s2, $0x7;
	v11 =	vld.idx.msk [tilespmem:v11+s21+$0x0], $0xffff  }
0x4e9: {  	v12 =	vor.u32 s16, v0  }
0x4ea: {  	v13 =	vadd.s32 v2, v9;
	_ =	sdelay $0x3  }
0x4eb: {  	[tilespmem:v12+s26+$0x0] =	vst.idx.msk $0xffff, v11  }
0x4ec: {  	v11 =	vld.idx.msk [tilespmem:v13+s21+$0x0], $0xffff  }
0x4ed: {  	v12 =	vor.u32 s16, v3;
	(v2sf) =	vpush v10, $0x0  }
0x4ee: {  	v10 =	vadd.s32 v4, v9;
	_ =	sdelay $0x3  }
0x4ef: {  	[tilespmem:v12+s26+$0x0] =	vst.idx.msk $0xffff, v11  }
0x4f0: {  	v10 =	vld.idx.msk [tilespmem:v10+s21+$0x0], $0xffff  }
0x4f1: {  	v11 =	vor.u32 s16, v5  }
0x4f2: {  	v9 =	vadd.s32 v6, v9;
	_ =	sdelay $0x3  }
0x4f3: {  	[tilespmem:v11+s26+$0x0] =	vst.idx.msk $0xffff, v10  }
0x4f4: {  	v9 =	vld.idx.msk [tilespmem:v9+s21+$0x0], $0xffff  }
0x4f5: {  	v10 =	vor.u32 s16, v7  }
0x4f6: {  	s16 =	spop (v2sf)  }
.Ltmp60:
0x4f7: {  	s16 =	sshll.u32 s16, $0x4;
	(pc) =	sbr.rel @p1 .LBB2_98-.Ltmp60, $4  }
0x4f8: {  	s16 =	sand.u32 $0x1FFFFFF0, s16  }
0x4f9: {  	s19 =	sadd.s32 $0x1, s19;
	s30 =	sadd.s32 $0x80, s30;
	s16 =	sadd.s32 s4, s16  }
0x4fa: {  	[tilespmem:v10+s26+$0x0] =	vst.idx.msk $0xffff, v9;
	[hbm4b:s16+s3] =	stream.linear.scatter [tilespmem:s30], [sflag:$0x7], $0x80, $0x38  }
0x4fb: {  	s12 =	sadd.s32 $0xFFFFFFFF, s12;
	s29 =	sadd.s32 $0x1, s29;
	v9 =	vld.msk [tilespmem:s19+$0x0 ss:$0x0], $0xffff  }
.LBB2_99:
0x4fc: {  	_ =	sdelay $0x3  }
0x4fd: {  	v10 =	vadd.s32 v1, v9;
	_ =	sdelay $0x1  }
0x4fe: {  	s2 =	sadd.s32 @p0 $0x1, s2  }
0x4ff: {  	s28 =	smov.u32 @p0 s2  }
0x500: {  	v11 =	vld [tilespmem:s29+$0x0];
	s2 =	sshll.u32 s28, $0x7  }
0x501: {  	v12 =	vor.u32 s2, v0;
	v10 =	vld.idx.msk [tilespmem:v10+s21+$0x0], $0xffff  }
0x502: {  	v13 =	vadd.s32 v2, v9;
	_ =	sdelay $0x3  }
0x503: {  	(v2sf) =	vpush v11, $0x0;
	[tilespmem:v12+s26+$0x0] =	vst.idx.msk $0xffff, v10  }
0x504: {  	v11 =	vor.u32 s2, v3;
	v10 =	vld.idx.msk [tilespmem:v13+s21+$0x0], $0xffff  }
0x505: {  	v63 =	vadd.s32 v4, v9;
	_ =	sdelay $0x3  }
0x506: {  	[tilespmem:v11+s26+$0x0] =	vst.idx.msk $0xffff, v10  }
0x507: {  	v11 =	vor.u32 s2, v5;
	v10 =	vld.idx.msk [tilespmem:v63+s21+$0x0], $0xffff  }
0x508: {  	v9 =	vadd.s32 v6, v9;
	_ =	sdelay $0x3  }
0x509: {  	[tilespmem:v11+s26+$0x0] =	vst.idx.msk $0xffff, v10  }
0x50a: {  	v10 =	vor.u32 s2, v7;
	v9 =	vld.idx.msk [tilespmem:v9+s21+$0x0], $0xffff;
	_ =	sdelay $0x1  }
0x50b: {  	s29 =	spop (v2sf)  }
0x50c: {  	s2 =	sshll.u32 s29, $0x4  }
0x50d: {  	s12 =	sadd.s32 @p0 $0x80, s30;
	s2 =	sand.u32 $0x1FFFFFF0, s2  }
0x50e: {  	s30 =	simm.s32 $0x1;
	s18 =	smov.u32 @p0 s12;
	s2 =	sadd.s32 s4, s2;
	[tilespmem:v10+s26+$0x0] =	vst.idx.msk $0xffff, v9  }
0x50f: {  	[hbm4b:s2+s3] =	stream.linear.scatter [tilespmem:s18], [sflag:$0x7], $0x80, $0x38;
	[tilespmem:$0x1CA80] =	vst v63  }
.LBB2_100:
0x510: {  	s2 =	simm.s32 $0x3  }
0x511: {  	_ =	swait.ge [sflag:s2], $0x2000  }
0x512: {  	(v2sf) =	vpush v8, $0xE;
	_ =	sdelay $0xe  }
0x513: {  	s18 =	spop (v2sf)  }
0x514: {  	p0 =	slt.s32 s18, $0x1  }
.Ltmp61:
0x515: {  	_ = 	snop;
	(pc) =	sbr.rel @p0 .LBB2_107-.Ltmp61, $3  }
0x516: {  	_ =	sdelay $0x1  }
0x517: {  	[sflag:s2] =	ssyncset.done $0x0  }
0x518: {  	[sflag:s2] =	ssyncadd.s32 $0xFFFFE000  }
0x519: {  	s2 =	sadd.s32 s5, s11  }
0x51a: {  	s2 =	sadd.s32 s7, s2  }
0x51b: {  	s2 =	sadd.s32 s8, s2  }
0x51c: {  	s2 =	sadd.s32 s9, s2  }
0x51d: {  	s2 =	sadd.s32 s10, s2  }
0x51e: {  	s2 =	sadd.s32 s1, s2  }
0x51f: {  	s2 =	sadd.s32 s14, s2  }
0x520: {  	s2 =	sadd.s32 s13, s2  }
0x521: {  	s2 =	sadd.s32 s15, s2  }
0x522: {  	s2 =	sadd.s32 s31, s2  }
0x523: {  	p1 =	sne.s32 s18, $0x1;
	s2 =	sadd.s32 s0, s2  }
.Ltmp62:
0x524: {  	s19 =	sadd.s32 s17, s2;
	(pc) =	sbr.rel @!p1 .LBB2_102-.Ltmp62, $4  }
0x525: {  	s12 =	sshll.u32 s19, $0x2  }
0x526: {  	[dreg:$0xd] =	wrdreg s6;
	s2 =	sshll.u32 s19, $0x9;
	s16 =	sshra.s32 s12, $0x2  }
0x527: {  	p0 =	por $0x0, $0x0;
	s2 =	sshra.s32 s2, $0x2;
	s12 =	sadd.s32 $0x500, s16  }
0x528: {  	s2 =	sadd.s32 $0xCA80, s2;
	s30 =	sadd.s32 $0x780, s16;
	s16 =	sadd.s32 $0xFFFFFFFF, s18;
	v9 =	vld.msk [tilespmem:s12+$0x0 ss:$0x0], $0xffff  }
0x529: {  	_ =	sdelay $0x3  }
0x52a: {  	v10 =	vadd.s32 v1, v9;
	_ =	sdelay $0x3  }
0x52b: {  	v11 =	vld [tilespmem:s30+$0x0];
	s28 =	sshll.u32 s19, $0x7  }
0x52c: {  	v12 =	vor.u32 s28, v0;
	v10 =	vld.idx.msk [tilespmem:v10+s22+$0x0], $0xffff  }
0x52d: {  	v13 =	vadd.s32 v2, v9;
	_ =	sdelay $0x3  }
0x52e: {  	(v2sf) =	vpush v11, $0x0;
	[tilespmem:v12+s26+$0x0] =	vst.idx.msk $0xffff, v10  }
0x52f: {  	v11 =	vor.u32 s28, v3;
	v10 =	vld.idx.msk [tilespmem:v13+s22+$0x0], $0xffff  }
0x530: {  	v63 =	vadd.s32 v4, v9;
	_ =	sdelay $0x3  }
0x531: {  	[tilespmem:v11+s26+$0x0] =	vst.idx.msk $0xffff, v10  }
0x532: {  	v11 =	vor.u32 s28, v5;
	v10 =	vld.idx.msk [tilespmem:v63+s22+$0x0], $0xffff  }
0x533: {  	v9 =	vadd.s32 v6, v9;
	_ =	sdelay $0x3  }
0x534: {  	[tilespmem:v11+s26+$0x0] =	vst.idx.msk $0xffff, v10  }
0x535: {  	v10 =	vor.u32 s28, v7;
	v9 =	vld.idx.msk [tilespmem:v9+s22+$0x0], $0xffff;
	_ =	sdelay $0x1  }
0x536: {  	p1 =	sne.s32 s16, $0x1;
	s28 =	spop (v2sf)  }
.Ltmp63:
0x537: {  	s28 =	sshll.u32 s28, $0x4;
	(pc) =	sbr.rel @!p1 .LBB2_104-.Ltmp63, $4  }
0x538: {  	s12 =	sadd.s32 $0x1, s12;
	s28 =	sand.u32 $0x1FFFFFF0, s28  }
0x539: {  	s16 =	sadd.s32 $0xFFFFFFFF, s16;
	s30 =	sadd.s32 $0x1, s30;
	s28 =	sadd.s32 s4, s28;
	[tilespmem:v10+s26+$0x0] =	vst.idx.msk $0xffff, v9  }
0x53a: {  	[hbm4b:s28+s3] =	stream.linear.scatter [tilespmem:s2], [sflag:$0x7], $0x80, $0x38;
	[tilespmem:$0x1CA80] =	vst v63  }
0x53b: {  	p0 =	por $0x1, $0x1;
	s29 =	smov.u32 s19;
	s28 =	smov.u32 s2;
	v9 =	vld.msk [tilespmem:s12+$0x0 ss:$0x0], $0xffff  }
.LBB2_105:
0x53c: {  	p1 =	sne.s32 s16, $0x1;
	v10 =	vld [tilespmem:s30+$0x0];
	_ =	sdelay $0x4  }
0x53d: {  	v11 =	vadd.s32 v1, v9;
	_ =	sdelay $0x3  }
0x53e: {  	s29 =	sadd.s32 $0x1, s29  }
0x53f: {  	s6 =	sshll.u32 s29, $0x7;
	v11 =	vld.idx.msk [tilespmem:v11+s22+$0x0], $0xffff  }
0x540: {  	v12 =	vor.u32 s6, v0  }
0x541: {  	v13 =	vadd.s32 v2, v9;
	_ =	sdelay $0x3  }
0x542: {  	[tilespmem:v12+s26+$0x0] =	vst.idx.msk $0xffff, v11  }
0x543: {  	v11 =	vld.idx.msk [tilespmem:v13+s22+$0x0], $0xffff  }
0x544: {  	v12 =	vor.u32 s6, v3;
	(v2sf) =	vpush v10, $0x0  }
0x545: {  	v10 =	vadd.s32 v4, v9;
	_ =	sdelay $0x3  }
0x546: {  	[tilespmem:v12+s26+$0x0] =	vst.idx.msk $0xffff, v11  }
0x547: {  	v10 =	vld.idx.msk [tilespmem:v10+s22+$0x0], $0xffff  }
0x548: {  	v11 =	vor.u32 s6, v5  }
0x549: {  	v9 =	vadd.s32 v6, v9;
	_ =	sdelay $0x3  }
0x54a: {  	[tilespmem:v11+s26+$0x0] =	vst.idx.msk $0xffff, v10  }
0x54b: {  	v9 =	vld.idx.msk [tilespmem:v9+s22+$0x0], $0xffff  }
0x54c: {  	v10 =	vor.u32 s6, v7  }
0x54d: {  	s6 =	spop (v2sf)  }
.Ltmp64:
0x54e: {  	s6 =	sshll.u32 s6, $0x4;
	(pc) =	sbr.rel @p1 .LBB2_105-.Ltmp64, $4  }
0x54f: {  	s6 =	sand.u32 $0x1FFFFFF0, s6  }
0x550: {  	s12 =	sadd.s32 $0x1, s12;
	s28 =	sadd.s32 $0x80, s28;
	s6 =	sadd.s32 s4, s6  }
0x551: {  	[tilespmem:v10+s26+$0x0] =	vst.idx.msk $0xffff, v9;
	[hbm4b:s6+s3] =	stream.linear.scatter [tilespmem:s28], [sflag:$0x7], $0x80, $0x38  }
0x552: {  	s16 =	sadd.s32 $0xFFFFFFFF, s16;
	s30 =	sadd.s32 $0x1, s30;
	v9 =	vld.msk [tilespmem:s12+$0x0 ss:$0x0], $0xffff  }
.LBB2_106:
0x553: {  	_ =	sdelay $0x3  }
0x554: {  	v10 =	vadd.s32 v1, v9;
	_ =	sdelay $0x1  }
0x555: {  	s6 =	sadd.s32 @p0 $0x1, s29  }
0x556: {  	s19 =	smov.u32 @p0 s6  }
0x557: {  	v11 =	vld [tilespmem:s30+$0x0];
	s6 =	sshll.u32 s19, $0x7  }
0x558: {  	v12 =	vor.u32 s6, v0;
	v10 =	vld.idx.msk [tilespmem:v10+s22+$0x0], $0xffff  }
0x559: {  	v13 =	vadd.s32 v2, v9;
	_ =	sdelay $0x3  }
0x55a: {  	(v2sf) =	vpush v11, $0x0;
	[tilespmem:v12+s26+$0x0] =	vst.idx.msk $0xffff, v10  }
0x55b: {  	v11 =	vor.u32 s6, v3;
	v10 =	vld.idx.msk [tilespmem:v13+s22+$0x0], $0xffff  }
0x55c: {  	v63 =	vadd.s32 v4, v9;
	_ =	sdelay $0x3  }
0x55d: {  	[tilespmem:v11+s26+$0x0] =	vst.idx.msk $0xffff, v10  }
0x55e: {  	v11 =	vor.u32 s6, v5;
	v10 =	vld.idx.msk [tilespmem:v63+s22+$0x0], $0xffff  }
0x55f: {  	v9 =	vadd.s32 v6, v9;
	_ =	sdelay $0x3  }
0x560: {  	[tilespmem:v11+s26+$0x0] =	vst.idx.msk $0xffff, v10  }
0x561: {  	v10 =	vor.u32 s6, v7;
	v9 =	vld.idx.msk [tilespmem:v9+s22+$0x0], $0xffff;
	_ =	sdelay $0x1  }
0x562: {  	s29 =	spop (v2sf)  }
0x563: {  	s6 =	sshll.u32 s29, $0x4  }
0x564: {  	s12 =	sadd.s32 @p0 $0x80, s28;
	s6 =	sand.u32 $0x1FFFFFF0, s6  }
0x565: {  	s2 =	smov.u32 @p0 s12;
	s6 =	sadd.s32 s4, s6;
	[tilespmem:v10+s26+$0x0] =	vst.idx.msk $0xffff, v9  }
0x566: {  	[hbm4b:s6+s3] =	stream.linear.scatter [tilespmem:s2], [sflag:$0x7], $0x80, $0x38;
	[tilespmem:$0x1CA80] =	vst v63  }
0x567: {  	s30 =	simm.s32 $0x1;
	s6 =	rddreg [dreg:$0xd]  }
.LBB2_107:
0x568: {  	s2 =	simm.s32 $0x4  }
0x569: {  	_ =	swait.ge [sflag:s2], $0x2000  }
0x56a: {  	(v2sf) =	vpush v8, $0xF;
	_ =	sdelay $0xe  }
0x56b: {  	s28 =	spop (v2sf)  }
0x56c: {  	p0 =	slt.s32 s28, $0x1  }
.Ltmp65:
0x56d: {  	_ = 	snop;
	(pc) =	sbr.rel @p0 .LBB2_114-.Ltmp65, $3  }
0x56e: {  	_ =	sdelay $0x1  }
0x56f: {  	[sflag:s2] =	ssyncset.done $0x0  }
0x570: {  	s29 =	simm.s32 $0x400;
	[sflag:s2] =	ssyncadd.s32 $0xFFFFE000  }
0x571: {  	s2 =	sadd.s32 s5, s11  }
0x572: {  	s2 =	sadd.s32 s7, s2  }
0x573: {  	s2 =	sadd.s32 s8, s2  }
0x574: {  	s2 =	sadd.s32 s9, s2  }
0x575: {  	s2 =	sadd.s32 s10, s2  }
0x576: {  	s2 =	sadd.s32 s1, s2  }
0x577: {  	s2 =	sadd.s32 s14, s2  }
0x578: {  	s2 =	sadd.s32 s13, s2  }
0x579: {  	s2 =	sadd.s32 s15, s2  }
0x57a: {  	s2 =	sadd.s32 s31, s2  }
0x57b: {  	s2 =	sadd.s32 s0, s2  }
0x57c: {  	s2 =	sadd.s32 s18, s2  }
0x57d: {  	s7 =	sadd.s32 s17, s2  }
0x57e: {  	s2 =	sshll.u32 s7, $0x9;
	s17 =	sshll.u32 s7, $0x2  }
0x57f: {  	s2 =	sshra.s32 s2, $0x2;
	s19 =	sshra.s32 s17, $0x2  }
0x580: {  	p1 =	sne.s32 s28, $0x1;
	s5 =	sadd.s32 $0xCA80, s2;
	s2 =	sadd.s32 $0x500, s19  }
.Ltmp66:
0x581: {  	v8 =	vld.msk [tilespmem:s2+$0x0 ss:$0x0], $0xffff;
	(pc) =	sbr.rel @!p1 .LBB2_109-.Ltmp66, $3  }
0x582: {  	_ =	sdelay $0x1  }
0x583: {  	s16 =	smov.u32 s6  }
0x584: {  	p0 =	por $0x0, $0x0;
	s9 =	sadd.s32 $0xFFFFFFFF, s28;
	s8 =	sadd.s32 $0x780, s19  }
0x585: {  	v9 =	vadd.s32 v1, v8;
	_ =	sdelay $0x3  }
0x586: {  	v10 =	vld [tilespmem:s8+$0x0];
	s6 =	sshll.u32 s7, $0x7  }
0x587: {  	v11 =	vor.u32 s6, v0;
	v9 =	vld.idx.msk [tilespmem:v9+s23+$0x0], $0xffff  }
0x588: {  	v12 =	vadd.s32 v2, v8;
	_ =	sdelay $0x3  }
0x589: {  	(v2sf) =	vpush v10, $0x0;
	[tilespmem:v11+s26+$0x0] =	vst.idx.msk $0xffff, v9  }
0x58a: {  	v10 =	vor.u32 s6, v3;
	v9 =	vld.idx.msk [tilespmem:v12+s23+$0x0], $0xffff  }
0x58b: {  	v11 =	vadd.s32 v4, v8;
	_ =	sdelay $0x3  }
0x58c: {  	[tilespmem:v10+s26+$0x0] =	vst.idx.msk $0xffff, v9  }
0x58d: {  	v10 =	vor.u32 s6, v5;
	v9 =	vld.idx.msk [tilespmem:v11+s23+$0x0], $0xffff  }
0x58e: {  	v8 =	vadd.s32 v6, v8;
	_ =	sdelay $0x3  }
0x58f: {  	[tilespmem:v10+s26+$0x0] =	vst.idx.msk $0xffff, v9  }
0x590: {  	v9 =	vor.u32 s6, v7;
	v8 =	vld.idx.msk [tilespmem:v8+s23+$0x0], $0xffff;
	_ =	sdelay $0x1  }
0x591: {  	s19 =	spop (v2sf)  }
0x592: {  	s6 =	sshll.u32 s19, $0x4  }
0x593: {  	s6 =	sand.u32 $0x1FFFFFF0, s6  }
0x594: {  	p1 =	sne.s32 s9, $0x1;
	s11 =	sadd.s32 $0x1, s2;
	s6 =	sadd.s32 s4, s6;
	[tilespmem:v9+s26+$0x0] =	vst.idx.msk $0xffff, v8  }
0x595: {  	[hbm4b:s6+s3] =	stream.linear.scatter [tilespmem:s5], [sflag:$0x7], $0x80, $0x38;
	[tilespmem:$0x1CA80] =	vst v63  }
.Ltmp67:
0x596: {  	v8 =	vld.msk [tilespmem:s11+$0x0 ss:$0x0], $0xffff;
	(pc) =	sbr.rel @!p1 .LBB2_111-.Ltmp67, $3  }
0x597: {  	_ =	sdelay $0x1  }
0x598: {  	s12 =	sadd.s32 $0xFFFFFFFF, s9;
	s8 =	sadd.s32 $0x1, s8  }
0x599: {  	p0 =	por $0x1, $0x1;
	s9 =	smov.u32 s7;
	s2 =	smov.u32 s5  }
.LBB2_112:
0x59a: {  	p1 =	sne.s32 s12, $0x1;
	v9 =	vld [tilespmem:s8+$0x0];
	_ =	sdelay $0x4  }
0x59b: {  	v10 =	vadd.s32 v1, v8;
	_ =	sdelay $0x3  }
0x59c: {  	s9 =	sadd.s32 $0x1, s9  }
0x59d: {  	s6 =	sshll.u32 s9, $0x7;
	v10 =	vld.idx.msk [tilespmem:v10+s23+$0x0], $0xffff  }
0x59e: {  	v11 =	vor.u32 s6, v0  }
0x59f: {  	v12 =	vadd.s32 v2, v8;
	_ =	sdelay $0x3  }
0x5a0: {  	[tilespmem:v11+s26+$0x0] =	vst.idx.msk $0xffff, v10  }
0x5a1: {  	v10 =	vld.idx.msk [tilespmem:v12+s23+$0x0], $0xffff  }
0x5a2: {  	v11 =	vor.u32 s6, v3;
	(v2sf) =	vpush v9, $0x0  }
0x5a3: {  	v9 =	vadd.s32 v4, v8;
	_ =	sdelay $0x3  }
0x5a4: {  	[tilespmem:v11+s26+$0x0] =	vst.idx.msk $0xffff, v10  }
0x5a5: {  	v9 =	vld.idx.msk [tilespmem:v9+s23+$0x0], $0xffff  }
0x5a6: {  	v10 =	vor.u32 s6, v5  }
0x5a7: {  	v8 =	vadd.s32 v6, v8;
	_ =	sdelay $0x3  }
0x5a8: {  	[tilespmem:v10+s26+$0x0] =	vst.idx.msk $0xffff, v9  }
0x5a9: {  	v8 =	vld.idx.msk [tilespmem:v8+s23+$0x0], $0xffff  }
0x5aa: {  	v9 =	vor.u32 s6, v7  }
0x5ab: {  	s6 =	spop (v2sf)  }
.Ltmp68:
0x5ac: {  	s6 =	sshll.u32 s6, $0x4;
	(pc) =	sbr.rel @p1 .LBB2_112-.Ltmp68, $4  }
0x5ad: {  	s6 =	sand.u32 $0x1FFFFFF0, s6  }
0x5ae: {  	s11 =	sadd.s32 $0x1, s11;
	s2 =	sadd.s32 $0x80, s2;
	s6 =	sadd.s32 s4, s6  }
0x5af: {  	[tilespmem:v9+s26+$0x0] =	vst.idx.msk $0xffff, v8;
	[hbm4b:s6+s3] =	stream.linear.scatter [tilespmem:s2], [sflag:$0x7], $0x80, $0x38  }
0x5b0: {  	s12 =	sadd.s32 $0xFFFFFFFF, s12;
	s8 =	sadd.s32 $0x1, s8;
	v8 =	vld.msk [tilespmem:s11+$0x0 ss:$0x0], $0xffff  }
.Ltmp69:
0x5b1: {  	_ = 	snop;
	(pc) =	sbr.rel .LBB2_113-.Ltmp69, $1  }
0x5b2: {  	_ =	sdelay $0x3  }
.LBB2_4:
.Ltmp70:
0x5b3: {  	(pc) =	sbr.rel .LBB2_8-.Ltmp70, $2  }
0x5b4: {  	_ =	sdelay $0x2  }
0x5b5: {  	s2 =	smov.u32 s17;
	s5 =	smov.u32 s0  }
.LBB2_11:
.Ltmp71:
0x5b6: {  	(pc) =	sbr.rel .LBB2_15-.Ltmp71, $2  }
0x5b7: {  	_ =	sdelay $0x2  }
0x5b8: {  	s2 =	smov.u32 s0;
	s6 =	smov.u32 s1  }
.LBB2_18:
.Ltmp72:
0x5b9: {  	(pc) =	sbr.rel .LBB2_22-.Ltmp72, $2  }
0x5ba: {  	_ =	sdelay $0x2  }
0x5bb: {  	s2 =	smov.u32 s0;
	s6 =	smov.u32 s1  }
.LBB2_25:
.Ltmp73:
0x5bc: {  	(pc) =	sbr.rel .LBB2_29-.Ltmp73, $2  }
0x5bd: {  	_ =	sdelay $0x2  }
0x5be: {  	s2 =	smov.u32 s0;
	s7 =	smov.u32 s1  }
.LBB2_32:
.Ltmp74:
0x5bf: {  	(pc) =	sbr.rel .LBB2_36-.Ltmp74, $2  }
0x5c0: {  	_ =	sdelay $0x2  }
0x5c1: {  	s2 =	smov.u32 s0;
	s8 =	smov.u32 s1  }
.LBB2_39:
.Ltmp75:
0x5c2: {  	(pc) =	sbr.rel .LBB2_43-.Ltmp75, $2  }
0x5c3: {  	_ =	sdelay $0x2  }
0x5c4: {  	s2 =	smov.u32 s0;
	s9 =	smov.u32 s1  }
.LBB2_46:
.Ltmp76:
0x5c5: {  	(pc) =	sbr.rel .LBB2_50-.Ltmp76, $2  }
0x5c6: {  	_ =	sdelay $0x2  }
0x5c7: {  	s2 =	smov.u32 s0;
	s10 =	smov.u32 s1  }
.LBB2_53:
.Ltmp77:
0x5c8: {  	(pc) =	sbr.rel .LBB2_57-.Ltmp77, $2  }
0x5c9: {  	_ =	sdelay $0x2  }
0x5ca: {  	s2 =	smov.u32 s6;
	s15 =	smov.u32 s0  }
.LBB2_60:
.Ltmp78:
0x5cb: {  	(pc) =	sbr.rel .LBB2_64-.Ltmp78, $2  }
0x5cc: {  	_ =	sdelay $0x2  }
0x5cd: {  	s2 =	smov.u32 s13;
	s15 =	smov.u32 s0  }
.LBB2_67:
.Ltmp79:
0x5ce: {  	(pc) =	sbr.rel .LBB2_71-.Ltmp79, $2  }
0x5cf: {  	_ =	sdelay $0x2  }
0x5d0: {  	s2 =	smov.u32 s13;
	s18 =	smov.u32 s0  }
.LBB2_74:
.Ltmp80:
0x5d1: {  	(pc) =	sbr.rel .LBB2_78-.Ltmp80, $2  }
0x5d2: {  	_ =	sdelay $0x2  }
0x5d3: {  	s2 =	smov.u32 s15;
	s28 =	smov.u32 s0  }
.LBB2_81:
.Ltmp81:
0x5d4: {  	(pc) =	sbr.rel .LBB2_85-.Ltmp81, $2  }
0x5d5: {  	_ =	sdelay $0x2  }
0x5d6: {  	s2 =	smov.u32 s18;
	s29 =	smov.u32 s0  }
.LBB2_88:
.Ltmp82:
0x5d7: {  	(pc) =	sbr.rel .LBB2_92-.Ltmp82, $2  }
0x5d8: {  	_ =	sdelay $0x2  }
0x5d9: {  	s2 =	smov.u32 s18;
	s29 =	smov.u32 s0  }
.LBB2_95:
.Ltmp83:
0x5da: {  	(pc) =	sbr.rel .LBB2_99-.Ltmp83, $2  }
0x5db: {  	_ =	sdelay $0x2  }
0x5dc: {  	s2 =	smov.u32 s28;
	s30 =	smov.u32 s18  }
.LBB2_102:
.Ltmp84:
0x5dd: {  	(pc) =	sbr.rel .LBB2_106-.Ltmp84, $2  }
0x5de: {  	_ =	sdelay $0x2  }
0x5df: {  	s29 =	smov.u32 s19;
	s28 =	smov.u32 s2  }
.LBB2_6:
.Ltmp85:
0x5e0: {  	(pc) =	sbr.rel .LBB2_8-.Ltmp85, $2  }
0x5e1: {  	_ =	sdelay $0x2  }
0x5e2: {  	s2 =	smov.u32 s17;
	s5 =	smov.u32 s0  }
.LBB2_13:
.Ltmp86:
0x5e3: {  	(pc) =	sbr.rel .LBB2_15-.Ltmp86, $2  }
0x5e4: {  	_ =	sdelay $0x2  }
0x5e5: {  	s2 =	smov.u32 s0;
	s6 =	smov.u32 s1  }
.LBB2_20:
.Ltmp87:
0x5e6: {  	(pc) =	sbr.rel .LBB2_22-.Ltmp87, $2  }
0x5e7: {  	_ =	sdelay $0x2  }
0x5e8: {  	s2 =	smov.u32 s0;
	s6 =	smov.u32 s1  }
.LBB2_27:
.Ltmp88:
0x5e9: {  	(pc) =	sbr.rel .LBB2_29-.Ltmp88, $2  }
0x5ea: {  	_ =	sdelay $0x2  }
0x5eb: {  	s2 =	smov.u32 s0;
	s7 =	smov.u32 s1  }
.LBB2_34:
.Ltmp89:
0x5ec: {  	(pc) =	sbr.rel .LBB2_36-.Ltmp89, $2  }
0x5ed: {  	_ =	sdelay $0x2  }
0x5ee: {  	s2 =	smov.u32 s0;
	s8 =	smov.u32 s1  }
.LBB2_41:
.Ltmp90:
0x5ef: {  	(pc) =	sbr.rel .LBB2_43-.Ltmp90, $2  }
0x5f0: {  	_ =	sdelay $0x2  }
0x5f1: {  	s2 =	smov.u32 s0;
	s9 =	smov.u32 s1  }
.LBB2_48:
.Ltmp91:
0x5f2: {  	(pc) =	sbr.rel .LBB2_50-.Ltmp91, $2  }
0x5f3: {  	_ =	sdelay $0x2  }
0x5f4: {  	s2 =	smov.u32 s0;
	s10 =	smov.u32 s1  }
.LBB2_55:
.Ltmp92:
0x5f5: {  	(pc) =	sbr.rel .LBB2_57-.Ltmp92, $2  }
0x5f6: {  	_ =	sdelay $0x2  }
0x5f7: {  	s2 =	smov.u32 s6;
	s15 =	smov.u32 s0  }
.LBB2_62:
.Ltmp93:
0x5f8: {  	(pc) =	sbr.rel .LBB2_64-.Ltmp93, $2  }
0x5f9: {  	_ =	sdelay $0x2  }
0x5fa: {  	s2 =	smov.u32 s13;
	s15 =	smov.u32 s0  }
.LBB2_69:
.Ltmp94:
0x5fb: {  	(pc) =	sbr.rel .LBB2_71-.Ltmp94, $2  }
0x5fc: {  	_ =	sdelay $0x2  }
0x5fd: {  	s2 =	smov.u32 s13;
	s18 =	smov.u32 s0  }
.LBB2_76:
.Ltmp95:
0x5fe: {  	(pc) =	sbr.rel .LBB2_78-.Ltmp95, $2  }
0x5ff: {  	_ =	sdelay $0x2  }
0x600: {  	s2 =	smov.u32 s15;
	s28 =	smov.u32 s0  }
.LBB2_83:
.Ltmp96:
0x601: {  	(pc) =	sbr.rel .LBB2_85-.Ltmp96, $2  }
0x602: {  	_ =	sdelay $0x2  }
0x603: {  	s2 =	smov.u32 s18;
	s29 =	smov.u32 s0  }
.LBB2_90:
.Ltmp97:
0x604: {  	(pc) =	sbr.rel .LBB2_92-.Ltmp97, $2  }
0x605: {  	_ =	sdelay $0x2  }
0x606: {  	s2 =	smov.u32 s18;
	s29 =	smov.u32 s0  }
.LBB2_97:
.Ltmp98:
0x607: {  	(pc) =	sbr.rel .LBB2_99-.Ltmp98, $2  }
0x608: {  	_ =	sdelay $0x2  }
0x609: {  	s2 =	smov.u32 s28;
	s30 =	smov.u32 s18  }
.LBB2_104:
.Ltmp99:
0x60a: {  	(pc) =	sbr.rel .LBB2_106-.Ltmp99, $2  }
0x60b: {  	_ =	sdelay $0x2  }
0x60c: {  	s29 =	smov.u32 s19;
	s28 =	smov.u32 s2  }
.LBB2_111:
.Ltmp100:
0x60d: {  	(pc) =	sbr.rel .LBB2_113-.Ltmp100, $2  }
0x60e: {  	_ =	sdelay $0x2  }
0x60f: {  	s9 =	smov.u32 s7;
	s2 =	smov.u32 s5  }
.LBB2_116:
0x610: {  	_ =	sfence.sel $0x180000  }
0x611: {  	[bflag:$0x0] =	sbarrier.arrive $0xFFFF  }
0x612: {  	_ =	strace $0x90000047  }
0x613: {  	s0 =	stileid.u32;
	[bflag:$0x2] =	sbarrier.arrive $0xFFFF  }
0x614: {  	p0 =	sne.s32 s0, $0x0;
	s0 =	rddreg [dreg:$0x3]  }
0x615: {  	s0 =	sadd.s32 @!p0 $0x100000, s0  }
0x616: {  	[sflag:s0] =	ssyncadd.tile.s32 @!p0 $0x1;
	_ =	shalt  }
.Lfunc_end2:
_tile_overlayer_lowered:
.L_overlay_start_2:
0x617: {  	(tag) =	ssettag $0x2  }
0x618: {  	s0 =	rddreg [dreg:$0x0];
	s2 =	stileid.u32  }
0x619: {  	s1 =	rddreg [dreg:$0x1];
	p0 =	sne.s32 s2, $0x0  }
0x61a: {  	s3 =	rddreg [dreg:$0x2];
	[bflag:$0x3] =	sbarrier.arrive $0xFFFF;
	s2 =	simm.s32 @!p0 $0x1C08  }
0x61b: {  	[timem:s3], [sflag:s2] =	dma.local @!p0 [hbm:s0], s1  }
0x61c: {  	s0 =	simm.s32 @!p0 $0x8  }
0x61d: {  	_ =	swait.ge @!p0 [sflag:s0], s1  }
0x61e: {  	s1 =	ssub.s32 @!p0 $0x0, s1;
	[sflag:s0] =	ssyncset.done @!p0 $0x0  }
0x61f: {  	[sflag:s0] =	ssyncadd.s32 @!p0 s1  }
0x620: {  	[bflag:$0x3] =	sbarrier.arrive $0xFFFF  }
0x621: {  	_ =	shalt  }

</sc_bundles>
